<compile_context>
chip_gen: v7x
topology: tpu7x:2x2x1
jax: 0.10.2.dev20260603
libtpu: 0.0.44.dev20260713+nightly
codegen_flags: <defaults>
</compile_context>

<pallas_src>
import functools

import jax
import jax.numpy as jnp
from jax import lax
from jax.experimental import pallas as pl
from jax.experimental.pallas import tpu as pltpu
from jax.experimental.pallas import tpu_sc as plsc

L = 16
SEQ = 200
PAD_SEQ = 256
D = 128
NCH = D // L
NW2 = 8
INV_SEQ = 1.0 / SEQ


def _body(x0_hbm, x1_hbm, emb1_hbm, w1r_hbm, b1_hbm, emb2_hbm, out_hbm,
          idx_v, rows_v, part_v, pall_v, w1r_v, b1_v, x1_v, y2_v,
          cv, call_v, out_v, p_sh, c_sh, sem1, sem2, semx):
    cid = lax.axis_index("c")
    sid = lax.axis_index("s")
    on0 = cid == 0
    isw = on0 & (sid < NW2)

    @pl.when(isw)
    def _prefetch():
        pltpu.async_copy(w1r_hbm.at[sid], w1r_v, sem2)
        pltpu.async_copy(b1_hbm.at[pl.ds(sid * L, L)], b1_v, sem2)
        pltpu.async_copy(x1_hbm, x1_v, semx)

    @pl.when(on0)
    def _fire_gather():
        pltpu.sync_copy(x0_hbm.at[pl.ds(sid * L, L)], idx_v)
        pltpu.async_copy(emb1_hbm.at[idx_v], rows_v, sem1)

    @pl.when(isw)
    def _fire_y2():
        pltpu.make_async_copy(x1_hbm, x1_v, semx).wait()
        pltpu.async_copy(emb2_hbm.at[x1_v], y2_v, sem2)

    @pl.when(on0)
    def _phase1():
        pltpu.make_async_copy(emb1_hbm.at[idx_v], rows_v, sem1).wait()
        acc = [jnp.zeros((L,), jnp.float32) for _ in range(NCH)]
        for r in range(L):
            wgt = jnp.where(sid * L + r < SEQ, jnp.float32(1.0),
                            jnp.float32(0.0))
            for c in range(NCH):
                acc[c] = acc[c] + rows_v[r, pl.ds(c * L, L)] * wgt
        for c in range(NCH):
            part_v[pl.ds(c * L, L)] = acc[c]
        pltpu.sync_copy(part_v, p_sh.at[sid])

    plsc.subcore_barrier()

    @pl.when(isw)
    def _phase2():
        pltpu.make_async_copy(w1r_hbm.at[sid], w1r_v, sem2).wait()
        pltpu.make_async_copy(b1_hbm.at[pl.ds(sid * L, L)], b1_v, sem2).wait()
        pltpu.make_async_copy(emb2_hbm.at[x1_v], y2_v, sem2).wait()
        pltpu.sync_copy(p_sh, pall_v)
        s = [pall_v[0, pl.ds(c * L, L)] for c in range(NCH)]
        for t in range(1, L):
            for c in range(NCH):
                s[c] = s[c] + pall_v[t, pl.ds(c * L, L)]
        acc = jnp.zeros((L,), jnp.float32)
        for c in range(NCH):
            for l in range(L):
                acc = acc + s[c][l] * w1r_v[c * L + l, ...]
        y1 = acc * INV_SEQ + b1_v[...]
        y2 = y2_v[0, pl.ds(sid * L, L)]
        cv[...] = y1 * y2
        pltpu.sync_copy(cv, c_sh.at[sid])

    plsc.subcore_barrier()

    @pl.when(on0 & (sid == 0))
    def _final():
        pltpu.sync_copy(c_sh, call_v)
        tot = call_v[0, ...]
        for t in range(1, NW2):
            tot = tot + call_v[t, ...]
        tt = tot[0]
        for i in range(1, L):
            tt = tt + tot[i]
        tv = jnp.full((L,), tt, jnp.float32)
        out_v[...] = 1.0 / (1.0 + jnp.exp(-tv))
        pltpu.sync_copy(out_v, out_hbm)


@jax.jit
def _run(x0p, x1p, emb1, W1r, b1, emb2):
    mesh = plsc.VectorSubcoreMesh(core_axis_name="c", subcore_axis_name="s")
    call = functools.partial(
        pl.kernel,
        out_type=jax.ShapeDtypeStruct((L,), jnp.float32),
        mesh=mesh,
        scratch_types=[
            pltpu.VMEM((L,), jnp.int32),
            pltpu.VMEM((L, D), jnp.float32),
            pltpu.VMEM((D,), jnp.float32),
            pltpu.VMEM((L, D), jnp.float32),
            pltpu.VMEM((D, L), jnp.float32),
            pltpu.VMEM((L,), jnp.float32),
            pltpu.VMEM((8,), jnp.int32),
            pltpu.VMEM((8, D), jnp.float32),
            pltpu.VMEM((L,), jnp.float32),
            pltpu.VMEM((NW2, L), jnp.float32),
            pltpu.VMEM((L,), jnp.float32),
            pltpu.VMEM_SHARED((L, D), jnp.float32),
            pltpu.VMEM_SHARED((NW2, L), jnp.float32),
            pltpu.SemaphoreType.DMA,
            pltpu.SemaphoreType.DMA,
            pltpu.SemaphoreType.DMA,
        ],
    )(_body)
    return call(x0p, x1p, emb1, W1r, b1, emb2)


def kernel(x0, x1, emb1, W1, b1, emb2):
    x0p = jnp.concatenate(
        [x0, jnp.zeros((PAD_SEQ - SEQ,), jnp.int32)])
    x1p = jnp.broadcast_to(x1, (8,))
    W1r = W1.T.reshape(D, NW2, L).transpose(1, 0, 2)
    out = _run(x0p, x1p, emb1, W1r, b1, emb2)
    return out[0]

# --- scband reference (transcript-rebuilt; emitter-appended) ---
"""Pipeline reference for scband-bill-model-12094627905838 (READ-ONLY COPY).

The authoritative reference and input builder live on the scoring server;
editing this copy changes nothing except your own understanding.
"""

import jax, jax.numpy as jnp
import numpy as np

NUM_WORDS = 100000
WORD_EMBED_LEN = 128
DP_SIZE = 128
NUM_CP = 1000
SEQ_LEN = 200


def setup_inputs(seed: int = 0) -> dict:
    key = jax.random.key(seed)
    k0, k1, k2, k3, k4, k5 = jax.random.split(key, 6)
    x0 = jax.random.randint(k0, (SEQ_LEN,), 0, NUM_WORDS, dtype=jnp.int32)
    x1 = jax.random.randint(k1, (1,), 0, NUM_CP, dtype=jnp.int32)
    emb1 = jax.random.normal(k2, (NUM_WORDS, WORD_EMBED_LEN), dtype=jnp.float32)
    W1 = jax.random.uniform(k3, (DP_SIZE, WORD_EMBED_LEN), dtype=jnp.float32, minval=-0.01, maxval=0.01)
    b1 = jnp.zeros((DP_SIZE,), dtype=jnp.float32)
    emb2 = jax.random.uniform(k4, (NUM_CP, DP_SIZE), dtype=jnp.float32, minval=-0.01, maxval=0.01)
    return {"x0": x0, "x1": x1, "emb1": emb1, "W1": W1, "b1": b1, "emb2": emb2}


def reference(x0, x1, emb1, W1, b1, emb2):
    # y1 = embedding1(x0)  -> [L, word_embed_len]
    y1 = jnp.take(emb1, x0, axis=0)
    # mean over the sequence dimension
    y1 = jnp.mean(y1, axis=0)
    # linear1
    y1 = jnp.dot(y1, W1.T) + b1
    # y2 = embedding2(x1)  -> [1, dp_size]
    y2 = jnp.take(emb2, x1, axis=0)
    y2 = jnp.reshape(y2, (y2.shape[1],))
    y = jnp.dot(y1, y2)
    y = jax.nn.sigmoid(y)
    return y

if __name__ == "__main__":
    import jax
    _d = setup_inputs()
    print(jax.jit(kernel)(*tuple(_d.values())))

</pallas_src>

<mosaic_0001>
#map = affine_map<(d0, d1) -> (0)>
#map1 = affine_map<(d0, d1) -> (0, 0)>
#map2 = affine_map<(d0, d1) -> (0, 0, 0)>
module attributes {stable_mosaic.version = 14 : i64} {
  func.func @_body(%arg0: i32, %arg1: i32, %arg2: memref<256xi32, #tpu.memory_space<hbm>>, %arg3: memref<8xi32, #tpu.memory_space<hbm>>, %arg4: memref<100000x128xf32, #tpu.memory_space<hbm>>, %arg5: memref<8x128x16xf32, #tpu.memory_space<hbm>>, %arg6: memref<128xf32, #tpu.memory_space<hbm>>, %arg7: memref<1000x128xf32, #tpu.memory_space<hbm>>, %arg8: memref<16xf32, #tpu.memory_space<hbm>>, %arg9: memref<16xi32, #tpu.memory_space<vmem>>, %arg10: memref<16x128xf32, #tpu.memory_space<vmem>>, %arg11: memref<128xf32, #tpu.memory_space<vmem>>, %arg12: memref<16x128xf32, #tpu.memory_space<vmem>>, %arg13: memref<128x16xf32, #tpu.memory_space<vmem>>, %arg14: memref<16xf32, #tpu.memory_space<vmem>>, %arg15: memref<8xi32, #tpu.memory_space<vmem>>, %arg16: memref<8x128xf32, #tpu.memory_space<vmem>>, %arg17: memref<16xf32, #tpu.memory_space<vmem>>, %arg18: memref<8x16xf32, #tpu.memory_space<vmem>>, %arg19: memref<16xf32, #tpu.memory_space<vmem>>, %arg20: memref<16x128xf32, #tpu.memory_space<vmem_shared>>, %arg21: memref<8x16xf32, #tpu.memory_space<vmem_shared>>, %arg22: memref<!tpu.dma_semaphore, #tpu.memory_space<semaphore_mem>>, %arg23: memref<!tpu.dma_semaphore, #tpu.memory_space<semaphore_mem>>, %arg24: memref<!tpu.dma_semaphore, #tpu.memory_space<semaphore_mem>>) attributes {dimension_semantics = [#tpu.dimension_semantics<core_parallel>, #tpu.dimension_semantics<subcore_parallel>], iteration_bounds = array<i64: 2, 16>, scalar_prefetch = 0 : i64, scratch_operands = 16 : i64, tpu.core_type = #tpu.core_type<sc_vector_subcore>, window_params = [{transform_indices = #map}, {transform_indices = #map}, {transform_indices = #map1}, {transform_indices = #map2}, {transform_indices = #map}, {transform_indices = #map1}, {transform_indices = #map}]} {
    %eq3A = arith.constant 0 : i32
    %eq3A_0 = arith.cmpi eq, %arg0, %eq3A : i32
    %lt3A = arith.constant 8 : i32
    %lt3A_1 = arith.cmpi slt, %arg1, %lt3A : i32
    %and3A = arith.andi %eq3A_0, %lt3A_1 : i1
    %convert_element_type3A = arith.extui %and3A : i1 to i32
    %cond3A = arith.constant 0 : i32
    %cond3A_2 = arith.cmpi ne, %convert_element_type3A, %cond3A : i32
    scf.if %cond3A_2 {
      %dma_start3A = arith.constant 0 : i32
      %dma_start3A_22 = arith.constant 0 : i32
      %dma_start3A_23 = tpu.memref_slice %arg5[%arg1, %dma_start3A, %dma_start3A_22] : memref<8x128x16xf32, #tpu.memory_space<hbm>> -> memref<1x128x16xf32, #tpu.memory_space<hbm>>
      %dma_start3A_24 = tpu.memref_squeeze %dma_start3A_23 : memref<1x128x16xf32, #tpu.memory_space<hbm>> -> memref<128x16xf32, #tpu.memory_space<hbm>>
      %dma_start3A_25 = arith.constant 0 : i32
      %dma_start3A_26 = arith.constant 0 : i32
      %dma_start3A_27 = tpu.memref_slice %arg5[%arg1, %dma_start3A_25, %dma_start3A_26] : memref<8x128x16xf32, #tpu.memory_space<hbm>> -> memref<1x128x16xf32, #tpu.memory_space<hbm>>
      %dma_start3A_28 = tpu.memref_squeeze %dma_start3A_27 : memref<1x128x16xf32, #tpu.memory_space<hbm>> -> memref<128x16xf32, #tpu.memory_space<hbm>>
      tpu.enqueue_dma source(%dma_start3A_28 : memref<128x16xf32, #tpu.memory_space<hbm>>) target(%arg13 : memref<128x16xf32, #tpu.memory_space<vmem>>) target_semaphore(%arg23 : memref<!tpu.dma_semaphore, #tpu.memory_space<semaphore_mem>>)
      %mul3A = arith.constant 16 : i32
      %mul3A_29 = arith.muli %arg1, %mul3A : i32
      %dma_start3A_30 = tpu.memref_slice %arg6[%mul3A_29] : memref<128xf32, #tpu.memory_space<hbm>> -> memref<16xf32, #tpu.memory_space<hbm>>
      %dma_start3A_31 = tpu.memref_slice %arg6[%mul3A_29] : memref<128xf32, #tpu.memory_space<hbm>> -> memref<16xf32, #tpu.memory_space<hbm>>
      tpu.enqueue_dma source(%dma_start3A_31 : memref<16xf32, #tpu.memory_space<hbm>>) target(%arg14 : memref<16xf32, #tpu.memory_space<vmem>>) target_semaphore(%arg23 : memref<!tpu.dma_semaphore, #tpu.memory_space<semaphore_mem>>)
      tpu.enqueue_dma source(%arg3 : memref<8xi32, #tpu.memory_space<hbm>>) target(%arg15 : memref<8xi32, #tpu.memory_space<vmem>>) target_semaphore(%arg24 : memref<!tpu.dma_semaphore, #tpu.memory_space<semaphore_mem>>)
    } else {
    }
    %convert_element_type3A_3 = arith.extui %eq3A_0 : i1 to i32
    %cond3A_4 = arith.constant 0 : i32
    %cond3A_5 = arith.cmpi ne, %convert_element_type3A_3, %cond3A_4 : i32
    scf.if %cond3A_5 {
      %mul3A = arith.constant 16 : i32
      %mul3A_22 = arith.muli %arg1, %mul3A : i32
      "tpu.region"() ({
        %run_scoped3A = tpu.sem_alloc : memref<!tpu.dma_semaphore, #tpu.memory_space<semaphore_mem>>
        %dma_start3A_25 = tpu.memref_slice %arg2[%mul3A_22] : memref<256xi32, #tpu.memory_space<hbm>> -> memref<16xi32, #tpu.memory_space<hbm>>
        %dma_start3A_26 = tpu.memref_slice %arg2[%mul3A_22] : memref<256xi32, #tpu.memory_space<hbm>> -> memref<16xi32, #tpu.memory_space<hbm>>
        tpu.enqueue_dma source(%dma_start3A_26 : memref<16xi32, #tpu.memory_space<hbm>>) target(%arg9 : memref<16xi32, #tpu.memory_space<vmem>>) target_semaphore(%run_scoped3A : memref<!tpu.dma_semaphore, #tpu.memory_space<semaphore_mem>>)
        %dma_wait3A = tpu.memref_slice %arg2[%mul3A_22] : memref<256xi32, #tpu.memory_space<hbm>> -> memref<16xi32, #tpu.memory_space<hbm>>
        %dma_wait3A_27 = tpu.memref_slice %arg2[%mul3A_22] : memref<256xi32, #tpu.memory_space<hbm>> -> memref<16xi32, #tpu.memory_space<hbm>>
        tpu.wait_dma2 semaphore(%run_scoped3A : memref<!tpu.dma_semaphore, #tpu.memory_space<semaphore_mem>>) src(%dma_wait3A_27 : memref<16xi32, #tpu.memory_space<hbm>>) dst(%arg9 : memref<16xi32, #tpu.memory_space<vmem>>)
        tpu.yield
      }) : () -> ()
      %dma_start3A = arith.constant 0 : i32
      %dma_start3A_23 = arith.constant 0 : i32
      %dma_start3A_24 = tpu.memref_slice %arg4[%dma_start3A, %dma_start3A_23] : memref<100000x128xf32, #tpu.memory_space<hbm>> -> memref<100000x128xf32, #tpu.memory_space<hbm>>
      tpu.enqueue_indirect_dma source(%dma_start3A_24 : memref<100000x128xf32, #tpu.memory_space<hbm>>) target(%arg10 : memref<16x128xf32, #tpu.memory_space<vmem>>) offsets(%arg9 : memref<16xi32, #tpu.memory_space<vmem>>) semaphore(%arg22 : memref<!tpu.dma_semaphore, #tpu.memory_space<semaphore_mem>>)
    } else {
    }
    %convert_element_type3A_6 = arith.extui %and3A : i1 to i32
    %cond3A_7 = arith.constant 0 : i32
    %cond3A_8 = arith.cmpi ne, %convert_element_type3A_6, %cond3A_7 : i32
    scf.if %cond3A_8 {
      tpu.wait_dma2 semaphore(%arg24 : memref<!tpu.dma_semaphore, #tpu.memory_space<semaphore_mem>>) src(%arg3 : memref<8xi32, #tpu.memory_space<hbm>>) dst(%arg15 : memref<8xi32, #tpu.memory_space<vmem>>)
      %dma_start3A = arith.constant 0 : i32
      %dma_start3A_22 = arith.constant 0 : i32
      %dma_start3A_23 = tpu.memref_slice %arg7[%dma_start3A, %dma_start3A_22] : memref<1000x128xf32, #tpu.memory_space<hbm>> -> memref<1000x128xf32, #tpu.memory_space<hbm>>
      tpu.enqueue_indirect_dma source(%dma_start3A_23 : memref<1000x128xf32, #tpu.memory_space<hbm>>) target(%arg16 : memref<8x128xf32, #tpu.memory_space<vmem>>) offsets(%arg15 : memref<8xi32, #tpu.memory_space<vmem>>) semaphore(%arg23 : memref<!tpu.dma_semaphore, #tpu.memory_space<semaphore_mem>>)
    } else {
    }
    %convert_element_type3A_9 = arith.extui %eq3A_0 : i1 to i32
    %cond3A_10 = arith.constant 0 : i32
    %cond3A_11 = arith.cmpi ne, %convert_element_type3A_9, %cond3A_10 : i32
    scf.if %cond3A_11 {
      %dma_wait3A = arith.constant 0 : i32
      %dma_wait3A_22 = arith.constant 0 : i32
      %dma_wait3A_23 = tpu.memref_slice %arg4[%dma_wait3A, %dma_wait3A_22] : memref<100000x128xf32, #tpu.memory_space<hbm>> -> memref<100000x128xf32, #tpu.memory_space<hbm>>
      tpu.wait_indirect_dma semaphore(%arg22 : memref<!tpu.dma_semaphore, #tpu.memory_space<semaphore_mem>>) src(%dma_wait3A_23 : memref<100000x128xf32, #tpu.memory_space<hbm>>) dst(%arg10 : memref<16x128xf32, #tpu.memory_space<vmem>>)
      %broadcast_in_dim3A = arith.constant 0.000000e+00 : f32
      %broadcast_in_dim3A_24 = vector.broadcast %broadcast_in_dim3A : f32 to vector<16xf32>
      %broadcast_in_dim3A_25 = arith.constant 0.000000e+00 : f32
      %broadcast_in_dim3A_26 = vector.broadcast %broadcast_in_dim3A_25 : f32 to vector<16xf32>
      %broadcast_in_dim3A_27 = arith.constant 0.000000e+00 : f32
      %broadcast_in_dim3A_28 = vector.broadcast %broadcast_in_dim3A_27 : f32 to vector<16xf32>
      %broadcast_in_dim3A_29 = arith.constant 0.000000e+00 : f32
      %broadcast_in_dim3A_30 = vector.broadcast %broadcast_in_dim3A_29 : f32 to vector<16xf32>
      %broadcast_in_dim3A_31 = arith.constant 0.000000e+00 : f32
      %broadcast_in_dim3A_32 = vector.broadcast %broadcast_in_dim3A_31 : f32 to vector<16xf32>
      %broadcast_in_dim3A_33 = arith.constant 0.000000e+00 : f32
      %broadcast_in_dim3A_34 = vector.broadcast %broadcast_in_dim3A_33 : f32 to vector<16xf32>
      %broadcast_in_dim3A_35 = arith.constant 0.000000e+00 : f32
      %broadcast_in_dim3A_36 = vector.broadcast %broadcast_in_dim3A_35 : f32 to vector<16xf32>
      %broadcast_in_dim3A_37 = arith.constant 0.000000e+00 : f32
      %broadcast_in_dim3A_38 = vector.broadcast %broadcast_in_dim3A_37 : f32 to vector<16xf32>
      %mul3A = arith.constant 16 : i32
      %mul3A_39 = arith.muli %arg1, %mul3A : i32
      %add3A = arith.constant 0 : i32
      %add3A_40 = arith.addi %mul3A_39, %add3A : i32
      %lt3A_41 = arith.constant 200 : i32
      %lt3A_42 = arith.cmpi slt, %add3A_40, %lt3A_41 : i32
      %jit3A = arith.constant 1.000000e+00 : f32
      %jit3A_43 = arith.constant 0.000000e+00 : f32
      %select_n3A = arith.select %lt3A_42, %jit3A, %jit3A_43 : f32
      %get3A = arith.constant 0 : i32
      %get3A_44 = arith.index_cast %get3A : i32 to index
      %get3A_45 = arith.constant 0 : index
      %get3A_46 = tpu.vector_load %arg10[%get3A_44, %get3A_45] {strides = array<i32>} : memref<16x128xf32, #tpu.memory_space<vmem>>, vector<1x16xf32>,
      %get3A_47 = vector.shape_cast %get3A_46 : vector<1x16xf32> to vector<16xf32>
      %mul3A_48 = vector.broadcast %select_n3A : f32 to vector<16xf32>
      %mul3A_49 = arith.mulf %get3A_47, %mul3A_48 : vector<16xf32>
      %add3A_50 = arith.addf %broadcast_in_dim3A_24, %mul3A_49 : vector<16xf32>
      %get3A_51 = arith.constant 0 : i32
      %get3A_52 = arith.index_cast %get3A_51 : i32 to index
      %get3A_53 = arith.constant 16 : index
      %get3A_54 = tpu.vector_load %arg10[%get3A_52, %get3A_53] {strides = array<i32>} : memref<16x128xf32, #tpu.memory_space<vmem>>, vector<1x16xf32>,
      %get3A_55 = vector.shape_cast %get3A_54 : vector<1x16xf32> to vector<16xf32>
      %mul3A_56 = vector.broadcast %select_n3A : f32 to vector<16xf32>
      %mul3A_57 = arith.mulf %get3A_55, %mul3A_56 : vector<16xf32>
      %add3A_58 = arith.addf %broadcast_in_dim3A_26, %mul3A_57 : vector<16xf32>
      %get3A_59 = arith.constant 0 : i32
      %get3A_60 = arith.index_cast %get3A_59 : i32 to index
      %get3A_61 = arith.constant 32 : index
      %get3A_62 = tpu.vector_load %arg10[%get3A_60, %get3A_61] {strides = array<i32>} : memref<16x128xf32, #tpu.memory_space<vmem>>, vector<1x16xf32>,
      %get3A_63 = vector.shape_cast %get3A_62 : vector<1x16xf32> to vector<16xf32>
      %mul3A_64 = vector.broadcast %select_n3A : f32 to vector<16xf32>
      %mul3A_65 = arith.mulf %get3A_63, %mul3A_64 : vector<16xf32>
      %add3A_66 = arith.addf %broadcast_in_dim3A_28, %mul3A_65 : vector<16xf32>
      %get3A_67 = arith.constant 0 : i32
      %get3A_68 = arith.index_cast %get3A_67 : i32 to index
      %get3A_69 = arith.constant 48 : index
      %get3A_70 = tpu.vector_load %arg10[%get3A_68, %get3A_69] {strides = array<i32>} : memref<16x128xf32, #tpu.memory_space<vmem>>, vector<1x16xf32>,
      %get3A_71 = vector.shape_cast %get3A_70 : vector<1x16xf32> to vector<16xf32>
      %mul3A_72 = vector.broadcast %select_n3A : f32 to vector<16xf32>
      %mul3A_73 = arith.mulf %get3A_71, %mul3A_72 : vector<16xf32>
      %add3A_74 = arith.addf %broadcast_in_dim3A_30, %mul3A_73 : vector<16xf32>
      %get3A_75 = arith.constant 0 : i32
      %get3A_76 = arith.index_cast %get3A_75 : i32 to index
      %get3A_77 = arith.constant 64 : index
      %get3A_78 = tpu.vector_load %arg10[%get3A_76, %get3A_77] {strides = array<i32>} : memref<16x128xf32, #tpu.memory_space<vmem>>, vector<1x16xf32>,
      %get3A_79 = vector.shape_cast %get3A_78 : vector<1x16xf32> to vector<16xf32>
      %mul3A_80 = vector.broadcast %select_n3A : f32 to vector<16xf32>
      %mul3A_81 = arith.mulf %get3A_79, %mul3A_80 : vector<16xf32>
      %add3A_82 = arith.addf %broadcast_in_dim3A_32, %mul3A_81 : vector<16xf32>
      %get3A_83 = arith.constant 0 : i32
      %get3A_84 = arith.index_cast %get3A_83 : i32 to index
      %get3A_85 = arith.constant 80 : index
      %get3A_86 = tpu.vector_load %arg10[%get3A_84, %get3A_85] {strides = array<i32>} : memref<16x128xf32, #tpu.memory_space<vmem>>, vector<1x16xf32>,
      %get3A_87 = vector.shape_cast %get3A_86 : vector<1x16xf32> to vector<16xf32>
      %mul3A_88 = vector.broadcast %select_n3A : f32 to vector<16xf32>
      %mul3A_89 = arith.mulf %get3A_87, %mul3A_88 : vector<16xf32>
      %add3A_90 = arith.addf %broadcast_in_dim3A_34, %mul3A_89 : vector<16xf32>
      %get3A_91 = arith.constant 0 : i32
      %get3A_92 = arith.index_cast %get3A_91 : i32 to index
      %get3A_93 = arith.constant 96 : index
      %get3A_94 = tpu.vector_load %arg10[%get3A_92, %get3A_93] {strides = array<i32>} : memref<16x128xf32, #tpu.memory_space<vmem>>, vector<1x16xf32>,
      %get3A_95 = vector.shape_cast %get3A_94 : vector<1x16xf32> to vector<16xf32>
      %mul3A_96 = vector.broadcast %select_n3A : f32 to vector<16xf32>
      %mul3A_97 = arith.mulf %get3A_95, %mul3A_96 : vector<16xf32>
      %add3A_98 = arith.addf %broadcast_in_dim3A_36, %mul3A_97 : vector<16xf32>
      %get3A_99 = arith.constant 0 : i32
      %get3A_100 = arith.index_cast %get3A_99 : i32 to index
      %get3A_101 = arith.constant 112 : index
      %get3A_102 = tpu.vector_load %arg10[%get3A_100, %get3A_101] {strides = array<i32>} : memref<16x128xf32, #tpu.memory_space<vmem>>, vector<1x16xf32>,
      %get3A_103 = vector.shape_cast %get3A_102 : vector<1x16xf32> to vector<16xf32>
      %mul3A_104 = vector.broadcast %select_n3A : f32 to vector<16xf32>
      %mul3A_105 = arith.mulf %get3A_103, %mul3A_104 : vector<16xf32>
      %add3A_106 = arith.addf %broadcast_in_dim3A_38, %mul3A_105 : vector<16xf32>
      %mul3A_107 = arith.constant 16 : i32
      %mul3A_108 = arith.muli %arg1, %mul3A_107 : i32
      %add3A_109 = arith.constant 1 : i32
      %add3A_110 = arith.addi %mul3A_108, %add3A_109 : i32
      %lt3A_111 = arith.constant 200 : i32
      %lt3A_112 = arith.cmpi slt, %add3A_110, %lt3A_111 : i32
      %jit3A_113 = arith.constant 1.000000e+00 : f32
      %jit3A_114 = arith.constant 0.000000e+00 : f32
      %select_n3A_115 = arith.select %lt3A_112, %jit3A_113, %jit3A_114 : f32
      %get3A_116 = arith.constant 1 : i32
      %get3A_117 = arith.index_cast %get3A_116 : i32 to index
      %get3A_118 = arith.constant 0 : index
      %get3A_119 = tpu.vector_load %arg10[%get3A_117, %get3A_118] {strides = array<i32>} : memref<16x128xf32, #tpu.memory_space<vmem>>, vector<1x16xf32>,
      %get3A_120 = vector.shape_cast %get3A_119 : vector<1x16xf32> to vector<16xf32>
      %mul3A_121 = vector.broadcast %select_n3A_115 : f32 to vector<16xf32>
      %mul3A_122 = arith.mulf %get3A_120, %mul3A_121 : vector<16xf32>
      %add3A_123 = arith.addf %add3A_50, %mul3A_122 : vector<16xf32>
      %get3A_124 = arith.constant 1 : i32
      %get3A_125 = arith.index_cast %get3A_124 : i32 to index
      %get3A_126 = arith.constant 16 : index
      %get3A_127 = tpu.vector_load %arg10[%get3A_125, %get3A_126] {strides = array<i32>} : memref<16x128xf32, #tpu.memory_space<vmem>>, vector<1x16xf32>,
      %get3A_128 = vector.shape_cast %get3A_127 : vector<1x16xf32> to vector<16xf32>
      %mul3A_129 = vector.broadcast %select_n3A_115 : f32 to vector<16xf32>
      %mul3A_130 = arith.mulf %get3A_128, %mul3A_129 : vector<16xf32>
      %add3A_131 = arith.addf %add3A_58, %mul3A_130 : vector<16xf32>
      %get3A_132 = arith.constant 1 : i32
      %get3A_133 = arith.index_cast %get3A_132 : i32 to index
      %get3A_134 = arith.constant 32 : index
      %get3A_135 = tpu.vector_load %arg10[%get3A_133, %get3A_134] {strides = array<i32>} : memref<16x128xf32, #tpu.memory_space<vmem>>, vector<1x16xf32>,
      %get3A_136 = vector.shape_cast %get3A_135 : vector<1x16xf32> to vector<16xf32>
      %mul3A_137 = vector.broadcast %select_n3A_115 : f32 to vector<16xf32>
      %mul3A_138 = arith.mulf %get3A_136, %mul3A_137 : vector<16xf32>
      %add3A_139 = arith.addf %add3A_66, %mul3A_138 : vector<16xf32>
      %get3A_140 = arith.constant 1 : i32
      %get3A_141 = arith.index_cast %get3A_140 : i32 to index
      %get3A_142 = arith.constant 48 : index
      %get3A_143 = tpu.vector_load %arg10[%get3A_141, %get3A_142] {strides = array<i32>} : memref<16x128xf32, #tpu.memory_space<vmem>>, vector<1x16xf32>,
      %get3A_144 = vector.shape_cast %get3A_143 : vector<1x16xf32> to vector<16xf32>
      %mul3A_145 = vector.broadcast %select_n3A_115 : f32 to vector<16xf32>
      %mul3A_146 = arith.mulf %get3A_144, %mul3A_145 : vector<16xf32>
      %add3A_147 = arith.addf %add3A_74, %mul3A_146 : vector<16xf32>
      %get3A_148 = arith.constant 1 : i32
      %get3A_149 = arith.index_cast %get3A_148 : i32 to index
      %get3A_150 = arith.constant 64 : index
      %get3A_151 = tpu.vector_load %arg10[%get3A_149, %get3A_150] {strides = array<i32>} : memref<16x128xf32, #tpu.memory_space<vmem>>, vector<1x16xf32>,
      %get3A_152 = vector.shape_cast %get3A_151 : vector<1x16xf32> to vector<16xf32>
      %mul3A_153 = vector.broadcast %select_n3A_115 : f32 to vector<16xf32>
      %mul3A_154 = arith.mulf %get3A_152, %mul3A_153 : vector<16xf32>
      %add3A_155 = arith.addf %add3A_82, %mul3A_154 : vector<16xf32>
      %get3A_156 = arith.constant 1 : i32
      %get3A_157 = arith.index_cast %get3A_156 : i32 to index
      %get3A_158 = arith.constant 80 : index
      %get3A_159 = tpu.vector_load %arg10[%get3A_157, %get3A_158] {strides = array<i32>} : memref<16x128xf32, #tpu.memory_space<vmem>>, vector<1x16xf32>,
      %get3A_160 = vector.shape_cast %get3A_159 : vector<1x16xf32> to vector<16xf32>
      %mul3A_161 = vector.broadcast %select_n3A_115 : f32 to vector<16xf32>
      %mul3A_162 = arith.mulf %get3A_160, %mul3A_161 : vector<16xf32>
      %add3A_163 = arith.addf %add3A_90, %mul3A_162 : vector<16xf32>
      %get3A_164 = arith.constant 1 : i32
      %get3A_165 = arith.index_cast %get3A_164 : i32 to index
      %get3A_166 = arith.constant 96 : index
      %get3A_167 = tpu.vector_load %arg10[%get3A_165, %get3A_166] {strides = array<i32>} : memref<16x128xf32, #tpu.memory_space<vmem>>, vector<1x16xf32>,
      %get3A_168 = vector.shape_cast %get3A_167 : vector<1x16xf32> to vector<16xf32>
      %mul3A_169 = vector.broadcast %select_n3A_115 : f32 to vector<16xf32>
      %mul3A_170 = arith.mulf %get3A_168, %mul3A_169 : vector<16xf32>
      %add3A_171 = arith.addf %add3A_98, %mul3A_170 : vector<16xf32>
      %get3A_172 = arith.constant 1 : i32
      %get3A_173 = arith.index_cast %get3A_172 : i32 to index
      %get3A_174 = arith.constant 112 : index
      %get3A_175 = tpu.vector_load %arg10[%get3A_173, %get3A_174] {strides = array<i32>} : memref<16x128xf32, #tpu.memory_space<vmem>>, vector<1x16xf32>,
      %get3A_176 = vector.shape_cast %get3A_175 : vector<1x16xf32> to vector<16xf32>
      %mul3A_177 = vector.broadcast %select_n3A_115 : f32 to vector<16xf32>
      %mul3A_178 = arith.mulf %get3A_176, %mul3A_177 : vector<16xf32>
      %add3A_179 = arith.addf %add3A_106, %mul3A_178 : vector<16xf32>
      %mul3A_180 = arith.constant 16 : i32
      %mul3A_181 = arith.muli %arg1, %mul3A_180 : i32
      %add3A_182 = arith.constant 2 : i32
      %add3A_183 = arith.addi %mul3A_181, %add3A_182 : i32
      %lt3A_184 = arith.constant 200 : i32
      %lt3A_185 = arith.cmpi slt, %add3A_183, %lt3A_184 : i32
      %jit3A_186 = arith.constant 1.000000e+00 : f32
      %jit3A_187 = arith.constant 0.000000e+00 : f32
      %select_n3A_188 = arith.select %lt3A_185, %jit3A_186, %jit3A_187 : f32
      %get3A_189 = arith.constant 2 : i32
      %get3A_190 = arith.index_cast %get3A_189 : i32 to index
      %get3A_191 = arith.constant 0 : index
      %get3A_192 = tpu.vector_load %arg10[%get3A_190, %get3A_191] {strides = array<i32>} : memref<16x128xf32, #tpu.memory_space<vmem>>, vector<1x16xf32>,
      %get3A_193 = vector.shape_cast %get3A_192 : vector<1x16xf32> to vector<16xf32>
      %mul3A_194 = vector.broadcast %select_n3A_188 : f32 to vector<16xf32>
      %mul3A_195 = arith.mulf %get3A_193, %mul3A_194 : vector<16xf32>
      %add3A_196 = arith.addf %add3A_123, %mul3A_195 : vector<16xf32>
      %get3A_197 = arith.constant 2 : i32
      %get3A_198 = arith.index_cast %get3A_197 : i32 to index
      %get3A_199 = arith.constant 16 : index
      %get3A_200 = tpu.vector_load %arg10[%get3A_198, %get3A_199] {strides = array<i32>} : memref<16x128xf32, #tpu.memory_space<vmem>>, vector<1x16xf32>,
      %get3A_201 = vector.shape_cast %get3A_200 : vector<1x16xf32> to vector<16xf32>
      %mul3A_202 = vector.broadcast %select_n3A_188 : f32 to vector<16xf32>
      %mul3A_203 = arith.mulf %get3A_201, %mul3A_202 : vector<16xf32>
      %add3A_204 = arith.addf %add3A_131, %mul3A_203 : vector<16xf32>
      %get3A_205 = arith.constant 2 : i32
      %get3A_206 = arith.index_cast %get3A_205 : i32 to index
      %get3A_207 = arith.constant 32 : index
      %get3A_208 = tpu.vector_load %arg10[%get3A_206, %get3A_207] {strides = array<i32>} : memref<16x128xf32, #tpu.memory_space<vmem>>, vector<1x16xf32>,
      %get3A_209 = vector.shape_cast %get3A_208 : vector<1x16xf32> to vector<16xf32>
      %mul3A_210 = vector.broadcast %select_n3A_188 : f32 to vector<16xf32>
      %mul3A_211 = arith.mulf %get3A_209, %mul3A_210 : vector<16xf32>
      %add3A_212 = arith.addf %add3A_139, %mul3A_211 : vector<16xf32>
      %get3A_213 = arith.constant 2 : i32
      %get3A_214 = arith.index_cast %get3A_213 : i32 to index
      %get3A_215 = arith.constant 48 : index
      %get3A_216 = tpu.vector_load %arg10[%get3A_214, %get3A_215] {strides = array<i32>} : memref<16x128xf32, #tpu.memory_space<vmem>>, vector<1x16xf32>,
      %get3A_217 = vector.shape_cast %get3A_216 : vector<1x16xf32> to vector<16xf32>
      %mul3A_218 = vector.broadcast %select_n3A_188 : f32 to vector<16xf32>
      %mul3A_219 = arith.mulf %get3A_217, %mul3A_218 : vector<16xf32>
      %add3A_220 = arith.addf %add3A_147, %mul3A_219 : vector<16xf32>
      %get3A_221 = arith.constant 2 : i32
      %get3A_222 = arith.index_cast %get3A_221 : i32 to index
      %get3A_223 = arith.constant 64 : index
      %get3A_224 = tpu.vector_load %arg10[%get3A_222, %get3A_223] {strides = array<i32>} : memref<16x128xf32, #tpu.memory_space<vmem>>, vector<1x16xf32>,
      %get3A_225 = vector.shape_cast %get3A_224 : vector<1x16xf32> to vector<16xf32>
      %mul3A_226 = vector.broadcast %select_n3A_188 : f32 to vector<16xf32>
      %mul3A_227 = arith.mulf %get3A_225, %mul3A_226 : vector<16xf32>
      %add3A_228 = arith.addf %add3A_155, %mul3A_227 : vector<16xf32>
      %get3A_229 = arith.constant 2 : i32
      %get3A_230 = arith.index_cast %get3A_229 : i32 to index
      %get3A_231 = arith.constant 80 : index
      %get3A_232 = tpu.vector_load %arg10[%get3A_230, %get3A_231] {strides = array<i32>} : memref<16x128xf32, #tpu.memory_space<vmem>>, vector<1x16xf32>,
      %get3A_233 = vector.shape_cast %get3A_232 : vector<1x16xf32> to vector<16xf32>
      %mul3A_234 = vector.broadcast %select_n3A_188 : f32 to vector<16xf32>
      %mul3A_235 = arith.mulf %get3A_233, %mul3A_234 : vector<16xf32>
      %add3A_236 = arith.addf %add3A_163, %mul3A_235 : vector<16xf32>
      %get3A_237 = arith.constant 2 : i32
      %get3A_238 = arith.index_cast %get3A_237 : i32 to index
      %get3A_239 = arith.constant 96 : index
      %get3A_240 = tpu.vector_load %arg10[%get3A_238, %get3A_239] {strides = array<i32>} : memref<16x128xf32, #tpu.memory_space<vmem>>, vector<1x16xf32>,
      %get3A_241 = vector.shape_cast %get3A_240 : vector<1x16xf32> to vector<16xf32>
      %mul3A_242 = vector.broadcast %select_n3A_188 : f32 to vector<16xf32>
      %mul3A_243 = arith.mulf %get3A_241, %mul3A_242 : vector<16xf32>
      %add3A_244 = arith.addf %add3A_171, %mul3A_243 : vector<16xf32>
      %get3A_245 = arith.constant 2 : i32
      %get3A_246 = arith.index_cast %get3A_245 : i32 to index
      %get3A_247 = arith.constant 112 : index
      %get3A_248 = tpu.vector_load %arg10[%get3A_246, %get3A_247] {strides = array<i32>} : memref<16x128xf32, #tpu.memory_space<vmem>>, vector<1x16xf32>,
      %get3A_249 = vector.shape_cast %get3A_248 : vector<1x16xf32> to vector<16xf32>
      %mul3A_250 = vector.broadcast %select_n3A_188 : f32 to vector<16xf32>
      %mul3A_251 = arith.mulf %get3A_249, %mul3A_250 : vector<16xf32>
      %add3A_252 = arith.addf %add3A_179, %mul3A_251 : vector<16xf32>
      %mul3A_253 = arith.constant 16 : i32
      %mul3A_254 = arith.muli %arg1, %mul3A_253 : i32
      %add3A_255 = arith.constant 3 : i32
      %add3A_256 = arith.addi %mul3A_254, %add3A_255 : i32
      %lt3A_257 = arith.constant 200 : i32
      %lt3A_258 = arith.cmpi slt, %add3A_256, %lt3A_257 : i32
      %jit3A_259 = arith.constant 1.000000e+00 : f32
      %jit3A_260 = arith.constant 0.000000e+00 : f32
      %select_n3A_261 = arith.select %lt3A_258, %jit3A_259, %jit3A_260 : f32
      %get3A_262 = arith.constant 3 : i32
      %get3A_263 = arith.index_cast %get3A_262 : i32 to index
      %get3A_264 = arith.constant 0 : index
      %get3A_265 = tpu.vector_load %arg10[%get3A_263, %get3A_264] {strides = array<i32>} : memref<16x128xf32, #tpu.memory_space<vmem>>, vector<1x16xf32>,
      %get3A_266 = vector.shape_cast %get3A_265 : vector<1x16xf32> to vector<16xf32>
      %mul3A_267 = vector.broadcast %select_n3A_261 : f32 to vector<16xf32>
      %mul3A_268 = arith.mulf %get3A_266, %mul3A_267 : vector<16xf32>
      %add3A_269 = arith.addf %add3A_196, %mul3A_268 : vector<16xf32>
      %get3A_270 = arith.constant 3 : i32
      %get3A_271 = arith.index_cast %get3A_270 : i32 to index
      %get3A_272 = arith.constant 16 : index
      %get3A_273 = tpu.vector_load %arg10[%get3A_271, %get3A_272] {strides = array<i32>} : memref<16x128xf32, #tpu.memory_space<vmem>>, vector<1x16xf32>,
      %get3A_274 = vector.shape_cast %get3A_273 : vector<1x16xf32> to vector<16xf32>
      %mul3A_275 = vector.broadcast %select_n3A_261 : f32 to vector<16xf32>
      %mul3A_276 = arith.mulf %get3A_274, %mul3A_275 : vector<16xf32>
      %add3A_277 = arith.addf %add3A_204, %mul3A_276 : vector<16xf32>
      %get3A_278 = arith.constant 3 : i32
      %get3A_279 = arith.index_cast %get3A_278 : i32 to index
      %get3A_280 = arith.constant 32 : index
      %get3A_281 = tpu.vector_load %arg10[%get3A_279, %get3A_280] {strides = array<i32>} : memref<16x128xf32, #tpu.memory_space<vmem>>, vector<1x16xf32>,
      %get3A_282 = vector.shape_cast %get3A_281 : vector<1x16xf32> to vector<16xf32>
      %mul3A_283 = vector.broadcast %select_n3A_261 : f32 to vector<16xf32>
      %mul3A_284 = arith.mulf %get3A_282, %mul3A_283 : vector<16xf32>
      %add3A_285 = arith.addf %add3A_212, %mul3A_284 : vector<16xf32>
      %get3A_286 = arith.constant 3 : i32
      %get3A_287 = arith.index_cast %get3A_286 : i32 to index
      %get3A_288 = arith.constant 48 : index
      %get3A_289 = tpu.vector_load %arg10[%get3A_287, %get3A_288] {strides = array<i32>} : memref<16x128xf32, #tpu.memory_space<vmem>>, vector<1x16xf32>,
      %get3A_290 = vector.shape_cast %get3A_289 : vector<1x16xf32> to vector<16xf32>
      %mul3A_291 = vector.broadcast %select_n3A_261 : f32 to vector<16xf32>
      %mul3A_292 = arith.mulf %get3A_290, %mul3A_291 : vector<16xf32>
      %add3A_293 = arith.addf %add3A_220, %mul3A_292 : vector<16xf32>
      %get3A_294 = arith.constant 3 : i32
      %get3A_295 = arith.index_cast %get3A_294 : i32 to index
      %get3A_296 = arith.constant 64 : index
      %get3A_297 = tpu.vector_load %arg10[%get3A_295, %get3A_296] {strides = array<i32>} : memref<16x128xf32, #tpu.memory_space<vmem>>, vector<1x16xf32>,
      %get3A_298 = vector.shape_cast %get3A_297 : vector<1x16xf32> to vector<16xf32>
      %mul3A_299 = vector.broadcast %select_n3A_261 : f32 to vector<16xf32>
      %mul3A_300 = arith.mulf %get3A_298, %mul3A_299 : vector<16xf32>
      %add3A_301 = arith.addf %add3A_228, %mul3A_300 : vector<16xf32>
      %get3A_302 = arith.constant 3 : i32
      %get3A_303 = arith.index_cast %get3A_302 : i32 to index
      %get3A_304 = arith.constant 80 : index
      %get3A_305 = tpu.vector_load %arg10[%get3A_303, %get3A_304] {strides = array<i32>} : memref<16x128xf32, #tpu.memory_space<vmem>>, vector<1x16xf32>,
      %get3A_306 = vector.shape_cast %get3A_305 : vector<1x16xf32> to vector<16xf32>
      %mul3A_307 = vector.broadcast %select_n3A_261 : f32 to vector<16xf32>
      %mul3A_308 = arith.mulf %get3A_306, %mul3A_307 : vector<16xf32>
      %add3A_309 = arith.addf %add3A_236, %mul3A_308 : vector<16xf32>
      %get3A_310 = arith.constant 3 : i32
      %get3A_311 = arith.index_cast %get3A_310 : i32 to index
      %get3A_312 = arith.constant 96 : index
      %get3A_313 = tpu.vector_load %arg10[%get3A_311, %get3A_312] {strides = array<i32>} : memref<16x128xf32, #tpu.memory_space<vmem>>, vector<1x16xf32>,
      %get3A_314 = vector.shape_cast %get3A_313 : vector<1x16xf32> to vector<16xf32>
      %mul3A_315 = vector.broadcast %select_n3A_261 : f32 to vector<16xf32>
      %mul3A_316 = arith.mulf %get3A_314, %mul3A_315 : vector<16xf32>
      %add3A_317 = arith.addf %add3A_244, %mul3A_316 : vector<16xf32>
      %get3A_318 = arith.constant 3 : i32
      %get3A_319 = arith.index_cast %get3A_318 : i32 to index
      %get3A_320 = arith.constant 112 : index
      %get3A_321 = tpu.vector_load %arg10[%get3A_319, %get3A_320] {strides = array<i32>} : memref<16x128xf32, #tpu.memory_space<vmem>>, vector<1x16xf32>,
      %get3A_322 = vector.shape_cast %get3A_321 : vector<1x16xf32> to vector<16xf32>
      %mul3A_323 = vector.broadcast %select_n3A_261 : f32 to vector<16xf32>
      %mul3A_324 = arith.mulf %get3A_322, %mul3A_323 : vector<16xf32>
      %add3A_325 = arith.addf %add3A_252, %mul3A_324 : vector<16xf32>
      %mul3A_326 = arith.constant 16 : i32
      %mul3A_327 = arith.muli %arg1, %mul3A_326 : i32
      %add3A_328 = arith.constant 4 : i32
      %add3A_329 = arith.addi %mul3A_327, %add3A_328 : i32
      %lt3A_330 = arith.constant 200 : i32
      %lt3A_331 = arith.cmpi slt, %add3A_329, %lt3A_330 : i32
      %jit3A_332 = arith.constant 1.000000e+00 : f32
      %jit3A_333 = arith.constant 0.000000e+00 : f32
      %select_n3A_334 = arith.select %lt3A_331, %jit3A_332, %jit3A_333 : f32
      %get3A_335 = arith.constant 4 : i32
      %get3A_336 = arith.index_cast %get3A_335 : i32 to index
      %get3A_337 = arith.constant 0 : index
      %get3A_338 = tpu.vector_load %arg10[%get3A_336, %get3A_337] {strides = array<i32>} : memref<16x128xf32, #tpu.memory_space<vmem>>, vector<1x16xf32>,
      %get3A_339 = vector.shape_cast %get3A_338 : vector<1x16xf32> to vector<16xf32>
      %mul3A_340 = vector.broadcast %select_n3A_334 : f32 to vector<16xf32>
      %mul3A_341 = arith.mulf %get3A_339, %mul3A_340 : vector<16xf32>
      %add3A_342 = arith.addf %add3A_269, %mul3A_341 : vector<16xf32>
      %get3A_343 = arith.constant 4 : i32
      %get3A_344 = arith.index_cast %get3A_343 : i32 to index
      %get3A_345 = arith.constant 16 : index
      %get3A_346 = tpu.vector_load %arg10[%get3A_344, %get3A_345] {strides = array<i32>} : memref<16x128xf32, #tpu.memory_space<vmem>>, vector<1x16xf32>,
      %get3A_347 = vector.shape_cast %get3A_346 : vector<1x16xf32> to vector<16xf32>
      %mul3A_348 = vector.broadcast %select_n3A_334 : f32 to vector<16xf32>
      %mul3A_349 = arith.mulf %get3A_347, %mul3A_348 : vector<16xf32>
      %add3A_350 = arith.addf %add3A_277, %mul3A_349 : vector<16xf32>
      %get3A_351 = arith.constant 4 : i32
      %get3A_352 = arith.index_cast %get3A_351 : i32 to index
      %get3A_353 = arith.constant 32 : index
      %get3A_354 = tpu.vector_load %arg10[%get3A_352, %get3A_353] {strides = array<i32>} : memref<16x128xf32, #tpu.memory_space<vmem>>, vector<1x16xf32>,
      %get3A_355 = vector.shape_cast %get3A_354 : vector<1x16xf32> to vector<16xf32>
      %mul3A_356 = vector.broadcast %select_n3A_334 : f32 to vector<16xf32>
      %mul3A_357 = arith.mulf %get3A_355, %mul3A_356 : vector<16xf32>
      %add3A_358 = arith.addf %add3A_285, %mul3A_357 : vector<16xf32>
      %get3A_359 = arith.constant 4 : i32
      %get3A_360 = arith.index_cast %get3A_359 : i32 to index
      %get3A_361 = arith.constant 48 : index
      %get3A_362 = tpu.vector_load %arg10[%get3A_360, %get3A_361] {strides = array<i32>} : memref<16x128xf32, #tpu.memory_space<vmem>>, vector<1x16xf32>,
      %get3A_363 = vector.shape_cast %get3A_362 : vector<1x16xf32> to vector<16xf32>
      %mul3A_364 = vector.broadcast %select_n3A_334 : f32 to vector<16xf32>
      %mul3A_365 = arith.mulf %get3A_363, %mul3A_364 : vector<16xf32>
      %add3A_366 = arith.addf %add3A_293, %mul3A_365 : vector<16xf32>
      %get3A_367 = arith.constant 4 : i32
      %get3A_368 = arith.index_cast %get3A_367 : i32 to index
      %get3A_369 = arith.constant 64 : index
      %get3A_370 = tpu.vector_load %arg10[%get3A_368, %get3A_369] {strides = array<i32>} : memref<16x128xf32, #tpu.memory_space<vmem>>, vector<1x16xf32>,
      %get3A_371 = vector.shape_cast %get3A_370 : vector<1x16xf32> to vector<16xf32>
      %mul3A_372 = vector.broadcast %select_n3A_334 : f32 to vector<16xf32>
      %mul3A_373 = arith.mulf %get3A_371, %mul3A_372 : vector<16xf32>
      %add3A_374 = arith.addf %add3A_301, %mul3A_373 : vector<16xf32>
      %get3A_375 = arith.constant 4 : i32
      %get3A_376 = arith.index_cast %get3A_375 : i32 to index
      %get3A_377 = arith.constant 80 : index
      %get3A_378 = tpu.vector_load %arg10[%get3A_376, %get3A_377] {strides = array<i32>} : memref<16x128xf32, #tpu.memory_space<vmem>>, vector<1x16xf32>,
      %get3A_379 = vector.shape_cast %get3A_378 : vector<1x16xf32> to vector<16xf32>
      %mul3A_380 = vector.broadcast %select_n3A_334 : f32 to vector<16xf32>
      %mul3A_381 = arith.mulf %get3A_379, %mul3A_380 : vector<16xf32>
      %add3A_382 = arith.addf %add3A_309, %mul3A_381 : vector<16xf32>
      %get3A_383 = arith.constant 4 : i32
      %get3A_384 = arith.index_cast %get3A_383 : i32 to index
      %get3A_385 = arith.constant 96 : index
      %get3A_386 = tpu.vector_load %arg10[%get3A_384, %get3A_385] {strides = array<i32>} : memref<16x128xf32, #tpu.memory_space<vmem>>, vector<1x16xf32>,
      %get3A_387 = vector.shape_cast %get3A_386 : vector<1x16xf32> to vector<16xf32>
      %mul3A_388 = vector.broadcast %select_n3A_334 : f32 to vector<16xf32>
      %mul3A_389 = arith.mulf %get3A_387, %mul3A_388 : vector<16xf32>
      %add3A_390 = arith.addf %add3A_317, %mul3A_389 : vector<16xf32>
      %get3A_391 = arith.constant 4 : i32
      %get3A_392 = arith.index_cast %get3A_391 : i32 to index
      %get3A_393 = arith.constant 112 : index
      %get3A_394 = tpu.vector_load %arg10[%get3A_392, %get3A_393] {strides = array<i32>} : memref<16x128xf32, #tpu.memory_space<vmem>>, vector<1x16xf32>,
      %get3A_395 = vector.shape_cast %get3A_394 : vector<1x16xf32> to vector<16xf32>
      %mul3A_396 = vector.broadcast %select_n3A_334 : f32 to vector<16xf32>
      %mul3A_397 = arith.mulf %get3A_395, %mul3A_396 : vector<16xf32>
      %add3A_398 = arith.addf %add3A_325, %mul3A_397 : vector<16xf32>
      %mul3A_399 = arith.constant 16 : i32
      %mul3A_400 = arith.muli %arg1, %mul3A_399 : i32
      %add3A_401 = arith.constant 5 : i32
      %add3A_402 = arith.addi %mul3A_400, %add3A_401 : i32
      %lt3A_403 = arith.constant 200 : i32
      %lt3A_404 = arith.cmpi slt, %add3A_402, %lt3A_403 : i32
      %jit3A_405 = arith.constant 1.000000e+00 : f32
      %jit3A_406 = arith.constant 0.000000e+00 : f32
      %select_n3A_407 = arith.select %lt3A_404, %jit3A_405, %jit3A_406 : f32
      %get3A_408 = arith.constant 5 : i32
      %get3A_409 = arith.index_cast %get3A_408 : i32 to index
      %get3A_410 = arith.constant 0 : index
      %get3A_411 = tpu.vector_load %arg10[%get3A_409, %get3A_410] {strides = array<i32>} : memref<16x128xf32, #tpu.memory_space<vmem>>, vector<1x16xf32>,
      %get3A_412 = vector.shape_cast %get3A_411 : vector<1x16xf32> to vector<16xf32>
      %mul3A_413 = vector.broadcast %select_n3A_407 : f32 to vector<16xf32>
      %mul3A_414 = arith.mulf %get3A_412, %mul3A_413 : vector<16xf32>
      %add3A_415 = arith.addf %add3A_342, %mul3A_414 : vector<16xf32>
      %get3A_416 = arith.constant 5 : i32
      %get3A_417 = arith.index_cast %get3A_416 : i32 to index
      %get3A_418 = arith.constant 16 : index
      %get3A_419 = tpu.vector_load %arg10[%get3A_417, %get3A_418] {strides = array<i32>} : memref<16x128xf32, #tpu.memory_space<vmem>>, vector<1x16xf32>,
      %get3A_420 = vector.shape_cast %get3A_419 : vector<1x16xf32> to vector<16xf32>
      %mul3A_421 = vector.broadcast %select_n3A_407 : f32 to vector<16xf32>
      %mul3A_422 = arith.mulf %get3A_420, %mul3A_421 : vector<16xf32>
      %add3A_423 = arith.addf %add3A_350, %mul3A_422 : vector<16xf32>
      %get3A_424 = arith.constant 5 : i32
      %get3A_425 = arith.index_cast %get3A_424 : i32 to index
      %get3A_426 = arith.constant 32 : index
      %get3A_427 = tpu.vector_load %arg10[%get3A_425, %get3A_426] {strides = array<i32>} : memref<16x128xf32, #tpu.memory_space<vmem>>, vector<1x16xf32>,
      %get3A_428 = vector.shape_cast %get3A_427 : vector<1x16xf32> to vector<16xf32>
      %mul3A_429 = vector.broadcast %select_n3A_407 : f32 to vector<16xf32>
      %mul3A_430 = arith.mulf %get3A_428, %mul3A_429 : vector<16xf32>
      %add3A_431 = arith.addf %add3A_358, %mul3A_430 : vector<16xf32>
      %get3A_432 = arith.constant 5 : i32
      %get3A_433 = arith.index_cast %get3A_432 : i32 to index
      %get3A_434 = arith.constant 48 : index
      %get3A_435 = tpu.vector_load %arg10[%get3A_433, %get3A_434] {strides = array<i32>} : memref<16x128xf32, #tpu.memory_space<vmem>>, vector<1x16xf32>,
      %get3A_436 = vector.shape_cast %get3A_435 : vector<1x16xf32> to vector<16xf32>
      %mul3A_437 = vector.broadcast %select_n3A_407 : f32 to vector<16xf32>
      %mul3A_438 = arith.mulf %get3A_436, %mul3A_437 : vector<16xf32>
      %add3A_439 = arith.addf %add3A_366, %mul3A_438 : vector<16xf32>
      %get3A_440 = arith.constant 5 : i32
      %get3A_441 = arith.index_cast %get3A_440 : i32 to index
      %get3A_442 = arith.constant 64 : index
      %get3A_443 = tpu.vector_load %arg10[%get3A_441, %get3A_442] {strides = array<i32>} : memref<16x128xf32, #tpu.memory_space<vmem>>, vector<1x16xf32>,
      %get3A_444 = vector.shape_cast %get3A_443 : vector<1x16xf32> to vector<16xf32>
      %mul3A_445 = vector.broadcast %select_n3A_407 : f32 to vector<16xf32>
      %mul3A_446 = arith.mulf %get3A_444, %mul3A_445 : vector<16xf32>
      %add3A_447 = arith.addf %add3A_374, %mul3A_446 : vector<16xf32>
      %get3A_448 = arith.constant 5 : i32
      %get3A_449 = arith.index_cast %get3A_448 : i32 to index
      %get3A_450 = arith.constant 80 : index
      %get3A_451 = tpu.vector_load %arg10[%get3A_449, %get3A_450] {strides = array<i32>} : memref<16x128xf32, #tpu.memory_space<vmem>>, vector<1x16xf32>,
      %get3A_452 = vector.shape_cast %get3A_451 : vector<1x16xf32> to vector<16xf32>
      %mul3A_453 = vector.broadcast %select_n3A_407 : f32 to vector<16xf32>
      %mul3A_454 = arith.mulf %get3A_452, %mul3A_453 : vector<16xf32>
      %add3A_455 = arith.addf %add3A_382, %mul3A_454 : vector<16xf32>
      %get3A_456 = arith.constant 5 : i32
      %get3A_457 = arith.index_cast %get3A_456 : i32 to index
      %get3A_458 = arith.constant 96 : index
      %get3A_459 = tpu.vector_load %arg10[%get3A_457, %get3A_458] {strides = array<i32>} : memref<16x128xf32, #tpu.memory_space<vmem>>, vector<1x16xf32>,
      %get3A_460 = vector.shape_cast %get3A_459 : vector<1x16xf32> to vector<16xf32>
      %mul3A_461 = vector.broadcast %select_n3A_407 : f32 to vector<16xf32>
      %mul3A_462 = arith.mulf %get3A_460, %mul3A_461 : vector<16xf32>
      %add3A_463 = arith.addf %add3A_390, %mul3A_462 : vector<16xf32>
      %get3A_464 = arith.constant 5 : i32
      %get3A_465 = arith.index_cast %get3A_464 : i32 to index
      %get3A_466 = arith.constant 112 : index
      %get3A_467 = tpu.vector_load %arg10[%get3A_465, %get3A_466] {strides = array<i32>} : memref<16x128xf32, #tpu.memory_space<vmem>>, vector<1x16xf32>,
      %get3A_468 = vector.shape_cast %get3A_467 : vector<1x16xf32> to vector<16xf32>
      %mul3A_469 = vector.broadcast %select_n3A_407 : f32 to vector<16xf32>
      %mul3A_470 = arith.mulf %get3A_468, %mul3A_469 : vector<16xf32>
      %add3A_471 = arith.addf %add3A_398, %mul3A_470 : vector<16xf32>
      %mul3A_472 = arith.constant 16 : i32
      %mul3A_473 = arith.muli %arg1, %mul3A_472 : i32
      %add3A_474 = arith.constant 6 : i32
      %add3A_475 = arith.addi %mul3A_473, %add3A_474 : i32
      %lt3A_476 = arith.constant 200 : i32
      %lt3A_477 = arith.cmpi slt, %add3A_475, %lt3A_476 : i32
      %jit3A_478 = arith.constant 1.000000e+00 : f32
      %jit3A_479 = arith.constant 0.000000e+00 : f32
      %select_n3A_480 = arith.select %lt3A_477, %jit3A_478, %jit3A_479 : f32
      %get3A_481 = arith.constant 6 : i32
      %get3A_482 = arith.index_cast %get3A_481 : i32 to index
      %get3A_483 = arith.constant 0 : index
      %get3A_484 = tpu.vector_load %arg10[%get3A_482, %get3A_483] {strides = array<i32>} : memref<16x128xf32, #tpu.memory_space<vmem>>, vector<1x16xf32>,
      %get3A_485 = vector.shape_cast %get3A_484 : vector<1x16xf32> to vector<16xf32>
      %mul3A_486 = vector.broadcast %select_n3A_480 : f32 to vector<16xf32>
      %mul3A_487 = arith.mulf %get3A_485, %mul3A_486 : vector<16xf32>
      %add3A_488 = arith.addf %add3A_415, %mul3A_487 : vector<16xf32>
      %get3A_489 = arith.constant 6 : i32
      %get3A_490 = arith.index_cast %get3A_489 : i32 to index
      %get3A_491 = arith.constant 16 : index
      %get3A_492 = tpu.vector_load %arg10[%get3A_490, %get3A_491] {strides = array<i32>} : memref<16x128xf32, #tpu.memory_space<vmem>>, vector<1x16xf32>,
      %get3A_493 = vector.shape_cast %get3A_492 : vector<1x16xf32> to vector<16xf32>
      %mul3A_494 = vector.broadcast %select_n3A_480 : f32 to vector<16xf32>
      %mul3A_495 = arith.mulf %get3A_493, %mul3A_494 : vector<16xf32>
      %add3A_496 = arith.addf %add3A_423, %mul3A_495 : vector<16xf32>
      %get3A_497 = arith.constant 6 : i32
      %get3A_498 = arith.index_cast %get3A_497 : i32 to index
      %get3A_499 = arith.constant 32 : index
      %get3A_500 = tpu.vector_load %arg10[%get3A_498, %get3A_499] {strides = array<i32>} : memref<16x128xf32, #tpu.memory_space<vmem>>, vector<1x16xf32>,
      %get3A_501 = vector.shape_cast %get3A_500 : vector<1x16xf32> to vector<16xf32>
      %mul3A_502 = vector.broadcast %select_n3A_480 : f32 to vector<16xf32>
      %mul3A_503 = arith.mulf %get3A_501, %mul3A_502 : vector<16xf32>
      %add3A_504 = arith.addf %add3A_431, %mul3A_503 : vector<16xf32>
      %get3A_505 = arith.constant 6 : i32
      %get3A_506 = arith.index_cast %get3A_505 : i32 to index
      %get3A_507 = arith.constant 48 : index
      %get3A_508 = tpu.vector_load %arg10[%get3A_506, %get3A_507] {strides = array<i32>} : memref<16x128xf32, #tpu.memory_space<vmem>>, vector<1x16xf32>,
      %get3A_509 = vector.shape_cast %get3A_508 : vector<1x16xf32> to vector<16xf32>
      %mul3A_510 = vector.broadcast %select_n3A_480 : f32 to vector<16xf32>
      %mul3A_511 = arith.mulf %get3A_509, %mul3A_510 : vector<16xf32>
      %add3A_512 = arith.addf %add3A_439, %mul3A_511 : vector<16xf32>
      %get3A_513 = arith.constant 6 : i32
      %get3A_514 = arith.index_cast %get3A_513 : i32 to index
      %get3A_515 = arith.constant 64 : index
      %get3A_516 = tpu.vector_load %arg10[%get3A_514, %get3A_515] {strides = array<i32>} : memref<16x128xf32, #tpu.memory_space<vmem>>, vector<1x16xf32>,
      %get3A_517 = vector.shape_cast %get3A_516 : vector<1x16xf32> to vector<16xf32>
      %mul3A_518 = vector.broadcast %select_n3A_480 : f32 to vector<16xf32>
      %mul3A_519 = arith.mulf %get3A_517, %mul3A_518 : vector<16xf32>
      %add3A_520 = arith.addf %add3A_447, %mul3A_519 : vector<16xf32>
      %get3A_521 = arith.constant 6 : i32
      %get3A_522 = arith.index_cast %get3A_521 : i32 to index
      %get3A_523 = arith.constant 80 : index
      %get3A_524 = tpu.vector_load %arg10[%get3A_522, %get3A_523] {strides = array<i32>} : memref<16x128xf32, #tpu.memory_space<vmem>>, vector<1x16xf32>,
      %get3A_525 = vector.shape_cast %get3A_524 : vector<1x16xf32> to vector<16xf32>
      %mul3A_526 = vector.broadcast %select_n3A_480 : f32 to vector<16xf32>
      %mul3A_527 = arith.mulf %get3A_525, %mul3A_526 : vector<16xf32>
      %add3A_528 = arith.addf %add3A_455, %mul3A_527 : vector<16xf32>
      %get3A_529 = arith.constant 6 : i32
      %get3A_530 = arith.index_cast %get3A_529 : i32 to index
      %get3A_531 = arith.constant 96 : index
      %get3A_532 = tpu.vector_load %arg10[%get3A_530, %get3A_531] {strides = array<i32>} : memref<16x128xf32, #tpu.memory_space<vmem>>, vector<1x16xf32>,
      %get3A_533 = vector.shape_cast %get3A_532 : vector<1x16xf32> to vector<16xf32>
      %mul3A_534 = vector.broadcast %select_n3A_480 : f32 to vector<16xf32>
      %mul3A_535 = arith.mulf %get3A_533, %mul3A_534 : vector<16xf32>
      %add3A_536 = arith.addf %add3A_463, %mul3A_535 : vector<16xf32>
      %get3A_537 = arith.constant 6 : i32
      %get3A_538 = arith.index_cast %get3A_537 : i32 to index
      %get3A_539 = arith.constant 112 : index
      %get3A_540 = tpu.vector_load %arg10[%get3A_538, %get3A_539] {strides = array<i32>} : memref<16x128xf32, #tpu.memory_space<vmem>>, vector<1x16xf32>,
      %get3A_541 = vector.shape_cast %get3A_540 : vector<1x16xf32> to vector<16xf32>
      %mul3A_542 = vector.broadcast %select_n3A_480 : f32 to vector<16xf32>
      %mul3A_543 = arith.mulf %get3A_541, %mul3A_542 : vector<16xf32>
      %add3A_544 = arith.addf %add3A_471, %mul3A_543 : vector<16xf32>
      %mul3A_545 = arith.constant 16 : i32
      %mul3A_546 = arith.muli %arg1, %mul3A_545 : i32
      %add3A_547 = arith.constant 7 : i32
      %add3A_548 = arith.addi %mul3A_546, %add3A_547 : i32
      %lt3A_549 = arith.constant 200 : i32
      %lt3A_550 = arith.cmpi slt, %add3A_548, %lt3A_549 : i32
      %jit3A_551 = arith.constant 1.000000e+00 : f32
      %jit3A_552 = arith.constant 0.000000e+00 : f32
      %select_n3A_553 = arith.select %lt3A_550, %jit3A_551, %jit3A_552 : f32
      %get3A_554 = arith.constant 7 : i32
      %get3A_555 = arith.index_cast %get3A_554 : i32 to index
      %get3A_556 = arith.constant 0 : index
      %get3A_557 = tpu.vector_load %arg10[%get3A_555, %get3A_556] {strides = array<i32>} : memref<16x128xf32, #tpu.memory_space<vmem>>, vector<1x16xf32>,
      %get3A_558 = vector.shape_cast %get3A_557 : vector<1x16xf32> to vector<16xf32>
      %mul3A_559 = vector.broadcast %select_n3A_553 : f32 to vector<16xf32>
      %mul3A_560 = arith.mulf %get3A_558, %mul3A_559 : vector<16xf32>
      %add3A_561 = arith.addf %add3A_488, %mul3A_560 : vector<16xf32>
      %get3A_562 = arith.constant 7 : i32
      %get3A_563 = arith.index_cast %get3A_562 : i32 to index
      %get3A_564 = arith.constant 16 : index
      %get3A_565 = tpu.vector_load %arg10[%get3A_563, %get3A_564] {strides = array<i32>} : memref<16x128xf32, #tpu.memory_space<vmem>>, vector<1x16xf32>,
      %get3A_566 = vector.shape_cast %get3A_565 : vector<1x16xf32> to vector<16xf32>
      %mul3A_567 = vector.broadcast %select_n3A_553 : f32 to vector<16xf32>
      %mul3A_568 = arith.mulf %get3A_566, %mul3A_567 : vector<16xf32>
      %add3A_569 = arith.addf %add3A_496, %mul3A_568 : vector<16xf32>
      %get3A_570 = arith.constant 7 : i32
      %get3A_571 = arith.index_cast %get3A_570 : i32 to index
      %get3A_572 = arith.constant 32 : index
      %get3A_573 = tpu.vector_load %arg10[%get3A_571, %get3A_572] {strides = array<i32>} : memref<16x128xf32, #tpu.memory_space<vmem>>, vector<1x16xf32>,
      %get3A_574 = vector.shape_cast %get3A_573 : vector<1x16xf32> to vector<16xf32>
      %mul3A_575 = vector.broadcast %select_n3A_553 : f32 to vector<16xf32>
      %mul3A_576 = arith.mulf %get3A_574, %mul3A_575 : vector<16xf32>
      %add3A_577 = arith.addf %add3A_504, %mul3A_576 : vector<16xf32>
      %get3A_578 = arith.constant 7 : i32
      %get3A_579 = arith.index_cast %get3A_578 : i32 to index
      %get3A_580 = arith.constant 48 : index
      %get3A_581 = tpu.vector_load %arg10[%get3A_579, %get3A_580] {strides = array<i32>} : memref<16x128xf32, #tpu.memory_space<vmem>>, vector<1x16xf32>,
      %get3A_582 = vector.shape_cast %get3A_581 : vector<1x16xf32> to vector<16xf32>
      %mul3A_583 = vector.broadcast %select_n3A_553 : f32 to vector<16xf32>
      %mul3A_584 = arith.mulf %get3A_582, %mul3A_583 : vector<16xf32>
      %add3A_585 = arith.addf %add3A_512, %mul3A_584 : vector<16xf32>
      %get3A_586 = arith.constant 7 : i32
      %get3A_587 = arith.index_cast %get3A_586 : i32 to index
      %get3A_588 = arith.constant 64 : index
      %get3A_589 = tpu.vector_load %arg10[%get3A_587, %get3A_588] {strides = array<i32>} : memref<16x128xf32, #tpu.memory_space<vmem>>, vector<1x16xf32>,
      %get3A_590 = vector.shape_cast %get3A_589 : vector<1x16xf32> to vector<16xf32>
      %mul3A_591 = vector.broadcast %select_n3A_553 : f32 to vector<16xf32>
      %mul3A_592 = arith.mulf %get3A_590, %mul3A_591 : vector<16xf32>
      %add3A_593 = arith.addf %add3A_520, %mul3A_592 : vector<16xf32>
      %get3A_594 = arith.constant 7 : i32
      %get3A_595 = arith.index_cast %get3A_594 : i32 to index
      %get3A_596 = arith.constant 80 : index
      %get3A_597 = tpu.vector_load %arg10[%get3A_595, %get3A_596] {strides = array<i32>} : memref<16x128xf32, #tpu.memory_space<vmem>>, vector<1x16xf32>,
      %get3A_598 = vector.shape_cast %get3A_597 : vector<1x16xf32> to vector<16xf32>
      %mul3A_599 = vector.broadcast %select_n3A_553 : f32 to vector<16xf32>
      %mul3A_600 = arith.mulf %get3A_598, %mul3A_599 : vector<16xf32>
      %add3A_601 = arith.addf %add3A_528, %mul3A_600 : vector<16xf32>
      %get3A_602 = arith.constant 7 : i32
      %get3A_603 = arith.index_cast %get3A_602 : i32 to index
      %get3A_604 = arith.constant 96 : index
      %get3A_605 = tpu.vector_load %arg10[%get3A_603, %get3A_604] {strides = array<i32>} : memref<16x128xf32, #tpu.memory_space<vmem>>, vector<1x16xf32>,
      %get3A_606 = vector.shape_cast %get3A_605 : vector<1x16xf32> to vector<16xf32>
      %mul3A_607 = vector.broadcast %select_n3A_553 : f32 to vector<16xf32>
      %mul3A_608 = arith.mulf %get3A_606, %mul3A_607 : vector<16xf32>
      %add3A_609 = arith.addf %add3A_536, %mul3A_608 : vector<16xf32>
      %get3A_610 = arith.constant 7 : i32
      %get3A_611 = arith.index_cast %get3A_610 : i32 to index
      %get3A_612 = arith.constant 112 : index
      %get3A_613 = tpu.vector_load %arg10[%get3A_611, %get3A_612] {strides = array<i32>} : memref<16x128xf32, #tpu.memory_space<vmem>>, vector<1x16xf32>,
      %get3A_614 = vector.shape_cast %get3A_613 : vector<1x16xf32> to vector<16xf32>
      %mul3A_615 = vector.broadcast %select_n3A_553 : f32 to vector<16xf32>
      %mul3A_616 = arith.mulf %get3A_614, %mul3A_615 : vector<16xf32>
      %add3A_617 = arith.addf %add3A_544, %mul3A_616 : vector<16xf32>
      %mul3A_618 = arith.constant 16 : i32
      %mul3A_619 = arith.muli %arg1, %mul3A_618 : i32
      %add3A_620 = arith.constant 8 : i32
      %add3A_621 = arith.addi %mul3A_619, %add3A_620 : i32
      %lt3A_622 = arith.constant 200 : i32
      %lt3A_623 = arith.cmpi slt, %add3A_621, %lt3A_622 : i32
      %jit3A_624 = arith.constant 1.000000e+00 : f32
      %jit3A_625 = arith.constant 0.000000e+00 : f32
      %select_n3A_626 = arith.select %lt3A_623, %jit3A_624, %jit3A_625 : f32
      %get3A_627 = arith.constant 8 : i32
      %get3A_628 = arith.index_cast %get3A_627 : i32 to index
      %get3A_629 = arith.constant 0 : index
      %get3A_630 = tpu.vector_load %arg10[%get3A_628, %get3A_629] {strides = array<i32>} : memref<16x128xf32, #tpu.memory_space<vmem>>, vector<1x16xf32>,
      %get3A_631 = vector.shape_cast %get3A_630 : vector<1x16xf32> to vector<16xf32>
      %mul3A_632 = vector.broadcast %select_n3A_626 : f32 to vector<16xf32>
      %mul3A_633 = arith.mulf %get3A_631, %mul3A_632 : vector<16xf32>
      %add3A_634 = arith.addf %add3A_561, %mul3A_633 : vector<16xf32>
      %get3A_635 = arith.constant 8 : i32
      %get3A_636 = arith.index_cast %get3A_635 : i32 to index
      %get3A_637 = arith.constant 16 : index
      %get3A_638 = tpu.vector_load %arg10[%get3A_636, %get3A_637] {strides = array<i32>} : memref<16x128xf32, #tpu.memory_space<vmem>>, vector<1x16xf32>,
      %get3A_639 = vector.shape_cast %get3A_638 : vector<1x16xf32> to vector<16xf32>
      %mul3A_640 = vector.broadcast %select_n3A_626 : f32 to vector<16xf32>
      %mul3A_641 = arith.mulf %get3A_639, %mul3A_640 : vector<16xf32>
      %add3A_642 = arith.addf %add3A_569, %mul3A_641 : vector<16xf32>
      %get3A_643 = arith.constant 8 : i32
      %get3A_644 = arith.index_cast %get3A_643 : i32 to index
      %get3A_645 = arith.constant 32 : index
      %get3A_646 = tpu.vector_load %arg10[%get3A_644, %get3A_645] {strides = array<i32>} : memref<16x128xf32, #tpu.memory_space<vmem>>, vector<1x16xf32>,
      %get3A_647 = vector.shape_cast %get3A_646 : vector<1x16xf32> to vector<16xf32>
      %mul3A_648 = vector.broadcast %select_n3A_626 : f32 to vector<16xf32>
      %mul3A_649 = arith.mulf %get3A_647, %mul3A_648 : vector<16xf32>
      %add3A_650 = arith.addf %add3A_577, %mul3A_649 : vector<16xf32>
      %get3A_651 = arith.constant 8 : i32
      %get3A_652 = arith.index_cast %get3A_651 : i32 to index
      %get3A_653 = arith.constant 48 : index
      %get3A_654 = tpu.vector_load %arg10[%get3A_652, %get3A_653] {strides = array<i32>} : memref<16x128xf32, #tpu.memory_space<vmem>>, vector<1x16xf32>,
      %get3A_655 = vector.shape_cast %get3A_654 : vector<1x16xf32> to vector<16xf32>
      %mul3A_656 = vector.broadcast %select_n3A_626 : f32 to vector<16xf32>
      %mul3A_657 = arith.mulf %get3A_655, %mul3A_656 : vector<16xf32>
      %add3A_658 = arith.addf %add3A_585, %mul3A_657 : vector<16xf32>
      %get3A_659 = arith.constant 8 : i32
      %get3A_660 = arith.index_cast %get3A_659 : i32 to index
      %get3A_661 = arith.constant 64 : index
      %get3A_662 = tpu.vector_load %arg10[%get3A_660, %get3A_661] {strides = array<i32>} : memref<16x128xf32, #tpu.memory_space<vmem>>, vector<1x16xf32>,
      %get3A_663 = vector.shape_cast %get3A_662 : vector<1x16xf32> to vector<16xf32>
      %mul3A_664 = vector.broadcast %select_n3A_626 : f32 to vector<16xf32>
      %mul3A_665 = arith.mulf %get3A_663, %mul3A_664 : vector<16xf32>
      %add3A_666 = arith.addf %add3A_593, %mul3A_665 : vector<16xf32>
      %get3A_667 = arith.constant 8 : i32
      %get3A_668 = arith.index_cast %get3A_667 : i32 to index
      %get3A_669 = arith.constant 80 : index
      %get3A_670 = tpu.vector_load %arg10[%get3A_668, %get3A_669] {strides = array<i32>} : memref<16x128xf32, #tpu.memory_space<vmem>>, vector<1x16xf32>,
      %get3A_671 = vector.shape_cast %get3A_670 : vector<1x16xf32> to vector<16xf32>
      %mul3A_672 = vector.broadcast %select_n3A_626 : f32 to vector<16xf32>
      %mul3A_673 = arith.mulf %get3A_671, %mul3A_672 : vector<16xf32>
      %add3A_674 = arith.addf %add3A_601, %mul3A_673 : vector<16xf32>
      %get3A_675 = arith.constant 8 : i32
      %get3A_676 = arith.index_cast %get3A_675 : i32 to index
      %get3A_677 = arith.constant 96 : index
      %get3A_678 = tpu.vector_load %arg10[%get3A_676, %get3A_677] {strides = array<i32>} : memref<16x128xf32, #tpu.memory_space<vmem>>, vector<1x16xf32>,
      %get3A_679 = vector.shape_cast %get3A_678 : vector<1x16xf32> to vector<16xf32>
      %mul3A_680 = vector.broadcast %select_n3A_626 : f32 to vector<16xf32>
      %mul3A_681 = arith.mulf %get3A_679, %mul3A_680 : vector<16xf32>
      %add3A_682 = arith.addf %add3A_609, %mul3A_681 : vector<16xf32>
      %get3A_683 = arith.constant 8 : i32
      %get3A_684 = arith.index_cast %get3A_683 : i32 to index
      %get3A_685 = arith.constant 112 : index
      %get3A_686 = tpu.vector_load %arg10[%get3A_684, %get3A_685] {strides = array<i32>} : memref<16x128xf32, #tpu.memory_space<vmem>>, vector<1x16xf32>,
      %get3A_687 = vector.shape_cast %get3A_686 : vector<1x16xf32> to vector<16xf32>
      %mul3A_688 = vector.broadcast %select_n3A_626 : f32 to vector<16xf32>
      %mul3A_689 = arith.mulf %get3A_687, %mul3A_688 : vector<16xf32>
      %add3A_690 = arith.addf %add3A_617, %mul3A_689 : vector<16xf32>
      %mul3A_691 = arith.constant 16 : i32
      %mul3A_692 = arith.muli %arg1, %mul3A_691 : i32
      %add3A_693 = arith.constant 9 : i32
      %add3A_694 = arith.addi %mul3A_692, %add3A_693 : i32
      %lt3A_695 = arith.constant 200 : i32
      %lt3A_696 = arith.cmpi slt, %add3A_694, %lt3A_695 : i32
      %jit3A_697 = arith.constant 1.000000e+00 : f32
      %jit3A_698 = arith.constant 0.000000e+00 : f32
      %select_n3A_699 = arith.select %lt3A_696, %jit3A_697, %jit3A_698 : f32
      %get3A_700 = arith.constant 9 : i32
      %get3A_701 = arith.index_cast %get3A_700 : i32 to index
      %get3A_702 = arith.constant 0 : index
      %get3A_703 = tpu.vector_load %arg10[%get3A_701, %get3A_702] {strides = array<i32>} : memref<16x128xf32, #tpu.memory_space<vmem>>, vector<1x16xf32>,
      %get3A_704 = vector.shape_cast %get3A_703 : vector<1x16xf32> to vector<16xf32>
      %mul3A_705 = vector.broadcast %select_n3A_699 : f32 to vector<16xf32>
      %mul3A_706 = arith.mulf %get3A_704, %mul3A_705 : vector<16xf32>
      %add3A_707 = arith.addf %add3A_634, %mul3A_706 : vector<16xf32>
      %get3A_708 = arith.constant 9 : i32
      %get3A_709 = arith.index_cast %get3A_708 : i32 to index
      %get3A_710 = arith.constant 16 : index
      %get3A_711 = tpu.vector_load %arg10[%get3A_709, %get3A_710] {strides = array<i32>} : memref<16x128xf32, #tpu.memory_space<vmem>>, vector<1x16xf32>,
      %get3A_712 = vector.shape_cast %get3A_711 : vector<1x16xf32> to vector<16xf32>
      %mul3A_713 = vector.broadcast %select_n3A_699 : f32 to vector<16xf32>
      %mul3A_714 = arith.mulf %get3A_712, %mul3A_713 : vector<16xf32>
      %add3A_715 = arith.addf %add3A_642, %mul3A_714 : vector<16xf32>
      %get3A_716 = arith.constant 9 : i32
      %get3A_717 = arith.index_cast %get3A_716 : i32 to index
      %get3A_718 = arith.constant 32 : index
      %get3A_719 = tpu.vector_load %arg10[%get3A_717, %get3A_718] {strides = array<i32>} : memref<16x128xf32, #tpu.memory_space<vmem>>, vector<1x16xf32>,
      %get3A_720 = vector.shape_cast %get3A_719 : vector<1x16xf32> to vector<16xf32>
      %mul3A_721 = vector.broadcast %select_n3A_699 : f32 to vector<16xf32>
      %mul3A_722 = arith.mulf %get3A_720, %mul3A_721 : vector<16xf32>
      %add3A_723 = arith.addf %add3A_650, %mul3A_722 : vector<16xf32>
      %get3A_724 = arith.constant 9 : i32
      %get3A_725 = arith.index_cast %get3A_724 : i32 to index
      %get3A_726 = arith.constant 48 : index
      %get3A_727 = tpu.vector_load %arg10[%get3A_725, %get3A_726] {strides = array<i32>} : memref<16x128xf32, #tpu.memory_space<vmem>>, vector<1x16xf32>,
      %get3A_728 = vector.shape_cast %get3A_727 : vector<1x16xf32> to vector<16xf32>
      %mul3A_729 = vector.broadcast %select_n3A_699 : f32 to vector<16xf32>
      %mul3A_730 = arith.mulf %get3A_728, %mul3A_729 : vector<16xf32>
      %add3A_731 = arith.addf %add3A_658, %mul3A_730 : vector<16xf32>
      %get3A_732 = arith.constant 9 : i32
      %get3A_733 = arith.index_cast %get3A_732 : i32 to index
      %get3A_734 = arith.constant 64 : index
      %get3A_735 = tpu.vector_load %arg10[%get3A_733, %get3A_734] {strides = array<i32>} : memref<16x128xf32, #tpu.memory_space<vmem>>, vector<1x16xf32>,
      %get3A_736 = vector.shape_cast %get3A_735 : vector<1x16xf32> to vector<16xf32>
      %mul3A_737 = vector.broadcast %select_n3A_699 : f32 to vector<16xf32>
      %mul3A_738 = arith.mulf %get3A_736, %mul3A_737 : vector<16xf32>
      %add3A_739 = arith.addf %add3A_666, %mul3A_738 : vector<16xf32>
      %get3A_740 = arith.constant 9 : i32
      %get3A_741 = arith.index_cast %get3A_740 : i32 to index
      %get3A_742 = arith.constant 80 : index
      %get3A_743 = tpu.vector_load %arg10[%get3A_741, %get3A_742] {strides = array<i32>} : memref<16x128xf32, #tpu.memory_space<vmem>>, vector<1x16xf32>,
      %get3A_744 = vector.shape_cast %get3A_743 : vector<1x16xf32> to vector<16xf32>
      %mul3A_745 = vector.broadcast %select_n3A_699 : f32 to vector<16xf32>
      %mul3A_746 = arith.mulf %get3A_744, %mul3A_745 : vector<16xf32>
      %add3A_747 = arith.addf %add3A_674, %mul3A_746 : vector<16xf32>
      %get3A_748 = arith.constant 9 : i32
      %get3A_749 = arith.index_cast %get3A_748 : i32 to index
      %get3A_750 = arith.constant 96 : index
      %get3A_751 = tpu.vector_load %arg10[%get3A_749, %get3A_750] {strides = array<i32>} : memref<16x128xf32, #tpu.memory_space<vmem>>, vector<1x16xf32>,
      %get3A_752 = vector.shape_cast %get3A_751 : vector<1x16xf32> to vector<16xf32>
      %mul3A_753 = vector.broadcast %select_n3A_699 : f32 to vector<16xf32>
      %mul3A_754 = arith.mulf %get3A_752, %mul3A_753 : vector<16xf32>
      %add3A_755 = arith.addf %add3A_682, %mul3A_754 : vector<16xf32>
      %get3A_756 = arith.constant 9 : i32
      %get3A_757 = arith.index_cast %get3A_756 : i32 to index
      %get3A_758 = arith.constant 112 : index
      %get3A_759 = tpu.vector_load %arg10[%get3A_757, %get3A_758] {strides = array<i32>} : memref<16x128xf32, #tpu.memory_space<vmem>>, vector<1x16xf32>,
      %get3A_760 = vector.shape_cast %get3A_759 : vector<1x16xf32> to vector<16xf32>
      %mul3A_761 = vector.broadcast %select_n3A_699 : f32 to vector<16xf32>
      %mul3A_762 = arith.mulf %get3A_760, %mul3A_761 : vector<16xf32>
      %add3A_763 = arith.addf %add3A_690, %mul3A_762 : vector<16xf32>
      %mul3A_764 = arith.constant 16 : i32
      %mul3A_765 = arith.muli %arg1, %mul3A_764 : i32
      %add3A_766 = arith.constant 10 : i32
      %add3A_767 = arith.addi %mul3A_765, %add3A_766 : i32
      %lt3A_768 = arith.constant 200 : i32
      %lt3A_769 = arith.cmpi slt, %add3A_767, %lt3A_768 : i32
      %jit3A_770 = arith.constant 1.000000e+00 : f32
      %jit3A_771 = arith.constant 0.000000e+00 : f32
      %select_n3A_772 = arith.select %lt3A_769, %jit3A_770, %jit3A_771 : f32
      %get3A_773 = arith.constant 10 : i32
      %get3A_774 = arith.index_cast %get3A_773 : i32 to index
      %get3A_775 = arith.constant 0 : index
      %get3A_776 = tpu.vector_load %arg10[%get3A_774, %get3A_775] {strides = array<i32>} : memref<16x128xf32, #tpu.memory_space<vmem>>, vector<1x16xf32>,
      %get3A_777 = vector.shape_cast %get3A_776 : vector<1x16xf32> to vector<16xf32>
      %mul3A_778 = vector.broadcast %select_n3A_772 : f32 to vector<16xf32>
      %mul3A_779 = arith.mulf %get3A_777, %mul3A_778 : vector<16xf32>
      %add3A_780 = arith.addf %add3A_707, %mul3A_779 : vector<16xf32>
      %get3A_781 = arith.constant 10 : i32
      %get3A_782 = arith.index_cast %get3A_781 : i32 to index
      %get3A_783 = arith.constant 16 : index
      %get3A_784 = tpu.vector_load %arg10[%get3A_782, %get3A_783] {strides = array<i32>} : memref<16x128xf32, #tpu.memory_space<vmem>>, vector<1x16xf32>,
      %get3A_785 = vector.shape_cast %get3A_784 : vector<1x16xf32> to vector<16xf32>
      %mul3A_786 = vector.broadcast %select_n3A_772 : f32 to vector<16xf32>
      %mul3A_787 = arith.mulf %get3A_785, %mul3A_786 : vector<16xf32>
      %add3A_788 = arith.addf %add3A_715, %mul3A_787 : vector<16xf32>
      %get3A_789 = arith.constant 10 : i32
      %get3A_790 = arith.index_cast %get3A_789 : i32 to index
      %get3A_791 = arith.constant 32 : index
      %get3A_792 = tpu.vector_load %arg10[%get3A_790, %get3A_791] {strides = array<i32>} : memref<16x128xf32, #tpu.memory_space<vmem>>, vector<1x16xf32>,
      %get3A_793 = vector.shape_cast %get3A_792 : vector<1x16xf32> to vector<16xf32>
      %mul3A_794 = vector.broadcast %select_n3A_772 : f32 to vector<16xf32>
      %mul3A_795 = arith.mulf %get3A_793, %mul3A_794 : vector<16xf32>
      %add3A_796 = arith.addf %add3A_723, %mul3A_795 : vector<16xf32>
      %get3A_797 = arith.constant 10 : i32
      %get3A_798 = arith.index_cast %get3A_797 : i32 to index
      %get3A_799 = arith.constant 48 : index
      %get3A_800 = tpu.vector_load %arg10[%get3A_798, %get3A_799] {strides = array<i32>} : memref<16x128xf32, #tpu.memory_space<vmem>>, vector<1x16xf32>,
      %get3A_801 = vector.shape_cast %get3A_800 : vector<1x16xf32> to vector<16xf32>
      %mul3A_802 = vector.broadcast %select_n3A_772 : f32 to vector<16xf32>
      %mul3A_803 = arith.mulf %get3A_801, %mul3A_802 : vector<16xf32>
      %add3A_804 = arith.addf %add3A_731, %mul3A_803 : vector<16xf32>
      %get3A_805 = arith.constant 10 : i32
      %get3A_806 = arith.index_cast %get3A_805 : i32 to index
      %get3A_807 = arith.constant 64 : index
      %get3A_808 = tpu.vector_load %arg10[%get3A_806, %get3A_807] {strides = array<i32>} : memref<16x128xf32, #tpu.memory_space<vmem>>, vector<1x16xf32>,
      %get3A_809 = vector.shape_cast %get3A_808 : vector<1x16xf32> to vector<16xf32>
      %mul3A_810 = vector.broadcast %select_n3A_772 : f32 to vector<16xf32>
      %mul3A_811 = arith.mulf %get3A_809, %mul3A_810 : vector<16xf32>
      %add3A_812 = arith.addf %add3A_739, %mul3A_811 : vector<16xf32>
      %get3A_813 = arith.constant 10 : i32
      %get3A_814 = arith.index_cast %get3A_813 : i32 to index
      %get3A_815 = arith.constant 80 : index
      %get3A_816 = tpu.vector_load %arg10[%get3A_814, %get3A_815] {strides = array<i32>} : memref<16x128xf32, #tpu.memory_space<vmem>>, vector<1x16xf32>,
      %get3A_817 = vector.shape_cast %get3A_816 : vector<1x16xf32> to vector<16xf32>
      %mul3A_818 = vector.broadcast %select_n3A_772 : f32 to vector<16xf32>
      %mul3A_819 = arith.mulf %get3A_817, %mul3A_818 : vector<16xf32>
      %add3A_820 = arith.addf %add3A_747, %mul3A_819 : vector<16xf32>
      %get3A_821 = arith.constant 10 : i32
      %get3A_822 = arith.index_cast %get3A_821 : i32 to index
      %get3A_823 = arith.constant 96 : index
      %get3A_824 = tpu.vector_load %arg10[%get3A_822, %get3A_823] {strides = array<i32>} : memref<16x128xf32, #tpu.memory_space<vmem>>, vector<1x16xf32>,
      %get3A_825 = vector.shape_cast %get3A_824 : vector<1x16xf32> to vector<16xf32>
      %mul3A_826 = vector.broadcast %select_n3A_772 : f32 to vector<16xf32>
      %mul3A_827 = arith.mulf %get3A_825, %mul3A_826 : vector<16xf32>
      %add3A_828 = arith.addf %add3A_755, %mul3A_827 : vector<16xf32>
      %get3A_829 = arith.constant 10 : i32
      %get3A_830 = arith.index_cast %get3A_829 : i32 to index
      %get3A_831 = arith.constant 112 : index
      %get3A_832 = tpu.vector_load %arg10[%get3A_830, %get3A_831] {strides = array<i32>} : memref<16x128xf32, #tpu.memory_space<vmem>>, vector<1x16xf32>,
      %get3A_833 = vector.shape_cast %get3A_832 : vector<1x16xf32> to vector<16xf32>
      %mul3A_834 = vector.broadcast %select_n3A_772 : f32 to vector<16xf32>
      %mul3A_835 = arith.mulf %get3A_833, %mul3A_834 : vector<16xf32>
      %add3A_836 = arith.addf %add3A_763, %mul3A_835 : vector<16xf32>
      %mul3A_837 = arith.constant 16 : i32
      %mul3A_838 = arith.muli %arg1, %mul3A_837 : i32
      %add3A_839 = arith.constant 11 : i32
      %add3A_840 = arith.addi %mul3A_838, %add3A_839 : i32
      %lt3A_841 = arith.constant 200 : i32
      %lt3A_842 = arith.cmpi slt, %add3A_840, %lt3A_841 : i32
      %jit3A_843 = arith.constant 1.000000e+00 : f32
      %jit3A_844 = arith.constant 0.000000e+00 : f32
      %select_n3A_845 = arith.select %lt3A_842, %jit3A_843, %jit3A_844 : f32
      %get3A_846 = arith.constant 11 : i32
      %get3A_847 = arith.index_cast %get3A_846 : i32 to index
      %get3A_848 = arith.constant 0 : index
      %get3A_849 = tpu.vector_load %arg10[%get3A_847, %get3A_848] {strides = array<i32>} : memref<16x128xf32, #tpu.memory_space<vmem>>, vector<1x16xf32>,
      %get3A_850 = vector.shape_cast %get3A_849 : vector<1x16xf32> to vector<16xf32>
      %mul3A_851 = vector.broadcast %select_n3A_845 : f32 to vector<16xf32>
      %mul3A_852 = arith.mulf %get3A_850, %mul3A_851 : vector<16xf32>
      %add3A_853 = arith.addf %add3A_780, %mul3A_852 : vector<16xf32>
      %get3A_854 = arith.constant 11 : i32
      %get3A_855 = arith.index_cast %get3A_854 : i32 to index
      %get3A_856 = arith.constant 16 : index
      %get3A_857 = tpu.vector_load %arg10[%get3A_855, %get3A_856] {strides = array<i32>} : memref<16x128xf32, #tpu.memory_space<vmem>>, vector<1x16xf32>,
      %get3A_858 = vector.shape_cast %get3A_857 : vector<1x16xf32> to vector<16xf32>
      %mul3A_859 = vector.broadcast %select_n3A_845 : f32 to vector<16xf32>
      %mul3A_860 = arith.mulf %get3A_858, %mul3A_859 : vector<16xf32>
      %add3A_861 = arith.addf %add3A_788, %mul3A_860 : vector<16xf32>
      %get3A_862 = arith.constant 11 : i32
      %get3A_863 = arith.index_cast %get3A_862 : i32 to index
      %get3A_864 = arith.constant 32 : index
      %get3A_865 = tpu.vector_load %arg10[%get3A_863, %get3A_864] {strides = array<i32>} : memref<16x128xf32, #tpu.memory_space<vmem>>, vector<1x16xf32>,
      %get3A_866 = vector.shape_cast %get3A_865 : vector<1x16xf32> to vector<16xf32>
      %mul3A_867 = vector.broadcast %select_n3A_845 : f32 to vector<16xf32>
      %mul3A_868 = arith.mulf %get3A_866, %mul3A_867 : vector<16xf32>
      %add3A_869 = arith.addf %add3A_796, %mul3A_868 : vector<16xf32>
      %get3A_870 = arith.constant 11 : i32
      %get3A_871 = arith.index_cast %get3A_870 : i32 to index
      %get3A_872 = arith.constant 48 : index
      %get3A_873 = tpu.vector_load %arg10[%get3A_871, %get3A_872] {strides = array<i32>} : memref<16x128xf32, #tpu.memory_space<vmem>>, vector<1x16xf32>,
      %get3A_874 = vector.shape_cast %get3A_873 : vector<1x16xf32> to vector<16xf32>
      %mul3A_875 = vector.broadcast %select_n3A_845 : f32 to vector<16xf32>
      %mul3A_876 = arith.mulf %get3A_874, %mul3A_875 : vector<16xf32>
      %add3A_877 = arith.addf %add3A_804, %mul3A_876 : vector<16xf32>
      %get3A_878 = arith.constant 11 : i32
      %get3A_879 = arith.index_cast %get3A_878 : i32 to index
      %get3A_880 = arith.constant 64 : index
      %get3A_881 = tpu.vector_load %arg10[%get3A_879, %get3A_880] {strides = array<i32>} : memref<16x128xf32, #tpu.memory_space<vmem>>, vector<1x16xf32>,
      %get3A_882 = vector.shape_cast %get3A_881 : vector<1x16xf32> to vector<16xf32>
      %mul3A_883 = vector.broadcast %select_n3A_845 : f32 to vector<16xf32>
      %mul3A_884 = arith.mulf %get3A_882, %mul3A_883 : vector<16xf32>
      %add3A_885 = arith.addf %add3A_812, %mul3A_884 : vector<16xf32>
      %get3A_886 = arith.constant 11 : i32
      %get3A_887 = arith.index_cast %get3A_886 : i32 to index
      %get3A_888 = arith.constant 80 : index
      %get3A_889 = tpu.vector_load %arg10[%get3A_887, %get3A_888] {strides = array<i32>} : memref<16x128xf32, #tpu.memory_space<vmem>>, vector<1x16xf32>,
      %get3A_890 = vector.shape_cast %get3A_889 : vector<1x16xf32> to vector<16xf32>
      %mul3A_891 = vector.broadcast %select_n3A_845 : f32 to vector<16xf32>
      %mul3A_892 = arith.mulf %get3A_890, %mul3A_891 : vector<16xf32>
      %add3A_893 = arith.addf %add3A_820, %mul3A_892 : vector<16xf32>
      %get3A_894 = arith.constant 11 : i32
      %get3A_895 = arith.index_cast %get3A_894 : i32 to index
      %get3A_896 = arith.constant 96 : index
      %get3A_897 = tpu.vector_load %arg10[%get3A_895, %get3A_896] {strides = array<i32>} : memref<16x128xf32, #tpu.memory_space<vmem>>, vector<1x16xf32>,
      %get3A_898 = vector.shape_cast %get3A_897 : vector<1x16xf32> to vector<16xf32>
      %mul3A_899 = vector.broadcast %select_n3A_845 : f32 to vector<16xf32>
      %mul3A_900 = arith.mulf %get3A_898, %mul3A_899 : vector<16xf32>
      %add3A_901 = arith.addf %add3A_828, %mul3A_900 : vector<16xf32>
      %get3A_902 = arith.constant 11 : i32
      %get3A_903 = arith.index_cast %get3A_902 : i32 to index
      %get3A_904 = arith.constant 112 : index
      %get3A_905 = tpu.vector_load %arg10[%get3A_903, %get3A_904] {strides = array<i32>} : memref<16x128xf32, #tpu.memory_space<vmem>>, vector<1x16xf32>,
      %get3A_906 = vector.shape_cast %get3A_905 : vector<1x16xf32> to vector<16xf32>
      %mul3A_907 = vector.broadcast %select_n3A_845 : f32 to vector<16xf32>
      %mul3A_908 = arith.mulf %get3A_906, %mul3A_907 : vector<16xf32>
      %add3A_909 = arith.addf %add3A_836, %mul3A_908 : vector<16xf32>
      %mul3A_910 = arith.constant 16 : i32
      %mul3A_911 = arith.muli %arg1, %mul3A_910 : i32
      %add3A_912 = arith.constant 12 : i32
      %add3A_913 = arith.addi %mul3A_911, %add3A_912 : i32
      %lt3A_914 = arith.constant 200 : i32
      %lt3A_915 = arith.cmpi slt, %add3A_913, %lt3A_914 : i32
      %jit3A_916 = arith.constant 1.000000e+00 : f32
      %jit3A_917 = arith.constant 0.000000e+00 : f32
      %select_n3A_918 = arith.select %lt3A_915, %jit3A_916, %jit3A_917 : f32
      %get3A_919 = arith.constant 12 : i32
      %get3A_920 = arith.index_cast %get3A_919 : i32 to index
      %get3A_921 = arith.constant 0 : index
      %get3A_922 = tpu.vector_load %arg10[%get3A_920, %get3A_921] {strides = array<i32>} : memref<16x128xf32, #tpu.memory_space<vmem>>, vector<1x16xf32>,
      %get3A_923 = vector.shape_cast %get3A_922 : vector<1x16xf32> to vector<16xf32>
      %mul3A_924 = vector.broadcast %select_n3A_918 : f32 to vector<16xf32>
      %mul3A_925 = arith.mulf %get3A_923, %mul3A_924 : vector<16xf32>
      %add3A_926 = arith.addf %add3A_853, %mul3A_925 : vector<16xf32>
      %get3A_927 = arith.constant 12 : i32
      %get3A_928 = arith.index_cast %get3A_927 : i32 to index
      %get3A_929 = arith.constant 16 : index
      %get3A_930 = tpu.vector_load %arg10[%get3A_928, %get3A_929] {strides = array<i32>} : memref<16x128xf32, #tpu.memory_space<vmem>>, vector<1x16xf32>,
      %get3A_931 = vector.shape_cast %get3A_930 : vector<1x16xf32> to vector<16xf32>
      %mul3A_932 = vector.broadcast %select_n3A_918 : f32 to vector<16xf32>
      %mul3A_933 = arith.mulf %get3A_931, %mul3A_932 : vector<16xf32>
      %add3A_934 = arith.addf %add3A_861, %mul3A_933 : vector<16xf32>
      %get3A_935 = arith.constant 12 : i32
      %get3A_936 = arith.index_cast %get3A_935 : i32 to index
      %get3A_937 = arith.constant 32 : index
      %get3A_938 = tpu.vector_load %arg10[%get3A_936, %get3A_937] {strides = array<i32>} : memref<16x128xf32, #tpu.memory_space<vmem>>, vector<1x16xf32>,
      %get3A_939 = vector.shape_cast %get3A_938 : vector<1x16xf32> to vector<16xf32>
      %mul3A_940 = vector.broadcast %select_n3A_918 : f32 to vector<16xf32>
      %mul3A_941 = arith.mulf %get3A_939, %mul3A_940 : vector<16xf32>
      %add3A_942 = arith.addf %add3A_869, %mul3A_941 : vector<16xf32>
      %get3A_943 = arith.constant 12 : i32
      %get3A_944 = arith.index_cast %get3A_943 : i32 to index
      %get3A_945 = arith.constant 48 : index
      %get3A_946 = tpu.vector_load %arg10[%get3A_944, %get3A_945] {strides = array<i32>} : memref<16x128xf32, #tpu.memory_space<vmem>>, vector<1x16xf32>,
      %get3A_947 = vector.shape_cast %get3A_946 : vector<1x16xf32> to vector<16xf32>
      %mul3A_948 = vector.broadcast %select_n3A_918 : f32 to vector<16xf32>
      %mul3A_949 = arith.mulf %get3A_947, %mul3A_948 : vector<16xf32>
      %add3A_950 = arith.addf %add3A_877, %mul3A_949 : vector<16xf32>
      %get3A_951 = arith.constant 12 : i32
      %get3A_952 = arith.index_cast %get3A_951 : i32 to index
      %get3A_953 = arith.constant 64 : index
      %get3A_954 = tpu.vector_load %arg10[%get3A_952, %get3A_953] {strides = array<i32>} : memref<16x128xf32, #tpu.memory_space<vmem>>, vector<1x16xf32>,
      %get3A_955 = vector.shape_cast %get3A_954 : vector<1x16xf32> to vector<16xf32>
      %mul3A_956 = vector.broadcast %select_n3A_918 : f32 to vector<16xf32>
      %mul3A_957 = arith.mulf %get3A_955, %mul3A_956 : vector<16xf32>
      %add3A_958 = arith.addf %add3A_885, %mul3A_957 : vector<16xf32>
      %get3A_959 = arith.constant 12 : i32
      %get3A_960 = arith.index_cast %get3A_959 : i32 to index
      %get3A_961 = arith.constant 80 : index
      %get3A_962 = tpu.vector_load %arg10[%get3A_960, %get3A_961] {strides = array<i32>} : memref<16x128xf32, #tpu.memory_space<vmem>>, vector<1x16xf32>,
      %get3A_963 = vector.shape_cast %get3A_962 : vector<1x16xf32> to vector<16xf32>
      %mul3A_964 = vector.broadcast %select_n3A_918 : f32 to vector<16xf32>
      %mul3A_965 = arith.mulf %get3A_963, %mul3A_964 : vector<16xf32>
      %add3A_966 = arith.addf %add3A_893, %mul3A_965 : vector<16xf32>
      %get3A_967 = arith.constant 12 : i32
      %get3A_968 = arith.index_cast %get3A_967 : i32 to index
      %get3A_969 = arith.constant 96 : index
      %get3A_970 = tpu.vector_load %arg10[%get3A_968, %get3A_969] {strides = array<i32>} : memref<16x128xf32, #tpu.memory_space<vmem>>, vector<1x16xf32>,
      %get3A_971 = vector.shape_cast %get3A_970 : vector<1x16xf32> to vector<16xf32>
      %mul3A_972 = vector.broadcast %select_n3A_918 : f32 to vector<16xf32>
      %mul3A_973 = arith.mulf %get3A_971, %mul3A_972 : vector<16xf32>
      %add3A_974 = arith.addf %add3A_901, %mul3A_973 : vector<16xf32>
      %get3A_975 = arith.constant 12 : i32
      %get3A_976 = arith.index_cast %get3A_975 : i32 to index
      %get3A_977 = arith.constant 112 : index
      %get3A_978 = tpu.vector_load %arg10[%get3A_976, %get3A_977] {strides = array<i32>} : memref<16x128xf32, #tpu.memory_space<vmem>>, vector<1x16xf32>,
      %get3A_979 = vector.shape_cast %get3A_978 : vector<1x16xf32> to vector<16xf32>
      %mul3A_980 = vector.broadcast %select_n3A_918 : f32 to vector<16xf32>
      %mul3A_981 = arith.mulf %get3A_979, %mul3A_980 : vector<16xf32>
      %add3A_982 = arith.addf %add3A_909, %mul3A_981 : vector<16xf32>
      %mul3A_983 = arith.constant 16 : i32
      %mul3A_984 = arith.muli %arg1, %mul3A_983 : i32
      %add3A_985 = arith.constant 13 : i32
      %add3A_986 = arith.addi %mul3A_984, %add3A_985 : i32
      %lt3A_987 = arith.constant 200 : i32
      %lt3A_988 = arith.cmpi slt, %add3A_986, %lt3A_987 : i32
      %jit3A_989 = arith.constant 1.000000e+00 : f32
      %jit3A_990 = arith.constant 0.000000e+00 : f32
      %select_n3A_991 = arith.select %lt3A_988, %jit3A_989, %jit3A_990 : f32
      %get3A_992 = arith.constant 13 : i32
      %get3A_993 = arith.index_cast %get3A_992 : i32 to index
      %get3A_994 = arith.constant 0 : index
      %get3A_995 = tpu.vector_load %arg10[%get3A_993, %get3A_994] {strides = array<i32>} : memref<16x128xf32, #tpu.memory_space<vmem>>, vector<1x16xf32>,
      %get3A_996 = vector.shape_cast %get3A_995 : vector<1x16xf32> to vector<16xf32>
      %mul3A_997 = vector.broadcast %select_n3A_991 : f32 to vector<16xf32>
      %mul3A_998 = arith.mulf %get3A_996, %mul3A_997 : vector<16xf32>
      %add3A_999 = arith.addf %add3A_926, %mul3A_998 : vector<16xf32>
      %get3A_1000 = arith.constant 13 : i32
      %get3A_1001 = arith.index_cast %get3A_1000 : i32 to index
      %get3A_1002 = arith.constant 16 : index
      %get3A_1003 = tpu.vector_load %arg10[%get3A_1001, %get3A_1002] {strides = array<i32>} : memref<16x128xf32, #tpu.memory_space<vmem>>, vector<1x16xf32>,
      %get3A_1004 = vector.shape_cast %get3A_1003 : vector<1x16xf32> to vector<16xf32>
      %mul3A_1005 = vector.broadcast %select_n3A_991 : f32 to vector<16xf32>
      %mul3A_1006 = arith.mulf %get3A_1004, %mul3A_1005 : vector<16xf32>
      %add3A_1007 = arith.addf %add3A_934, %mul3A_1006 : vector<16xf32>
      %get3A_1008 = arith.constant 13 : i32
      %get3A_1009 = arith.index_cast %get3A_1008 : i32 to index
      %get3A_1010 = arith.constant 32 : index
      %get3A_1011 = tpu.vector_load %arg10[%get3A_1009, %get3A_1010] {strides = array<i32>} : memref<16x128xf32, #tpu.memory_space<vmem>>, vector<1x16xf32>,
      %get3A_1012 = vector.shape_cast %get3A_1011 : vector<1x16xf32> to vector<16xf32>
      %mul3A_1013 = vector.broadcast %select_n3A_991 : f32 to vector<16xf32>
      %mul3A_1014 = arith.mulf %get3A_1012, %mul3A_1013 : vector<16xf32>
      %add3A_1015 = arith.addf %add3A_942, %mul3A_1014 : vector<16xf32>
      %get3A_1016 = arith.constant 13 : i32
      %get3A_1017 = arith.index_cast %get3A_1016 : i32 to index
      %get3A_1018 = arith.constant 48 : index
      %get3A_1019 = tpu.vector_load %arg10[%get3A_1017, %get3A_1018] {strides = array<i32>} : memref<16x128xf32, #tpu.memory_space<vmem>>, vector<1x16xf32>,
      %get3A_1020 = vector.shape_cast %get3A_1019 : vector<1x16xf32> to vector<16xf32>
      %mul3A_1021 = vector.broadcast %select_n3A_991 : f32 to vector<16xf32>
      %mul3A_1022 = arith.mulf %get3A_1020, %mul3A_1021 : vector<16xf32>
      %add3A_1023 = arith.addf %add3A_950, %mul3A_1022 : vector<16xf32>
      %get3A_1024 = arith.constant 13 : i32
      %get3A_1025 = arith.index_cast %get3A_1024 : i32 to index
      %get3A_1026 = arith.constant 64 : index
      %get3A_1027 = tpu.vector_load %arg10[%get3A_1025, %get3A_1026] {strides = array<i32>} : memref<16x128xf32, #tpu.memory_space<vmem>>, vector<1x16xf32>,
      %get3A_1028 = vector.shape_cast %get3A_1027 : vector<1x16xf32> to vector<16xf32>
      %mul3A_1029 = vector.broadcast %select_n3A_991 : f32 to vector<16xf32>
      %mul3A_1030 = arith.mulf %get3A_1028, %mul3A_1029 : vector<16xf32>
      %add3A_1031 = arith.addf %add3A_958, %mul3A_1030 : vector<16xf32>
      %get3A_1032 = arith.constant 13 : i32
      %get3A_1033 = arith.index_cast %get3A_1032 : i32 to index
      %get3A_1034 = arith.constant 80 : index
      %get3A_1035 = tpu.vector_load %arg10[%get3A_1033, %get3A_1034] {strides = array<i32>} : memref<16x128xf32, #tpu.memory_space<vmem>>, vector<1x16xf32>,
      %get3A_1036 = vector.shape_cast %get3A_1035 : vector<1x16xf32> to vector<16xf32>
      %mul3A_1037 = vector.broadcast %select_n3A_991 : f32 to vector<16xf32>
      %mul3A_1038 = arith.mulf %get3A_1036, %mul3A_1037 : vector<16xf32>
      %add3A_1039 = arith.addf %add3A_966, %mul3A_1038 : vector<16xf32>
      %get3A_1040 = arith.constant 13 : i32
      %get3A_1041 = arith.index_cast %get3A_1040 : i32 to index
      %get3A_1042 = arith.constant 96 : index
      %get3A_1043 = tpu.vector_load %arg10[%get3A_1041, %get3A_1042] {strides = array<i32>} : memref<16x128xf32, #tpu.memory_space<vmem>>, vector<1x16xf32>,
      %get3A_1044 = vector.shape_cast %get3A_1043 : vector<1x16xf32> to vector<16xf32>
      %mul3A_1045 = vector.broadcast %select_n3A_991 : f32 to vector<16xf32>
      %mul3A_1046 = arith.mulf %get3A_1044, %mul3A_1045 : vector<16xf32>
      %add3A_1047 = arith.addf %add3A_974, %mul3A_1046 : vector<16xf32>
      %get3A_1048 = arith.constant 13 : i32
      %get3A_1049 = arith.index_cast %get3A_1048 : i32 to index
      %get3A_1050 = arith.constant 112 : index
      %get3A_1051 = tpu.vector_load %arg10[%get3A_1049, %get3A_1050] {strides = array<i32>} : memref<16x128xf32, #tpu.memory_space<vmem>>, vector<1x16xf32>,
      %get3A_1052 = vector.shape_cast %get3A_1051 : vector<1x16xf32> to vector<16xf32>
      %mul3A_1053 = vector.broadcast %select_n3A_991 : f32 to vector<16xf32>
      %mul3A_1054 = arith.mulf %get3A_1052, %mul3A_1053 : vector<16xf32>
      %add3A_1055 = arith.addf %add3A_982, %mul3A_1054 : vector<16xf32>
      %mul3A_1056 = arith.constant 16 : i32
      %mul3A_1057 = arith.muli %arg1, %mul3A_1056 : i32
      %add3A_1058 = arith.constant 14 : i32
      %add3A_1059 = arith.addi %mul3A_1057, %add3A_1058 : i32
      %lt3A_1060 = arith.constant 200 : i32
      %lt3A_1061 = arith.cmpi slt, %add3A_1059, %lt3A_1060 : i32
      %jit3A_1062 = arith.constant 1.000000e+00 : f32
      %jit3A_1063 = arith.constant 0.000000e+00 : f32
      %select_n3A_1064 = arith.select %lt3A_1061, %jit3A_1062, %jit3A_1063 : f32
      %get3A_1065 = arith.constant 14 : i32
      %get3A_1066 = arith.index_cast %get3A_1065 : i32 to index
      %get3A_1067 = arith.constant 0 : index
      %get3A_1068 = tpu.vector_load %arg10[%get3A_1066, %get3A_1067] {strides = array<i32>} : memref<16x128xf32, #tpu.memory_space<vmem>>, vector<1x16xf32>,
      %get3A_1069 = vector.shape_cast %get3A_1068 : vector<1x16xf32> to vector<16xf32>
      %mul3A_1070 = vector.broadcast %select_n3A_1064 : f32 to vector<16xf32>
      %mul3A_1071 = arith.mulf %get3A_1069, %mul3A_1070 : vector<16xf32>
      %add3A_1072 = arith.addf %add3A_999, %mul3A_1071 : vector<16xf32>
      %get3A_1073 = arith.constant 14 : i32
      %get3A_1074 = arith.index_cast %get3A_1073 : i32 to index
      %get3A_1075 = arith.constant 16 : index
      %get3A_1076 = tpu.vector_load %arg10[%get3A_1074, %get3A_1075] {strides = array<i32>} : memref<16x128xf32, #tpu.memory_space<vmem>>, vector<1x16xf32>,
      %get3A_1077 = vector.shape_cast %get3A_1076 : vector<1x16xf32> to vector<16xf32>
      %mul3A_1078 = vector.broadcast %select_n3A_1064 : f32 to vector<16xf32>
      %mul3A_1079 = arith.mulf %get3A_1077, %mul3A_1078 : vector<16xf32>
      %add3A_1080 = arith.addf %add3A_1007, %mul3A_1079 : vector<16xf32>
      %get3A_1081 = arith.constant 14 : i32
      %get3A_1082 = arith.index_cast %get3A_1081 : i32 to index
      %get3A_1083 = arith.constant 32 : index
      %get3A_1084 = tpu.vector_load %arg10[%get3A_1082, %get3A_1083] {strides = array<i32>} : memref<16x128xf32, #tpu.memory_space<vmem>>, vector<1x16xf32>,
      %get3A_1085 = vector.shape_cast %get3A_1084 : vector<1x16xf32> to vector<16xf32>
      %mul3A_1086 = vector.broadcast %select_n3A_1064 : f32 to vector<16xf32>
      %mul3A_1087 = arith.mulf %get3A_1085, %mul3A_1086 : vector<16xf32>
      %add3A_1088 = arith.addf %add3A_1015, %mul3A_1087 : vector<16xf32>
      %get3A_1089 = arith.constant 14 : i32
      %get3A_1090 = arith.index_cast %get3A_1089 : i32 to index
      %get3A_1091 = arith.constant 48 : index
      %get3A_1092 = tpu.vector_load %arg10[%get3A_1090, %get3A_1091] {strides = array<i32>} : memref<16x128xf32, #tpu.memory_space<vmem>>, vector<1x16xf32>,
      %get3A_1093 = vector.shape_cast %get3A_1092 : vector<1x16xf32> to vector<16xf32>
      %mul3A_1094 = vector.broadcast %select_n3A_1064 : f32 to vector<16xf32>
      %mul3A_1095 = arith.mulf %get3A_1093, %mul3A_1094 : vector<16xf32>
      %add3A_1096 = arith.addf %add3A_1023, %mul3A_1095 : vector<16xf32>
      %get3A_1097 = arith.constant 14 : i32
      %get3A_1098 = arith.index_cast %get3A_1097 : i32 to index
      %get3A_1099 = arith.constant 64 : index
      %get3A_1100 = tpu.vector_load %arg10[%get3A_1098, %get3A_1099] {strides = array<i32>} : memref<16x128xf32, #tpu.memory_space<vmem>>, vector<1x16xf32>,
      %get3A_1101 = vector.shape_cast %get3A_1100 : vector<1x16xf32> to vector<16xf32>
      %mul3A_1102 = vector.broadcast %select_n3A_1064 : f32 to vector<16xf32>
      %mul3A_1103 = arith.mulf %get3A_1101, %mul3A_1102 : vector<16xf32>
      %add3A_1104 = arith.addf %add3A_1031, %mul3A_1103 : vector<16xf32>
      %get3A_1105 = arith.constant 14 : i32
      %get3A_1106 = arith.index_cast %get3A_1105 : i32 to index
      %get3A_1107 = arith.constant 80 : index
      %get3A_1108 = tpu.vector_load %arg10[%get3A_1106, %get3A_1107] {strides = array<i32>} : memref<16x128xf32, #tpu.memory_space<vmem>>, vector<1x16xf32>,
      %get3A_1109 = vector.shape_cast %get3A_1108 : vector<1x16xf32> to vector<16xf32>
      %mul3A_1110 = vector.broadcast %select_n3A_1064 : f32 to vector<16xf32>
      %mul3A_1111 = arith.mulf %get3A_1109, %mul3A_1110 : vector<16xf32>
      %add3A_1112 = arith.addf %add3A_1039, %mul3A_1111 : vector<16xf32>
      %get3A_1113 = arith.constant 14 : i32
      %get3A_1114 = arith.index_cast %get3A_1113 : i32 to index
      %get3A_1115 = arith.constant 96 : index
      %get3A_1116 = tpu.vector_load %arg10[%get3A_1114, %get3A_1115] {strides = array<i32>} : memref<16x128xf32, #tpu.memory_space<vmem>>, vector<1x16xf32>,
      %get3A_1117 = vector.shape_cast %get3A_1116 : vector<1x16xf32> to vector<16xf32>
      %mul3A_1118 = vector.broadcast %select_n3A_1064 : f32 to vector<16xf32>
      %mul3A_1119 = arith.mulf %get3A_1117, %mul3A_1118 : vector<16xf32>
      %add3A_1120 = arith.addf %add3A_1047, %mul3A_1119 : vector<16xf32>
      %get3A_1121 = arith.constant 14 : i32
      %get3A_1122 = arith.index_cast %get3A_1121 : i32 to index
      %get3A_1123 = arith.constant 112 : index
      %get3A_1124 = tpu.vector_load %arg10[%get3A_1122, %get3A_1123] {strides = array<i32>} : memref<16x128xf32, #tpu.memory_space<vmem>>, vector<1x16xf32>,
      %get3A_1125 = vector.shape_cast %get3A_1124 : vector<1x16xf32> to vector<16xf32>
      %mul3A_1126 = vector.broadcast %select_n3A_1064 : f32 to vector<16xf32>
      %mul3A_1127 = arith.mulf %get3A_1125, %mul3A_1126 : vector<16xf32>
      %add3A_1128 = arith.addf %add3A_1055, %mul3A_1127 : vector<16xf32>
      %mul3A_1129 = arith.constant 16 : i32
      %mul3A_1130 = arith.muli %arg1, %mul3A_1129 : i32
      %add3A_1131 = arith.constant 15 : i32
      %add3A_1132 = arith.addi %mul3A_1130, %add3A_1131 : i32
      %lt3A_1133 = arith.constant 200 : i32
      %lt3A_1134 = arith.cmpi slt, %add3A_1132, %lt3A_1133 : i32
      %jit3A_1135 = arith.constant 1.000000e+00 : f32
      %jit3A_1136 = arith.constant 0.000000e+00 : f32
      %select_n3A_1137 = arith.select %lt3A_1134, %jit3A_1135, %jit3A_1136 : f32
      %get3A_1138 = arith.constant 15 : i32
      %get3A_1139 = arith.index_cast %get3A_1138 : i32 to index
      %get3A_1140 = arith.constant 0 : index
      %get3A_1141 = tpu.vector_load %arg10[%get3A_1139, %get3A_1140] {strides = array<i32>} : memref<16x128xf32, #tpu.memory_space<vmem>>, vector<1x16xf32>,
      %get3A_1142 = vector.shape_cast %get3A_1141 : vector<1x16xf32> to vector<16xf32>
      %mul3A_1143 = vector.broadcast %select_n3A_1137 : f32 to vector<16xf32>
      %mul3A_1144 = arith.mulf %get3A_1142, %mul3A_1143 : vector<16xf32>
      %add3A_1145 = arith.addf %add3A_1072, %mul3A_1144 : vector<16xf32>
      %get3A_1146 = arith.constant 15 : i32
      %get3A_1147 = arith.index_cast %get3A_1146 : i32 to index
      %get3A_1148 = arith.constant 16 : index
      %get3A_1149 = tpu.vector_load %arg10[%get3A_1147, %get3A_1148] {strides = array<i32>} : memref<16x128xf32, #tpu.memory_space<vmem>>, vector<1x16xf32>,
      %get3A_1150 = vector.shape_cast %get3A_1149 : vector<1x16xf32> to vector<16xf32>
      %mul3A_1151 = vector.broadcast %select_n3A_1137 : f32 to vector<16xf32>
      %mul3A_1152 = arith.mulf %get3A_1150, %mul3A_1151 : vector<16xf32>
      %add3A_1153 = arith.addf %add3A_1080, %mul3A_1152 : vector<16xf32>
      %get3A_1154 = arith.constant 15 : i32
      %get3A_1155 = arith.index_cast %get3A_1154 : i32 to index
      %get3A_1156 = arith.constant 32 : index
      %get3A_1157 = tpu.vector_load %arg10[%get3A_1155, %get3A_1156] {strides = array<i32>} : memref<16x128xf32, #tpu.memory_space<vmem>>, vector<1x16xf32>,
      %get3A_1158 = vector.shape_cast %get3A_1157 : vector<1x16xf32> to vector<16xf32>
      %mul3A_1159 = vector.broadcast %select_n3A_1137 : f32 to vector<16xf32>
      %mul3A_1160 = arith.mulf %get3A_1158, %mul3A_1159 : vector<16xf32>
      %add3A_1161 = arith.addf %add3A_1088, %mul3A_1160 : vector<16xf32>
      %get3A_1162 = arith.constant 15 : i32
      %get3A_1163 = arith.index_cast %get3A_1162 : i32 to index
      %get3A_1164 = arith.constant 48 : index
      %get3A_1165 = tpu.vector_load %arg10[%get3A_1163, %get3A_1164] {strides = array<i32>} : memref<16x128xf32, #tpu.memory_space<vmem>>, vector<1x16xf32>,
      %get3A_1166 = vector.shape_cast %get3A_1165 : vector<1x16xf32> to vector<16xf32>
      %mul3A_1167 = vector.broadcast %select_n3A_1137 : f32 to vector<16xf32>
      %mul3A_1168 = arith.mulf %get3A_1166, %mul3A_1167 : vector<16xf32>
      %add3A_1169 = arith.addf %add3A_1096, %mul3A_1168 : vector<16xf32>
      %get3A_1170 = arith.constant 15 : i32
      %get3A_1171 = arith.index_cast %get3A_1170 : i32 to index
      %get3A_1172 = arith.constant 64 : index
      %get3A_1173 = tpu.vector_load %arg10[%get3A_1171, %get3A_1172] {strides = array<i32>} : memref<16x128xf32, #tpu.memory_space<vmem>>, vector<1x16xf32>,
      %get3A_1174 = vector.shape_cast %get3A_1173 : vector<1x16xf32> to vector<16xf32>
      %mul3A_1175 = vector.broadcast %select_n3A_1137 : f32 to vector<16xf32>
      %mul3A_1176 = arith.mulf %get3A_1174, %mul3A_1175 : vector<16xf32>
      %add3A_1177 = arith.addf %add3A_1104, %mul3A_1176 : vector<16xf32>
      %get3A_1178 = arith.constant 15 : i32
      %get3A_1179 = arith.index_cast %get3A_1178 : i32 to index
      %get3A_1180 = arith.constant 80 : index
      %get3A_1181 = tpu.vector_load %arg10[%get3A_1179, %get3A_1180] {strides = array<i32>} : memref<16x128xf32, #tpu.memory_space<vmem>>, vector<1x16xf32>,
      %get3A_1182 = vector.shape_cast %get3A_1181 : vector<1x16xf32> to vector<16xf32>
      %mul3A_1183 = vector.broadcast %select_n3A_1137 : f32 to vector<16xf32>
      %mul3A_1184 = arith.mulf %get3A_1182, %mul3A_1183 : vector<16xf32>
      %add3A_1185 = arith.addf %add3A_1112, %mul3A_1184 : vector<16xf32>
      %get3A_1186 = arith.constant 15 : i32
      %get3A_1187 = arith.index_cast %get3A_1186 : i32 to index
      %get3A_1188 = arith.constant 96 : index
      %get3A_1189 = tpu.vector_load %arg10[%get3A_1187, %get3A_1188] {strides = array<i32>} : memref<16x128xf32, #tpu.memory_space<vmem>>, vector<1x16xf32>,
      %get3A_1190 = vector.shape_cast %get3A_1189 : vector<1x16xf32> to vector<16xf32>
      %mul3A_1191 = vector.broadcast %select_n3A_1137 : f32 to vector<16xf32>
      %mul3A_1192 = arith.mulf %get3A_1190, %mul3A_1191 : vector<16xf32>
      %add3A_1193 = arith.addf %add3A_1120, %mul3A_1192 : vector<16xf32>
      %get3A_1194 = arith.constant 15 : i32
      %get3A_1195 = arith.index_cast %get3A_1194 : i32 to index
      %get3A_1196 = arith.constant 112 : index
      %get3A_1197 = tpu.vector_load %arg10[%get3A_1195, %get3A_1196] {strides = array<i32>} : memref<16x128xf32, #tpu.memory_space<vmem>>, vector<1x16xf32>,
      %get3A_1198 = vector.shape_cast %get3A_1197 : vector<1x16xf32> to vector<16xf32>
      %mul3A_1199 = vector.broadcast %select_n3A_1137 : f32 to vector<16xf32>
      %mul3A_1200 = arith.mulf %get3A_1198, %mul3A_1199 : vector<16xf32>
      %add3A_1201 = arith.addf %add3A_1128, %mul3A_1200 : vector<16xf32>
      %swap3A = arith.constant 0 : index
      %swap3A_1202 = tpu.vector_load %arg11[%swap3A] {strides = array<i32>} : memref<128xf32, #tpu.memory_space<vmem>>, vector<16xf32>,
      %swap3A_1203 = vector.shape_cast %swap3A_1202 : vector<16xf32> to vector<16xf32>
      %swap3A_1204 = vector.shape_cast %add3A_1145 : vector<16xf32> to vector<16xf32>
      tpu.vector_store %arg11[%swap3A], %swap3A_1204 {strides = array<i32>} : memref<128xf32, #tpu.memory_space<vmem>>, vector<16xf32>,
      %swap3A_1205 = arith.constant 16 : index
      %swap3A_1206 = tpu.vector_load %arg11[%swap3A_1205] {strides = array<i32>} : memref<128xf32, #tpu.memory_space<vmem>>, vector<16xf32>,
      %swap3A_1207 = vector.shape_cast %swap3A_1206 : vector<16xf32> to vector<16xf32>
      %swap3A_1208 = vector.shape_cast %add3A_1153 : vector<16xf32> to vector<16xf32>
      tpu.vector_store %arg11[%swap3A_1205], %swap3A_1208 {strides = array<i32>} : memref<128xf32, #tpu.memory_space<vmem>>, vector<16xf32>,
      %swap3A_1209 = arith.constant 32 : index
      %swap3A_1210 = tpu.vector_load %arg11[%swap3A_1209] {strides = array<i32>} : memref<128xf32, #tpu.memory_space<vmem>>, vector<16xf32>,
      %swap3A_1211 = vector.shape_cast %swap3A_1210 : vector<16xf32> to vector<16xf32>
      %swap3A_1212 = vector.shape_cast %add3A_1161 : vector<16xf32> to vector<16xf32>
      tpu.vector_store %arg11[%swap3A_1209], %swap3A_1212 {strides = array<i32>} : memref<128xf32, #tpu.memory_space<vmem>>, vector<16xf32>,
      %swap3A_1213 = arith.constant 48 : index
      %swap3A_1214 = tpu.vector_load %arg11[%swap3A_1213] {strides = array<i32>} : memref<128xf32, #tpu.memory_space<vmem>>, vector<16xf32>,
      %swap3A_1215 = vector.shape_cast %swap3A_1214 : vector<16xf32> to vector<16xf32>
      %swap3A_1216 = vector.shape_cast %add3A_1169 : vector<16xf32> to vector<16xf32>
      tpu.vector_store %arg11[%swap3A_1213], %swap3A_1216 {strides = array<i32>} : memref<128xf32, #tpu.memory_space<vmem>>, vector<16xf32>,
      %swap3A_1217 = arith.constant 64 : index
      %swap3A_1218 = tpu.vector_load %arg11[%swap3A_1217] {strides = array<i32>} : memref<128xf32, #tpu.memory_space<vmem>>, vector<16xf32>,
      %swap3A_1219 = vector.shape_cast %swap3A_1218 : vector<16xf32> to vector<16xf32>
      %swap3A_1220 = vector.shape_cast %add3A_1177 : vector<16xf32> to vector<16xf32>
      tpu.vector_store %arg11[%swap3A_1217], %swap3A_1220 {strides = array<i32>} : memref<128xf32, #tpu.memory_space<vmem>>, vector<16xf32>,
      %swap3A_1221 = arith.constant 80 : index
      %swap3A_1222 = tpu.vector_load %arg11[%swap3A_1221] {strides = array<i32>} : memref<128xf32, #tpu.memory_space<vmem>>, vector<16xf32>,
      %swap3A_1223 = vector.shape_cast %swap3A_1222 : vector<16xf32> to vector<16xf32>
      %swap3A_1224 = vector.shape_cast %add3A_1185 : vector<16xf32> to vector<16xf32>
      tpu.vector_store %arg11[%swap3A_1221], %swap3A_1224 {strides = array<i32>} : memref<128xf32, #tpu.memory_space<vmem>>, vector<16xf32>,
      %swap3A_1225 = arith.constant 96 : index
      %swap3A_1226 = tpu.vector_load %arg11[%swap3A_1225] {strides = array<i32>} : memref<128xf32, #tpu.memory_space<vmem>>, vector<16xf32>,
      %swap3A_1227 = vector.shape_cast %swap3A_1226 : vector<16xf32> to vector<16xf32>
      %swap3A_1228 = vector.shape_cast %add3A_1193 : vector<16xf32> to vector<16xf32>
      tpu.vector_store %arg11[%swap3A_1225], %swap3A_1228 {strides = array<i32>} : memref<128xf32, #tpu.memory_space<vmem>>, vector<16xf32>,
      %swap3A_1229 = arith.constant 112 : index
      %swap3A_1230 = tpu.vector_load %arg11[%swap3A_1229] {strides = array<i32>} : memref<128xf32, #tpu.memory_space<vmem>>, vector<16xf32>,
      %swap3A_1231 = vector.shape_cast %swap3A_1230 : vector<16xf32> to vector<16xf32>
      %swap3A_1232 = vector.shape_cast %add3A_1201 : vector<16xf32> to vector<16xf32>
      tpu.vector_store %arg11[%swap3A_1229], %swap3A_1232 {strides = array<i32>} : memref<128xf32, #tpu.memory_space<vmem>>, vector<16xf32>,
      "tpu.region"() ({
        %run_scoped3A = tpu.sem_alloc : memref<!tpu.dma_semaphore, #tpu.memory_space<semaphore_mem>>
        %dma_start3A = arith.constant 0 : i32
        %dma_start3A_1233 = tpu.memref_slice %arg20[%arg1, %dma_start3A] : memref<16x128xf32, #tpu.memory_space<vmem_shared>> -> memref<1x128xf32, #tpu.memory_space<vmem_shared>>
        %dma_start3A_1234 = tpu.memref_squeeze %dma_start3A_1233 : memref<1x128xf32, #tpu.memory_space<vmem_shared>> -> memref<128xf32, #tpu.memory_space<vmem_shared>>
        %dma_start3A_1235 = arith.constant 0 : i32
        %dma_start3A_1236 = tpu.memref_slice %arg20[%arg1, %dma_start3A_1235] : memref<16x128xf32, #tpu.memory_space<vmem_shared>> -> memref<1x128xf32, #tpu.memory_space<vmem_shared>>
        %dma_start3A_1237 = tpu.memref_squeeze %dma_start3A_1236 : memref<1x128xf32, #tpu.memory_space<vmem_shared>> -> memref<128xf32, #tpu.memory_space<vmem_shared>>
        tpu.enqueue_dma source(%arg11 : memref<128xf32, #tpu.memory_space<vmem>>) target(%dma_start3A_1237 : memref<128xf32, #tpu.memory_space<vmem_shared>>) target_semaphore(%run_scoped3A : memref<!tpu.dma_semaphore, #tpu.memory_space<semaphore_mem>>)
        %dma_wait3A_1238 = arith.constant 0 : i32
        %dma_wait3A_1239 = tpu.memref_slice %arg20[%arg1, %dma_wait3A_1238] : memref<16x128xf32, #tpu.memory_space<vmem_shared>> -> memref<1x128xf32, #tpu.memory_space<vmem_shared>>
        %dma_wait3A_1240 = tpu.memref_squeeze %dma_wait3A_1239 : memref<1x128xf32, #tpu.memory_space<vmem_shared>> -> memref<128xf32, #tpu.memory_space<vmem_shared>>
        %dma_wait3A_1241 = arith.constant 0 : i32
        %dma_wait3A_1242 = tpu.memref_slice %arg20[%arg1, %dma_wait3A_1241] : memref<16x128xf32, #tpu.memory_space<vmem_shared>> -> memref<1x128xf32, #tpu.memory_space<vmem_shared>>
        %dma_wait3A_1243 = tpu.memref_squeeze %dma_wait3A_1242 : memref<1x128xf32, #tpu.memory_space<vmem_shared>> -> memref<128xf32, #tpu.memory_space<vmem_shared>>
        tpu.wait_dma2 semaphore(%run_scoped3A : memref<!tpu.dma_semaphore, #tpu.memory_space<semaphore_mem>>) src(%arg11 : memref<128xf32, #tpu.memory_space<vmem>>) dst(%dma_wait3A_1243 : memref<128xf32, #tpu.memory_space<vmem_shared>>)
        tpu.yield
      }) : () -> ()
    } else {
    }
    %barrier3A = arith.constant 0 : index
    tpu.barrier barrier_id(%barrier3A)
    %convert_element_type3A_12 = arith.extui %and3A : i1 to i32
    %cond3A_13 = arith.constant 0 : i32
    %cond3A_14 = arith.cmpi ne, %convert_element_type3A_12, %cond3A_13 : i32
    scf.if %cond3A_14 {
      %dma_wait3A = arith.constant 0 : i32
      %dma_wait3A_22 = arith.constant 0 : i32
      %dma_wait3A_23 = tpu.memref_slice %arg5[%arg1, %dma_wait3A, %dma_wait3A_22] : memref<8x128x16xf32, #tpu.memory_space<hbm>> -> memref<1x128x16xf32, #tpu.memory_space<hbm>>
      %dma_wait3A_24 = tpu.memref_squeeze %dma_wait3A_23 : memref<1x128x16xf32, #tpu.memory_space<hbm>> -> memref<128x16xf32, #tpu.memory_space<hbm>>
      %dma_wait3A_25 = arith.constant 0 : i32
      %dma_wait3A_26 = arith.constant 0 : i32
      %dma_wait3A_27 = tpu.memref_slice %arg5[%arg1, %dma_wait3A_25, %dma_wait3A_26] : memref<8x128x16xf32, #tpu.memory_space<hbm>> -> memref<1x128x16xf32, #tpu.memory_space<hbm>>
      %dma_wait3A_28 = tpu.memref_squeeze %dma_wait3A_27 : memref<1x128x16xf32, #tpu.memory_space<hbm>> -> memref<128x16xf32, #tpu.memory_space<hbm>>
      tpu.wait_dma2 semaphore(%arg23 : memref<!tpu.dma_semaphore, #tpu.memory_space<semaphore_mem>>) src(%dma_wait3A_28 : memref<128x16xf32, #tpu.memory_space<hbm>>) dst(%arg13 : memref<128x16xf32, #tpu.memory_space<vmem>>)
      %mul3A = arith.constant 16 : i32
      %mul3A_29 = arith.muli %arg1, %mul3A : i32
      %dma_wait3A_30 = tpu.memref_slice %arg6[%mul3A_29] : memref<128xf32, #tpu.memory_space<hbm>> -> memref<16xf32, #tpu.memory_space<hbm>>
      %dma_wait3A_31 = tpu.memref_slice %arg6[%mul3A_29] : memref<128xf32, #tpu.memory_space<hbm>> -> memref<16xf32, #tpu.memory_space<hbm>>
      tpu.wait_dma2 semaphore(%arg23 : memref<!tpu.dma_semaphore, #tpu.memory_space<semaphore_mem>>) src(%dma_wait3A_31 : memref<16xf32, #tpu.memory_space<hbm>>) dst(%arg14 : memref<16xf32, #tpu.memory_space<vmem>>)
      %dma_wait3A_32 = arith.constant 0 : i32
      %dma_wait3A_33 = arith.constant 0 : i32
      %dma_wait3A_34 = tpu.memref_slice %arg7[%dma_wait3A_32, %dma_wait3A_33] : memref<1000x128xf32, #tpu.memory_space<hbm>> -> memref<1000x128xf32, #tpu.memory_space<hbm>>
      tpu.wait_indirect_dma semaphore(%arg23 : memref<!tpu.dma_semaphore, #tpu.memory_space<semaphore_mem>>) src(%dma_wait3A_34 : memref<1000x128xf32, #tpu.memory_space<hbm>>) dst(%arg16 : memref<8x128xf32, #tpu.memory_space<vmem>>)
      "tpu.region"() ({
        %run_scoped3A = tpu.sem_alloc : memref<!tpu.dma_semaphore, #tpu.memory_space<semaphore_mem>>
        tpu.enqueue_dma source(%arg20 : memref<16x128xf32, #tpu.memory_space<vmem_shared>>) target(%arg12 : memref<16x128xf32, #tpu.memory_space<vmem>>) target_semaphore(%run_scoped3A : memref<!tpu.dma_semaphore, #tpu.memory_space<semaphore_mem>>)
        tpu.wait_dma2 semaphore(%run_scoped3A : memref<!tpu.dma_semaphore, #tpu.memory_space<semaphore_mem>>) src(%arg20 : memref<16x128xf32, #tpu.memory_space<vmem_shared>>) dst(%arg12 : memref<16x128xf32, #tpu.memory_space<vmem>>)
        tpu.yield
      }) : () -> ()
      %get3A = arith.constant 0 : i32
      %get3A_35 = arith.index_cast %get3A : i32 to index
      %get3A_36 = arith.constant 0 : index
      %get3A_37 = tpu.vector_load %arg12[%get3A_35, %get3A_36] {strides = array<i32>} : memref<16x128xf32, #tpu.memory_space<vmem>>, vector<1x16xf32>,
      %get3A_38 = vector.shape_cast %get3A_37 : vector<1x16xf32> to vector<16xf32>
      %get3A_39 = arith.constant 0 : i32
      %get3A_40 = arith.index_cast %get3A_39 : i32 to index
      %get3A_41 = arith.constant 16 : index
      %get3A_42 = tpu.vector_load %arg12[%get3A_40, %get3A_41] {strides = array<i32>} : memref<16x128xf32, #tpu.memory_space<vmem>>, vector<1x16xf32>,
      %get3A_43 = vector.shape_cast %get3A_42 : vector<1x16xf32> to vector<16xf32>
      %get3A_44 = arith.constant 0 : i32
      %get3A_45 = arith.index_cast %get3A_44 : i32 to index
      %get3A_46 = arith.constant 32 : index
      %get3A_47 = tpu.vector_load %arg12[%get3A_45, %get3A_46] {strides = array<i32>} : memref<16x128xf32, #tpu.memory_space<vmem>>, vector<1x16xf32>,
      %get3A_48 = vector.shape_cast %get3A_47 : vector<1x16xf32> to vector<16xf32>
      %get3A_49 = arith.constant 0 : i32
      %get3A_50 = arith.index_cast %get3A_49 : i32 to index
      %get3A_51 = arith.constant 48 : index
      %get3A_52 = tpu.vector_load %arg12[%get3A_50, %get3A_51] {strides = array<i32>} : memref<16x128xf32, #tpu.memory_space<vmem>>, vector<1x16xf32>,
      %get3A_53 = vector.shape_cast %get3A_52 : vector<1x16xf32> to vector<16xf32>
      %get3A_54 = arith.constant 0 : i32
      %get3A_55 = arith.index_cast %get3A_54 : i32 to index
      %get3A_56 = arith.constant 64 : index
      %get3A_57 = tpu.vector_load %arg12[%get3A_55, %get3A_56] {strides = array<i32>} : memref<16x128xf32, #tpu.memory_space<vmem>>, vector<1x16xf32>,
      %get3A_58 = vector.shape_cast %get3A_57 : vector<1x16xf32> to vector<16xf32>
      %get3A_59 = arith.constant 0 : i32
      %get3A_60 = arith.index_cast %get3A_59 : i32 to index
      %get3A_61 = arith.constant 80 : index
      %get3A_62 = tpu.vector_load %arg12[%get3A_60, %get3A_61] {strides = array<i32>} : memref<16x128xf32, #tpu.memory_space<vmem>>, vector<1x16xf32>,
      %get3A_63 = vector.shape_cast %get3A_62 : vector<1x16xf32> to vector<16xf32>
      %get3A_64 = arith.constant 0 : i32
      %get3A_65 = arith.index_cast %get3A_64 : i32 to index
      %get3A_66 = arith.constant 96 : index
      %get3A_67 = tpu.vector_load %arg12[%get3A_65, %get3A_66] {strides = array<i32>} : memref<16x128xf32, #tpu.memory_space<vmem>>, vector<1x16xf32>,
      %get3A_68 = vector.shape_cast %get3A_67 : vector<1x16xf32> to vector<16xf32>
      %get3A_69 = arith.constant 0 : i32
      %get3A_70 = arith.index_cast %get3A_69 : i32 to index
      %get3A_71 = arith.constant 112 : index
      %get3A_72 = tpu.vector_load %arg12[%get3A_70, %get3A_71] {strides = array<i32>} : memref<16x128xf32, #tpu.memory_space<vmem>>, vector<1x16xf32>,
      %get3A_73 = vector.shape_cast %get3A_72 : vector<1x16xf32> to vector<16xf32>
      %get3A_74 = arith.constant 1 : i32
      %get3A_75 = arith.index_cast %get3A_74 : i32 to index
      %get3A_76 = arith.constant 0 : index
      %get3A_77 = tpu.vector_load %arg12[%get3A_75, %get3A_76] {strides = array<i32>} : memref<16x128xf32, #tpu.memory_space<vmem>>, vector<1x16xf32>,
      %get3A_78 = vector.shape_cast %get3A_77 : vector<1x16xf32> to vector<16xf32>
      %add3A = arith.addf %get3A_38, %get3A_78 : vector<16xf32>
      %get3A_79 = arith.constant 1 : i32
      %get3A_80 = arith.index_cast %get3A_79 : i32 to index
      %get3A_81 = arith.constant 16 : index
      %get3A_82 = tpu.vector_load %arg12[%get3A_80, %get3A_81] {strides = array<i32>} : memref<16x128xf32, #tpu.memory_space<vmem>>, vector<1x16xf32>,
      %get3A_83 = vector.shape_cast %get3A_82 : vector<1x16xf32> to vector<16xf32>
      %add3A_84 = arith.addf %get3A_43, %get3A_83 : vector<16xf32>
      %get3A_85 = arith.constant 1 : i32
      %get3A_86 = arith.index_cast %get3A_85 : i32 to index
      %get3A_87 = arith.constant 32 : index
      %get3A_88 = tpu.vector_load %arg12[%get3A_86, %get3A_87] {strides = array<i32>} : memref<16x128xf32, #tpu.memory_space<vmem>>, vector<1x16xf32>,
      %get3A_89 = vector.shape_cast %get3A_88 : vector<1x16xf32> to vector<16xf32>
      %add3A_90 = arith.addf %get3A_48, %get3A_89 : vector<16xf32>
      %get3A_91 = arith.constant 1 : i32
      %get3A_92 = arith.index_cast %get3A_91 : i32 to index
      %get3A_93 = arith.constant 48 : index
      %get3A_94 = tpu.vector_load %arg12[%get3A_92, %get3A_93] {strides = array<i32>} : memref<16x128xf32, #tpu.memory_space<vmem>>, vector<1x16xf32>,
      %get3A_95 = vector.shape_cast %get3A_94 : vector<1x16xf32> to vector<16xf32>
      %add3A_96 = arith.addf %get3A_53, %get3A_95 : vector<16xf32>
      %get3A_97 = arith.constant 1 : i32
      %get3A_98 = arith.index_cast %get3A_97 : i32 to index
      %get3A_99 = arith.constant 64 : index
      %get3A_100 = tpu.vector_load %arg12[%get3A_98, %get3A_99] {strides = array<i32>} : memref<16x128xf32, #tpu.memory_space<vmem>>, vector<1x16xf32>,
      %get3A_101 = vector.shape_cast %get3A_100 : vector<1x16xf32> to vector<16xf32>
      %add3A_102 = arith.addf %get3A_58, %get3A_101 : vector<16xf32>
      %get3A_103 = arith.constant 1 : i32
      %get3A_104 = arith.index_cast %get3A_103 : i32 to index
      %get3A_105 = arith.constant 80 : index
      %get3A_106 = tpu.vector_load %arg12[%get3A_104, %get3A_105] {strides = array<i32>} : memref<16x128xf32, #tpu.memory_space<vmem>>, vector<1x16xf32>,
      %get3A_107 = vector.shape_cast %get3A_106 : vector<1x16xf32> to vector<16xf32>
      %add3A_108 = arith.addf %get3A_63, %get3A_107 : vector<16xf32>
      %get3A_109 = arith.constant 1 : i32
      %get3A_110 = arith.index_cast %get3A_109 : i32 to index
      %get3A_111 = arith.constant 96 : index
      %get3A_112 = tpu.vector_load %arg12[%get3A_110, %get3A_111] {strides = array<i32>} : memref<16x128xf32, #tpu.memory_space<vmem>>, vector<1x16xf32>,
      %get3A_113 = vector.shape_cast %get3A_112 : vector<1x16xf32> to vector<16xf32>
      %add3A_114 = arith.addf %get3A_68, %get3A_113 : vector<16xf32>
      %get3A_115 = arith.constant 1 : i32
      %get3A_116 = arith.index_cast %get3A_115 : i32 to index
      %get3A_117 = arith.constant 112 : index
      %get3A_118 = tpu.vector_load %arg12[%get3A_116, %get3A_117] {strides = array<i32>} : memref<16x128xf32, #tpu.memory_space<vmem>>, vector<1x16xf32>,
      %get3A_119 = vector.shape_cast %get3A_118 : vector<1x16xf32> to vector<16xf32>
      %add3A_120 = arith.addf %get3A_73, %get3A_119 : vector<16xf32>
      %get3A_121 = arith.constant 2 : i32
      %get3A_122 = arith.index_cast %get3A_121 : i32 to index
      %get3A_123 = arith.constant 0 : index
      %get3A_124 = tpu.vector_load %arg12[%get3A_122, %get3A_123] {strides = array<i32>} : memref<16x128xf32, #tpu.memory_space<vmem>>, vector<1x16xf32>,
      %get3A_125 = vector.shape_cast %get3A_124 : vector<1x16xf32> to vector<16xf32>
      %add3A_126 = arith.addf %add3A, %get3A_125 : vector<16xf32>
      %get3A_127 = arith.constant 2 : i32
      %get3A_128 = arith.index_cast %get3A_127 : i32 to index
      %get3A_129 = arith.constant 16 : index
      %get3A_130 = tpu.vector_load %arg12[%get3A_128, %get3A_129] {strides = array<i32>} : memref<16x128xf32, #tpu.memory_space<vmem>>, vector<1x16xf32>,
      %get3A_131 = vector.shape_cast %get3A_130 : vector<1x16xf32> to vector<16xf32>
      %add3A_132 = arith.addf %add3A_84, %get3A_131 : vector<16xf32>
      %get3A_133 = arith.constant 2 : i32
      %get3A_134 = arith.index_cast %get3A_133 : i32 to index
      %get3A_135 = arith.constant 32 : index
      %get3A_136 = tpu.vector_load %arg12[%get3A_134, %get3A_135] {strides = array<i32>} : memref<16x128xf32, #tpu.memory_space<vmem>>, vector<1x16xf32>,
      %get3A_137 = vector.shape_cast %get3A_136 : vector<1x16xf32> to vector<16xf32>
      %add3A_138 = arith.addf %add3A_90, %get3A_137 : vector<16xf32>
      %get3A_139 = arith.constant 2 : i32
      %get3A_140 = arith.index_cast %get3A_139 : i32 to index
      %get3A_141 = arith.constant 48 : index
      %get3A_142 = tpu.vector_load %arg12[%get3A_140, %get3A_141] {strides = array<i32>} : memref<16x128xf32, #tpu.memory_space<vmem>>, vector<1x16xf32>,
      %get3A_143 = vector.shape_cast %get3A_142 : vector<1x16xf32> to vector<16xf32>
      %add3A_144 = arith.addf %add3A_96, %get3A_143 : vector<16xf32>
      %get3A_145 = arith.constant 2 : i32
      %get3A_146 = arith.index_cast %get3A_145 : i32 to index
      %get3A_147 = arith.constant 64 : index
      %get3A_148 = tpu.vector_load %arg12[%get3A_146, %get3A_147] {strides = array<i32>} : memref<16x128xf32, #tpu.memory_space<vmem>>, vector<1x16xf32>,
      %get3A_149 = vector.shape_cast %get3A_148 : vector<1x16xf32> to vector<16xf32>
      %add3A_150 = arith.addf %add3A_102, %get3A_149 : vector<16xf32>
      %get3A_151 = arith.constant 2 : i32
      %get3A_152 = arith.index_cast %get3A_151 : i32 to index
      %get3A_153 = arith.constant 80 : index
      %get3A_154 = tpu.vector_load %arg12[%get3A_152, %get3A_153] {strides = array<i32>} : memref<16x128xf32, #tpu.memory_space<vmem>>, vector<1x16xf32>,
      %get3A_155 = vector.shape_cast %get3A_154 : vector<1x16xf32> to vector<16xf32>
      %add3A_156 = arith.addf %add3A_108, %get3A_155 : vector<16xf32>
      %get3A_157 = arith.constant 2 : i32
      %get3A_158 = arith.index_cast %get3A_157 : i32 to index
      %get3A_159 = arith.constant 96 : index
      %get3A_160 = tpu.vector_load %arg12[%get3A_158, %get3A_159] {strides = array<i32>} : memref<16x128xf32, #tpu.memory_space<vmem>>, vector<1x16xf32>,
      %get3A_161 = vector.shape_cast %get3A_160 : vector<1x16xf32> to vector<16xf32>
      %add3A_162 = arith.addf %add3A_114, %get3A_161 : vector<16xf32>
      %get3A_163 = arith.constant 2 : i32
      %get3A_164 = arith.index_cast %get3A_163 : i32 to index
      %get3A_165 = arith.constant 112 : index
      %get3A_166 = tpu.vector_load %arg12[%get3A_164, %get3A_165] {strides = array<i32>} : memref<16x128xf32, #tpu.memory_space<vmem>>, vector<1x16xf32>,
      %get3A_167 = vector.shape_cast %get3A_166 : vector<1x16xf32> to vector<16xf32>
      %add3A_168 = arith.addf %add3A_120, %get3A_167 : vector<16xf32>
      %get3A_169 = arith.constant 3 : i32
      %get3A_170 = arith.index_cast %get3A_169 : i32 to index
      %get3A_171 = arith.constant 0 : index
      %get3A_172 = tpu.vector_load %arg12[%get3A_170, %get3A_171] {strides = array<i32>} : memref<16x128xf32, #tpu.memory_space<vmem>>, vector<1x16xf32>,
      %get3A_173 = vector.shape_cast %get3A_172 : vector<1x16xf32> to vector<16xf32>
      %add3A_174 = arith.addf %add3A_126, %get3A_173 : vector<16xf32>
      %get3A_175 = arith.constant 3 : i32
      %get3A_176 = arith.index_cast %get3A_175 : i32 to index
      %get3A_177 = arith.constant 16 : index
      %get3A_178 = tpu.vector_load %arg12[%get3A_176, %get3A_177] {strides = array<i32>} : memref<16x128xf32, #tpu.memory_space<vmem>>, vector<1x16xf32>,
      %get3A_179 = vector.shape_cast %get3A_178 : vector<1x16xf32> to vector<16xf32>
      %add3A_180 = arith.addf %add3A_132, %get3A_179 : vector<16xf32>
      %get3A_181 = arith.constant 3 : i32
      %get3A_182 = arith.index_cast %get3A_181 : i32 to index
      %get3A_183 = arith.constant 32 : index
      %get3A_184 = tpu.vector_load %arg12[%get3A_182, %get3A_183] {strides = array<i32>} : memref<16x128xf32, #tpu.memory_space<vmem>>, vector<1x16xf32>,
      %get3A_185 = vector.shape_cast %get3A_184 : vector<1x16xf32> to vector<16xf32>
      %add3A_186 = arith.addf %add3A_138, %get3A_185 : vector<16xf32>
      %get3A_187 = arith.constant 3 : i32
      %get3A_188 = arith.index_cast %get3A_187 : i32 to index
      %get3A_189 = arith.constant 48 : index
      %get3A_190 = tpu.vector_load %arg12[%get3A_188, %get3A_189] {strides = array<i32>} : memref<16x128xf32, #tpu.memory_space<vmem>>, vector<1x16xf32>,
      %get3A_191 = vector.shape_cast %get3A_190 : vector<1x16xf32> to vector<16xf32>
      %add3A_192 = arith.addf %add3A_144, %get3A_191 : vector<16xf32>
      %get3A_193 = arith.constant 3 : i32
      %get3A_194 = arith.index_cast %get3A_193 : i32 to index
      %get3A_195 = arith.constant 64 : index
      %get3A_196 = tpu.vector_load %arg12[%get3A_194, %get3A_195] {strides = array<i32>} : memref<16x128xf32, #tpu.memory_space<vmem>>, vector<1x16xf32>,
      %get3A_197 = vector.shape_cast %get3A_196 : vector<1x16xf32> to vector<16xf32>
      %add3A_198 = arith.addf %add3A_150, %get3A_197 : vector<16xf32>
      %get3A_199 = arith.constant 3 : i32
      %get3A_200 = arith.index_cast %get3A_199 : i32 to index
      %get3A_201 = arith.constant 80 : index
      %get3A_202 = tpu.vector_load %arg12[%get3A_200, %get3A_201] {strides = array<i32>} : memref<16x128xf32, #tpu.memory_space<vmem>>, vector<1x16xf32>,
      %get3A_203 = vector.shape_cast %get3A_202 : vector<1x16xf32> to vector<16xf32>
      %add3A_204 = arith.addf %add3A_156, %get3A_203 : vector<16xf32>
      %get3A_205 = arith.constant 3 : i32
      %get3A_206 = arith.index_cast %get3A_205 : i32 to index
      %get3A_207 = arith.constant 96 : index
      %get3A_208 = tpu.vector_load %arg12[%get3A_206, %get3A_207] {strides = array<i32>} : memref<16x128xf32, #tpu.memory_space<vmem>>, vector<1x16xf32>,
      %get3A_209 = vector.shape_cast %get3A_208 : vector<1x16xf32> to vector<16xf32>
      %add3A_210 = arith.addf %add3A_162, %get3A_209 : vector<16xf32>
      %get3A_211 = arith.constant 3 : i32
      %get3A_212 = arith.index_cast %get3A_211 : i32 to index
      %get3A_213 = arith.constant 112 : index
      %get3A_214 = tpu.vector_load %arg12[%get3A_212, %get3A_213] {strides = array<i32>} : memref<16x128xf32, #tpu.memory_space<vmem>>, vector<1x16xf32>,
      %get3A_215 = vector.shape_cast %get3A_214 : vector<1x16xf32> to vector<16xf32>
      %add3A_216 = arith.addf %add3A_168, %get3A_215 : vector<16xf32>
      %get3A_217 = arith.constant 4 : i32
      %get3A_218 = arith.index_cast %get3A_217 : i32 to index
      %get3A_219 = arith.constant 0 : index
      %get3A_220 = tpu.vector_load %arg12[%get3A_218, %get3A_219] {strides = array<i32>} : memref<16x128xf32, #tpu.memory_space<vmem>>, vector<1x16xf32>,
      %get3A_221 = vector.shape_cast %get3A_220 : vector<1x16xf32> to vector<16xf32>
      %add3A_222 = arith.addf %add3A_174, %get3A_221 : vector<16xf32>
      %get3A_223 = arith.constant 4 : i32
      %get3A_224 = arith.index_cast %get3A_223 : i32 to index
      %get3A_225 = arith.constant 16 : index
      %get3A_226 = tpu.vector_load %arg12[%get3A_224, %get3A_225] {strides = array<i32>} : memref<16x128xf32, #tpu.memory_space<vmem>>, vector<1x16xf32>,
      %get3A_227 = vector.shape_cast %get3A_226 : vector<1x16xf32> to vector<16xf32>
      %add3A_228 = arith.addf %add3A_180, %get3A_227 : vector<16xf32>
      %get3A_229 = arith.constant 4 : i32
      %get3A_230 = arith.index_cast %get3A_229 : i32 to index
      %get3A_231 = arith.constant 32 : index
      %get3A_232 = tpu.vector_load %arg12[%get3A_230, %get3A_231] {strides = array<i32>} : memref<16x128xf32, #tpu.memory_space<vmem>>, vector<1x16xf32>,
      %get3A_233 = vector.shape_cast %get3A_232 : vector<1x16xf32> to vector<16xf32>
      %add3A_234 = arith.addf %add3A_186, %get3A_233 : vector<16xf32>
      %get3A_235 = arith.constant 4 : i32
      %get3A_236 = arith.index_cast %get3A_235 : i32 to index
      %get3A_237 = arith.constant 48 : index
      %get3A_238 = tpu.vector_load %arg12[%get3A_236, %get3A_237] {strides = array<i32>} : memref<16x128xf32, #tpu.memory_space<vmem>>, vector<1x16xf32>,
      %get3A_239 = vector.shape_cast %get3A_238 : vector<1x16xf32> to vector<16xf32>
      %add3A_240 = arith.addf %add3A_192, %get3A_239 : vector<16xf32>
      %get3A_241 = arith.constant 4 : i32
      %get3A_242 = arith.index_cast %get3A_241 : i32 to index
      %get3A_243 = arith.constant 64 : index
      %get3A_244 = tpu.vector_load %arg12[%get3A_242, %get3A_243] {strides = array<i32>} : memref<16x128xf32, #tpu.memory_space<vmem>>, vector<1x16xf32>,
      %get3A_245 = vector.shape_cast %get3A_244 : vector<1x16xf32> to vector<16xf32>
      %add3A_246 = arith.addf %add3A_198, %get3A_245 : vector<16xf32>
      %get3A_247 = arith.constant 4 : i32
      %get3A_248 = arith.index_cast %get3A_247 : i32 to index
      %get3A_249 = arith.constant 80 : index
      %get3A_250 = tpu.vector_load %arg12[%get3A_248, %get3A_249] {strides = array<i32>} : memref<16x128xf32, #tpu.memory_space<vmem>>, vector<1x16xf32>,
      %get3A_251 = vector.shape_cast %get3A_250 : vector<1x16xf32> to vector<16xf32>
      %add3A_252 = arith.addf %add3A_204, %get3A_251 : vector<16xf32>
      %get3A_253 = arith.constant 4 : i32
      %get3A_254 = arith.index_cast %get3A_253 : i32 to index
      %get3A_255 = arith.constant 96 : index
      %get3A_256 = tpu.vector_load %arg12[%get3A_254, %get3A_255] {strides = array<i32>} : memref<16x128xf32, #tpu.memory_space<vmem>>, vector<1x16xf32>,
      %get3A_257 = vector.shape_cast %get3A_256 : vector<1x16xf32> to vector<16xf32>
      %add3A_258 = arith.addf %add3A_210, %get3A_257 : vector<16xf32>
      %get3A_259 = arith.constant 4 : i32
      %get3A_260 = arith.index_cast %get3A_259 : i32 to index
      %get3A_261 = arith.constant 112 : index
      %get3A_262 = tpu.vector_load %arg12[%get3A_260, %get3A_261] {strides = array<i32>} : memref<16x128xf32, #tpu.memory_space<vmem>>, vector<1x16xf32>,
      %get3A_263 = vector.shape_cast %get3A_262 : vector<1x16xf32> to vector<16xf32>
      %add3A_264 = arith.addf %add3A_216, %get3A_263 : vector<16xf32>
      %get3A_265 = arith.constant 5 : i32
      %get3A_266 = arith.index_cast %get3A_265 : i32 to index
      %get3A_267 = arith.constant 0 : index
      %get3A_268 = tpu.vector_load %arg12[%get3A_266, %get3A_267] {strides = array<i32>} : memref<16x128xf32, #tpu.memory_space<vmem>>, vector<1x16xf32>,
      %get3A_269 = vector.shape_cast %get3A_268 : vector<1x16xf32> to vector<16xf32>
      %add3A_270 = arith.addf %add3A_222, %get3A_269 : vector<16xf32>
      %get3A_271 = arith.constant 5 : i32
      %get3A_272 = arith.index_cast %get3A_271 : i32 to index
      %get3A_273 = arith.constant 16 : index
      %get3A_274 = tpu.vector_load %arg12[%get3A_272, %get3A_273] {strides = array<i32>} : memref<16x128xf32, #tpu.memory_space<vmem>>, vector<1x16xf32>,
      %get3A_275 = vector.shape_cast %get3A_274 : vector<1x16xf32> to vector<16xf32>
      %add3A_276 = arith.addf %add3A_228, %get3A_275 : vector<16xf32>
      %get3A_277 = arith.constant 5 : i32
      %get3A_278 = arith.index_cast %get3A_277 : i32 to index
      %get3A_279 = arith.constant 32 : index
      %get3A_280 = tpu.vector_load %arg12[%get3A_278, %get3A_279] {strides = array<i32>} : memref<16x128xf32, #tpu.memory_space<vmem>>, vector<1x16xf32>,
      %get3A_281 = vector.shape_cast %get3A_280 : vector<1x16xf32> to vector<16xf32>
      %add3A_282 = arith.addf %add3A_234, %get3A_281 : vector<16xf32>
      %get3A_283 = arith.constant 5 : i32
      %get3A_284 = arith.index_cast %get3A_283 : i32 to index
      %get3A_285 = arith.constant 48 : index
      %get3A_286 = tpu.vector_load %arg12[%get3A_284, %get3A_285] {strides = array<i32>} : memref<16x128xf32, #tpu.memory_space<vmem>>, vector<1x16xf32>,
      %get3A_287 = vector.shape_cast %get3A_286 : vector<1x16xf32> to vector<16xf32>
      %add3A_288 = arith.addf %add3A_240, %get3A_287 : vector<16xf32>
      %get3A_289 = arith.constant 5 : i32
      %get3A_290 = arith.index_cast %get3A_289 : i32 to index
      %get3A_291 = arith.constant 64 : index
      %get3A_292 = tpu.vector_load %arg12[%get3A_290, %get3A_291] {strides = array<i32>} : memref<16x128xf32, #tpu.memory_space<vmem>>, vector<1x16xf32>,
      %get3A_293 = vector.shape_cast %get3A_292 : vector<1x16xf32> to vector<16xf32>
      %add3A_294 = arith.addf %add3A_246, %get3A_293 : vector<16xf32>
      %get3A_295 = arith.constant 5 : i32
      %get3A_296 = arith.index_cast %get3A_295 : i32 to index
      %get3A_297 = arith.constant 80 : index
      %get3A_298 = tpu.vector_load %arg12[%get3A_296, %get3A_297] {strides = array<i32>} : memref<16x128xf32, #tpu.memory_space<vmem>>, vector<1x16xf32>,
      %get3A_299 = vector.shape_cast %get3A_298 : vector<1x16xf32> to vector<16xf32>
      %add3A_300 = arith.addf %add3A_252, %get3A_299 : vector<16xf32>
      %get3A_301 = arith.constant 5 : i32
      %get3A_302 = arith.index_cast %get3A_301 : i32 to index
      %get3A_303 = arith.constant 96 : index
      %get3A_304 = tpu.vector_load %arg12[%get3A_302, %get3A_303] {strides = array<i32>} : memref<16x128xf32, #tpu.memory_space<vmem>>, vector<1x16xf32>,
      %get3A_305 = vector.shape_cast %get3A_304 : vector<1x16xf32> to vector<16xf32>
      %add3A_306 = arith.addf %add3A_258, %get3A_305 : vector<16xf32>
      %get3A_307 = arith.constant 5 : i32
      %get3A_308 = arith.index_cast %get3A_307 : i32 to index
      %get3A_309 = arith.constant 112 : index
      %get3A_310 = tpu.vector_load %arg12[%get3A_308, %get3A_309] {strides = array<i32>} : memref<16x128xf32, #tpu.memory_space<vmem>>, vector<1x16xf32>,
      %get3A_311 = vector.shape_cast %get3A_310 : vector<1x16xf32> to vector<16xf32>
      %add3A_312 = arith.addf %add3A_264, %get3A_311 : vector<16xf32>
      %get3A_313 = arith.constant 6 : i32
      %get3A_314 = arith.index_cast %get3A_313 : i32 to index
      %get3A_315 = arith.constant 0 : index
      %get3A_316 = tpu.vector_load %arg12[%get3A_314, %get3A_315] {strides = array<i32>} : memref<16x128xf32, #tpu.memory_space<vmem>>, vector<1x16xf32>,
      %get3A_317 = vector.shape_cast %get3A_316 : vector<1x16xf32> to vector<16xf32>
      %add3A_318 = arith.addf %add3A_270, %get3A_317 : vector<16xf32>
      %get3A_319 = arith.constant 6 : i32
      %get3A_320 = arith.index_cast %get3A_319 : i32 to index
      %get3A_321 = arith.constant 16 : index
      %get3A_322 = tpu.vector_load %arg12[%get3A_320, %get3A_321] {strides = array<i32>} : memref<16x128xf32, #tpu.memory_space<vmem>>, vector<1x16xf32>,
      %get3A_323 = vector.shape_cast %get3A_322 : vector<1x16xf32> to vector<16xf32>
      %add3A_324 = arith.addf %add3A_276, %get3A_323 : vector<16xf32>
      %get3A_325 = arith.constant 6 : i32
      %get3A_326 = arith.index_cast %get3A_325 : i32 to index
      %get3A_327 = arith.constant 32 : index
      %get3A_328 = tpu.vector_load %arg12[%get3A_326, %get3A_327] {strides = array<i32>} : memref<16x128xf32, #tpu.memory_space<vmem>>, vector<1x16xf32>,
      %get3A_329 = vector.shape_cast %get3A_328 : vector<1x16xf32> to vector<16xf32>
      %add3A_330 = arith.addf %add3A_282, %get3A_329 : vector<16xf32>
      %get3A_331 = arith.constant 6 : i32
      %get3A_332 = arith.index_cast %get3A_331 : i32 to index
      %get3A_333 = arith.constant 48 : index
      %get3A_334 = tpu.vector_load %arg12[%get3A_332, %get3A_333] {strides = array<i32>} : memref<16x128xf32, #tpu.memory_space<vmem>>, vector<1x16xf32>,
      %get3A_335 = vector.shape_cast %get3A_334 : vector<1x16xf32> to vector<16xf32>
      %add3A_336 = arith.addf %add3A_288, %get3A_335 : vector<16xf32>
      %get3A_337 = arith.constant 6 : i32
      %get3A_338 = arith.index_cast %get3A_337 : i32 to index
      %get3A_339 = arith.constant 64 : index
      %get3A_340 = tpu.vector_load %arg12[%get3A_338, %get3A_339] {strides = array<i32>} : memref<16x128xf32, #tpu.memory_space<vmem>>, vector<1x16xf32>,
      %get3A_341 = vector.shape_cast %get3A_340 : vector<1x16xf32> to vector<16xf32>
      %add3A_342 = arith.addf %add3A_294, %get3A_341 : vector<16xf32>
      %get3A_343 = arith.constant 6 : i32
      %get3A_344 = arith.index_cast %get3A_343 : i32 to index
      %get3A_345 = arith.constant 80 : index
      %get3A_346 = tpu.vector_load %arg12[%get3A_344, %get3A_345] {strides = array<i32>} : memref<16x128xf32, #tpu.memory_space<vmem>>, vector<1x16xf32>,
      %get3A_347 = vector.shape_cast %get3A_346 : vector<1x16xf32> to vector<16xf32>
      %add3A_348 = arith.addf %add3A_300, %get3A_347 : vector<16xf32>
      %get3A_349 = arith.constant 6 : i32
      %get3A_350 = arith.index_cast %get3A_349 : i32 to index
      %get3A_351 = arith.constant 96 : index
      %get3A_352 = tpu.vector_load %arg12[%get3A_350, %get3A_351] {strides = array<i32>} : memref<16x128xf32, #tpu.memory_space<vmem>>, vector<1x16xf32>,
      %get3A_353 = vector.shape_cast %get3A_352 : vector<1x16xf32> to vector<16xf32>
      %add3A_354 = arith.addf %add3A_306, %get3A_353 : vector<16xf32>
      %get3A_355 = arith.constant 6 : i32
      %get3A_356 = arith.index_cast %get3A_355 : i32 to index
      %get3A_357 = arith.constant 112 : index
      %get3A_358 = tpu.vector_load %arg12[%get3A_356, %get3A_357] {strides = array<i32>} : memref<16x128xf32, #tpu.memory_space<vmem>>, vector<1x16xf32>,
      %get3A_359 = vector.shape_cast %get3A_358 : vector<1x16xf32> to vector<16xf32>
      %add3A_360 = arith.addf %add3A_312, %get3A_359 : vector<16xf32>
      %get3A_361 = arith.constant 7 : i32
      %get3A_362 = arith.index_cast %get3A_361 : i32 to index
      %get3A_363 = arith.constant 0 : index
      %get3A_364 = tpu.vector_load %arg12[%get3A_362, %get3A_363] {strides = array<i32>} : memref<16x128xf32, #tpu.memory_space<vmem>>, vector<1x16xf32>,
      %get3A_365 = vector.shape_cast %get3A_364 : vector<1x16xf32> to vector<16xf32>
      %add3A_366 = arith.addf %add3A_318, %get3A_365 : vector<16xf32>
      %get3A_367 = arith.constant 7 : i32
      %get3A_368 = arith.index_cast %get3A_367 : i32 to index
      %get3A_369 = arith.constant 16 : index
      %get3A_370 = tpu.vector_load %arg12[%get3A_368, %get3A_369] {strides = array<i32>} : memref<16x128xf32, #tpu.memory_space<vmem>>, vector<1x16xf32>,
      %get3A_371 = vector.shape_cast %get3A_370 : vector<1x16xf32> to vector<16xf32>
      %add3A_372 = arith.addf %add3A_324, %get3A_371 : vector<16xf32>
      %get3A_373 = arith.constant 7 : i32
      %get3A_374 = arith.index_cast %get3A_373 : i32 to index
      %get3A_375 = arith.constant 32 : index
      %get3A_376 = tpu.vector_load %arg12[%get3A_374, %get3A_375] {strides = array<i32>} : memref<16x128xf32, #tpu.memory_space<vmem>>, vector<1x16xf32>,
      %get3A_377 = vector.shape_cast %get3A_376 : vector<1x16xf32> to vector<16xf32>
      %add3A_378 = arith.addf %add3A_330, %get3A_377 : vector<16xf32>
      %get3A_379 = arith.constant 7 : i32
      %get3A_380 = arith.index_cast %get3A_379 : i32 to index
      %get3A_381 = arith.constant 48 : index
      %get3A_382 = tpu.vector_load %arg12[%get3A_380, %get3A_381] {strides = array<i32>} : memref<16x128xf32, #tpu.memory_space<vmem>>, vector<1x16xf32>,
      %get3A_383 = vector.shape_cast %get3A_382 : vector<1x16xf32> to vector<16xf32>
      %add3A_384 = arith.addf %add3A_336, %get3A_383 : vector<16xf32>
      %get3A_385 = arith.constant 7 : i32
      %get3A_386 = arith.index_cast %get3A_385 : i32 to index
      %get3A_387 = arith.constant 64 : index
      %get3A_388 = tpu.vector_load %arg12[%get3A_386, %get3A_387] {strides = array<i32>} : memref<16x128xf32, #tpu.memory_space<vmem>>, vector<1x16xf32>,
      %get3A_389 = vector.shape_cast %get3A_388 : vector<1x16xf32> to vector<16xf32>
      %add3A_390 = arith.addf %add3A_342, %get3A_389 : vector<16xf32>
      %get3A_391 = arith.constant 7 : i32
      %get3A_392 = arith.index_cast %get3A_391 : i32 to index
      %get3A_393 = arith.constant 80 : index
      %get3A_394 = tpu.vector_load %arg12[%get3A_392, %get3A_393] {strides = array<i32>} : memref<16x128xf32, #tpu.memory_space<vmem>>, vector<1x16xf32>,
      %get3A_395 = vector.shape_cast %get3A_394 : vector<1x16xf32> to vector<16xf32>
      %add3A_396 = arith.addf %add3A_348, %get3A_395 : vector<16xf32>
      %get3A_397 = arith.constant 7 : i32
      %get3A_398 = arith.index_cast %get3A_397 : i32 to index
      %get3A_399 = arith.constant 96 : index
      %get3A_400 = tpu.vector_load %arg12[%get3A_398, %get3A_399] {strides = array<i32>} : memref<16x128xf32, #tpu.memory_space<vmem>>, vector<1x16xf32>,
      %get3A_401 = vector.shape_cast %get3A_400 : vector<1x16xf32> to vector<16xf32>
      %add3A_402 = arith.addf %add3A_354, %get3A_401 : vector<16xf32>
      %get3A_403 = arith.constant 7 : i32
      %get3A_404 = arith.index_cast %get3A_403 : i32 to index
      %get3A_405 = arith.constant 112 : index
      %get3A_406 = tpu.vector_load %arg12[%get3A_404, %get3A_405] {strides = array<i32>} : memref<16x128xf32, #tpu.memory_space<vmem>>, vector<1x16xf32>,
      %get3A_407 = vector.shape_cast %get3A_406 : vector<1x16xf32> to vector<16xf32>
      %add3A_408 = arith.addf %add3A_360, %get3A_407 : vector<16xf32>
      %get3A_409 = arith.constant 8 : i32
      %get3A_410 = arith.index_cast %get3A_409 : i32 to index
      %get3A_411 = arith.constant 0 : index
      %get3A_412 = tpu.vector_load %arg12[%get3A_410, %get3A_411] {strides = array<i32>} : memref<16x128xf32, #tpu.memory_space<vmem>>, vector<1x16xf32>,
      %get3A_413 = vector.shape_cast %get3A_412 : vector<1x16xf32> to vector<16xf32>
      %add3A_414 = arith.addf %add3A_366, %get3A_413 : vector<16xf32>
      %get3A_415 = arith.constant 8 : i32
      %get3A_416 = arith.index_cast %get3A_415 : i32 to index
      %get3A_417 = arith.constant 16 : index
      %get3A_418 = tpu.vector_load %arg12[%get3A_416, %get3A_417] {strides = array<i32>} : memref<16x128xf32, #tpu.memory_space<vmem>>, vector<1x16xf32>,
      %get3A_419 = vector.shape_cast %get3A_418 : vector<1x16xf32> to vector<16xf32>
      %add3A_420 = arith.addf %add3A_372, %get3A_419 : vector<16xf32>
      %get3A_421 = arith.constant 8 : i32
      %get3A_422 = arith.index_cast %get3A_421 : i32 to index
      %get3A_423 = arith.constant 32 : index
      %get3A_424 = tpu.vector_load %arg12[%get3A_422, %get3A_423] {strides = array<i32>} : memref<16x128xf32, #tpu.memory_space<vmem>>, vector<1x16xf32>,
      %get3A_425 = vector.shape_cast %get3A_424 : vector<1x16xf32> to vector<16xf32>
      %add3A_426 = arith.addf %add3A_378, %get3A_425 : vector<16xf32>
      %get3A_427 = arith.constant 8 : i32
      %get3A_428 = arith.index_cast %get3A_427 : i32 to index
      %get3A_429 = arith.constant 48 : index
      %get3A_430 = tpu.vector_load %arg12[%get3A_428, %get3A_429] {strides = array<i32>} : memref<16x128xf32, #tpu.memory_space<vmem>>, vector<1x16xf32>,
      %get3A_431 = vector.shape_cast %get3A_430 : vector<1x16xf32> to vector<16xf32>
      %add3A_432 = arith.addf %add3A_384, %get3A_431 : vector<16xf32>
      %get3A_433 = arith.constant 8 : i32
      %get3A_434 = arith.index_cast %get3A_433 : i32 to index
      %get3A_435 = arith.constant 64 : index
      %get3A_436 = tpu.vector_load %arg12[%get3A_434, %get3A_435] {strides = array<i32>} : memref<16x128xf32, #tpu.memory_space<vmem>>, vector<1x16xf32>,
      %get3A_437 = vector.shape_cast %get3A_436 : vector<1x16xf32> to vector<16xf32>
      %add3A_438 = arith.addf %add3A_390, %get3A_437 : vector<16xf32>
      %get3A_439 = arith.constant 8 : i32
      %get3A_440 = arith.index_cast %get3A_439 : i32 to index
      %get3A_441 = arith.constant 80 : index
      %get3A_442 = tpu.vector_load %arg12[%get3A_440, %get3A_441] {strides = array<i32>} : memref<16x128xf32, #tpu.memory_space<vmem>>, vector<1x16xf32>,
      %get3A_443 = vector.shape_cast %get3A_442 : vector<1x16xf32> to vector<16xf32>
      %add3A_444 = arith.addf %add3A_396, %get3A_443 : vector<16xf32>
      %get3A_445 = arith.constant 8 : i32
      %get3A_446 = arith.index_cast %get3A_445 : i32 to index
      %get3A_447 = arith.constant 96 : index
      %get3A_448 = tpu.vector_load %arg12[%get3A_446, %get3A_447] {strides = array<i32>} : memref<16x128xf32, #tpu.memory_space<vmem>>, vector<1x16xf32>,
      %get3A_449 = vector.shape_cast %get3A_448 : vector<1x16xf32> to vector<16xf32>
      %add3A_450 = arith.addf %add3A_402, %get3A_449 : vector<16xf32>
      %get3A_451 = arith.constant 8 : i32
      %get3A_452 = arith.index_cast %get3A_451 : i32 to index
      %get3A_453 = arith.constant 112 : index
      %get3A_454 = tpu.vector_load %arg12[%get3A_452, %get3A_453] {strides = array<i32>} : memref<16x128xf32, #tpu.memory_space<vmem>>, vector<1x16xf32>,
      %get3A_455 = vector.shape_cast %get3A_454 : vector<1x16xf32> to vector<16xf32>
      %add3A_456 = arith.addf %add3A_408, %get3A_455 : vector<16xf32>
      %get3A_457 = arith.constant 9 : i32
      %get3A_458 = arith.index_cast %get3A_457 : i32 to index
      %get3A_459 = arith.constant 0 : index
      %get3A_460 = tpu.vector_load %arg12[%get3A_458, %get3A_459] {strides = array<i32>} : memref<16x128xf32, #tpu.memory_space<vmem>>, vector<1x16xf32>,
      %get3A_461 = vector.shape_cast %get3A_460 : vector<1x16xf32> to vector<16xf32>
      %add3A_462 = arith.addf %add3A_414, %get3A_461 : vector<16xf32>
      %get3A_463 = arith.constant 9 : i32
      %get3A_464 = arith.index_cast %get3A_463 : i32 to index
      %get3A_465 = arith.constant 16 : index
      %get3A_466 = tpu.vector_load %arg12[%get3A_464, %get3A_465] {strides = array<i32>} : memref<16x128xf32, #tpu.memory_space<vmem>>, vector<1x16xf32>,
      %get3A_467 = vector.shape_cast %get3A_466 : vector<1x16xf32> to vector<16xf32>
      %add3A_468 = arith.addf %add3A_420, %get3A_467 : vector<16xf32>
      %get3A_469 = arith.constant 9 : i32
      %get3A_470 = arith.index_cast %get3A_469 : i32 to index
      %get3A_471 = arith.constant 32 : index
      %get3A_472 = tpu.vector_load %arg12[%get3A_470, %get3A_471] {strides = array<i32>} : memref<16x128xf32, #tpu.memory_space<vmem>>, vector<1x16xf32>,
      %get3A_473 = vector.shape_cast %get3A_472 : vector<1x16xf32> to vector<16xf32>
      %add3A_474 = arith.addf %add3A_426, %get3A_473 : vector<16xf32>
      %get3A_475 = arith.constant 9 : i32
      %get3A_476 = arith.index_cast %get3A_475 : i32 to index
      %get3A_477 = arith.constant 48 : index
      %get3A_478 = tpu.vector_load %arg12[%get3A_476, %get3A_477] {strides = array<i32>} : memref<16x128xf32, #tpu.memory_space<vmem>>, vector<1x16xf32>,
      %get3A_479 = vector.shape_cast %get3A_478 : vector<1x16xf32> to vector<16xf32>
      %add3A_480 = arith.addf %add3A_432, %get3A_479 : vector<16xf32>
      %get3A_481 = arith.constant 9 : i32
      %get3A_482 = arith.index_cast %get3A_481 : i32 to index
      %get3A_483 = arith.constant 64 : index
      %get3A_484 = tpu.vector_load %arg12[%get3A_482, %get3A_483] {strides = array<i32>} : memref<16x128xf32, #tpu.memory_space<vmem>>, vector<1x16xf32>,
      %get3A_485 = vector.shape_cast %get3A_484 : vector<1x16xf32> to vector<16xf32>
      %add3A_486 = arith.addf %add3A_438, %get3A_485 : vector<16xf32>
      %get3A_487 = arith.constant 9 : i32
      %get3A_488 = arith.index_cast %get3A_487 : i32 to index
      %get3A_489 = arith.constant 80 : index
      %get3A_490 = tpu.vector_load %arg12[%get3A_488, %get3A_489] {strides = array<i32>} : memref<16x128xf32, #tpu.memory_space<vmem>>, vector<1x16xf32>,
      %get3A_491 = vector.shape_cast %get3A_490 : vector<1x16xf32> to vector<16xf32>
      %add3A_492 = arith.addf %add3A_444, %get3A_491 : vector<16xf32>
      %get3A_493 = arith.constant 9 : i32
      %get3A_494 = arith.index_cast %get3A_493 : i32 to index
      %get3A_495 = arith.constant 96 : index
      %get3A_496 = tpu.vector_load %arg12[%get3A_494, %get3A_495] {strides = array<i32>} : memref<16x128xf32, #tpu.memory_space<vmem>>, vector<1x16xf32>,
      %get3A_497 = vector.shape_cast %get3A_496 : vector<1x16xf32> to vector<16xf32>
      %add3A_498 = arith.addf %add3A_450, %get3A_497 : vector<16xf32>
      %get3A_499 = arith.constant 9 : i32
      %get3A_500 = arith.index_cast %get3A_499 : i32 to index
      %get3A_501 = arith.constant 112 : index
      %get3A_502 = tpu.vector_load %arg12[%get3A_500, %get3A_501] {strides = array<i32>} : memref<16x128xf32, #tpu.memory_space<vmem>>, vector<1x16xf32>,
      %get3A_503 = vector.shape_cast %get3A_502 : vector<1x16xf32> to vector<16xf32>
      %add3A_504 = arith.addf %add3A_456, %get3A_503 : vector<16xf32>
      %get3A_505 = arith.constant 10 : i32
      %get3A_506 = arith.index_cast %get3A_505 : i32 to index
      %get3A_507 = arith.constant 0 : index
      %get3A_508 = tpu.vector_load %arg12[%get3A_506, %get3A_507] {strides = array<i32>} : memref<16x128xf32, #tpu.memory_space<vmem>>, vector<1x16xf32>,
      %get3A_509 = vector.shape_cast %get3A_508 : vector<1x16xf32> to vector<16xf32>
      %add3A_510 = arith.addf %add3A_462, %get3A_509 : vector<16xf32>
      %get3A_511 = arith.constant 10 : i32
      %get3A_512 = arith.index_cast %get3A_511 : i32 to index
      %get3A_513 = arith.constant 16 : index
      %get3A_514 = tpu.vector_load %arg12[%get3A_512, %get3A_513] {strides = array<i32>} : memref<16x128xf32, #tpu.memory_space<vmem>>, vector<1x16xf32>,
      %get3A_515 = vector.shape_cast %get3A_514 : vector<1x16xf32> to vector<16xf32>
      %add3A_516 = arith.addf %add3A_468, %get3A_515 : vector<16xf32>
      %get3A_517 = arith.constant 10 : i32
      %get3A_518 = arith.index_cast %get3A_517 : i32 to index
      %get3A_519 = arith.constant 32 : index
      %get3A_520 = tpu.vector_load %arg12[%get3A_518, %get3A_519] {strides = array<i32>} : memref<16x128xf32, #tpu.memory_space<vmem>>, vector<1x16xf32>,
      %get3A_521 = vector.shape_cast %get3A_520 : vector<1x16xf32> to vector<16xf32>
      %add3A_522 = arith.addf %add3A_474, %get3A_521 : vector<16xf32>
      %get3A_523 = arith.constant 10 : i32
      %get3A_524 = arith.index_cast %get3A_523 : i32 to index
      %get3A_525 = arith.constant 48 : index
      %get3A_526 = tpu.vector_load %arg12[%get3A_524, %get3A_525] {strides = array<i32>} : memref<16x128xf32, #tpu.memory_space<vmem>>, vector<1x16xf32>,
      %get3A_527 = vector.shape_cast %get3A_526 : vector<1x16xf32> to vector<16xf32>
      %add3A_528 = arith.addf %add3A_480, %get3A_527 : vector<16xf32>
      %get3A_529 = arith.constant 10 : i32
      %get3A_530 = arith.index_cast %get3A_529 : i32 to index
      %get3A_531 = arith.constant 64 : index
      %get3A_532 = tpu.vector_load %arg12[%get3A_530, %get3A_531] {strides = array<i32>} : memref<16x128xf32, #tpu.memory_space<vmem>>, vector<1x16xf32>,
      %get3A_533 = vector.shape_cast %get3A_532 : vector<1x16xf32> to vector<16xf32>
      %add3A_534 = arith.addf %add3A_486, %get3A_533 : vector<16xf32>
      %get3A_535 = arith.constant 10 : i32
      %get3A_536 = arith.index_cast %get3A_535 : i32 to index
      %get3A_537 = arith.constant 80 : index
      %get3A_538 = tpu.vector_load %arg12[%get3A_536, %get3A_537] {strides = array<i32>} : memref<16x128xf32, #tpu.memory_space<vmem>>, vector<1x16xf32>,
      %get3A_539 = vector.shape_cast %get3A_538 : vector<1x16xf32> to vector<16xf32>
      %add3A_540 = arith.addf %add3A_492, %get3A_539 : vector<16xf32>
      %get3A_541 = arith.constant 10 : i32
      %get3A_542 = arith.index_cast %get3A_541 : i32 to index
      %get3A_543 = arith.constant 96 : index
      %get3A_544 = tpu.vector_load %arg12[%get3A_542, %get3A_543] {strides = array<i32>} : memref<16x128xf32, #tpu.memory_space<vmem>>, vector<1x16xf32>,
      %get3A_545 = vector.shape_cast %get3A_544 : vector<1x16xf32> to vector<16xf32>
      %add3A_546 = arith.addf %add3A_498, %get3A_545 : vector<16xf32>
      %get3A_547 = arith.constant 10 : i32
      %get3A_548 = arith.index_cast %get3A_547 : i32 to index
      %get3A_549 = arith.constant 112 : index
      %get3A_550 = tpu.vector_load %arg12[%get3A_548, %get3A_549] {strides = array<i32>} : memref<16x128xf32, #tpu.memory_space<vmem>>, vector<1x16xf32>,
      %get3A_551 = vector.shape_cast %get3A_550 : vector<1x16xf32> to vector<16xf32>
      %add3A_552 = arith.addf %add3A_504, %get3A_551 : vector<16xf32>
      %get3A_553 = arith.constant 11 : i32
      %get3A_554 = arith.index_cast %get3A_553 : i32 to index
      %get3A_555 = arith.constant 0 : index
      %get3A_556 = tpu.vector_load %arg12[%get3A_554, %get3A_555] {strides = array<i32>} : memref<16x128xf32, #tpu.memory_space<vmem>>, vector<1x16xf32>,
      %get3A_557 = vector.shape_cast %get3A_556 : vector<1x16xf32> to vector<16xf32>
      %add3A_558 = arith.addf %add3A_510, %get3A_557 : vector<16xf32>
      %get3A_559 = arith.constant 11 : i32
      %get3A_560 = arith.index_cast %get3A_559 : i32 to index
      %get3A_561 = arith.constant 16 : index
      %get3A_562 = tpu.vector_load %arg12[%get3A_560, %get3A_561] {strides = array<i32>} : memref<16x128xf32, #tpu.memory_space<vmem>>, vector<1x16xf32>,
      %get3A_563 = vector.shape_cast %get3A_562 : vector<1x16xf32> to vector<16xf32>
      %add3A_564 = arith.addf %add3A_516, %get3A_563 : vector<16xf32>
      %get3A_565 = arith.constant 11 : i32
      %get3A_566 = arith.index_cast %get3A_565 : i32 to index
      %get3A_567 = arith.constant 32 : index
      %get3A_568 = tpu.vector_load %arg12[%get3A_566, %get3A_567] {strides = array<i32>} : memref<16x128xf32, #tpu.memory_space<vmem>>, vector<1x16xf32>,
      %get3A_569 = vector.shape_cast %get3A_568 : vector<1x16xf32> to vector<16xf32>
      %add3A_570 = arith.addf %add3A_522, %get3A_569 : vector<16xf32>
      %get3A_571 = arith.constant 11 : i32
      %get3A_572 = arith.index_cast %get3A_571 : i32 to index
      %get3A_573 = arith.constant 48 : index
      %get3A_574 = tpu.vector_load %arg12[%get3A_572, %get3A_573] {strides = array<i32>} : memref<16x128xf32, #tpu.memory_space<vmem>>, vector<1x16xf32>,
      %get3A_575 = vector.shape_cast %get3A_574 : vector<1x16xf32> to vector<16xf32>
      %add3A_576 = arith.addf %add3A_528, %get3A_575 : vector<16xf32>
      %get3A_577 = arith.constant 11 : i32
      %get3A_578 = arith.index_cast %get3A_577 : i32 to index
      %get3A_579 = arith.constant 64 : index
      %get3A_580 = tpu.vector_load %arg12[%get3A_578, %get3A_579] {strides = array<i32>} : memref<16x128xf32, #tpu.memory_space<vmem>>, vector<1x16xf32>,
      %get3A_581 = vector.shape_cast %get3A_580 : vector<1x16xf32> to vector<16xf32>
      %add3A_582 = arith.addf %add3A_534, %get3A_581 : vector<16xf32>
      %get3A_583 = arith.constant 11 : i32
      %get3A_584 = arith.index_cast %get3A_583 : i32 to index
      %get3A_585 = arith.constant 80 : index
      %get3A_586 = tpu.vector_load %arg12[%get3A_584, %get3A_585] {strides = array<i32>} : memref<16x128xf32, #tpu.memory_space<vmem>>, vector<1x16xf32>,
      %get3A_587 = vector.shape_cast %get3A_586 : vector<1x16xf32> to vector<16xf32>
      %add3A_588 = arith.addf %add3A_540, %get3A_587 : vector<16xf32>
      %get3A_589 = arith.constant 11 : i32
      %get3A_590 = arith.index_cast %get3A_589 : i32 to index
      %get3A_591 = arith.constant 96 : index
      %get3A_592 = tpu.vector_load %arg12[%get3A_590, %get3A_591] {strides = array<i32>} : memref<16x128xf32, #tpu.memory_space<vmem>>, vector<1x16xf32>,
      %get3A_593 = vector.shape_cast %get3A_592 : vector<1x16xf32> to vector<16xf32>
      %add3A_594 = arith.addf %add3A_546, %get3A_593 : vector<16xf32>
      %get3A_595 = arith.constant 11 : i32
      %get3A_596 = arith.index_cast %get3A_595 : i32 to index
      %get3A_597 = arith.constant 112 : index
      %get3A_598 = tpu.vector_load %arg12[%get3A_596, %get3A_597] {strides = array<i32>} : memref<16x128xf32, #tpu.memory_space<vmem>>, vector<1x16xf32>,
      %get3A_599 = vector.shape_cast %get3A_598 : vector<1x16xf32> to vector<16xf32>
      %add3A_600 = arith.addf %add3A_552, %get3A_599 : vector<16xf32>
      %get3A_601 = arith.constant 12 : i32
      %get3A_602 = arith.index_cast %get3A_601 : i32 to index
      %get3A_603 = arith.constant 0 : index
      %get3A_604 = tpu.vector_load %arg12[%get3A_602, %get3A_603] {strides = array<i32>} : memref<16x128xf32, #tpu.memory_space<vmem>>, vector<1x16xf32>,
      %get3A_605 = vector.shape_cast %get3A_604 : vector<1x16xf32> to vector<16xf32>
      %add3A_606 = arith.addf %add3A_558, %get3A_605 : vector<16xf32>
      %get3A_607 = arith.constant 12 : i32
      %get3A_608 = arith.index_cast %get3A_607 : i32 to index
      %get3A_609 = arith.constant 16 : index
      %get3A_610 = tpu.vector_load %arg12[%get3A_608, %get3A_609] {strides = array<i32>} : memref<16x128xf32, #tpu.memory_space<vmem>>, vector<1x16xf32>,
      %get3A_611 = vector.shape_cast %get3A_610 : vector<1x16xf32> to vector<16xf32>
      %add3A_612 = arith.addf %add3A_564, %get3A_611 : vector<16xf32>
      %get3A_613 = arith.constant 12 : i32
      %get3A_614 = arith.index_cast %get3A_613 : i32 to index
      %get3A_615 = arith.constant 32 : index
      %get3A_616 = tpu.vector_load %arg12[%get3A_614, %get3A_615] {strides = array<i32>} : memref<16x128xf32, #tpu.memory_space<vmem>>, vector<1x16xf32>,
      %get3A_617 = vector.shape_cast %get3A_616 : vector<1x16xf32> to vector<16xf32>
      %add3A_618 = arith.addf %add3A_570, %get3A_617 : vector<16xf32>
      %get3A_619 = arith.constant 12 : i32
      %get3A_620 = arith.index_cast %get3A_619 : i32 to index
      %get3A_621 = arith.constant 48 : index
      %get3A_622 = tpu.vector_load %arg12[%get3A_620, %get3A_621] {strides = array<i32>} : memref<16x128xf32, #tpu.memory_space<vmem>>, vector<1x16xf32>,
      %get3A_623 = vector.shape_cast %get3A_622 : vector<1x16xf32> to vector<16xf32>
      %add3A_624 = arith.addf %add3A_576, %get3A_623 : vector<16xf32>
      %get3A_625 = arith.constant 12 : i32
      %get3A_626 = arith.index_cast %get3A_625 : i32 to index
      %get3A_627 = arith.constant 64 : index
      %get3A_628 = tpu.vector_load %arg12[%get3A_626, %get3A_627] {strides = array<i32>} : memref<16x128xf32, #tpu.memory_space<vmem>>, vector<1x16xf32>,
      %get3A_629 = vector.shape_cast %get3A_628 : vector<1x16xf32> to vector<16xf32>
      %add3A_630 = arith.addf %add3A_582, %get3A_629 : vector<16xf32>
      %get3A_631 = arith.constant 12 : i32
      %get3A_632 = arith.index_cast %get3A_631 : i32 to index
      %get3A_633 = arith.constant 80 : index
      %get3A_634 = tpu.vector_load %arg12[%get3A_632, %get3A_633] {strides = array<i32>} : memref<16x128xf32, #tpu.memory_space<vmem>>, vector<1x16xf32>,
      %get3A_635 = vector.shape_cast %get3A_634 : vector<1x16xf32> to vector<16xf32>
      %add3A_636 = arith.addf %add3A_588, %get3A_635 : vector<16xf32>
      %get3A_637 = arith.constant 12 : i32
      %get3A_638 = arith.index_cast %get3A_637 : i32 to index
      %get3A_639 = arith.constant 96 : index
      %get3A_640 = tpu.vector_load %arg12[%get3A_638, %get3A_639] {strides = array<i32>} : memref<16x128xf32, #tpu.memory_space<vmem>>, vector<1x16xf32>,
      %get3A_641 = vector.shape_cast %get3A_640 : vector<1x16xf32> to vector<16xf32>
      %add3A_642 = arith.addf %add3A_594, %get3A_641 : vector<16xf32>
      %get3A_643 = arith.constant 12 : i32
      %get3A_644 = arith.index_cast %get3A_643 : i32 to index
      %get3A_645 = arith.constant 112 : index
      %get3A_646 = tpu.vector_load %arg12[%get3A_644, %get3A_645] {strides = array<i32>} : memref<16x128xf32, #tpu.memory_space<vmem>>, vector<1x16xf32>,
      %get3A_647 = vector.shape_cast %get3A_646 : vector<1x16xf32> to vector<16xf32>
      %add3A_648 = arith.addf %add3A_600, %get3A_647 : vector<16xf32>
      %get3A_649 = arith.constant 13 : i32
      %get3A_650 = arith.index_cast %get3A_649 : i32 to index
      %get3A_651 = arith.constant 0 : index
      %get3A_652 = tpu.vector_load %arg12[%get3A_650, %get3A_651] {strides = array<i32>} : memref<16x128xf32, #tpu.memory_space<vmem>>, vector<1x16xf32>,
      %get3A_653 = vector.shape_cast %get3A_652 : vector<1x16xf32> to vector<16xf32>
      %add3A_654 = arith.addf %add3A_606, %get3A_653 : vector<16xf32>
      %get3A_655 = arith.constant 13 : i32
      %get3A_656 = arith.index_cast %get3A_655 : i32 to index
      %get3A_657 = arith.constant 16 : index
      %get3A_658 = tpu.vector_load %arg12[%get3A_656, %get3A_657] {strides = array<i32>} : memref<16x128xf32, #tpu.memory_space<vmem>>, vector<1x16xf32>,
      %get3A_659 = vector.shape_cast %get3A_658 : vector<1x16xf32> to vector<16xf32>
      %add3A_660 = arith.addf %add3A_612, %get3A_659 : vector<16xf32>
      %get3A_661 = arith.constant 13 : i32
      %get3A_662 = arith.index_cast %get3A_661 : i32 to index
      %get3A_663 = arith.constant 32 : index
      %get3A_664 = tpu.vector_load %arg12[%get3A_662, %get3A_663] {strides = array<i32>} : memref<16x128xf32, #tpu.memory_space<vmem>>, vector<1x16xf32>,
      %get3A_665 = vector.shape_cast %get3A_664 : vector<1x16xf32> to vector<16xf32>
      %add3A_666 = arith.addf %add3A_618, %get3A_665 : vector<16xf32>
      %get3A_667 = arith.constant 13 : i32
      %get3A_668 = arith.index_cast %get3A_667 : i32 to index
      %get3A_669 = arith.constant 48 : index
      %get3A_670 = tpu.vector_load %arg12[%get3A_668, %get3A_669] {strides = array<i32>} : memref<16x128xf32, #tpu.memory_space<vmem>>, vector<1x16xf32>,
      %get3A_671 = vector.shape_cast %get3A_670 : vector<1x16xf32> to vector<16xf32>
      %add3A_672 = arith.addf %add3A_624, %get3A_671 : vector<16xf32>
      %get3A_673 = arith.constant 13 : i32
      %get3A_674 = arith.index_cast %get3A_673 : i32 to index
      %get3A_675 = arith.constant 64 : index
      %get3A_676 = tpu.vector_load %arg12[%get3A_674, %get3A_675] {strides = array<i32>} : memref<16x128xf32, #tpu.memory_space<vmem>>, vector<1x16xf32>,
      %get3A_677 = vector.shape_cast %get3A_676 : vector<1x16xf32> to vector<16xf32>
      %add3A_678 = arith.addf %add3A_630, %get3A_677 : vector<16xf32>
      %get3A_679 = arith.constant 13 : i32
      %get3A_680 = arith.index_cast %get3A_679 : i32 to index
      %get3A_681 = arith.constant 80 : index
      %get3A_682 = tpu.vector_load %arg12[%get3A_680, %get3A_681] {strides = array<i32>} : memref<16x128xf32, #tpu.memory_space<vmem>>, vector<1x16xf32>,
      %get3A_683 = vector.shape_cast %get3A_682 : vector<1x16xf32> to vector<16xf32>
      %add3A_684 = arith.addf %add3A_636, %get3A_683 : vector<16xf32>
      %get3A_685 = arith.constant 13 : i32
      %get3A_686 = arith.index_cast %get3A_685 : i32 to index
      %get3A_687 = arith.constant 96 : index
      %get3A_688 = tpu.vector_load %arg12[%get3A_686, %get3A_687] {strides = array<i32>} : memref<16x128xf32, #tpu.memory_space<vmem>>, vector<1x16xf32>,
      %get3A_689 = vector.shape_cast %get3A_688 : vector<1x16xf32> to vector<16xf32>
      %add3A_690 = arith.addf %add3A_642, %get3A_689 : vector<16xf32>
      %get3A_691 = arith.constant 13 : i32
      %get3A_692 = arith.index_cast %get3A_691 : i32 to index
      %get3A_693 = arith.constant 112 : index
      %get3A_694 = tpu.vector_load %arg12[%get3A_692, %get3A_693] {strides = array<i32>} : memref<16x128xf32, #tpu.memory_space<vmem>>, vector<1x16xf32>,
      %get3A_695 = vector.shape_cast %get3A_694 : vector<1x16xf32> to vector<16xf32>
      %add3A_696 = arith.addf %add3A_648, %get3A_695 : vector<16xf32>
      %get3A_697 = arith.constant 14 : i32
      %get3A_698 = arith.index_cast %get3A_697 : i32 to index
      %get3A_699 = arith.constant 0 : index
      %get3A_700 = tpu.vector_load %arg12[%get3A_698, %get3A_699] {strides = array<i32>} : memref<16x128xf32, #tpu.memory_space<vmem>>, vector<1x16xf32>,
      %get3A_701 = vector.shape_cast %get3A_700 : vector<1x16xf32> to vector<16xf32>
      %add3A_702 = arith.addf %add3A_654, %get3A_701 : vector<16xf32>
      %get3A_703 = arith.constant 14 : i32
      %get3A_704 = arith.index_cast %get3A_703 : i32 to index
      %get3A_705 = arith.constant 16 : index
      %get3A_706 = tpu.vector_load %arg12[%get3A_704, %get3A_705] {strides = array<i32>} : memref<16x128xf32, #tpu.memory_space<vmem>>, vector<1x16xf32>,
      %get3A_707 = vector.shape_cast %get3A_706 : vector<1x16xf32> to vector<16xf32>
      %add3A_708 = arith.addf %add3A_660, %get3A_707 : vector<16xf32>
      %get3A_709 = arith.constant 14 : i32
      %get3A_710 = arith.index_cast %get3A_709 : i32 to index
      %get3A_711 = arith.constant 32 : index
      %get3A_712 = tpu.vector_load %arg12[%get3A_710, %get3A_711] {strides = array<i32>} : memref<16x128xf32, #tpu.memory_space<vmem>>, vector<1x16xf32>,
      %get3A_713 = vector.shape_cast %get3A_712 : vector<1x16xf32> to vector<16xf32>
      %add3A_714 = arith.addf %add3A_666, %get3A_713 : vector<16xf32>
      %get3A_715 = arith.constant 14 : i32
      %get3A_716 = arith.index_cast %get3A_715 : i32 to index
      %get3A_717 = arith.constant 48 : index
      %get3A_718 = tpu.vector_load %arg12[%get3A_716, %get3A_717] {strides = array<i32>} : memref<16x128xf32, #tpu.memory_space<vmem>>, vector<1x16xf32>,
      %get3A_719 = vector.shape_cast %get3A_718 : vector<1x16xf32> to vector<16xf32>
      %add3A_720 = arith.addf %add3A_672, %get3A_719 : vector<16xf32>
      %get3A_721 = arith.constant 14 : i32
      %get3A_722 = arith.index_cast %get3A_721 : i32 to index
      %get3A_723 = arith.constant 64 : index
      %get3A_724 = tpu.vector_load %arg12[%get3A_722, %get3A_723] {strides = array<i32>} : memref<16x128xf32, #tpu.memory_space<vmem>>, vector<1x16xf32>,
      %get3A_725 = vector.shape_cast %get3A_724 : vector<1x16xf32> to vector<16xf32>
      %add3A_726 = arith.addf %add3A_678, %get3A_725 : vector<16xf32>
      %get3A_727 = arith.constant 14 : i32
      %get3A_728 = arith.index_cast %get3A_727 : i32 to index
      %get3A_729 = arith.constant 80 : index
      %get3A_730 = tpu.vector_load %arg12[%get3A_728, %get3A_729] {strides = array<i32>} : memref<16x128xf32, #tpu.memory_space<vmem>>, vector<1x16xf32>,
      %get3A_731 = vector.shape_cast %get3A_730 : vector<1x16xf32> to vector<16xf32>
      %add3A_732 = arith.addf %add3A_684, %get3A_731 : vector<16xf32>
      %get3A_733 = arith.constant 14 : i32
      %get3A_734 = arith.index_cast %get3A_733 : i32 to index
      %get3A_735 = arith.constant 96 : index
      %get3A_736 = tpu.vector_load %arg12[%get3A_734, %get3A_735] {strides = array<i32>} : memref<16x128xf32, #tpu.memory_space<vmem>>, vector<1x16xf32>,
      %get3A_737 = vector.shape_cast %get3A_736 : vector<1x16xf32> to vector<16xf32>
      %add3A_738 = arith.addf %add3A_690, %get3A_737 : vector<16xf32>
      %get3A_739 = arith.constant 14 : i32
      %get3A_740 = arith.index_cast %get3A_739 : i32 to index
      %get3A_741 = arith.constant 112 : index
      %get3A_742 = tpu.vector_load %arg12[%get3A_740, %get3A_741] {strides = array<i32>} : memref<16x128xf32, #tpu.memory_space<vmem>>, vector<1x16xf32>,
      %get3A_743 = vector.shape_cast %get3A_742 : vector<1x16xf32> to vector<16xf32>
      %add3A_744 = arith.addf %add3A_696, %get3A_743 : vector<16xf32>
      %get3A_745 = arith.constant 15 : i32
      %get3A_746 = arith.index_cast %get3A_745 : i32 to index
      %get3A_747 = arith.constant 0 : index
      %get3A_748 = tpu.vector_load %arg12[%get3A_746, %get3A_747] {strides = array<i32>} : memref<16x128xf32, #tpu.memory_space<vmem>>, vector<1x16xf32>,
      %get3A_749 = vector.shape_cast %get3A_748 : vector<1x16xf32> to vector<16xf32>
      %add3A_750 = arith.addf %add3A_702, %get3A_749 : vector<16xf32>
      %get3A_751 = arith.constant 15 : i32
      %get3A_752 = arith.index_cast %get3A_751 : i32 to index
      %get3A_753 = arith.constant 16 : index
      %get3A_754 = tpu.vector_load %arg12[%get3A_752, %get3A_753] {strides = array<i32>} : memref<16x128xf32, #tpu.memory_space<vmem>>, vector<1x16xf32>,
      %get3A_755 = vector.shape_cast %get3A_754 : vector<1x16xf32> to vector<16xf32>
      %add3A_756 = arith.addf %add3A_708, %get3A_755 : vector<16xf32>
      %get3A_757 = arith.constant 15 : i32
      %get3A_758 = arith.index_cast %get3A_757 : i32 to index
      %get3A_759 = arith.constant 32 : index
      %get3A_760 = tpu.vector_load %arg12[%get3A_758, %get3A_759] {strides = array<i32>} : memref<16x128xf32, #tpu.memory_space<vmem>>, vector<1x16xf32>,
      %get3A_761 = vector.shape_cast %get3A_760 : vector<1x16xf32> to vector<16xf32>
      %add3A_762 = arith.addf %add3A_714, %get3A_761 : vector<16xf32>
      %get3A_763 = arith.constant 15 : i32
      %get3A_764 = arith.index_cast %get3A_763 : i32 to index
      %get3A_765 = arith.constant 48 : index
      %get3A_766 = tpu.vector_load %arg12[%get3A_764, %get3A_765] {strides = array<i32>} : memref<16x128xf32, #tpu.memory_space<vmem>>, vector<1x16xf32>,
      %get3A_767 = vector.shape_cast %get3A_766 : vector<1x16xf32> to vector<16xf32>
      %add3A_768 = arith.addf %add3A_720, %get3A_767 : vector<16xf32>
      %get3A_769 = arith.constant 15 : i32
      %get3A_770 = arith.index_cast %get3A_769 : i32 to index
      %get3A_771 = arith.constant 64 : index
      %get3A_772 = tpu.vector_load %arg12[%get3A_770, %get3A_771] {strides = array<i32>} : memref<16x128xf32, #tpu.memory_space<vmem>>, vector<1x16xf32>,
      %get3A_773 = vector.shape_cast %get3A_772 : vector<1x16xf32> to vector<16xf32>
      %add3A_774 = arith.addf %add3A_726, %get3A_773 : vector<16xf32>
      %get3A_775 = arith.constant 15 : i32
      %get3A_776 = arith.index_cast %get3A_775 : i32 to index
      %get3A_777 = arith.constant 80 : index
      %get3A_778 = tpu.vector_load %arg12[%get3A_776, %get3A_777] {strides = array<i32>} : memref<16x128xf32, #tpu.memory_space<vmem>>, vector<1x16xf32>,
      %get3A_779 = vector.shape_cast %get3A_778 : vector<1x16xf32> to vector<16xf32>
      %add3A_780 = arith.addf %add3A_732, %get3A_779 : vector<16xf32>
      %get3A_781 = arith.constant 15 : i32
      %get3A_782 = arith.index_cast %get3A_781 : i32 to index
      %get3A_783 = arith.constant 96 : index
      %get3A_784 = tpu.vector_load %arg12[%get3A_782, %get3A_783] {strides = array<i32>} : memref<16x128xf32, #tpu.memory_space<vmem>>, vector<1x16xf32>,
      %get3A_785 = vector.shape_cast %get3A_784 : vector<1x16xf32> to vector<16xf32>
      %add3A_786 = arith.addf %add3A_738, %get3A_785 : vector<16xf32>
      %get3A_787 = arith.constant 15 : i32
      %get3A_788 = arith.index_cast %get3A_787 : i32 to index
      %get3A_789 = arith.constant 112 : index
      %get3A_790 = tpu.vector_load %arg12[%get3A_788, %get3A_789] {strides = array<i32>} : memref<16x128xf32, #tpu.memory_space<vmem>>, vector<1x16xf32>,
      %get3A_791 = vector.shape_cast %get3A_790 : vector<1x16xf32> to vector<16xf32>
      %add3A_792 = arith.addf %add3A_744, %get3A_791 : vector<16xf32>
      %broadcast_in_dim3A = arith.constant 0.000000e+00 : f32
      %broadcast_in_dim3A_793 = vector.broadcast %broadcast_in_dim3A : f32 to vector<16xf32>
      %slice3A = vector.extract_strided_slice %add3A_750 {offsets = [0], sizes = [1], strides = [1]} : vector<16xf32> to vector<1xf32>
      %squeeze3A = vector.extract %slice3A[0] : f32 from vector<1xf32>
      %get3A_794 = arith.constant 0 : i32
      %get3A_795 = arith.index_cast %get3A_794 : i32 to index
      %get3A_796 = arith.constant 0 : index
      %get3A_797 = tpu.vector_load %arg13[%get3A_795, %get3A_796] {strides = array<i32>} : memref<128x16xf32, #tpu.memory_space<vmem>>, vector<1x16xf32>,
      %get3A_798 = vector.shape_cast %get3A_797 : vector<1x16xf32> to vector<16xf32>
      %mul3A_799 = vector.broadcast %squeeze3A : f32 to vector<16xf32>
      %mul3A_800 = arith.mulf %mul3A_799, %get3A_798 : vector<16xf32>
      %add3A_801 = arith.addf %broadcast_in_dim3A_793, %mul3A_800 : vector<16xf32>
      %slice3A_802 = vector.extract_strided_slice %add3A_750 {offsets = [1], sizes = [1], strides = [1]} : vector<16xf32> to vector<1xf32>
      %squeeze3A_803 = vector.extract %slice3A_802[0] : f32 from vector<1xf32>
      %get3A_804 = arith.constant 1 : i32
      %get3A_805 = arith.index_cast %get3A_804 : i32 to index
      %get3A_806 = arith.constant 0 : index
      %get3A_807 = tpu.vector_load %arg13[%get3A_805, %get3A_806] {strides = array<i32>} : memref<128x16xf32, #tpu.memory_space<vmem>>, vector<1x16xf32>,
      %get3A_808 = vector.shape_cast %get3A_807 : vector<1x16xf32> to vector<16xf32>
      %mul3A_809 = vector.broadcast %squeeze3A_803 : f32 to vector<16xf32>
      %mul3A_810 = arith.mulf %mul3A_809, %get3A_808 : vector<16xf32>
      %add3A_811 = arith.addf %add3A_801, %mul3A_810 : vector<16xf32>
      %slice3A_812 = vector.extract_strided_slice %add3A_750 {offsets = [2], sizes = [1], strides = [1]} : vector<16xf32> to vector<1xf32>
      %squeeze3A_813 = vector.extract %slice3A_812[0] : f32 from vector<1xf32>
      %get3A_814 = arith.constant 2 : i32
      %get3A_815 = arith.index_cast %get3A_814 : i32 to index
      %get3A_816 = arith.constant 0 : index
      %get3A_817 = tpu.vector_load %arg13[%get3A_815, %get3A_816] {strides = array<i32>} : memref<128x16xf32, #tpu.memory_space<vmem>>, vector<1x16xf32>,
      %get3A_818 = vector.shape_cast %get3A_817 : vector<1x16xf32> to vector<16xf32>
      %mul3A_819 = vector.broadcast %squeeze3A_813 : f32 to vector<16xf32>
      %mul3A_820 = arith.mulf %mul3A_819, %get3A_818 : vector<16xf32>
      %add3A_821 = arith.addf %add3A_811, %mul3A_820 : vector<16xf32>
      %slice3A_822 = vector.extract_strided_slice %add3A_750 {offsets = [3], sizes = [1], strides = [1]} : vector<16xf32> to vector<1xf32>
      %squeeze3A_823 = vector.extract %slice3A_822[0] : f32 from vector<1xf32>
      %get3A_824 = arith.constant 3 : i32
      %get3A_825 = arith.index_cast %get3A_824 : i32 to index
      %get3A_826 = arith.constant 0 : index
      %get3A_827 = tpu.vector_load %arg13[%get3A_825, %get3A_826] {strides = array<i32>} : memref<128x16xf32, #tpu.memory_space<vmem>>, vector<1x16xf32>,
      %get3A_828 = vector.shape_cast %get3A_827 : vector<1x16xf32> to vector<16xf32>
      %mul3A_829 = vector.broadcast %squeeze3A_823 : f32 to vector<16xf32>
      %mul3A_830 = arith.mulf %mul3A_829, %get3A_828 : vector<16xf32>
      %add3A_831 = arith.addf %add3A_821, %mul3A_830 : vector<16xf32>
      %slice3A_832 = vector.extract_strided_slice %add3A_750 {offsets = [4], sizes = [1], strides = [1]} : vector<16xf32> to vector<1xf32>
      %squeeze3A_833 = vector.extract %slice3A_832[0] : f32 from vector<1xf32>
      %get3A_834 = arith.constant 4 : i32
      %get3A_835 = arith.index_cast %get3A_834 : i32 to index
      %get3A_836 = arith.constant 0 : index
      %get3A_837 = tpu.vector_load %arg13[%get3A_835, %get3A_836] {strides = array<i32>} : memref<128x16xf32, #tpu.memory_space<vmem>>, vector<1x16xf32>,
      %get3A_838 = vector.shape_cast %get3A_837 : vector<1x16xf32> to vector<16xf32>
      %mul3A_839 = vector.broadcast %squeeze3A_833 : f32 to vector<16xf32>
      %mul3A_840 = arith.mulf %mul3A_839, %get3A_838 : vector<16xf32>
      %add3A_841 = arith.addf %add3A_831, %mul3A_840 : vector<16xf32>
      %slice3A_842 = vector.extract_strided_slice %add3A_750 {offsets = [5], sizes = [1], strides = [1]} : vector<16xf32> to vector<1xf32>
      %squeeze3A_843 = vector.extract %slice3A_842[0] : f32 from vector<1xf32>
      %get3A_844 = arith.constant 5 : i32
      %get3A_845 = arith.index_cast %get3A_844 : i32 to index
      %get3A_846 = arith.constant 0 : index
      %get3A_847 = tpu.vector_load %arg13[%get3A_845, %get3A_846] {strides = array<i32>} : memref<128x16xf32, #tpu.memory_space<vmem>>, vector<1x16xf32>,
      %get3A_848 = vector.shape_cast %get3A_847 : vector<1x16xf32> to vector<16xf32>
      %mul3A_849 = vector.broadcast %squeeze3A_843 : f32 to vector<16xf32>
      %mul3A_850 = arith.mulf %mul3A_849, %get3A_848 : vector<16xf32>
      %add3A_851 = arith.addf %add3A_841, %mul3A_850 : vector<16xf32>
      %slice3A_852 = vector.extract_strided_slice %add3A_750 {offsets = [6], sizes = [1], strides = [1]} : vector<16xf32> to vector<1xf32>
      %squeeze3A_853 = vector.extract %slice3A_852[0] : f32 from vector<1xf32>
      %get3A_854 = arith.constant 6 : i32
      %get3A_855 = arith.index_cast %get3A_854 : i32 to index
      %get3A_856 = arith.constant 0 : index
      %get3A_857 = tpu.vector_load %arg13[%get3A_855, %get3A_856] {strides = array<i32>} : memref<128x16xf32, #tpu.memory_space<vmem>>, vector<1x16xf32>,
      %get3A_858 = vector.shape_cast %get3A_857 : vector<1x16xf32> to vector<16xf32>
      %mul3A_859 = vector.broadcast %squeeze3A_853 : f32 to vector<16xf32>
      %mul3A_860 = arith.mulf %mul3A_859, %get3A_858 : vector<16xf32>
      %add3A_861 = arith.addf %add3A_851, %mul3A_860 : vector<16xf32>
      %slice3A_862 = vector.extract_strided_slice %add3A_750 {offsets = [7], sizes = [1], strides = [1]} : vector<16xf32> to vector<1xf32>
      %squeeze3A_863 = vector.extract %slice3A_862[0] : f32 from vector<1xf32>
      %get3A_864 = arith.constant 7 : i32
      %get3A_865 = arith.index_cast %get3A_864 : i32 to index
      %get3A_866 = arith.constant 0 : index
      %get3A_867 = tpu.vector_load %arg13[%get3A_865, %get3A_866] {strides = array<i32>} : memref<128x16xf32, #tpu.memory_space<vmem>>, vector<1x16xf32>,
      %get3A_868 = vector.shape_cast %get3A_867 : vector<1x16xf32> to vector<16xf32>
      %mul3A_869 = vector.broadcast %squeeze3A_863 : f32 to vector<16xf32>
      %mul3A_870 = arith.mulf %mul3A_869, %get3A_868 : vector<16xf32>
      %add3A_871 = arith.addf %add3A_861, %mul3A_870 : vector<16xf32>
      %slice3A_872 = vector.extract_strided_slice %add3A_750 {offsets = [8], sizes = [1], strides = [1]} : vector<16xf32> to vector<1xf32>
      %squeeze3A_873 = vector.extract %slice3A_872[0] : f32 from vector<1xf32>
      %get3A_874 = arith.constant 8 : i32
      %get3A_875 = arith.index_cast %get3A_874 : i32 to index
      %get3A_876 = arith.constant 0 : index
      %get3A_877 = tpu.vector_load %arg13[%get3A_875, %get3A_876] {strides = array<i32>} : memref<128x16xf32, #tpu.memory_space<vmem>>, vector<1x16xf32>,
      %get3A_878 = vector.shape_cast %get3A_877 : vector<1x16xf32> to vector<16xf32>
      %mul3A_879 = vector.broadcast %squeeze3A_873 : f32 to vector<16xf32>
      %mul3A_880 = arith.mulf %mul3A_879, %get3A_878 : vector<16xf32>
      %add3A_881 = arith.addf %add3A_871, %mul3A_880 : vector<16xf32>
      %slice3A_882 = vector.extract_strided_slice %add3A_750 {offsets = [9], sizes = [1], strides = [1]} : vector<16xf32> to vector<1xf32>
      %squeeze3A_883 = vector.extract %slice3A_882[0] : f32 from vector<1xf32>
      %get3A_884 = arith.constant 9 : i32
      %get3A_885 = arith.index_cast %get3A_884 : i32 to index
      %get3A_886 = arith.constant 0 : index
      %get3A_887 = tpu.vector_load %arg13[%get3A_885, %get3A_886] {strides = array<i32>} : memref<128x16xf32, #tpu.memory_space<vmem>>, vector<1x16xf32>,
      %get3A_888 = vector.shape_cast %get3A_887 : vector<1x16xf32> to vector<16xf32>
      %mul3A_889 = vector.broadcast %squeeze3A_883 : f32 to vector<16xf32>
      %mul3A_890 = arith.mulf %mul3A_889, %get3A_888 : vector<16xf32>
      %add3A_891 = arith.addf %add3A_881, %mul3A_890 : vector<16xf32>
      %slice3A_892 = vector.extract_strided_slice %add3A_750 {offsets = [10], sizes = [1], strides = [1]} : vector<16xf32> to vector<1xf32>
      %squeeze3A_893 = vector.extract %slice3A_892[0] : f32 from vector<1xf32>
      %get3A_894 = arith.constant 10 : i32
      %get3A_895 = arith.index_cast %get3A_894 : i32 to index
      %get3A_896 = arith.constant 0 : index
      %get3A_897 = tpu.vector_load %arg13[%get3A_895, %get3A_896] {strides = array<i32>} : memref<128x16xf32, #tpu.memory_space<vmem>>, vector<1x16xf32>,
      %get3A_898 = vector.shape_cast %get3A_897 : vector<1x16xf32> to vector<16xf32>
      %mul3A_899 = vector.broadcast %squeeze3A_893 : f32 to vector<16xf32>
      %mul3A_900 = arith.mulf %mul3A_899, %get3A_898 : vector<16xf32>
      %add3A_901 = arith.addf %add3A_891, %mul3A_900 : vector<16xf32>
      %slice3A_902 = vector.extract_strided_slice %add3A_750 {offsets = [11], sizes = [1], strides = [1]} : vector<16xf32> to vector<1xf32>
      %squeeze3A_903 = vector.extract %slice3A_902[0] : f32 from vector<1xf32>
      %get3A_904 = arith.constant 11 : i32
      %get3A_905 = arith.index_cast %get3A_904 : i32 to index
      %get3A_906 = arith.constant 0 : index
      %get3A_907 = tpu.vector_load %arg13[%get3A_905, %get3A_906] {strides = array<i32>} : memref<128x16xf32, #tpu.memory_space<vmem>>, vector<1x16xf32>,
      %get3A_908 = vector.shape_cast %get3A_907 : vector<1x16xf32> to vector<16xf32>
      %mul3A_909 = vector.broadcast %squeeze3A_903 : f32 to vector<16xf32>
      %mul3A_910 = arith.mulf %mul3A_909, %get3A_908 : vector<16xf32>
      %add3A_911 = arith.addf %add3A_901, %mul3A_910 : vector<16xf32>
      %slice3A_912 = vector.extract_strided_slice %add3A_750 {offsets = [12], sizes = [1], strides = [1]} : vector<16xf32> to vector<1xf32>
      %squeeze3A_913 = vector.extract %slice3A_912[0] : f32 from vector<1xf32>
      %get3A_914 = arith.constant 12 : i32
      %get3A_915 = arith.index_cast %get3A_914 : i32 to index
      %get3A_916 = arith.constant 0 : index
      %get3A_917 = tpu.vector_load %arg13[%get3A_915, %get3A_916] {strides = array<i32>} : memref<128x16xf32, #tpu.memory_space<vmem>>, vector<1x16xf32>,
      %get3A_918 = vector.shape_cast %get3A_917 : vector<1x16xf32> to vector<16xf32>
      %mul3A_919 = vector.broadcast %squeeze3A_913 : f32 to vector<16xf32>
      %mul3A_920 = arith.mulf %mul3A_919, %get3A_918 : vector<16xf32>
      %add3A_921 = arith.addf %add3A_911, %mul3A_920 : vector<16xf32>
      %slice3A_922 = vector.extract_strided_slice %add3A_750 {offsets = [13], sizes = [1], strides = [1]} : vector<16xf32> to vector<1xf32>
      %squeeze3A_923 = vector.extract %slice3A_922[0] : f32 from vector<1xf32>
      %get3A_924 = arith.constant 13 : i32
      %get3A_925 = arith.index_cast %get3A_924 : i32 to index
      %get3A_926 = arith.constant 0 : index
      %get3A_927 = tpu.vector_load %arg13[%get3A_925, %get3A_926] {strides = array<i32>} : memref<128x16xf32, #tpu.memory_space<vmem>>, vector<1x16xf32>,
      %get3A_928 = vector.shape_cast %get3A_927 : vector<1x16xf32> to vector<16xf32>
      %mul3A_929 = vector.broadcast %squeeze3A_923 : f32 to vector<16xf32>
      %mul3A_930 = arith.mulf %mul3A_929, %get3A_928 : vector<16xf32>
      %add3A_931 = arith.addf %add3A_921, %mul3A_930 : vector<16xf32>
      %slice3A_932 = vector.extract_strided_slice %add3A_750 {offsets = [14], sizes = [1], strides = [1]} : vector<16xf32> to vector<1xf32>
      %squeeze3A_933 = vector.extract %slice3A_932[0] : f32 from vector<1xf32>
      %get3A_934 = arith.constant 14 : i32
      %get3A_935 = arith.index_cast %get3A_934 : i32 to index
      %get3A_936 = arith.constant 0 : index
      %get3A_937 = tpu.vector_load %arg13[%get3A_935, %get3A_936] {strides = array<i32>} : memref<128x16xf32, #tpu.memory_space<vmem>>, vector<1x16xf32>,
      %get3A_938 = vector.shape_cast %get3A_937 : vector<1x16xf32> to vector<16xf32>
      %mul3A_939 = vector.broadcast %squeeze3A_933 : f32 to vector<16xf32>
      %mul3A_940 = arith.mulf %mul3A_939, %get3A_938 : vector<16xf32>
      %add3A_941 = arith.addf %add3A_931, %mul3A_940 : vector<16xf32>
      %slice3A_942 = vector.extract_strided_slice %add3A_750 {offsets = [15], sizes = [1], strides = [1]} : vector<16xf32> to vector<1xf32>
      %squeeze3A_943 = vector.extract %slice3A_942[0] : f32 from vector<1xf32>
      %get3A_944 = arith.constant 15 : i32
      %get3A_945 = arith.index_cast %get3A_944 : i32 to index
      %get3A_946 = arith.constant 0 : index
      %get3A_947 = tpu.vector_load %arg13[%get3A_945, %get3A_946] {strides = array<i32>} : memref<128x16xf32, #tpu.memory_space<vmem>>, vector<1x16xf32>,
      %get3A_948 = vector.shape_cast %get3A_947 : vector<1x16xf32> to vector<16xf32>
      %mul3A_949 = vector.broadcast %squeeze3A_943 : f32 to vector<16xf32>
      %mul3A_950 = arith.mulf %mul3A_949, %get3A_948 : vector<16xf32>
      %add3A_951 = arith.addf %add3A_941, %mul3A_950 : vector<16xf32>
      %slice3A_952 = vector.extract_strided_slice %add3A_756 {offsets = [0], sizes = [1], strides = [1]} : vector<16xf32> to vector<1xf32>
      %squeeze3A_953 = vector.extract %slice3A_952[0] : f32 from vector<1xf32>
      %get3A_954 = arith.constant 16 : i32
      %get3A_955 = arith.index_cast %get3A_954 : i32 to index
      %get3A_956 = arith.constant 0 : index
      %get3A_957 = tpu.vector_load %arg13[%get3A_955, %get3A_956] {strides = array<i32>} : memref<128x16xf32, #tpu.memory_space<vmem>>, vector<1x16xf32>,
      %get3A_958 = vector.shape_cast %get3A_957 : vector<1x16xf32> to vector<16xf32>
      %mul3A_959 = vector.broadcast %squeeze3A_953 : f32 to vector<16xf32>
      %mul3A_960 = arith.mulf %mul3A_959, %get3A_958 : vector<16xf32>
      %add3A_961 = arith.addf %add3A_951, %mul3A_960 : vector<16xf32>
      %slice3A_962 = vector.extract_strided_slice %add3A_756 {offsets = [1], sizes = [1], strides = [1]} : vector<16xf32> to vector<1xf32>
      %squeeze3A_963 = vector.extract %slice3A_962[0] : f32 from vector<1xf32>
      %get3A_964 = arith.constant 17 : i32
      %get3A_965 = arith.index_cast %get3A_964 : i32 to index
      %get3A_966 = arith.constant 0 : index
      %get3A_967 = tpu.vector_load %arg13[%get3A_965, %get3A_966] {strides = array<i32>} : memref<128x16xf32, #tpu.memory_space<vmem>>, vector<1x16xf32>,
      %get3A_968 = vector.shape_cast %get3A_967 : vector<1x16xf32> to vector<16xf32>
      %mul3A_969 = vector.broadcast %squeeze3A_963 : f32 to vector<16xf32>
      %mul3A_970 = arith.mulf %mul3A_969, %get3A_968 : vector<16xf32>
      %add3A_971 = arith.addf %add3A_961, %mul3A_970 : vector<16xf32>
      %slice3A_972 = vector.extract_strided_slice %add3A_756 {offsets = [2], sizes = [1], strides = [1]} : vector<16xf32> to vector<1xf32>
      %squeeze3A_973 = vector.extract %slice3A_972[0] : f32 from vector<1xf32>
      %get3A_974 = arith.constant 18 : i32
      %get3A_975 = arith.index_cast %get3A_974 : i32 to index
      %get3A_976 = arith.constant 0 : index
      %get3A_977 = tpu.vector_load %arg13[%get3A_975, %get3A_976] {strides = array<i32>} : memref<128x16xf32, #tpu.memory_space<vmem>>, vector<1x16xf32>,
      %get3A_978 = vector.shape_cast %get3A_977 : vector<1x16xf32> to vector<16xf32>
      %mul3A_979 = vector.broadcast %squeeze3A_973 : f32 to vector<16xf32>
      %mul3A_980 = arith.mulf %mul3A_979, %get3A_978 : vector<16xf32>
      %add3A_981 = arith.addf %add3A_971, %mul3A_980 : vector<16xf32>
      %slice3A_982 = vector.extract_strided_slice %add3A_756 {offsets = [3], sizes = [1], strides = [1]} : vector<16xf32> to vector<1xf32>
      %squeeze3A_983 = vector.extract %slice3A_982[0] : f32 from vector<1xf32>
      %get3A_984 = arith.constant 19 : i32
      %get3A_985 = arith.index_cast %get3A_984 : i32 to index
      %get3A_986 = arith.constant 0 : index
      %get3A_987 = tpu.vector_load %arg13[%get3A_985, %get3A_986] {strides = array<i32>} : memref<128x16xf32, #tpu.memory_space<vmem>>, vector<1x16xf32>,
      %get3A_988 = vector.shape_cast %get3A_987 : vector<1x16xf32> to vector<16xf32>
      %mul3A_989 = vector.broadcast %squeeze3A_983 : f32 to vector<16xf32>
      %mul3A_990 = arith.mulf %mul3A_989, %get3A_988 : vector<16xf32>
      %add3A_991 = arith.addf %add3A_981, %mul3A_990 : vector<16xf32>
      %slice3A_992 = vector.extract_strided_slice %add3A_756 {offsets = [4], sizes = [1], strides = [1]} : vector<16xf32> to vector<1xf32>
      %squeeze3A_993 = vector.extract %slice3A_992[0] : f32 from vector<1xf32>
      %get3A_994 = arith.constant 20 : i32
      %get3A_995 = arith.index_cast %get3A_994 : i32 to index
      %get3A_996 = arith.constant 0 : index
      %get3A_997 = tpu.vector_load %arg13[%get3A_995, %get3A_996] {strides = array<i32>} : memref<128x16xf32, #tpu.memory_space<vmem>>, vector<1x16xf32>,
      %get3A_998 = vector.shape_cast %get3A_997 : vector<1x16xf32> to vector<16xf32>
      %mul3A_999 = vector.broadcast %squeeze3A_993 : f32 to vector<16xf32>
      %mul3A_1000 = arith.mulf %mul3A_999, %get3A_998 : vector<16xf32>
      %add3A_1001 = arith.addf %add3A_991, %mul3A_1000 : vector<16xf32>
      %slice3A_1002 = vector.extract_strided_slice %add3A_756 {offsets = [5], sizes = [1], strides = [1]} : vector<16xf32> to vector<1xf32>
      %squeeze3A_1003 = vector.extract %slice3A_1002[0] : f32 from vector<1xf32>
      %get3A_1004 = arith.constant 21 : i32
      %get3A_1005 = arith.index_cast %get3A_1004 : i32 to index
      %get3A_1006 = arith.constant 0 : index
      %get3A_1007 = tpu.vector_load %arg13[%get3A_1005, %get3A_1006] {strides = array<i32>} : memref<128x16xf32, #tpu.memory_space<vmem>>, vector<1x16xf32>,
      %get3A_1008 = vector.shape_cast %get3A_1007 : vector<1x16xf32> to vector<16xf32>
      %mul3A_1009 = vector.broadcast %squeeze3A_1003 : f32 to vector<16xf32>
      %mul3A_1010 = arith.mulf %mul3A_1009, %get3A_1008 : vector<16xf32>
      %add3A_1011 = arith.addf %add3A_1001, %mul3A_1010 : vector<16xf32>
      %slice3A_1012 = vector.extract_strided_slice %add3A_756 {offsets = [6], sizes = [1], strides = [1]} : vector<16xf32> to vector<1xf32>
      %squeeze3A_1013 = vector.extract %slice3A_1012[0] : f32 from vector<1xf32>
      %get3A_1014 = arith.constant 22 : i32
      %get3A_1015 = arith.index_cast %get3A_1014 : i32 to index
      %get3A_1016 = arith.constant 0 : index
      %get3A_1017 = tpu.vector_load %arg13[%get3A_1015, %get3A_1016] {strides = array<i32>} : memref<128x16xf32, #tpu.memory_space<vmem>>, vector<1x16xf32>,
      %get3A_1018 = vector.shape_cast %get3A_1017 : vector<1x16xf32> to vector<16xf32>
      %mul3A_1019 = vector.broadcast %squeeze3A_1013 : f32 to vector<16xf32>
      %mul3A_1020 = arith.mulf %mul3A_1019, %get3A_1018 : vector<16xf32>
      %add3A_1021 = arith.addf %add3A_1011, %mul3A_1020 : vector<16xf32>
      %slice3A_1022 = vector.extract_strided_slice %add3A_756 {offsets = [7], sizes = [1], strides = [1]} : vector<16xf32> to vector<1xf32>
      %squeeze3A_1023 = vector.extract %slice3A_1022[0] : f32 from vector<1xf32>
      %get3A_1024 = arith.constant 23 : i32
      %get3A_1025 = arith.index_cast %get3A_1024 : i32 to index
      %get3A_1026 = arith.constant 0 : index
      %get3A_1027 = tpu.vector_load %arg13[%get3A_1025, %get3A_1026] {strides = array<i32>} : memref<128x16xf32, #tpu.memory_space<vmem>>, vector<1x16xf32>,
      %get3A_1028 = vector.shape_cast %get3A_1027 : vector<1x16xf32> to vector<16xf32>
      %mul3A_1029 = vector.broadcast %squeeze3A_1023 : f32 to vector<16xf32>
      %mul3A_1030 = arith.mulf %mul3A_1029, %get3A_1028 : vector<16xf32>
      %add3A_1031 = arith.addf %add3A_1021, %mul3A_1030 : vector<16xf32>
      %slice3A_1032 = vector.extract_strided_slice %add3A_756 {offsets = [8], sizes = [1], strides = [1]} : vector<16xf32> to vector<1xf32>
      %squeeze3A_1033 = vector.extract %slice3A_1032[0] : f32 from vector<1xf32>
      %get3A_1034 = arith.constant 24 : i32
      %get3A_1035 = arith.index_cast %get3A_1034 : i32 to index
      %get3A_1036 = arith.constant 0 : index
      %get3A_1037 = tpu.vector_load %arg13[%get3A_1035, %get3A_1036] {strides = array<i32>} : memref<128x16xf32, #tpu.memory_space<vmem>>, vector<1x16xf32>,
      %get3A_1038 = vector.shape_cast %get3A_1037 : vector<1x16xf32> to vector<16xf32>
      %mul3A_1039 = vector.broadcast %squeeze3A_1033 : f32 to vector<16xf32>
      %mul3A_1040 = arith.mulf %mul3A_1039, %get3A_1038 : vector<16xf32>
      %add3A_1041 = arith.addf %add3A_1031, %mul3A_1040 : vector<16xf32>
      %slice3A_1042 = vector.extract_strided_slice %add3A_756 {offsets = [9], sizes = [1], strides = [1]} : vector<16xf32> to vector<1xf32>
      %squeeze3A_1043 = vector.extract %slice3A_1042[0] : f32 from vector<1xf32>
      %get3A_1044 = arith.constant 25 : i32
      %get3A_1045 = arith.index_cast %get3A_1044 : i32 to index
      %get3A_1046 = arith.constant 0 : index
      %get3A_1047 = tpu.vector_load %arg13[%get3A_1045, %get3A_1046] {strides = array<i32>} : memref<128x16xf32, #tpu.memory_space<vmem>>, vector<1x16xf32>,
      %get3A_1048 = vector.shape_cast %get3A_1047 : vector<1x16xf32> to vector<16xf32>
      %mul3A_1049 = vector.broadcast %squeeze3A_1043 : f32 to vector<16xf32>
      %mul3A_1050 = arith.mulf %mul3A_1049, %get3A_1048 : vector<16xf32>
      %add3A_1051 = arith.addf %add3A_1041, %mul3A_1050 : vector<16xf32>
      %slice3A_1052 = vector.extract_strided_slice %add3A_756 {offsets = [10], sizes = [1], strides = [1]} : vector<16xf32> to vector<1xf32>
      %squeeze3A_1053 = vector.extract %slice3A_1052[0] : f32 from vector<1xf32>
      %get3A_1054 = arith.constant 26 : i32
      %get3A_1055 = arith.index_cast %get3A_1054 : i32 to index
      %get3A_1056 = arith.constant 0 : index
      %get3A_1057 = tpu.vector_load %arg13[%get3A_1055, %get3A_1056] {strides = array<i32>} : memref<128x16xf32, #tpu.memory_space<vmem>>, vector<1x16xf32>,
      %get3A_1058 = vector.shape_cast %get3A_1057 : vector<1x16xf32> to vector<16xf32>
      %mul3A_1059 = vector.broadcast %squeeze3A_1053 : f32 to vector<16xf32>
      %mul3A_1060 = arith.mulf %mul3A_1059, %get3A_1058 : vector<16xf32>
      %add3A_1061 = arith.addf %add3A_1051, %mul3A_1060 : vector<16xf32>
      %slice3A_1062 = vector.extract_strided_slice %add3A_756 {offsets = [11], sizes = [1], strides = [1]} : vector<16xf32> to vector<1xf32>
      %squeeze3A_1063 = vector.extract %slice3A_1062[0] : f32 from vector<1xf32>
      %get3A_1064 = arith.constant 27 : i32
      %get3A_1065 = arith.index_cast %get3A_1064 : i32 to index
      %get3A_1066 = arith.constant 0 : index
      %get3A_1067 = tpu.vector_load %arg13[%get3A_1065, %get3A_1066] {strides = array<i32>} : memref<128x16xf32, #tpu.memory_space<vmem>>, vector<1x16xf32>,
      %get3A_1068 = vector.shape_cast %get3A_1067 : vector<1x16xf32> to vector<16xf32>
      %mul3A_1069 = vector.broadcast %squeeze3A_1063 : f32 to vector<16xf32>
      %mul3A_1070 = arith.mulf %mul3A_1069, %get3A_1068 : vector<16xf32>
      %add3A_1071 = arith.addf %add3A_1061, %mul3A_1070 : vector<16xf32>
      %slice3A_1072 = vector.extract_strided_slice %add3A_756 {offsets = [12], sizes = [1], strides = [1]} : vector<16xf32> to vector<1xf32>
      %squeeze3A_1073 = vector.extract %slice3A_1072[0] : f32 from vector<1xf32>
      %get3A_1074 = arith.constant 28 : i32
      %get3A_1075 = arith.index_cast %get3A_1074 : i32 to index
      %get3A_1076 = arith.constant 0 : index
      %get3A_1077 = tpu.vector_load %arg13[%get3A_1075, %get3A_1076] {strides = array<i32>} : memref<128x16xf32, #tpu.memory_space<vmem>>, vector<1x16xf32>,
      %get3A_1078 = vector.shape_cast %get3A_1077 : vector<1x16xf32> to vector<16xf32>
      %mul3A_1079 = vector.broadcast %squeeze3A_1073 : f32 to vector<16xf32>
      %mul3A_1080 = arith.mulf %mul3A_1079, %get3A_1078 : vector<16xf32>
      %add3A_1081 = arith.addf %add3A_1071, %mul3A_1080 : vector<16xf32>
      %slice3A_1082 = vector.extract_strided_slice %add3A_756 {offsets = [13], sizes = [1], strides = [1]} : vector<16xf32> to vector<1xf32>
      %squeeze3A_1083 = vector.extract %slice3A_1082[0] : f32 from vector<1xf32>
      %get3A_1084 = arith.constant 29 : i32
      %get3A_1085 = arith.index_cast %get3A_1084 : i32 to index
      %get3A_1086 = arith.constant 0 : index
      %get3A_1087 = tpu.vector_load %arg13[%get3A_1085, %get3A_1086] {strides = array<i32>} : memref<128x16xf32, #tpu.memory_space<vmem>>, vector<1x16xf32>,
      %get3A_1088 = vector.shape_cast %get3A_1087 : vector<1x16xf32> to vector<16xf32>
      %mul3A_1089 = vector.broadcast %squeeze3A_1083 : f32 to vector<16xf32>
      %mul3A_1090 = arith.mulf %mul3A_1089, %get3A_1088 : vector<16xf32>
      %add3A_1091 = arith.addf %add3A_1081, %mul3A_1090 : vector<16xf32>
      %slice3A_1092 = vector.extract_strided_slice %add3A_756 {offsets = [14], sizes = [1], strides = [1]} : vector<16xf32> to vector<1xf32>
      %squeeze3A_1093 = vector.extract %slice3A_1092[0] : f32 from vector<1xf32>
      %get3A_1094 = arith.constant 30 : i32
      %get3A_1095 = arith.index_cast %get3A_1094 : i32 to index
      %get3A_1096 = arith.constant 0 : index
      %get3A_1097 = tpu.vector_load %arg13[%get3A_1095, %get3A_1096] {strides = array<i32>} : memref<128x16xf32, #tpu.memory_space<vmem>>, vector<1x16xf32>,
      %get3A_1098 = vector.shape_cast %get3A_1097 : vector<1x16xf32> to vector<16xf32>
      %mul3A_1099 = vector.broadcast %squeeze3A_1093 : f32 to vector<16xf32>
      %mul3A_1100 = arith.mulf %mul3A_1099, %get3A_1098 : vector<16xf32>
      %add3A_1101 = arith.addf %add3A_1091, %mul3A_1100 : vector<16xf32>
      %slice3A_1102 = vector.extract_strided_slice %add3A_756 {offsets = [15], sizes = [1], strides = [1]} : vector<16xf32> to vector<1xf32>
      %squeeze3A_1103 = vector.extract %slice3A_1102[0] : f32 from vector<1xf32>
      %get3A_1104 = arith.constant 31 : i32
      %get3A_1105 = arith.index_cast %get3A_1104 : i32 to index
      %get3A_1106 = arith.constant 0 : index
      %get3A_1107 = tpu.vector_load %arg13[%get3A_1105, %get3A_1106] {strides = array<i32>} : memref<128x16xf32, #tpu.memory_space<vmem>>, vector<1x16xf32>,
      %get3A_1108 = vector.shape_cast %get3A_1107 : vector<1x16xf32> to vector<16xf32>
      %mul3A_1109 = vector.broadcast %squeeze3A_1103 : f32 to vector<16xf32>
      %mul3A_1110 = arith.mulf %mul3A_1109, %get3A_1108 : vector<16xf32>
      %add3A_1111 = arith.addf %add3A_1101, %mul3A_1110 : vector<16xf32>
      %slice3A_1112 = vector.extract_strided_slice %add3A_762 {offsets = [0], sizes = [1], strides = [1]} : vector<16xf32> to vector<1xf32>
      %squeeze3A_1113 = vector.extract %slice3A_1112[0] : f32 from vector<1xf32>
      %get3A_1114 = arith.constant 32 : i32
      %get3A_1115 = arith.index_cast %get3A_1114 : i32 to index
      %get3A_1116 = arith.constant 0 : index
      %get3A_1117 = tpu.vector_load %arg13[%get3A_1115, %get3A_1116] {strides = array<i32>} : memref<128x16xf32, #tpu.memory_space<vmem>>, vector<1x16xf32>,
      %get3A_1118 = vector.shape_cast %get3A_1117 : vector<1x16xf32> to vector<16xf32>
      %mul3A_1119 = vector.broadcast %squeeze3A_1113 : f32 to vector<16xf32>
      %mul3A_1120 = arith.mulf %mul3A_1119, %get3A_1118 : vector<16xf32>
      %add3A_1121 = arith.addf %add3A_1111, %mul3A_1120 : vector<16xf32>
      %slice3A_1122 = vector.extract_strided_slice %add3A_762 {offsets = [1], sizes = [1], strides = [1]} : vector<16xf32> to vector<1xf32>
      %squeeze3A_1123 = vector.extract %slice3A_1122[0] : f32 from vector<1xf32>
      %get3A_1124 = arith.constant 33 : i32
      %get3A_1125 = arith.index_cast %get3A_1124 : i32 to index
      %get3A_1126 = arith.constant 0 : index
      %get3A_1127 = tpu.vector_load %arg13[%get3A_1125, %get3A_1126] {strides = array<i32>} : memref<128x16xf32, #tpu.memory_space<vmem>>, vector<1x16xf32>,
      %get3A_1128 = vector.shape_cast %get3A_1127 : vector<1x16xf32> to vector<16xf32>
      %mul3A_1129 = vector.broadcast %squeeze3A_1123 : f32 to vector<16xf32>
      %mul3A_1130 = arith.mulf %mul3A_1129, %get3A_1128 : vector<16xf32>
      %add3A_1131 = arith.addf %add3A_1121, %mul3A_1130 : vector<16xf32>
      %slice3A_1132 = vector.extract_strided_slice %add3A_762 {offsets = [2], sizes = [1], strides = [1]} : vector<16xf32> to vector<1xf32>
      %squeeze3A_1133 = vector.extract %slice3A_1132[0] : f32 from vector<1xf32>
      %get3A_1134 = arith.constant 34 : i32
      %get3A_1135 = arith.index_cast %get3A_1134 : i32 to index
      %get3A_1136 = arith.constant 0 : index
      %get3A_1137 = tpu.vector_load %arg13[%get3A_1135, %get3A_1136] {strides = array<i32>} : memref<128x16xf32, #tpu.memory_space<vmem>>, vector<1x16xf32>,
      %get3A_1138 = vector.shape_cast %get3A_1137 : vector<1x16xf32> to vector<16xf32>
      %mul3A_1139 = vector.broadcast %squeeze3A_1133 : f32 to vector<16xf32>
      %mul3A_1140 = arith.mulf %mul3A_1139, %get3A_1138 : vector<16xf32>
      %add3A_1141 = arith.addf %add3A_1131, %mul3A_1140 : vector<16xf32>
      %slice3A_1142 = vector.extract_strided_slice %add3A_762 {offsets = [3], sizes = [1], strides = [1]} : vector<16xf32> to vector<1xf32>
      %squeeze3A_1143 = vector.extract %slice3A_1142[0] : f32 from vector<1xf32>
      %get3A_1144 = arith.constant 35 : i32
      %get3A_1145 = arith.index_cast %get3A_1144 : i32 to index
      %get3A_1146 = arith.constant 0 : index
      %get3A_1147 = tpu.vector_load %arg13[%get3A_1145, %get3A_1146] {strides = array<i32>} : memref<128x16xf32, #tpu.memory_space<vmem>>, vector<1x16xf32>,
      %get3A_1148 = vector.shape_cast %get3A_1147 : vector<1x16xf32> to vector<16xf32>
      %mul3A_1149 = vector.broadcast %squeeze3A_1143 : f32 to vector<16xf32>
      %mul3A_1150 = arith.mulf %mul3A_1149, %get3A_1148 : vector<16xf32>
      %add3A_1151 = arith.addf %add3A_1141, %mul3A_1150 : vector<16xf32>
      %slice3A_1152 = vector.extract_strided_slice %add3A_762 {offsets = [4], sizes = [1], strides = [1]} : vector<16xf32> to vector<1xf32>
      %squeeze3A_1153 = vector.extract %slice3A_1152[0] : f32 from vector<1xf32>
      %get3A_1154 = arith.constant 36 : i32
      %get3A_1155 = arith.index_cast %get3A_1154 : i32 to index
      %get3A_1156 = arith.constant 0 : index
      %get3A_1157 = tpu.vector_load %arg13[%get3A_1155, %get3A_1156] {strides = array<i32>} : memref<128x16xf32, #tpu.memory_space<vmem>>, vector<1x16xf32>,
      %get3A_1158 = vector.shape_cast %get3A_1157 : vector<1x16xf32> to vector<16xf32>
      %mul3A_1159 = vector.broadcast %squeeze3A_1153 : f32 to vector<16xf32>
      %mul3A_1160 = arith.mulf %mul3A_1159, %get3A_1158 : vector<16xf32>
      %add3A_1161 = arith.addf %add3A_1151, %mul3A_1160 : vector<16xf32>
      %slice3A_1162 = vector.extract_strided_slice %add3A_762 {offsets = [5], sizes = [1], strides = [1]} : vector<16xf32> to vector<1xf32>
      %squeeze3A_1163 = vector.extract %slice3A_1162[0] : f32 from vector<1xf32>
      %get3A_1164 = arith.constant 37 : i32
      %get3A_1165 = arith.index_cast %get3A_1164 : i32 to index
      %get3A_1166 = arith.constant 0 : index
      %get3A_1167 = tpu.vector_load %arg13[%get3A_1165, %get3A_1166] {strides = array<i32>} : memref<128x16xf32, #tpu.memory_space<vmem>>, vector<1x16xf32>,
      %get3A_1168 = vector.shape_cast %get3A_1167 : vector<1x16xf32> to vector<16xf32>
      %mul3A_1169 = vector.broadcast %squeeze3A_1163 : f32 to vector<16xf32>
      %mul3A_1170 = arith.mulf %mul3A_1169, %get3A_1168 : vector<16xf32>
      %add3A_1171 = arith.addf %add3A_1161, %mul3A_1170 : vector<16xf32>
      %slice3A_1172 = vector.extract_strided_slice %add3A_762 {offsets = [6], sizes = [1], strides = [1]} : vector<16xf32> to vector<1xf32>
      %squeeze3A_1173 = vector.extract %slice3A_1172[0] : f32 from vector<1xf32>
      %get3A_1174 = arith.constant 38 : i32
      %get3A_1175 = arith.index_cast %get3A_1174 : i32 to index
      %get3A_1176 = arith.constant 0 : index
      %get3A_1177 = tpu.vector_load %arg13[%get3A_1175, %get3A_1176] {strides = array<i32>} : memref<128x16xf32, #tpu.memory_space<vmem>>, vector<1x16xf32>,
      %get3A_1178 = vector.shape_cast %get3A_1177 : vector<1x16xf32> to vector<16xf32>
      %mul3A_1179 = vector.broadcast %squeeze3A_1173 : f32 to vector<16xf32>
      %mul3A_1180 = arith.mulf %mul3A_1179, %get3A_1178 : vector<16xf32>
      %add3A_1181 = arith.addf %add3A_1171, %mul3A_1180 : vector<16xf32>
      %slice3A_1182 = vector.extract_strided_slice %add3A_762 {offsets = [7], sizes = [1], strides = [1]} : vector<16xf32> to vector<1xf32>
      %squeeze3A_1183 = vector.extract %slice3A_1182[0] : f32 from vector<1xf32>
      %get3A_1184 = arith.constant 39 : i32
      %get3A_1185 = arith.index_cast %get3A_1184 : i32 to index
      %get3A_1186 = arith.constant 0 : index
      %get3A_1187 = tpu.vector_load %arg13[%get3A_1185, %get3A_1186] {strides = array<i32>} : memref<128x16xf32, #tpu.memory_space<vmem>>, vector<1x16xf32>,
      %get3A_1188 = vector.shape_cast %get3A_1187 : vector<1x16xf32> to vector<16xf32>
      %mul3A_1189 = vector.broadcast %squeeze3A_1183 : f32 to vector<16xf32>
      %mul3A_1190 = arith.mulf %mul3A_1189, %get3A_1188 : vector<16xf32>
      %add3A_1191 = arith.addf %add3A_1181, %mul3A_1190 : vector<16xf32>
      %slice3A_1192 = vector.extract_strided_slice %add3A_762 {offsets = [8], sizes = [1], strides = [1]} : vector<16xf32> to vector<1xf32>
      %squeeze3A_1193 = vector.extract %slice3A_1192[0] : f32 from vector<1xf32>
      %get3A_1194 = arith.constant 40 : i32
      %get3A_1195 = arith.index_cast %get3A_1194 : i32 to index
      %get3A_1196 = arith.constant 0 : index
      %get3A_1197 = tpu.vector_load %arg13[%get3A_1195, %get3A_1196] {strides = array<i32>} : memref<128x16xf32, #tpu.memory_space<vmem>>, vector<1x16xf32>,
      %get3A_1198 = vector.shape_cast %get3A_1197 : vector<1x16xf32> to vector<16xf32>
      %mul3A_1199 = vector.broadcast %squeeze3A_1193 : f32 to vector<16xf32>
      %mul3A_1200 = arith.mulf %mul3A_1199, %get3A_1198 : vector<16xf32>
      %add3A_1201 = arith.addf %add3A_1191, %mul3A_1200 : vector<16xf32>
      %slice3A_1202 = vector.extract_strided_slice %add3A_762 {offsets = [9], sizes = [1], strides = [1]} : vector<16xf32> to vector<1xf32>
      %squeeze3A_1203 = vector.extract %slice3A_1202[0] : f32 from vector<1xf32>
      %get3A_1204 = arith.constant 41 : i32
      %get3A_1205 = arith.index_cast %get3A_1204 : i32 to index
      %get3A_1206 = arith.constant 0 : index
      %get3A_1207 = tpu.vector_load %arg13[%get3A_1205, %get3A_1206] {strides = array<i32>} : memref<128x16xf32, #tpu.memory_space<vmem>>, vector<1x16xf32>,
      %get3A_1208 = vector.shape_cast %get3A_1207 : vector<1x16xf32> to vector<16xf32>
      %mul3A_1209 = vector.broadcast %squeeze3A_1203 : f32 to vector<16xf32>
      %mul3A_1210 = arith.mulf %mul3A_1209, %get3A_1208 : vector<16xf32>
      %add3A_1211 = arith.addf %add3A_1201, %mul3A_1210 : vector<16xf32>
      %slice3A_1212 = vector.extract_strided_slice %add3A_762 {offsets = [10], sizes = [1], strides = [1]} : vector<16xf32> to vector<1xf32>
      %squeeze3A_1213 = vector.extract %slice3A_1212[0] : f32 from vector<1xf32>
      %get3A_1214 = arith.constant 42 : i32
      %get3A_1215 = arith.index_cast %get3A_1214 : i32 to index
      %get3A_1216 = arith.constant 0 : index
      %get3A_1217 = tpu.vector_load %arg13[%get3A_1215, %get3A_1216] {strides = array<i32>} : memref<128x16xf32, #tpu.memory_space<vmem>>, vector<1x16xf32>,
      %get3A_1218 = vector.shape_cast %get3A_1217 : vector<1x16xf32> to vector<16xf32>
      %mul3A_1219 = vector.broadcast %squeeze3A_1213 : f32 to vector<16xf32>
      %mul3A_1220 = arith.mulf %mul3A_1219, %get3A_1218 : vector<16xf32>
      %add3A_1221 = arith.addf %add3A_1211, %mul3A_1220 : vector<16xf32>
      %slice3A_1222 = vector.extract_strided_slice %add3A_762 {offsets = [11], sizes = [1], strides = [1]} : vector<16xf32> to vector<1xf32>
      %squeeze3A_1223 = vector.extract %slice3A_1222[0] : f32 from vector<1xf32>
      %get3A_1224 = arith.constant 43 : i32
      %get3A_1225 = arith.index_cast %get3A_1224 : i32 to index
      %get3A_1226 = arith.constant 0 : index
      %get3A_1227 = tpu.vector_load %arg13[%get3A_1225, %get3A_1226] {strides = array<i32>} : memref<128x16xf32, #tpu.memory_space<vmem>>, vector<1x16xf32>,
      %get3A_1228 = vector.shape_cast %get3A_1227 : vector<1x16xf32> to vector<16xf32>
      %mul3A_1229 = vector.broadcast %squeeze3A_1223 : f32 to vector<16xf32>
      %mul3A_1230 = arith.mulf %mul3A_1229, %get3A_1228 : vector<16xf32>
      %add3A_1231 = arith.addf %add3A_1221, %mul3A_1230 : vector<16xf32>
      %slice3A_1232 = vector.extract_strided_slice %add3A_762 {offsets = [12], sizes = [1], strides = [1]} : vector<16xf32> to vector<1xf32>
      %squeeze3A_1233 = vector.extract %slice3A_1232[0] : f32 from vector<1xf32>
      %get3A_1234 = arith.constant 44 : i32
      %get3A_1235 = arith.index_cast %get3A_1234 : i32 to index
      %get3A_1236 = arith.constant 0 : index
      %get3A_1237 = tpu.vector_load %arg13[%get3A_1235, %get3A_1236] {strides = array<i32>} : memref<128x16xf32, #tpu.memory_space<vmem>>, vector<1x16xf32>,
      %get3A_1238 = vector.shape_cast %get3A_1237 : vector<1x16xf32> to vector<16xf32>
      %mul3A_1239 = vector.broadcast %squeeze3A_1233 : f32 to vector<16xf32>
      %mul3A_1240 = arith.mulf %mul3A_1239, %get3A_1238 : vector<16xf32>
      %add3A_1241 = arith.addf %add3A_1231, %mul3A_1240 : vector<16xf32>
      %slice3A_1242 = vector.extract_strided_slice %add3A_762 {offsets = [13], sizes = [1], strides = [1]} : vector<16xf32> to vector<1xf32>
      %squeeze3A_1243 = vector.extract %slice3A_1242[0] : f32 from vector<1xf32>
      %get3A_1244 = arith.constant 45 : i32
      %get3A_1245 = arith.index_cast %get3A_1244 : i32 to index
      %get3A_1246 = arith.constant 0 : index
      %get3A_1247 = tpu.vector_load %arg13[%get3A_1245, %get3A_1246] {strides = array<i32>} : memref<128x16xf32, #tpu.memory_space<vmem>>, vector<1x16xf32>,
      %get3A_1248 = vector.shape_cast %get3A_1247 : vector<1x16xf32> to vector<16xf32>
      %mul3A_1249 = vector.broadcast %squeeze3A_1243 : f32 to vector<16xf32>
      %mul3A_1250 = arith.mulf %mul3A_1249, %get3A_1248 : vector<16xf32>
      %add3A_1251 = arith.addf %add3A_1241, %mul3A_1250 : vector<16xf32>
      %slice3A_1252 = vector.extract_strided_slice %add3A_762 {offsets = [14], sizes = [1], strides = [1]} : vector<16xf32> to vector<1xf32>
      %squeeze3A_1253 = vector.extract %slice3A_1252[0] : f32 from vector<1xf32>
      %get3A_1254 = arith.constant 46 : i32
      %get3A_1255 = arith.index_cast %get3A_1254 : i32 to index
      %get3A_1256 = arith.constant 0 : index
      %get3A_1257 = tpu.vector_load %arg13[%get3A_1255, %get3A_1256] {strides = array<i32>} : memref<128x16xf32, #tpu.memory_space<vmem>>, vector<1x16xf32>,
      %get3A_1258 = vector.shape_cast %get3A_1257 : vector<1x16xf32> to vector<16xf32>
      %mul3A_1259 = vector.broadcast %squeeze3A_1253 : f32 to vector<16xf32>
      %mul3A_1260 = arith.mulf %mul3A_1259, %get3A_1258 : vector<16xf32>
      %add3A_1261 = arith.addf %add3A_1251, %mul3A_1260 : vector<16xf32>
      %slice3A_1262 = vector.extract_strided_slice %add3A_762 {offsets = [15], sizes = [1], strides = [1]} : vector<16xf32> to vector<1xf32>
      %squeeze3A_1263 = vector.extract %slice3A_1262[0] : f32 from vector<1xf32>
      %get3A_1264 = arith.constant 47 : i32
      %get3A_1265 = arith.index_cast %get3A_1264 : i32 to index
      %get3A_1266 = arith.constant 0 : index
      %get3A_1267 = tpu.vector_load %arg13[%get3A_1265, %get3A_1266] {strides = array<i32>} : memref<128x16xf32, #tpu.memory_space<vmem>>, vector<1x16xf32>,
      %get3A_1268 = vector.shape_cast %get3A_1267 : vector<1x16xf32> to vector<16xf32>
      %mul3A_1269 = vector.broadcast %squeeze3A_1263 : f32 to vector<16xf32>
      %mul3A_1270 = arith.mulf %mul3A_1269, %get3A_1268 : vector<16xf32>
      %add3A_1271 = arith.addf %add3A_1261, %mul3A_1270 : vector<16xf32>
      %slice3A_1272 = vector.extract_strided_slice %add3A_768 {offsets = [0], sizes = [1], strides = [1]} : vector<16xf32> to vector<1xf32>
      %squeeze3A_1273 = vector.extract %slice3A_1272[0] : f32 from vector<1xf32>
      %get3A_1274 = arith.constant 48 : i32
      %get3A_1275 = arith.index_cast %get3A_1274 : i32 to index
      %get3A_1276 = arith.constant 0 : index
      %get3A_1277 = tpu.vector_load %arg13[%get3A_1275, %get3A_1276] {strides = array<i32>} : memref<128x16xf32, #tpu.memory_space<vmem>>, vector<1x16xf32>,
      %get3A_1278 = vector.shape_cast %get3A_1277 : vector<1x16xf32> to vector<16xf32>
      %mul3A_1279 = vector.broadcast %squeeze3A_1273 : f32 to vector<16xf32>
      %mul3A_1280 = arith.mulf %mul3A_1279, %get3A_1278 : vector<16xf32>
      %add3A_1281 = arith.addf %add3A_1271, %mul3A_1280 : vector<16xf32>
      %slice3A_1282 = vector.extract_strided_slice %add3A_768 {offsets = [1], sizes = [1], strides = [1]} : vector<16xf32> to vector<1xf32>
      %squeeze3A_1283 = vector.extract %slice3A_1282[0] : f32 from vector<1xf32>
      %get3A_1284 = arith.constant 49 : i32
      %get3A_1285 = arith.index_cast %get3A_1284 : i32 to index
      %get3A_1286 = arith.constant 0 : index
      %get3A_1287 = tpu.vector_load %arg13[%get3A_1285, %get3A_1286] {strides = array<i32>} : memref<128x16xf32, #tpu.memory_space<vmem>>, vector<1x16xf32>,
      %get3A_1288 = vector.shape_cast %get3A_1287 : vector<1x16xf32> to vector<16xf32>
      %mul3A_1289 = vector.broadcast %squeeze3A_1283 : f32 to vector<16xf32>
      %mul3A_1290 = arith.mulf %mul3A_1289, %get3A_1288 : vector<16xf32>
      %add3A_1291 = arith.addf %add3A_1281, %mul3A_1290 : vector<16xf32>
      %slice3A_1292 = vector.extract_strided_slice %add3A_768 {offsets = [2], sizes = [1], strides = [1]} : vector<16xf32> to vector<1xf32>
      %squeeze3A_1293 = vector.extract %slice3A_1292[0] : f32 from vector<1xf32>
      %get3A_1294 = arith.constant 50 : i32
      %get3A_1295 = arith.index_cast %get3A_1294 : i32 to index
      %get3A_1296 = arith.constant 0 : index
      %get3A_1297 = tpu.vector_load %arg13[%get3A_1295, %get3A_1296] {strides = array<i32>} : memref<128x16xf32, #tpu.memory_space<vmem>>, vector<1x16xf32>,
      %get3A_1298 = vector.shape_cast %get3A_1297 : vector<1x16xf32> to vector<16xf32>
      %mul3A_1299 = vector.broadcast %squeeze3A_1293 : f32 to vector<16xf32>
      %mul3A_1300 = arith.mulf %mul3A_1299, %get3A_1298 : vector<16xf32>
      %add3A_1301 = arith.addf %add3A_1291, %mul3A_1300 : vector<16xf32>
      %slice3A_1302 = vector.extract_strided_slice %add3A_768 {offsets = [3], sizes = [1], strides = [1]} : vector<16xf32> to vector<1xf32>
      %squeeze3A_1303 = vector.extract %slice3A_1302[0] : f32 from vector<1xf32>
      %get3A_1304 = arith.constant 51 : i32
      %get3A_1305 = arith.index_cast %get3A_1304 : i32 to index
      %get3A_1306 = arith.constant 0 : index
      %get3A_1307 = tpu.vector_load %arg13[%get3A_1305, %get3A_1306] {strides = array<i32>} : memref<128x16xf32, #tpu.memory_space<vmem>>, vector<1x16xf32>,
      %get3A_1308 = vector.shape_cast %get3A_1307 : vector<1x16xf32> to vector<16xf32>
      %mul3A_1309 = vector.broadcast %squeeze3A_1303 : f32 to vector<16xf32>
      %mul3A_1310 = arith.mulf %mul3A_1309, %get3A_1308 : vector<16xf32>
      %add3A_1311 = arith.addf %add3A_1301, %mul3A_1310 : vector<16xf32>
      %slice3A_1312 = vector.extract_strided_slice %add3A_768 {offsets = [4], sizes = [1], strides = [1]} : vector<16xf32> to vector<1xf32>
      %squeeze3A_1313 = vector.extract %slice3A_1312[0] : f32 from vector<1xf32>
      %get3A_1314 = arith.constant 52 : i32
      %get3A_1315 = arith.index_cast %get3A_1314 : i32 to index
      %get3A_1316 = arith.constant 0 : index
      %get3A_1317 = tpu.vector_load %arg13[%get3A_1315, %get3A_1316] {strides = array<i32>} : memref<128x16xf32, #tpu.memory_space<vmem>>, vector<1x16xf32>,
      %get3A_1318 = vector.shape_cast %get3A_1317 : vector<1x16xf32> to vector<16xf32>
      %mul3A_1319 = vector.broadcast %squeeze3A_1313 : f32 to vector<16xf32>
      %mul3A_1320 = arith.mulf %mul3A_1319, %get3A_1318 : vector<16xf32>
      %add3A_1321 = arith.addf %add3A_1311, %mul3A_1320 : vector<16xf32>
      %slice3A_1322 = vector.extract_strided_slice %add3A_768 {offsets = [5], sizes = [1], strides = [1]} : vector<16xf32> to vector<1xf32>
      %squeeze3A_1323 = vector.extract %slice3A_1322[0] : f32 from vector<1xf32>
      %get3A_1324 = arith.constant 53 : i32
      %get3A_1325 = arith.index_cast %get3A_1324 : i32 to index
      %get3A_1326 = arith.constant 0 : index
      %get3A_1327 = tpu.vector_load %arg13[%get3A_1325, %get3A_1326] {strides = array<i32>} : memref<128x16xf32, #tpu.memory_space<vmem>>, vector<1x16xf32>,
      %get3A_1328 = vector.shape_cast %get3A_1327 : vector<1x16xf32> to vector<16xf32>
      %mul3A_1329 = vector.broadcast %squeeze3A_1323 : f32 to vector<16xf32>
      %mul3A_1330 = arith.mulf %mul3A_1329, %get3A_1328 : vector<16xf32>
      %add3A_1331 = arith.addf %add3A_1321, %mul3A_1330 : vector<16xf32>
      %slice3A_1332 = vector.extract_strided_slice %add3A_768 {offsets = [6], sizes = [1], strides = [1]} : vector<16xf32> to vector<1xf32>
      %squeeze3A_1333 = vector.extract %slice3A_1332[0] : f32 from vector<1xf32>
      %get3A_1334 = arith.constant 54 : i32
      %get3A_1335 = arith.index_cast %get3A_1334 : i32 to index
      %get3A_1336 = arith.constant 0 : index
      %get3A_1337 = tpu.vector_load %arg13[%get3A_1335, %get3A_1336] {strides = array<i32>} : memref<128x16xf32, #tpu.memory_space<vmem>>, vector<1x16xf32>,
      %get3A_1338 = vector.shape_cast %get3A_1337 : vector<1x16xf32> to vector<16xf32>
      %mul3A_1339 = vector.broadcast %squeeze3A_1333 : f32 to vector<16xf32>
      %mul3A_1340 = arith.mulf %mul3A_1339, %get3A_1338 : vector<16xf32>
      %add3A_1341 = arith.addf %add3A_1331, %mul3A_1340 : vector<16xf32>
      %slice3A_1342 = vector.extract_strided_slice %add3A_768 {offsets = [7], sizes = [1], strides = [1]} : vector<16xf32> to vector<1xf32>
      %squeeze3A_1343 = vector.extract %slice3A_1342[0] : f32 from vector<1xf32>
      %get3A_1344 = arith.constant 55 : i32
      %get3A_1345 = arith.index_cast %get3A_1344 : i32 to index
      %get3A_1346 = arith.constant 0 : index
      %get3A_1347 = tpu.vector_load %arg13[%get3A_1345, %get3A_1346] {strides = array<i32>} : memref<128x16xf32, #tpu.memory_space<vmem>>, vector<1x16xf32>,
      %get3A_1348 = vector.shape_cast %get3A_1347 : vector<1x16xf32> to vector<16xf32>
      %mul3A_1349 = vector.broadcast %squeeze3A_1343 : f32 to vector<16xf32>
      %mul3A_1350 = arith.mulf %mul3A_1349, %get3A_1348 : vector<16xf32>
      %add3A_1351 = arith.addf %add3A_1341, %mul3A_1350 : vector<16xf32>
      %slice3A_1352 = vector.extract_strided_slice %add3A_768 {offsets = [8], sizes = [1], strides = [1]} : vector<16xf32> to vector<1xf32>
      %squeeze3A_1353 = vector.extract %slice3A_1352[0] : f32 from vector<1xf32>
      %get3A_1354 = arith.constant 56 : i32
      %get3A_1355 = arith.index_cast %get3A_1354 : i32 to index
      %get3A_1356 = arith.constant 0 : index
      %get3A_1357 = tpu.vector_load %arg13[%get3A_1355, %get3A_1356] {strides = array<i32>} : memref<128x16xf32, #tpu.memory_space<vmem>>, vector<1x16xf32>,
      %get3A_1358 = vector.shape_cast %get3A_1357 : vector<1x16xf32> to vector<16xf32>
      %mul3A_1359 = vector.broadcast %squeeze3A_1353 : f32 to vector<16xf32>
      %mul3A_1360 = arith.mulf %mul3A_1359, %get3A_1358 : vector<16xf32>
      %add3A_1361 = arith.addf %add3A_1351, %mul3A_1360 : vector<16xf32>
      %slice3A_1362 = vector.extract_strided_slice %add3A_768 {offsets = [9], sizes = [1], strides = [1]} : vector<16xf32> to vector<1xf32>
      %squeeze3A_1363 = vector.extract %slice3A_1362[0] : f32 from vector<1xf32>
      %get3A_1364 = arith.constant 57 : i32
      %get3A_1365 = arith.index_cast %get3A_1364 : i32 to index
      %get3A_1366 = arith.constant 0 : index
      %get3A_1367 = tpu.vector_load %arg13[%get3A_1365, %get3A_1366] {strides = array<i32>} : memref<128x16xf32, #tpu.memory_space<vmem>>, vector<1x16xf32>,
      %get3A_1368 = vector.shape_cast %get3A_1367 : vector<1x16xf32> to vector<16xf32>
      %mul3A_1369 = vector.broadcast %squeeze3A_1363 : f32 to vector<16xf32>
      %mul3A_1370 = arith.mulf %mul3A_1369, %get3A_1368 : vector<16xf32>
      %add3A_1371 = arith.addf %add3A_1361, %mul3A_1370 : vector<16xf32>
      %slice3A_1372 = vector.extract_strided_slice %add3A_768 {offsets = [10], sizes = [1], strides = [1]} : vector<16xf32> to vector<1xf32>
      %squeeze3A_1373 = vector.extract %slice3A_1372[0] : f32 from vector<1xf32>
      %get3A_1374 = arith.constant 58 : i32
      %get3A_1375 = arith.index_cast %get3A_1374 : i32 to index
      %get3A_1376 = arith.constant 0 : index
      %get3A_1377 = tpu.vector_load %arg13[%get3A_1375, %get3A_1376] {strides = array<i32>} : memref<128x16xf32, #tpu.memory_space<vmem>>, vector<1x16xf32>,
      %get3A_1378 = vector.shape_cast %get3A_1377 : vector<1x16xf32> to vector<16xf32>
      %mul3A_1379 = vector.broadcast %squeeze3A_1373 : f32 to vector<16xf32>
      %mul3A_1380 = arith.mulf %mul3A_1379, %get3A_1378 : vector<16xf32>
      %add3A_1381 = arith.addf %add3A_1371, %mul3A_1380 : vector<16xf32>
      %slice3A_1382 = vector.extract_strided_slice %add3A_768 {offsets = [11], sizes = [1], strides = [1]} : vector<16xf32> to vector<1xf32>
      %squeeze3A_1383 = vector.extract %slice3A_1382[0] : f32 from vector<1xf32>
      %get3A_1384 = arith.constant 59 : i32
      %get3A_1385 = arith.index_cast %get3A_1384 : i32 to index
      %get3A_1386 = arith.constant 0 : index
      %get3A_1387 = tpu.vector_load %arg13[%get3A_1385, %get3A_1386] {strides = array<i32>} : memref<128x16xf32, #tpu.memory_space<vmem>>, vector<1x16xf32>,
      %get3A_1388 = vector.shape_cast %get3A_1387 : vector<1x16xf32> to vector<16xf32>
      %mul3A_1389 = vector.broadcast %squeeze3A_1383 : f32 to vector<16xf32>
      %mul3A_1390 = arith.mulf %mul3A_1389, %get3A_1388 : vector<16xf32>
      %add3A_1391 = arith.addf %add3A_1381, %mul3A_1390 : vector<16xf32>
      %slice3A_1392 = vector.extract_strided_slice %add3A_768 {offsets = [12], sizes = [1], strides = [1]} : vector<16xf32> to vector<1xf32>
      %squeeze3A_1393 = vector.extract %slice3A_1392[0] : f32 from vector<1xf32>
      %get3A_1394 = arith.constant 60 : i32
      %get3A_1395 = arith.index_cast %get3A_1394 : i32 to index
      %get3A_1396 = arith.constant 0 : index
      %get3A_1397 = tpu.vector_load %arg13[%get3A_1395, %get3A_1396] {strides = array<i32>} : memref<128x16xf32, #tpu.memory_space<vmem>>, vector<1x16xf32>,
      %get3A_1398 = vector.shape_cast %get3A_1397 : vector<1x16xf32> to vector<16xf32>
      %mul3A_1399 = vector.broadcast %squeeze3A_1393 : f32 to vector<16xf32>
      %mul3A_1400 = arith.mulf %mul3A_1399, %get3A_1398 : vector<16xf32>
      %add3A_1401 = arith.addf %add3A_1391, %mul3A_1400 : vector<16xf32>
      %slice3A_1402 = vector.extract_strided_slice %add3A_768 {offsets = [13], sizes = [1], strides = [1]} : vector<16xf32> to vector<1xf32>
      %squeeze3A_1403 = vector.extract %slice3A_1402[0] : f32 from vector<1xf32>
      %get3A_1404 = arith.constant 61 : i32
      %get3A_1405 = arith.index_cast %get3A_1404 : i32 to index
      %get3A_1406 = arith.constant 0 : index
      %get3A_1407 = tpu.vector_load %arg13[%get3A_1405, %get3A_1406] {strides = array<i32>} : memref<128x16xf32, #tpu.memory_space<vmem>>, vector<1x16xf32>,
      %get3A_1408 = vector.shape_cast %get3A_1407 : vector<1x16xf32> to vector<16xf32>
      %mul3A_1409 = vector.broadcast %squeeze3A_1403 : f32 to vector<16xf32>
      %mul3A_1410 = arith.mulf %mul3A_1409, %get3A_1408 : vector<16xf32>
      %add3A_1411 = arith.addf %add3A_1401, %mul3A_1410 : vector<16xf32>
      %slice3A_1412 = vector.extract_strided_slice %add3A_768 {offsets = [14], sizes = [1], strides = [1]} : vector<16xf32> to vector<1xf32>
      %squeeze3A_1413 = vector.extract %slice3A_1412[0] : f32 from vector<1xf32>
      %get3A_1414 = arith.constant 62 : i32
      %get3A_1415 = arith.index_cast %get3A_1414 : i32 to index
      %get3A_1416 = arith.constant 0 : index
      %get3A_1417 = tpu.vector_load %arg13[%get3A_1415, %get3A_1416] {strides = array<i32>} : memref<128x16xf32, #tpu.memory_space<vmem>>, vector<1x16xf32>,
      %get3A_1418 = vector.shape_cast %get3A_1417 : vector<1x16xf32> to vector<16xf32>
      %mul3A_1419 = vector.broadcast %squeeze3A_1413 : f32 to vector<16xf32>
      %mul3A_1420 = arith.mulf %mul3A_1419, %get3A_1418 : vector<16xf32>
      %add3A_1421 = arith.addf %add3A_1411, %mul3A_1420 : vector<16xf32>
      %slice3A_1422 = vector.extract_strided_slice %add3A_768 {offsets = [15], sizes = [1], strides = [1]} : vector<16xf32> to vector<1xf32>
      %squeeze3A_1423 = vector.extract %slice3A_1422[0] : f32 from vector<1xf32>
      %get3A_1424 = arith.constant 63 : i32
      %get3A_1425 = arith.index_cast %get3A_1424 : i32 to index
      %get3A_1426 = arith.constant 0 : index
      %get3A_1427 = tpu.vector_load %arg13[%get3A_1425, %get3A_1426] {strides = array<i32>} : memref<128x16xf32, #tpu.memory_space<vmem>>, vector<1x16xf32>,
      %get3A_1428 = vector.shape_cast %get3A_1427 : vector<1x16xf32> to vector<16xf32>
      %mul3A_1429 = vector.broadcast %squeeze3A_1423 : f32 to vector<16xf32>
      %mul3A_1430 = arith.mulf %mul3A_1429, %get3A_1428 : vector<16xf32>
      %add3A_1431 = arith.addf %add3A_1421, %mul3A_1430 : vector<16xf32>
      %slice3A_1432 = vector.extract_strided_slice %add3A_774 {offsets = [0], sizes = [1], strides = [1]} : vector<16xf32> to vector<1xf32>
      %squeeze3A_1433 = vector.extract %slice3A_1432[0] : f32 from vector<1xf32>
      %get3A_1434 = arith.constant 64 : i32
      %get3A_1435 = arith.index_cast %get3A_1434 : i32 to index
      %get3A_1436 = arith.constant 0 : index
      %get3A_1437 = tpu.vector_load %arg13[%get3A_1435, %get3A_1436] {strides = array<i32>} : memref<128x16xf32, #tpu.memory_space<vmem>>, vector<1x16xf32>,
      %get3A_1438 = vector.shape_cast %get3A_1437 : vector<1x16xf32> to vector<16xf32>
      %mul3A_1439 = vector.broadcast %squeeze3A_1433 : f32 to vector<16xf32>
      %mul3A_1440 = arith.mulf %mul3A_1439, %get3A_1438 : vector<16xf32>
      %add3A_1441 = arith.addf %add3A_1431, %mul3A_1440 : vector<16xf32>
      %slice3A_1442 = vector.extract_strided_slice %add3A_774 {offsets = [1], sizes = [1], strides = [1]} : vector<16xf32> to vector<1xf32>
      %squeeze3A_1443 = vector.extract %slice3A_1442[0] : f32 from vector<1xf32>
      %get3A_1444 = arith.constant 65 : i32
      %get3A_1445 = arith.index_cast %get3A_1444 : i32 to index
      %get3A_1446 = arith.constant 0 : index
      %get3A_1447 = tpu.vector_load %arg13[%get3A_1445, %get3A_1446] {strides = array<i32>} : memref<128x16xf32, #tpu.memory_space<vmem>>, vector<1x16xf32>,
      %get3A_1448 = vector.shape_cast %get3A_1447 : vector<1x16xf32> to vector<16xf32>
      %mul3A_1449 = vector.broadcast %squeeze3A_1443 : f32 to vector<16xf32>
      %mul3A_1450 = arith.mulf %mul3A_1449, %get3A_1448 : vector<16xf32>
      %add3A_1451 = arith.addf %add3A_1441, %mul3A_1450 : vector<16xf32>
      %slice3A_1452 = vector.extract_strided_slice %add3A_774 {offsets = [2], sizes = [1], strides = [1]} : vector<16xf32> to vector<1xf32>
      %squeeze3A_1453 = vector.extract %slice3A_1452[0] : f32 from vector<1xf32>
      %get3A_1454 = arith.constant 66 : i32
      %get3A_1455 = arith.index_cast %get3A_1454 : i32 to index
      %get3A_1456 = arith.constant 0 : index
      %get3A_1457 = tpu.vector_load %arg13[%get3A_1455, %get3A_1456] {strides = array<i32>} : memref<128x16xf32, #tpu.memory_space<vmem>>, vector<1x16xf32>,
      %get3A_1458 = vector.shape_cast %get3A_1457 : vector<1x16xf32> to vector<16xf32>
      %mul3A_1459 = vector.broadcast %squeeze3A_1453 : f32 to vector<16xf32>
      %mul3A_1460 = arith.mulf %mul3A_1459, %get3A_1458 : vector<16xf32>
      %add3A_1461 = arith.addf %add3A_1451, %mul3A_1460 : vector<16xf32>
      %slice3A_1462 = vector.extract_strided_slice %add3A_774 {offsets = [3], sizes = [1], strides = [1]} : vector<16xf32> to vector<1xf32>
      %squeeze3A_1463 = vector.extract %slice3A_1462[0] : f32 from vector<1xf32>
      %get3A_1464 = arith.constant 67 : i32
      %get3A_1465 = arith.index_cast %get3A_1464 : i32 to index
      %get3A_1466 = arith.constant 0 : index
      %get3A_1467 = tpu.vector_load %arg13[%get3A_1465, %get3A_1466] {strides = array<i32>} : memref<128x16xf32, #tpu.memory_space<vmem>>, vector<1x16xf32>,
      %get3A_1468 = vector.shape_cast %get3A_1467 : vector<1x16xf32> to vector<16xf32>
      %mul3A_1469 = vector.broadcast %squeeze3A_1463 : f32 to vector<16xf32>
      %mul3A_1470 = arith.mulf %mul3A_1469, %get3A_1468 : vector<16xf32>
      %add3A_1471 = arith.addf %add3A_1461, %mul3A_1470 : vector<16xf32>
      %slice3A_1472 = vector.extract_strided_slice %add3A_774 {offsets = [4], sizes = [1], strides = [1]} : vector<16xf32> to vector<1xf32>
      %squeeze3A_1473 = vector.extract %slice3A_1472[0] : f32 from vector<1xf32>
      %get3A_1474 = arith.constant 68 : i32
      %get3A_1475 = arith.index_cast %get3A_1474 : i32 to index
      %get3A_1476 = arith.constant 0 : index
      %get3A_1477 = tpu.vector_load %arg13[%get3A_1475, %get3A_1476] {strides = array<i32>} : memref<128x16xf32, #tpu.memory_space<vmem>>, vector<1x16xf32>,
      %get3A_1478 = vector.shape_cast %get3A_1477 : vector<1x16xf32> to vector<16xf32>
      %mul3A_1479 = vector.broadcast %squeeze3A_1473 : f32 to vector<16xf32>
      %mul3A_1480 = arith.mulf %mul3A_1479, %get3A_1478 : vector<16xf32>
      %add3A_1481 = arith.addf %add3A_1471, %mul3A_1480 : vector<16xf32>
      %slice3A_1482 = vector.extract_strided_slice %add3A_774 {offsets = [5], sizes = [1], strides = [1]} : vector<16xf32> to vector<1xf32>
      %squeeze3A_1483 = vector.extract %slice3A_1482[0] : f32 from vector<1xf32>
      %get3A_1484 = arith.constant 69 : i32
      %get3A_1485 = arith.index_cast %get3A_1484 : i32 to index
      %get3A_1486 = arith.constant 0 : index
      %get3A_1487 = tpu.vector_load %arg13[%get3A_1485, %get3A_1486] {strides = array<i32>} : memref<128x16xf32, #tpu.memory_space<vmem>>, vector<1x16xf32>,
      %get3A_1488 = vector.shape_cast %get3A_1487 : vector<1x16xf32> to vector<16xf32>
      %mul3A_1489 = vector.broadcast %squeeze3A_1483 : f32 to vector<16xf32>
      %mul3A_1490 = arith.mulf %mul3A_1489, %get3A_1488 : vector<16xf32>
      %add3A_1491 = arith.addf %add3A_1481, %mul3A_1490 : vector<16xf32>
      %slice3A_1492 = vector.extract_strided_slice %add3A_774 {offsets = [6], sizes = [1], strides = [1]} : vector<16xf32> to vector<1xf32>
      %squeeze3A_1493 = vector.extract %slice3A_1492[0] : f32 from vector<1xf32>
      %get3A_1494 = arith.constant 70 : i32
      %get3A_1495 = arith.index_cast %get3A_1494 : i32 to index
      %get3A_1496 = arith.constant 0 : index
      %get3A_1497 = tpu.vector_load %arg13[%get3A_1495, %get3A_1496] {strides = array<i32>} : memref<128x16xf32, #tpu.memory_space<vmem>>, vector<1x16xf32>,
      %get3A_1498 = vector.shape_cast %get3A_1497 : vector<1x16xf32> to vector<16xf32>
      %mul3A_1499 = vector.broadcast %squeeze3A_1493 : f32 to vector<16xf32>
      %mul3A_1500 = arith.mulf %mul3A_1499, %get3A_1498 : vector<16xf32>
      %add3A_1501 = arith.addf %add3A_1491, %mul3A_1500 : vector<16xf32>
      %slice3A_1502 = vector.extract_strided_slice %add3A_774 {offsets = [7], sizes = [1], strides = [1]} : vector<16xf32> to vector<1xf32>
      %squeeze3A_1503 = vector.extract %slice3A_1502[0] : f32 from vector<1xf32>
      %get3A_1504 = arith.constant 71 : i32
      %get3A_1505 = arith.index_cast %get3A_1504 : i32 to index
      %get3A_1506 = arith.constant 0 : index
      %get3A_1507 = tpu.vector_load %arg13[%get3A_1505, %get3A_1506] {strides = array<i32>} : memref<128x16xf32, #tpu.memory_space<vmem>>, vector<1x16xf32>,
      %get3A_1508 = vector.shape_cast %get3A_1507 : vector<1x16xf32> to vector<16xf32>
      %mul3A_1509 = vector.broadcast %squeeze3A_1503 : f32 to vector<16xf32>
      %mul3A_1510 = arith.mulf %mul3A_1509, %get3A_1508 : vector<16xf32>
      %add3A_1511 = arith.addf %add3A_1501, %mul3A_1510 : vector<16xf32>
      %slice3A_1512 = vector.extract_strided_slice %add3A_774 {offsets = [8], sizes = [1], strides = [1]} : vector<16xf32> to vector<1xf32>
      %squeeze3A_1513 = vector.extract %slice3A_1512[0] : f32 from vector<1xf32>
      %get3A_1514 = arith.constant 72 : i32
      %get3A_1515 = arith.index_cast %get3A_1514 : i32 to index
      %get3A_1516 = arith.constant 0 : index
      %get3A_1517 = tpu.vector_load %arg13[%get3A_1515, %get3A_1516] {strides = array<i32>} : memref<128x16xf32, #tpu.memory_space<vmem>>, vector<1x16xf32>,
      %get3A_1518 = vector.shape_cast %get3A_1517 : vector<1x16xf32> to vector<16xf32>
      %mul3A_1519 = vector.broadcast %squeeze3A_1513 : f32 to vector<16xf32>
      %mul3A_1520 = arith.mulf %mul3A_1519, %get3A_1518 : vector<16xf32>
      %add3A_1521 = arith.addf %add3A_1511, %mul3A_1520 : vector<16xf32>
      %slice3A_1522 = vector.extract_strided_slice %add3A_774 {offsets = [9], sizes = [1], strides = [1]} : vector<16xf32> to vector<1xf32>
      %squeeze3A_1523 = vector.extract %slice3A_1522[0] : f32 from vector<1xf32>
      %get3A_1524 = arith.constant 73 : i32
      %get3A_1525 = arith.index_cast %get3A_1524 : i32 to index
      %get3A_1526 = arith.constant 0 : index
      %get3A_1527 = tpu.vector_load %arg13[%get3A_1525, %get3A_1526] {strides = array<i32>} : memref<128x16xf32, #tpu.memory_space<vmem>>, vector<1x16xf32>,
      %get3A_1528 = vector.shape_cast %get3A_1527 : vector<1x16xf32> to vector<16xf32>
      %mul3A_1529 = vector.broadcast %squeeze3A_1523 : f32 to vector<16xf32>
      %mul3A_1530 = arith.mulf %mul3A_1529, %get3A_1528 : vector<16xf32>
      %add3A_1531 = arith.addf %add3A_1521, %mul3A_1530 : vector<16xf32>
      %slice3A_1532 = vector.extract_strided_slice %add3A_774 {offsets = [10], sizes = [1], strides = [1]} : vector<16xf32> to vector<1xf32>
      %squeeze3A_1533 = vector.extract %slice3A_1532[0] : f32 from vector<1xf32>
      %get3A_1534 = arith.constant 74 : i32
      %get3A_1535 = arith.index_cast %get3A_1534 : i32 to index
      %get3A_1536 = arith.constant 0 : index
      %get3A_1537 = tpu.vector_load %arg13[%get3A_1535, %get3A_1536] {strides = array<i32>} : memref<128x16xf32, #tpu.memory_space<vmem>>, vector<1x16xf32>,
      %get3A_1538 = vector.shape_cast %get3A_1537 : vector<1x16xf32> to vector<16xf32>
      %mul3A_1539 = vector.broadcast %squeeze3A_1533 : f32 to vector<16xf32>
      %mul3A_1540 = arith.mulf %mul3A_1539, %get3A_1538 : vector<16xf32>
      %add3A_1541 = arith.addf %add3A_1531, %mul3A_1540 : vector<16xf32>
      %slice3A_1542 = vector.extract_strided_slice %add3A_774 {offsets = [11], sizes = [1], strides = [1]} : vector<16xf32> to vector<1xf32>
      %squeeze3A_1543 = vector.extract %slice3A_1542[0] : f32 from vector<1xf32>
      %get3A_1544 = arith.constant 75 : i32
      %get3A_1545 = arith.index_cast %get3A_1544 : i32 to index
      %get3A_1546 = arith.constant 0 : index
      %get3A_1547 = tpu.vector_load %arg13[%get3A_1545, %get3A_1546] {strides = array<i32>} : memref<128x16xf32, #tpu.memory_space<vmem>>, vector<1x16xf32>,
      %get3A_1548 = vector.shape_cast %get3A_1547 : vector<1x16xf32> to vector<16xf32>
      %mul3A_1549 = vector.broadcast %squeeze3A_1543 : f32 to vector<16xf32>
      %mul3A_1550 = arith.mulf %mul3A_1549, %get3A_1548 : vector<16xf32>
      %add3A_1551 = arith.addf %add3A_1541, %mul3A_1550 : vector<16xf32>
      %slice3A_1552 = vector.extract_strided_slice %add3A_774 {offsets = [12], sizes = [1], strides = [1]} : vector<16xf32> to vector<1xf32>
      %squeeze3A_1553 = vector.extract %slice3A_1552[0] : f32 from vector<1xf32>
      %get3A_1554 = arith.constant 76 : i32
      %get3A_1555 = arith.index_cast %get3A_1554 : i32 to index
      %get3A_1556 = arith.constant 0 : index
      %get3A_1557 = tpu.vector_load %arg13[%get3A_1555, %get3A_1556] {strides = array<i32>} : memref<128x16xf32, #tpu.memory_space<vmem>>, vector<1x16xf32>,
      %get3A_1558 = vector.shape_cast %get3A_1557 : vector<1x16xf32> to vector<16xf32>
      %mul3A_1559 = vector.broadcast %squeeze3A_1553 : f32 to vector<16xf32>
      %mul3A_1560 = arith.mulf %mul3A_1559, %get3A_1558 : vector<16xf32>
      %add3A_1561 = arith.addf %add3A_1551, %mul3A_1560 : vector<16xf32>
      %slice3A_1562 = vector.extract_strided_slice %add3A_774 {offsets = [13], sizes = [1], strides = [1]} : vector<16xf32> to vector<1xf32>
      %squeeze3A_1563 = vector.extract %slice3A_1562[0] : f32 from vector<1xf32>
      %get3A_1564 = arith.constant 77 : i32
      %get3A_1565 = arith.index_cast %get3A_1564 : i32 to index
      %get3A_1566 = arith.constant 0 : index
      %get3A_1567 = tpu.vector_load %arg13[%get3A_1565, %get3A_1566] {strides = array<i32>} : memref<128x16xf32, #tpu.memory_space<vmem>>, vector<1x16xf32>,
      %get3A_1568 = vector.shape_cast %get3A_1567 : vector<1x16xf32> to vector<16xf32>
      %mul3A_1569 = vector.broadcast %squeeze3A_1563 : f32 to vector<16xf32>
      %mul3A_1570 = arith.mulf %mul3A_1569, %get3A_1568 : vector<16xf32>
      %add3A_1571 = arith.addf %add3A_1561, %mul3A_1570 : vector<16xf32>
      %slice3A_1572 = vector.extract_strided_slice %add3A_774 {offsets = [14], sizes = [1], strides = [1]} : vector<16xf32> to vector<1xf32>
      %squeeze3A_1573 = vector.extract %slice3A_1572[0] : f32 from vector<1xf32>
      %get3A_1574 = arith.constant 78 : i32
      %get3A_1575 = arith.index_cast %get3A_1574 : i32 to index
      %get3A_1576 = arith.constant 0 : index
      %get3A_1577 = tpu.vector_load %arg13[%get3A_1575, %get3A_1576] {strides = array<i32>} : memref<128x16xf32, #tpu.memory_space<vmem>>, vector<1x16xf32>,
      %get3A_1578 = vector.shape_cast %get3A_1577 : vector<1x16xf32> to vector<16xf32>
      %mul3A_1579 = vector.broadcast %squeeze3A_1573 : f32 to vector<16xf32>
      %mul3A_1580 = arith.mulf %mul3A_1579, %get3A_1578 : vector<16xf32>
      %add3A_1581 = arith.addf %add3A_1571, %mul3A_1580 : vector<16xf32>
      %slice3A_1582 = vector.extract_strided_slice %add3A_774 {offsets = [15], sizes = [1], strides = [1]} : vector<16xf32> to vector<1xf32>
      %squeeze3A_1583 = vector.extract %slice3A_1582[0] : f32 from vector<1xf32>
      %get3A_1584 = arith.constant 79 : i32
      %get3A_1585 = arith.index_cast %get3A_1584 : i32 to index
      %get3A_1586 = arith.constant 0 : index
      %get3A_1587 = tpu.vector_load %arg13[%get3A_1585, %get3A_1586] {strides = array<i32>} : memref<128x16xf32, #tpu.memory_space<vmem>>, vector<1x16xf32>,
      %get3A_1588 = vector.shape_cast %get3A_1587 : vector<1x16xf32> to vector<16xf32>
      %mul3A_1589 = vector.broadcast %squeeze3A_1583 : f32 to vector<16xf32>
      %mul3A_1590 = arith.mulf %mul3A_1589, %get3A_1588 : vector<16xf32>
      %add3A_1591 = arith.addf %add3A_1581, %mul3A_1590 : vector<16xf32>
      %slice3A_1592 = vector.extract_strided_slice %add3A_780 {offsets = [0], sizes = [1], strides = [1]} : vector<16xf32> to vector<1xf32>
      %squeeze3A_1593 = vector.extract %slice3A_1592[0] : f32 from vector<1xf32>
      %get3A_1594 = arith.constant 80 : i32
      %get3A_1595 = arith.index_cast %get3A_1594 : i32 to index
      %get3A_1596 = arith.constant 0 : index
      %get3A_1597 = tpu.vector_load %arg13[%get3A_1595, %get3A_1596] {strides = array<i32>} : memref<128x16xf32, #tpu.memory_space<vmem>>, vector<1x16xf32>,
      %get3A_1598 = vector.shape_cast %get3A_1597 : vector<1x16xf32> to vector<16xf32>
      %mul3A_1599 = vector.broadcast %squeeze3A_1593 : f32 to vector<16xf32>
      %mul3A_1600 = arith.mulf %mul3A_1599, %get3A_1598 : vector<16xf32>
      %add3A_1601 = arith.addf %add3A_1591, %mul3A_1600 : vector<16xf32>
      %slice3A_1602 = vector.extract_strided_slice %add3A_780 {offsets = [1], sizes = [1], strides = [1]} : vector<16xf32> to vector<1xf32>
      %squeeze3A_1603 = vector.extract %slice3A_1602[0] : f32 from vector<1xf32>
      %get3A_1604 = arith.constant 81 : i32
      %get3A_1605 = arith.index_cast %get3A_1604 : i32 to index
      %get3A_1606 = arith.constant 0 : index
      %get3A_1607 = tpu.vector_load %arg13[%get3A_1605, %get3A_1606] {strides = array<i32>} : memref<128x16xf32, #tpu.memory_space<vmem>>, vector<1x16xf32>,
      %get3A_1608 = vector.shape_cast %get3A_1607 : vector<1x16xf32> to vector<16xf32>
      %mul3A_1609 = vector.broadcast %squeeze3A_1603 : f32 to vector<16xf32>
      %mul3A_1610 = arith.mulf %mul3A_1609, %get3A_1608 : vector<16xf32>
      %add3A_1611 = arith.addf %add3A_1601, %mul3A_1610 : vector<16xf32>
      %slice3A_1612 = vector.extract_strided_slice %add3A_780 {offsets = [2], sizes = [1], strides = [1]} : vector<16xf32> to vector<1xf32>
      %squeeze3A_1613 = vector.extract %slice3A_1612[0] : f32 from vector<1xf32>
      %get3A_1614 = arith.constant 82 : i32
      %get3A_1615 = arith.index_cast %get3A_1614 : i32 to index
      %get3A_1616 = arith.constant 0 : index
      %get3A_1617 = tpu.vector_load %arg13[%get3A_1615, %get3A_1616] {strides = array<i32>} : memref<128x16xf32, #tpu.memory_space<vmem>>, vector<1x16xf32>,
      %get3A_1618 = vector.shape_cast %get3A_1617 : vector<1x16xf32> to vector<16xf32>
      %mul3A_1619 = vector.broadcast %squeeze3A_1613 : f32 to vector<16xf32>
      %mul3A_1620 = arith.mulf %mul3A_1619, %get3A_1618 : vector<16xf32>
      %add3A_1621 = arith.addf %add3A_1611, %mul3A_1620 : vector<16xf32>
      %slice3A_1622 = vector.extract_strided_slice %add3A_780 {offsets = [3], sizes = [1], strides = [1]} : vector<16xf32> to vector<1xf32>
      %squeeze3A_1623 = vector.extract %slice3A_1622[0] : f32 from vector<1xf32>
      %get3A_1624 = arith.constant 83 : i32
      %get3A_1625 = arith.index_cast %get3A_1624 : i32 to index
      %get3A_1626 = arith.constant 0 : index
      %get3A_1627 = tpu.vector_load %arg13[%get3A_1625, %get3A_1626] {strides = array<i32>} : memref<128x16xf32, #tpu.memory_space<vmem>>, vector<1x16xf32>,
      %get3A_1628 = vector.shape_cast %get3A_1627 : vector<1x16xf32> to vector<16xf32>
      %mul3A_1629 = vector.broadcast %squeeze3A_1623 : f32 to vector<16xf32>
      %mul3A_1630 = arith.mulf %mul3A_1629, %get3A_1628 : vector<16xf32>
      %add3A_1631 = arith.addf %add3A_1621, %mul3A_1630 : vector<16xf32>
      %slice3A_1632 = vector.extract_strided_slice %add3A_780 {offsets = [4], sizes = [1], strides = [1]} : vector<16xf32> to vector<1xf32>
      %squeeze3A_1633 = vector.extract %slice3A_1632[0] : f32 from vector<1xf32>
      %get3A_1634 = arith.constant 84 : i32
      %get3A_1635 = arith.index_cast %get3A_1634 : i32 to index
      %get3A_1636 = arith.constant 0 : index
      %get3A_1637 = tpu.vector_load %arg13[%get3A_1635, %get3A_1636] {strides = array<i32>} : memref<128x16xf32, #tpu.memory_space<vmem>>, vector<1x16xf32>,
      %get3A_1638 = vector.shape_cast %get3A_1637 : vector<1x16xf32> to vector<16xf32>
      %mul3A_1639 = vector.broadcast %squeeze3A_1633 : f32 to vector<16xf32>
      %mul3A_1640 = arith.mulf %mul3A_1639, %get3A_1638 : vector<16xf32>
      %add3A_1641 = arith.addf %add3A_1631, %mul3A_1640 : vector<16xf32>
      %slice3A_1642 = vector.extract_strided_slice %add3A_780 {offsets = [5], sizes = [1], strides = [1]} : vector<16xf32> to vector<1xf32>
      %squeeze3A_1643 = vector.extract %slice3A_1642[0] : f32 from vector<1xf32>
      %get3A_1644 = arith.constant 85 : i32
      %get3A_1645 = arith.index_cast %get3A_1644 : i32 to index
      %get3A_1646 = arith.constant 0 : index
      %get3A_1647 = tpu.vector_load %arg13[%get3A_1645, %get3A_1646] {strides = array<i32>} : memref<128x16xf32, #tpu.memory_space<vmem>>, vector<1x16xf32>,
      %get3A_1648 = vector.shape_cast %get3A_1647 : vector<1x16xf32> to vector<16xf32>
      %mul3A_1649 = vector.broadcast %squeeze3A_1643 : f32 to vector<16xf32>
      %mul3A_1650 = arith.mulf %mul3A_1649, %get3A_1648 : vector<16xf32>
      %add3A_1651 = arith.addf %add3A_1641, %mul3A_1650 : vector<16xf32>
      %slice3A_1652 = vector.extract_strided_slice %add3A_780 {offsets = [6], sizes = [1], strides = [1]} : vector<16xf32> to vector<1xf32>
      %squeeze3A_1653 = vector.extract %slice3A_1652[0] : f32 from vector<1xf32>
      %get3A_1654 = arith.constant 86 : i32
      %get3A_1655 = arith.index_cast %get3A_1654 : i32 to index
      %get3A_1656 = arith.constant 0 : index
      %get3A_1657 = tpu.vector_load %arg13[%get3A_1655, %get3A_1656] {strides = array<i32>} : memref<128x16xf32, #tpu.memory_space<vmem>>, vector<1x16xf32>,
      %get3A_1658 = vector.shape_cast %get3A_1657 : vector<1x16xf32> to vector<16xf32>
      %mul3A_1659 = vector.broadcast %squeeze3A_1653 : f32 to vector<16xf32>
      %mul3A_1660 = arith.mulf %mul3A_1659, %get3A_1658 : vector<16xf32>
      %add3A_1661 = arith.addf %add3A_1651, %mul3A_1660 : vector<16xf32>
      %slice3A_1662 = vector.extract_strided_slice %add3A_780 {offsets = [7], sizes = [1], strides = [1]} : vector<16xf32> to vector<1xf32>
      %squeeze3A_1663 = vector.extract %slice3A_1662[0] : f32 from vector<1xf32>
      %get3A_1664 = arith.constant 87 : i32
      %get3A_1665 = arith.index_cast %get3A_1664 : i32 to index
      %get3A_1666 = arith.constant 0 : index
      %get3A_1667 = tpu.vector_load %arg13[%get3A_1665, %get3A_1666] {strides = array<i32>} : memref<128x16xf32, #tpu.memory_space<vmem>>, vector<1x16xf32>,
      %get3A_1668 = vector.shape_cast %get3A_1667 : vector<1x16xf32> to vector<16xf32>
      %mul3A_1669 = vector.broadcast %squeeze3A_1663 : f32 to vector<16xf32>
      %mul3A_1670 = arith.mulf %mul3A_1669, %get3A_1668 : vector<16xf32>
      %add3A_1671 = arith.addf %add3A_1661, %mul3A_1670 : vector<16xf32>
      %slice3A_1672 = vector.extract_strided_slice %add3A_780 {offsets = [8], sizes = [1], strides = [1]} : vector<16xf32> to vector<1xf32>
      %squeeze3A_1673 = vector.extract %slice3A_1672[0] : f32 from vector<1xf32>
      %get3A_1674 = arith.constant 88 : i32
      %get3A_1675 = arith.index_cast %get3A_1674 : i32 to index
      %get3A_1676 = arith.constant 0 : index
      %get3A_1677 = tpu.vector_load %arg13[%get3A_1675, %get3A_1676] {strides = array<i32>} : memref<128x16xf32, #tpu.memory_space<vmem>>, vector<1x16xf32>,
      %get3A_1678 = vector.shape_cast %get3A_1677 : vector<1x16xf32> to vector<16xf32>
      %mul3A_1679 = vector.broadcast %squeeze3A_1673 : f32 to vector<16xf32>
      %mul3A_1680 = arith.mulf %mul3A_1679, %get3A_1678 : vector<16xf32>
      %add3A_1681 = arith.addf %add3A_1671, %mul3A_1680 : vector<16xf32>
      %slice3A_1682 = vector.extract_strided_slice %add3A_780 {offsets = [9], sizes = [1], strides = [1]} : vector<16xf32> to vector<1xf32>
      %squeeze3A_1683 = vector.extract %slice3A_1682[0] : f32 from vector<1xf32>
      %get3A_1684 = arith.constant 89 : i32
      %get3A_1685 = arith.index_cast %get3A_1684 : i32 to index
      %get3A_1686 = arith.constant 0 : index
      %get3A_1687 = tpu.vector_load %arg13[%get3A_1685, %get3A_1686] {strides = array<i32>} : memref<128x16xf32, #tpu.memory_space<vmem>>, vector<1x16xf32>,
      %get3A_1688 = vector.shape_cast %get3A_1687 : vector<1x16xf32> to vector<16xf32>
      %mul3A_1689 = vector.broadcast %squeeze3A_1683 : f32 to vector<16xf32>
      %mul3A_1690 = arith.mulf %mul3A_1689, %get3A_1688 : vector<16xf32>
      %add3A_1691 = arith.addf %add3A_1681, %mul3A_1690 : vector<16xf32>
      %slice3A_1692 = vector.extract_strided_slice %add3A_780 {offsets = [10], sizes = [1], strides = [1]} : vector<16xf32> to vector<1xf32>
      %squeeze3A_1693 = vector.extract %slice3A_1692[0] : f32 from vector<1xf32>
      %get3A_1694 = arith.constant 90 : i32
      %get3A_1695 = arith.index_cast %get3A_1694 : i32 to index
      %get3A_1696 = arith.constant 0 : index
      %get3A_1697 = tpu.vector_load %arg13[%get3A_1695, %get3A_1696] {strides = array<i32>} : memref<128x16xf32, #tpu.memory_space<vmem>>, vector<1x16xf32>,
      %get3A_1698 = vector.shape_cast %get3A_1697 : vector<1x16xf32> to vector<16xf32>
      %mul3A_1699 = vector.broadcast %squeeze3A_1693 : f32 to vector<16xf32>
      %mul3A_1700 = arith.mulf %mul3A_1699, %get3A_1698 : vector<16xf32>
      %add3A_1701 = arith.addf %add3A_1691, %mul3A_1700 : vector<16xf32>
      %slice3A_1702 = vector.extract_strided_slice %add3A_780 {offsets = [11], sizes = [1], strides = [1]} : vector<16xf32> to vector<1xf32>
      %squeeze3A_1703 = vector.extract %slice3A_1702[0] : f32 from vector<1xf32>
      %get3A_1704 = arith.constant 91 : i32
      %get3A_1705 = arith.index_cast %get3A_1704 : i32 to index
      %get3A_1706 = arith.constant 0 : index
      %get3A_1707 = tpu.vector_load %arg13[%get3A_1705, %get3A_1706] {strides = array<i32>} : memref<128x16xf32, #tpu.memory_space<vmem>>, vector<1x16xf32>,
      %get3A_1708 = vector.shape_cast %get3A_1707 : vector<1x16xf32> to vector<16xf32>
      %mul3A_1709 = vector.broadcast %squeeze3A_1703 : f32 to vector<16xf32>
      %mul3A_1710 = arith.mulf %mul3A_1709, %get3A_1708 : vector<16xf32>
      %add3A_1711 = arith.addf %add3A_1701, %mul3A_1710 : vector<16xf32>
      %slice3A_1712 = vector.extract_strided_slice %add3A_780 {offsets = [12], sizes = [1], strides = [1]} : vector<16xf32> to vector<1xf32>
      %squeeze3A_1713 = vector.extract %slice3A_1712[0] : f32 from vector<1xf32>
      %get3A_1714 = arith.constant 92 : i32
      %get3A_1715 = arith.index_cast %get3A_1714 : i32 to index
      %get3A_1716 = arith.constant 0 : index
      %get3A_1717 = tpu.vector_load %arg13[%get3A_1715, %get3A_1716] {strides = array<i32>} : memref<128x16xf32, #tpu.memory_space<vmem>>, vector<1x16xf32>,
      %get3A_1718 = vector.shape_cast %get3A_1717 : vector<1x16xf32> to vector<16xf32>
      %mul3A_1719 = vector.broadcast %squeeze3A_1713 : f32 to vector<16xf32>
      %mul3A_1720 = arith.mulf %mul3A_1719, %get3A_1718 : vector<16xf32>
      %add3A_1721 = arith.addf %add3A_1711, %mul3A_1720 : vector<16xf32>
      %slice3A_1722 = vector.extract_strided_slice %add3A_780 {offsets = [13], sizes = [1], strides = [1]} : vector<16xf32> to vector<1xf32>
      %squeeze3A_1723 = vector.extract %slice3A_1722[0] : f32 from vector<1xf32>
      %get3A_1724 = arith.constant 93 : i32
      %get3A_1725 = arith.index_cast %get3A_1724 : i32 to index
      %get3A_1726 = arith.constant 0 : index
      %get3A_1727 = tpu.vector_load %arg13[%get3A_1725, %get3A_1726] {strides = array<i32>} : memref<128x16xf32, #tpu.memory_space<vmem>>, vector<1x16xf32>,
      %get3A_1728 = vector.shape_cast %get3A_1727 : vector<1x16xf32> to vector<16xf32>
      %mul3A_1729 = vector.broadcast %squeeze3A_1723 : f32 to vector<16xf32>
      %mul3A_1730 = arith.mulf %mul3A_1729, %get3A_1728 : vector<16xf32>
      %add3A_1731 = arith.addf %add3A_1721, %mul3A_1730 : vector<16xf32>
      %slice3A_1732 = vector.extract_strided_slice %add3A_780 {offsets = [14], sizes = [1], strides = [1]} : vector<16xf32> to vector<1xf32>
      %squeeze3A_1733 = vector.extract %slice3A_1732[0] : f32 from vector<1xf32>
      %get3A_1734 = arith.constant 94 : i32
      %get3A_1735 = arith.index_cast %get3A_1734 : i32 to index
      %get3A_1736 = arith.constant 0 : index
      %get3A_1737 = tpu.vector_load %arg13[%get3A_1735, %get3A_1736] {strides = array<i32>} : memref<128x16xf32, #tpu.memory_space<vmem>>, vector<1x16xf32>,
      %get3A_1738 = vector.shape_cast %get3A_1737 : vector<1x16xf32> to vector<16xf32>
      %mul3A_1739 = vector.broadcast %squeeze3A_1733 : f32 to vector<16xf32>
      %mul3A_1740 = arith.mulf %mul3A_1739, %get3A_1738 : vector<16xf32>
      %add3A_1741 = arith.addf %add3A_1731, %mul3A_1740 : vector<16xf32>
      %slice3A_1742 = vector.extract_strided_slice %add3A_780 {offsets = [15], sizes = [1], strides = [1]} : vector<16xf32> to vector<1xf32>
      %squeeze3A_1743 = vector.extract %slice3A_1742[0] : f32 from vector<1xf32>
      %get3A_1744 = arith.constant 95 : i32
      %get3A_1745 = arith.index_cast %get3A_1744 : i32 to index
      %get3A_1746 = arith.constant 0 : index
      %get3A_1747 = tpu.vector_load %arg13[%get3A_1745, %get3A_1746] {strides = array<i32>} : memref<128x16xf32, #tpu.memory_space<vmem>>, vector<1x16xf32>,
      %get3A_1748 = vector.shape_cast %get3A_1747 : vector<1x16xf32> to vector<16xf32>
      %mul3A_1749 = vector.broadcast %squeeze3A_1743 : f32 to vector<16xf32>
      %mul3A_1750 = arith.mulf %mul3A_1749, %get3A_1748 : vector<16xf32>
      %add3A_1751 = arith.addf %add3A_1741, %mul3A_1750 : vector<16xf32>
      %slice3A_1752 = vector.extract_strided_slice %add3A_786 {offsets = [0], sizes = [1], strides = [1]} : vector<16xf32> to vector<1xf32>
      %squeeze3A_1753 = vector.extract %slice3A_1752[0] : f32 from vector<1xf32>
      %get3A_1754 = arith.constant 96 : i32
      %get3A_1755 = arith.index_cast %get3A_1754 : i32 to index
      %get3A_1756 = arith.constant 0 : index
      %get3A_1757 = tpu.vector_load %arg13[%get3A_1755, %get3A_1756] {strides = array<i32>} : memref<128x16xf32, #tpu.memory_space<vmem>>, vector<1x16xf32>,
      %get3A_1758 = vector.shape_cast %get3A_1757 : vector<1x16xf32> to vector<16xf32>
      %mul3A_1759 = vector.broadcast %squeeze3A_1753 : f32 to vector<16xf32>
      %mul3A_1760 = arith.mulf %mul3A_1759, %get3A_1758 : vector<16xf32>
      %add3A_1761 = arith.addf %add3A_1751, %mul3A_1760 : vector<16xf32>
      %slice3A_1762 = vector.extract_strided_slice %add3A_786 {offsets = [1], sizes = [1], strides = [1]} : vector<16xf32> to vector<1xf32>
      %squeeze3A_1763 = vector.extract %slice3A_1762[0] : f32 from vector<1xf32>
      %get3A_1764 = arith.constant 97 : i32
      %get3A_1765 = arith.index_cast %get3A_1764 : i32 to index
      %get3A_1766 = arith.constant 0 : index
      %get3A_1767 = tpu.vector_load %arg13[%get3A_1765, %get3A_1766] {strides = array<i32>} : memref<128x16xf32, #tpu.memory_space<vmem>>, vector<1x16xf32>,
      %get3A_1768 = vector.shape_cast %get3A_1767 : vector<1x16xf32> to vector<16xf32>
      %mul3A_1769 = vector.broadcast %squeeze3A_1763 : f32 to vector<16xf32>
      %mul3A_1770 = arith.mulf %mul3A_1769, %get3A_1768 : vector<16xf32>
      %add3A_1771 = arith.addf %add3A_1761, %mul3A_1770 : vector<16xf32>
      %slice3A_1772 = vector.extract_strided_slice %add3A_786 {offsets = [2], sizes = [1], strides = [1]} : vector<16xf32> to vector<1xf32>
      %squeeze3A_1773 = vector.extract %slice3A_1772[0] : f32 from vector<1xf32>
      %get3A_1774 = arith.constant 98 : i32
      %get3A_1775 = arith.index_cast %get3A_1774 : i32 to index
      %get3A_1776 = arith.constant 0 : index
      %get3A_1777 = tpu.vector_load %arg13[%get3A_1775, %get3A_1776] {strides = array<i32>} : memref<128x16xf32, #tpu.memory_space<vmem>>, vector<1x16xf32>,
      %get3A_1778 = vector.shape_cast %get3A_1777 : vector<1x16xf32> to vector<16xf32>
      %mul3A_1779 = vector.broadcast %squeeze3A_1773 : f32 to vector<16xf32>
      %mul3A_1780 = arith.mulf %mul3A_1779, %get3A_1778 : vector<16xf32>
      %add3A_1781 = arith.addf %add3A_1771, %mul3A_1780 : vector<16xf32>
      %slice3A_1782 = vector.extract_strided_slice %add3A_786 {offsets = [3], sizes = [1], strides = [1]} : vector<16xf32> to vector<1xf32>
      %squeeze3A_1783 = vector.extract %slice3A_1782[0] : f32 from vector<1xf32>
      %get3A_1784 = arith.constant 99 : i32
      %get3A_1785 = arith.index_cast %get3A_1784 : i32 to index
      %get3A_1786 = arith.constant 0 : index
      %get3A_1787 = tpu.vector_load %arg13[%get3A_1785, %get3A_1786] {strides = array<i32>} : memref<128x16xf32, #tpu.memory_space<vmem>>, vector<1x16xf32>,
      %get3A_1788 = vector.shape_cast %get3A_1787 : vector<1x16xf32> to vector<16xf32>
      %mul3A_1789 = vector.broadcast %squeeze3A_1783 : f32 to vector<16xf32>
      %mul3A_1790 = arith.mulf %mul3A_1789, %get3A_1788 : vector<16xf32>
      %add3A_1791 = arith.addf %add3A_1781, %mul3A_1790 : vector<16xf32>
      %slice3A_1792 = vector.extract_strided_slice %add3A_786 {offsets = [4], sizes = [1], strides = [1]} : vector<16xf32> to vector<1xf32>
      %squeeze3A_1793 = vector.extract %slice3A_1792[0] : f32 from vector<1xf32>
      %get3A_1794 = arith.constant 100 : i32
      %get3A_1795 = arith.index_cast %get3A_1794 : i32 to index
      %get3A_1796 = arith.constant 0 : index
      %get3A_1797 = tpu.vector_load %arg13[%get3A_1795, %get3A_1796] {strides = array<i32>} : memref<128x16xf32, #tpu.memory_space<vmem>>, vector<1x16xf32>,
      %get3A_1798 = vector.shape_cast %get3A_1797 : vector<1x16xf32> to vector<16xf32>
      %mul3A_1799 = vector.broadcast %squeeze3A_1793 : f32 to vector<16xf32>
      %mul3A_1800 = arith.mulf %mul3A_1799, %get3A_1798 : vector<16xf32>
      %add3A_1801 = arith.addf %add3A_1791, %mul3A_1800 : vector<16xf32>
      %slice3A_1802 = vector.extract_strided_slice %add3A_786 {offsets = [5], sizes = [1], strides = [1]} : vector<16xf32> to vector<1xf32>
      %squeeze3A_1803 = vector.extract %slice3A_1802[0] : f32 from vector<1xf32>
      %get3A_1804 = arith.constant 101 : i32
      %get3A_1805 = arith.index_cast %get3A_1804 : i32 to index
      %get3A_1806 = arith.constant 0 : index
      %get3A_1807 = tpu.vector_load %arg13[%get3A_1805, %get3A_1806] {strides = array<i32>} : memref<128x16xf32, #tpu.memory_space<vmem>>, vector<1x16xf32>,
      %get3A_1808 = vector.shape_cast %get3A_1807 : vector<1x16xf32> to vector<16xf32>
      %mul3A_1809 = vector.broadcast %squeeze3A_1803 : f32 to vector<16xf32>
      %mul3A_1810 = arith.mulf %mul3A_1809, %get3A_1808 : vector<16xf32>
      %add3A_1811 = arith.addf %add3A_1801, %mul3A_1810 : vector<16xf32>
      %slice3A_1812 = vector.extract_strided_slice %add3A_786 {offsets = [6], sizes = [1], strides = [1]} : vector<16xf32> to vector<1xf32>
      %squeeze3A_1813 = vector.extract %slice3A_1812[0] : f32 from vector<1xf32>
      %get3A_1814 = arith.constant 102 : i32
      %get3A_1815 = arith.index_cast %get3A_1814 : i32 to index
      %get3A_1816 = arith.constant 0 : index
      %get3A_1817 = tpu.vector_load %arg13[%get3A_1815, %get3A_1816] {strides = array<i32>} : memref<128x16xf32, #tpu.memory_space<vmem>>, vector<1x16xf32>,
      %get3A_1818 = vector.shape_cast %get3A_1817 : vector<1x16xf32> to vector<16xf32>
      %mul3A_1819 = vector.broadcast %squeeze3A_1813 : f32 to vector<16xf32>
      %mul3A_1820 = arith.mulf %mul3A_1819, %get3A_1818 : vector<16xf32>
      %add3A_1821 = arith.addf %add3A_1811, %mul3A_1820 : vector<16xf32>
      %slice3A_1822 = vector.extract_strided_slice %add3A_786 {offsets = [7], sizes = [1], strides = [1]} : vector<16xf32> to vector<1xf32>
      %squeeze3A_1823 = vector.extract %slice3A_1822[0] : f32 from vector<1xf32>
      %get3A_1824 = arith.constant 103 : i32
      %get3A_1825 = arith.index_cast %get3A_1824 : i32 to index
      %get3A_1826 = arith.constant 0 : index
      %get3A_1827 = tpu.vector_load %arg13[%get3A_1825, %get3A_1826] {strides = array<i32>} : memref<128x16xf32, #tpu.memory_space<vmem>>, vector<1x16xf32>,
      %get3A_1828 = vector.shape_cast %get3A_1827 : vector<1x16xf32> to vector<16xf32>
      %mul3A_1829 = vector.broadcast %squeeze3A_1823 : f32 to vector<16xf32>
      %mul3A_1830 = arith.mulf %mul3A_1829, %get3A_1828 : vector<16xf32>
      %add3A_1831 = arith.addf %add3A_1821, %mul3A_1830 : vector<16xf32>
      %slice3A_1832 = vector.extract_strided_slice %add3A_786 {offsets = [8], sizes = [1], strides = [1]} : vector<16xf32> to vector<1xf32>
      %squeeze3A_1833 = vector.extract %slice3A_1832[0] : f32 from vector<1xf32>
      %get3A_1834 = arith.constant 104 : i32
      %get3A_1835 = arith.index_cast %get3A_1834 : i32 to index
      %get3A_1836 = arith.constant 0 : index
      %get3A_1837 = tpu.vector_load %arg13[%get3A_1835, %get3A_1836] {strides = array<i32>} : memref<128x16xf32, #tpu.memory_space<vmem>>, vector<1x16xf32>,
      %get3A_1838 = vector.shape_cast %get3A_1837 : vector<1x16xf32> to vector<16xf32>
      %mul3A_1839 = vector.broadcast %squeeze3A_1833 : f32 to vector<16xf32>
      %mul3A_1840 = arith.mulf %mul3A_1839, %get3A_1838 : vector<16xf32>
      %add3A_1841 = arith.addf %add3A_1831, %mul3A_1840 : vector<16xf32>
      %slice3A_1842 = vector.extract_strided_slice %add3A_786 {offsets = [9], sizes = [1], strides = [1]} : vector<16xf32> to vector<1xf32>
      %squeeze3A_1843 = vector.extract %slice3A_1842[0] : f32 from vector<1xf32>
      %get3A_1844 = arith.constant 105 : i32
      %get3A_1845 = arith.index_cast %get3A_1844 : i32 to index
      %get3A_1846 = arith.constant 0 : index
      %get3A_1847 = tpu.vector_load %arg13[%get3A_1845, %get3A_1846] {strides = array<i32>} : memref<128x16xf32, #tpu.memory_space<vmem>>, vector<1x16xf32>,
      %get3A_1848 = vector.shape_cast %get3A_1847 : vector<1x16xf32> to vector<16xf32>
      %mul3A_1849 = vector.broadcast %squeeze3A_1843 : f32 to vector<16xf32>
      %mul3A_1850 = arith.mulf %mul3A_1849, %get3A_1848 : vector<16xf32>
      %add3A_1851 = arith.addf %add3A_1841, %mul3A_1850 : vector<16xf32>
      %slice3A_1852 = vector.extract_strided_slice %add3A_786 {offsets = [10], sizes = [1], strides = [1]} : vector<16xf32> to vector<1xf32>
      %squeeze3A_1853 = vector.extract %slice3A_1852[0] : f32 from vector<1xf32>
      %get3A_1854 = arith.constant 106 : i32
      %get3A_1855 = arith.index_cast %get3A_1854 : i32 to index
      %get3A_1856 = arith.constant 0 : index
      %get3A_1857 = tpu.vector_load %arg13[%get3A_1855, %get3A_1856] {strides = array<i32>} : memref<128x16xf32, #tpu.memory_space<vmem>>, vector<1x16xf32>,
      %get3A_1858 = vector.shape_cast %get3A_1857 : vector<1x16xf32> to vector<16xf32>
      %mul3A_1859 = vector.broadcast %squeeze3A_1853 : f32 to vector<16xf32>
      %mul3A_1860 = arith.mulf %mul3A_1859, %get3A_1858 : vector<16xf32>
      %add3A_1861 = arith.addf %add3A_1851, %mul3A_1860 : vector<16xf32>
      %slice3A_1862 = vector.extract_strided_slice %add3A_786 {offsets = [11], sizes = [1], strides = [1]} : vector<16xf32> to vector<1xf32>
      %squeeze3A_1863 = vector.extract %slice3A_1862[0] : f32 from vector<1xf32>
      %get3A_1864 = arith.constant 107 : i32
      %get3A_1865 = arith.index_cast %get3A_1864 : i32 to index
      %get3A_1866 = arith.constant 0 : index
      %get3A_1867 = tpu.vector_load %arg13[%get3A_1865, %get3A_1866] {strides = array<i32>} : memref<128x16xf32, #tpu.memory_space<vmem>>, vector<1x16xf32>,
      %get3A_1868 = vector.shape_cast %get3A_1867 : vector<1x16xf32> to vector<16xf32>
      %mul3A_1869 = vector.broadcast %squeeze3A_1863 : f32 to vector<16xf32>
      %mul3A_1870 = arith.mulf %mul3A_1869, %get3A_1868 : vector<16xf32>
      %add3A_1871 = arith.addf %add3A_1861, %mul3A_1870 : vector<16xf32>
      %slice3A_1872 = vector.extract_strided_slice %add3A_786 {offsets = [12], sizes = [1], strides = [1]} : vector<16xf32> to vector<1xf32>
      %squeeze3A_1873 = vector.extract %slice3A_1872[0] : f32 from vector<1xf32>
      %get3A_1874 = arith.constant 108 : i32
      %get3A_1875 = arith.index_cast %get3A_1874 : i32 to index
      %get3A_1876 = arith.constant 0 : index
      %get3A_1877 = tpu.vector_load %arg13[%get3A_1875, %get3A_1876] {strides = array<i32>} : memref<128x16xf32, #tpu.memory_space<vmem>>, vector<1x16xf32>,
      %get3A_1878 = vector.shape_cast %get3A_1877 : vector<1x16xf32> to vector<16xf32>
      %mul3A_1879 = vector.broadcast %squeeze3A_1873 : f32 to vector<16xf32>
      %mul3A_1880 = arith.mulf %mul3A_1879, %get3A_1878 : vector<16xf32>
      %add3A_1881 = arith.addf %add3A_1871, %mul3A_1880 : vector<16xf32>
      %slice3A_1882 = vector.extract_strided_slice %add3A_786 {offsets = [13], sizes = [1], strides = [1]} : vector<16xf32> to vector<1xf32>
      %squeeze3A_1883 = vector.extract %slice3A_1882[0] : f32 from vector<1xf32>
      %get3A_1884 = arith.constant 109 : i32
      %get3A_1885 = arith.index_cast %get3A_1884 : i32 to index
      %get3A_1886 = arith.constant 0 : index
      %get3A_1887 = tpu.vector_load %arg13[%get3A_1885, %get3A_1886] {strides = array<i32>} : memref<128x16xf32, #tpu.memory_space<vmem>>, vector<1x16xf32>,
      %get3A_1888 = vector.shape_cast %get3A_1887 : vector<1x16xf32> to vector<16xf32>
      %mul3A_1889 = vector.broadcast %squeeze3A_1883 : f32 to vector<16xf32>
      %mul3A_1890 = arith.mulf %mul3A_1889, %get3A_1888 : vector<16xf32>
      %add3A_1891 = arith.addf %add3A_1881, %mul3A_1890 : vector<16xf32>
      %slice3A_1892 = vector.extract_strided_slice %add3A_786 {offsets = [14], sizes = [1], strides = [1]} : vector<16xf32> to vector<1xf32>
      %squeeze3A_1893 = vector.extract %slice3A_1892[0] : f32 from vector<1xf32>
      %get3A_1894 = arith.constant 110 : i32
      %get3A_1895 = arith.index_cast %get3A_1894 : i32 to index
      %get3A_1896 = arith.constant 0 : index
      %get3A_1897 = tpu.vector_load %arg13[%get3A_1895, %get3A_1896] {strides = array<i32>} : memref<128x16xf32, #tpu.memory_space<vmem>>, vector<1x16xf32>,
      %get3A_1898 = vector.shape_cast %get3A_1897 : vector<1x16xf32> to vector<16xf32>
      %mul3A_1899 = vector.broadcast %squeeze3A_1893 : f32 to vector<16xf32>
      %mul3A_1900 = arith.mulf %mul3A_1899, %get3A_1898 : vector<16xf32>
      %add3A_1901 = arith.addf %add3A_1891, %mul3A_1900 : vector<16xf32>
      %slice3A_1902 = vector.extract_strided_slice %add3A_786 {offsets = [15], sizes = [1], strides = [1]} : vector<16xf32> to vector<1xf32>
      %squeeze3A_1903 = vector.extract %slice3A_1902[0] : f32 from vector<1xf32>
      %get3A_1904 = arith.constant 111 : i32
      %get3A_1905 = arith.index_cast %get3A_1904 : i32 to index
      %get3A_1906 = arith.constant 0 : index
      %get3A_1907 = tpu.vector_load %arg13[%get3A_1905, %get3A_1906] {strides = array<i32>} : memref<128x16xf32, #tpu.memory_space<vmem>>, vector<1x16xf32>,
      %get3A_1908 = vector.shape_cast %get3A_1907 : vector<1x16xf32> to vector<16xf32>
      %mul3A_1909 = vector.broadcast %squeeze3A_1903 : f32 to vector<16xf32>
      %mul3A_1910 = arith.mulf %mul3A_1909, %get3A_1908 : vector<16xf32>
      %add3A_1911 = arith.addf %add3A_1901, %mul3A_1910 : vector<16xf32>
      %slice3A_1912 = vector.extract_strided_slice %add3A_792 {offsets = [0], sizes = [1], strides = [1]} : vector<16xf32> to vector<1xf32>
      %squeeze3A_1913 = vector.extract %slice3A_1912[0] : f32 from vector<1xf32>
      %get3A_1914 = arith.constant 112 : i32
      %get3A_1915 = arith.index_cast %get3A_1914 : i32 to index
      %get3A_1916 = arith.constant 0 : index
      %get3A_1917 = tpu.vector_load %arg13[%get3A_1915, %get3A_1916] {strides = array<i32>} : memref<128x16xf32, #tpu.memory_space<vmem>>, vector<1x16xf32>,
      %get3A_1918 = vector.shape_cast %get3A_1917 : vector<1x16xf32> to vector<16xf32>
      %mul3A_1919 = vector.broadcast %squeeze3A_1913 : f32 to vector<16xf32>
      %mul3A_1920 = arith.mulf %mul3A_1919, %get3A_1918 : vector<16xf32>
      %add3A_1921 = arith.addf %add3A_1911, %mul3A_1920 : vector<16xf32>
      %slice3A_1922 = vector.extract_strided_slice %add3A_792 {offsets = [1], sizes = [1], strides = [1]} : vector<16xf32> to vector<1xf32>
      %squeeze3A_1923 = vector.extract %slice3A_1922[0] : f32 from vector<1xf32>
      %get3A_1924 = arith.constant 113 : i32
      %get3A_1925 = arith.index_cast %get3A_1924 : i32 to index
      %get3A_1926 = arith.constant 0 : index
      %get3A_1927 = tpu.vector_load %arg13[%get3A_1925, %get3A_1926] {strides = array<i32>} : memref<128x16xf32, #tpu.memory_space<vmem>>, vector<1x16xf32>,
      %get3A_1928 = vector.shape_cast %get3A_1927 : vector<1x16xf32> to vector<16xf32>
      %mul3A_1929 = vector.broadcast %squeeze3A_1923 : f32 to vector<16xf32>
      %mul3A_1930 = arith.mulf %mul3A_1929, %get3A_1928 : vector<16xf32>
      %add3A_1931 = arith.addf %add3A_1921, %mul3A_1930 : vector<16xf32>
      %slice3A_1932 = vector.extract_strided_slice %add3A_792 {offsets = [2], sizes = [1], strides = [1]} : vector<16xf32> to vector<1xf32>
      %squeeze3A_1933 = vector.extract %slice3A_1932[0] : f32 from vector<1xf32>
      %get3A_1934 = arith.constant 114 : i32
      %get3A_1935 = arith.index_cast %get3A_1934 : i32 to index
      %get3A_1936 = arith.constant 0 : index
      %get3A_1937 = tpu.vector_load %arg13[%get3A_1935, %get3A_1936] {strides = array<i32>} : memref<128x16xf32, #tpu.memory_space<vmem>>, vector<1x16xf32>,
      %get3A_1938 = vector.shape_cast %get3A_1937 : vector<1x16xf32> to vector<16xf32>
      %mul3A_1939 = vector.broadcast %squeeze3A_1933 : f32 to vector<16xf32>
      %mul3A_1940 = arith.mulf %mul3A_1939, %get3A_1938 : vector<16xf32>
      %add3A_1941 = arith.addf %add3A_1931, %mul3A_1940 : vector<16xf32>
      %slice3A_1942 = vector.extract_strided_slice %add3A_792 {offsets = [3], sizes = [1], strides = [1]} : vector<16xf32> to vector<1xf32>
      %squeeze3A_1943 = vector.extract %slice3A_1942[0] : f32 from vector<1xf32>
      %get3A_1944 = arith.constant 115 : i32
      %get3A_1945 = arith.index_cast %get3A_1944 : i32 to index
      %get3A_1946 = arith.constant 0 : index
      %get3A_1947 = tpu.vector_load %arg13[%get3A_1945, %get3A_1946] {strides = array<i32>} : memref<128x16xf32, #tpu.memory_space<vmem>>, vector<1x16xf32>,
      %get3A_1948 = vector.shape_cast %get3A_1947 : vector<1x16xf32> to vector<16xf32>
      %mul3A_1949 = vector.broadcast %squeeze3A_1943 : f32 to vector<16xf32>
      %mul3A_1950 = arith.mulf %mul3A_1949, %get3A_1948 : vector<16xf32>
      %add3A_1951 = arith.addf %add3A_1941, %mul3A_1950 : vector<16xf32>
      %slice3A_1952 = vector.extract_strided_slice %add3A_792 {offsets = [4], sizes = [1], strides = [1]} : vector<16xf32> to vector<1xf32>
      %squeeze3A_1953 = vector.extract %slice3A_1952[0] : f32 from vector<1xf32>
      %get3A_1954 = arith.constant 116 : i32
      %get3A_1955 = arith.index_cast %get3A_1954 : i32 to index
      %get3A_1956 = arith.constant 0 : index
      %get3A_1957 = tpu.vector_load %arg13[%get3A_1955, %get3A_1956] {strides = array<i32>} : memref<128x16xf32, #tpu.memory_space<vmem>>, vector<1x16xf32>,
      %get3A_1958 = vector.shape_cast %get3A_1957 : vector<1x16xf32> to vector<16xf32>
      %mul3A_1959 = vector.broadcast %squeeze3A_1953 : f32 to vector<16xf32>
      %mul3A_1960 = arith.mulf %mul3A_1959, %get3A_1958 : vector<16xf32>
      %add3A_1961 = arith.addf %add3A_1951, %mul3A_1960 : vector<16xf32>
      %slice3A_1962 = vector.extract_strided_slice %add3A_792 {offsets = [5], sizes = [1], strides = [1]} : vector<16xf32> to vector<1xf32>
      %squeeze3A_1963 = vector.extract %slice3A_1962[0] : f32 from vector<1xf32>
      %get3A_1964 = arith.constant 117 : i32
      %get3A_1965 = arith.index_cast %get3A_1964 : i32 to index
      %get3A_1966 = arith.constant 0 : index
      %get3A_1967 = tpu.vector_load %arg13[%get3A_1965, %get3A_1966] {strides = array<i32>} : memref<128x16xf32, #tpu.memory_space<vmem>>, vector<1x16xf32>,
      %get3A_1968 = vector.shape_cast %get3A_1967 : vector<1x16xf32> to vector<16xf32>
      %mul3A_1969 = vector.broadcast %squeeze3A_1963 : f32 to vector<16xf32>
      %mul3A_1970 = arith.mulf %mul3A_1969, %get3A_1968 : vector<16xf32>
      %add3A_1971 = arith.addf %add3A_1961, %mul3A_1970 : vector<16xf32>
      %slice3A_1972 = vector.extract_strided_slice %add3A_792 {offsets = [6], sizes = [1], strides = [1]} : vector<16xf32> to vector<1xf32>
      %squeeze3A_1973 = vector.extract %slice3A_1972[0] : f32 from vector<1xf32>
      %get3A_1974 = arith.constant 118 : i32
      %get3A_1975 = arith.index_cast %get3A_1974 : i32 to index
      %get3A_1976 = arith.constant 0 : index
      %get3A_1977 = tpu.vector_load %arg13[%get3A_1975, %get3A_1976] {strides = array<i32>} : memref<128x16xf32, #tpu.memory_space<vmem>>, vector<1x16xf32>,
      %get3A_1978 = vector.shape_cast %get3A_1977 : vector<1x16xf32> to vector<16xf32>
      %mul3A_1979 = vector.broadcast %squeeze3A_1973 : f32 to vector<16xf32>
      %mul3A_1980 = arith.mulf %mul3A_1979, %get3A_1978 : vector<16xf32>
      %add3A_1981 = arith.addf %add3A_1971, %mul3A_1980 : vector<16xf32>
      %slice3A_1982 = vector.extract_strided_slice %add3A_792 {offsets = [7], sizes = [1], strides = [1]} : vector<16xf32> to vector<1xf32>
      %squeeze3A_1983 = vector.extract %slice3A_1982[0] : f32 from vector<1xf32>
      %get3A_1984 = arith.constant 119 : i32
      %get3A_1985 = arith.index_cast %get3A_1984 : i32 to index
      %get3A_1986 = arith.constant 0 : index
      %get3A_1987 = tpu.vector_load %arg13[%get3A_1985, %get3A_1986] {strides = array<i32>} : memref<128x16xf32, #tpu.memory_space<vmem>>, vector<1x16xf32>,
      %get3A_1988 = vector.shape_cast %get3A_1987 : vector<1x16xf32> to vector<16xf32>
      %mul3A_1989 = vector.broadcast %squeeze3A_1983 : f32 to vector<16xf32>
      %mul3A_1990 = arith.mulf %mul3A_1989, %get3A_1988 : vector<16xf32>
      %add3A_1991 = arith.addf %add3A_1981, %mul3A_1990 : vector<16xf32>
      %slice3A_1992 = vector.extract_strided_slice %add3A_792 {offsets = [8], sizes = [1], strides = [1]} : vector<16xf32> to vector<1xf32>
      %squeeze3A_1993 = vector.extract %slice3A_1992[0] : f32 from vector<1xf32>
      %get3A_1994 = arith.constant 120 : i32
      %get3A_1995 = arith.index_cast %get3A_1994 : i32 to index
      %get3A_1996 = arith.constant 0 : index
      %get3A_1997 = tpu.vector_load %arg13[%get3A_1995, %get3A_1996] {strides = array<i32>} : memref<128x16xf32, #tpu.memory_space<vmem>>, vector<1x16xf32>,
      %get3A_1998 = vector.shape_cast %get3A_1997 : vector<1x16xf32> to vector<16xf32>
      %mul3A_1999 = vector.broadcast %squeeze3A_1993 : f32 to vector<16xf32>
      %mul3A_2000 = arith.mulf %mul3A_1999, %get3A_1998 : vector<16xf32>
      %add3A_2001 = arith.addf %add3A_1991, %mul3A_2000 : vector<16xf32>
      %slice3A_2002 = vector.extract_strided_slice %add3A_792 {offsets = [9], sizes = [1], strides = [1]} : vector<16xf32> to vector<1xf32>
      %squeeze3A_2003 = vector.extract %slice3A_2002[0] : f32 from vector<1xf32>
      %get3A_2004 = arith.constant 121 : i32
      %get3A_2005 = arith.index_cast %get3A_2004 : i32 to index
      %get3A_2006 = arith.constant 0 : index
      %get3A_2007 = tpu.vector_load %arg13[%get3A_2005, %get3A_2006] {strides = array<i32>} : memref<128x16xf32, #tpu.memory_space<vmem>>, vector<1x16xf32>,
      %get3A_2008 = vector.shape_cast %get3A_2007 : vector<1x16xf32> to vector<16xf32>
      %mul3A_2009 = vector.broadcast %squeeze3A_2003 : f32 to vector<16xf32>
      %mul3A_2010 = arith.mulf %mul3A_2009, %get3A_2008 : vector<16xf32>
      %add3A_2011 = arith.addf %add3A_2001, %mul3A_2010 : vector<16xf32>
      %slice3A_2012 = vector.extract_strided_slice %add3A_792 {offsets = [10], sizes = [1], strides = [1]} : vector<16xf32> to vector<1xf32>
      %squeeze3A_2013 = vector.extract %slice3A_2012[0] : f32 from vector<1xf32>
      %get3A_2014 = arith.constant 122 : i32
      %get3A_2015 = arith.index_cast %get3A_2014 : i32 to index
      %get3A_2016 = arith.constant 0 : index
      %get3A_2017 = tpu.vector_load %arg13[%get3A_2015, %get3A_2016] {strides = array<i32>} : memref<128x16xf32, #tpu.memory_space<vmem>>, vector<1x16xf32>,
      %get3A_2018 = vector.shape_cast %get3A_2017 : vector<1x16xf32> to vector<16xf32>
      %mul3A_2019 = vector.broadcast %squeeze3A_2013 : f32 to vector<16xf32>
      %mul3A_2020 = arith.mulf %mul3A_2019, %get3A_2018 : vector<16xf32>
      %add3A_2021 = arith.addf %add3A_2011, %mul3A_2020 : vector<16xf32>
      %slice3A_2022 = vector.extract_strided_slice %add3A_792 {offsets = [11], sizes = [1], strides = [1]} : vector<16xf32> to vector<1xf32>
      %squeeze3A_2023 = vector.extract %slice3A_2022[0] : f32 from vector<1xf32>
      %get3A_2024 = arith.constant 123 : i32
      %get3A_2025 = arith.index_cast %get3A_2024 : i32 to index
      %get3A_2026 = arith.constant 0 : index
      %get3A_2027 = tpu.vector_load %arg13[%get3A_2025, %get3A_2026] {strides = array<i32>} : memref<128x16xf32, #tpu.memory_space<vmem>>, vector<1x16xf32>,
      %get3A_2028 = vector.shape_cast %get3A_2027 : vector<1x16xf32> to vector<16xf32>
      %mul3A_2029 = vector.broadcast %squeeze3A_2023 : f32 to vector<16xf32>
      %mul3A_2030 = arith.mulf %mul3A_2029, %get3A_2028 : vector<16xf32>
      %add3A_2031 = arith.addf %add3A_2021, %mul3A_2030 : vector<16xf32>
      %slice3A_2032 = vector.extract_strided_slice %add3A_792 {offsets = [12], sizes = [1], strides = [1]} : vector<16xf32> to vector<1xf32>
      %squeeze3A_2033 = vector.extract %slice3A_2032[0] : f32 from vector<1xf32>
      %get3A_2034 = arith.constant 124 : i32
      %get3A_2035 = arith.index_cast %get3A_2034 : i32 to index
      %get3A_2036 = arith.constant 0 : index
      %get3A_2037 = tpu.vector_load %arg13[%get3A_2035, %get3A_2036] {strides = array<i32>} : memref<128x16xf32, #tpu.memory_space<vmem>>, vector<1x16xf32>,
      %get3A_2038 = vector.shape_cast %get3A_2037 : vector<1x16xf32> to vector<16xf32>
      %mul3A_2039 = vector.broadcast %squeeze3A_2033 : f32 to vector<16xf32>
      %mul3A_2040 = arith.mulf %mul3A_2039, %get3A_2038 : vector<16xf32>
      %add3A_2041 = arith.addf %add3A_2031, %mul3A_2040 : vector<16xf32>
      %slice3A_2042 = vector.extract_strided_slice %add3A_792 {offsets = [13], sizes = [1], strides = [1]} : vector<16xf32> to vector<1xf32>
      %squeeze3A_2043 = vector.extract %slice3A_2042[0] : f32 from vector<1xf32>
      %get3A_2044 = arith.constant 125 : i32
      %get3A_2045 = arith.index_cast %get3A_2044 : i32 to index
      %get3A_2046 = arith.constant 0 : index
      %get3A_2047 = tpu.vector_load %arg13[%get3A_2045, %get3A_2046] {strides = array<i32>} : memref<128x16xf32, #tpu.memory_space<vmem>>, vector<1x16xf32>,
      %get3A_2048 = vector.shape_cast %get3A_2047 : vector<1x16xf32> to vector<16xf32>
      %mul3A_2049 = vector.broadcast %squeeze3A_2043 : f32 to vector<16xf32>
      %mul3A_2050 = arith.mulf %mul3A_2049, %get3A_2048 : vector<16xf32>
      %add3A_2051 = arith.addf %add3A_2041, %mul3A_2050 : vector<16xf32>
      %slice3A_2052 = vector.extract_strided_slice %add3A_792 {offsets = [14], sizes = [1], strides = [1]} : vector<16xf32> to vector<1xf32>
      %squeeze3A_2053 = vector.extract %slice3A_2052[0] : f32 from vector<1xf32>
      %get3A_2054 = arith.constant 126 : i32
      %get3A_2055 = arith.index_cast %get3A_2054 : i32 to index
      %get3A_2056 = arith.constant 0 : index
      %get3A_2057 = tpu.vector_load %arg13[%get3A_2055, %get3A_2056] {strides = array<i32>} : memref<128x16xf32, #tpu.memory_space<vmem>>, vector<1x16xf32>,
      %get3A_2058 = vector.shape_cast %get3A_2057 : vector<1x16xf32> to vector<16xf32>
      %mul3A_2059 = vector.broadcast %squeeze3A_2053 : f32 to vector<16xf32>
      %mul3A_2060 = arith.mulf %mul3A_2059, %get3A_2058 : vector<16xf32>
      %add3A_2061 = arith.addf %add3A_2051, %mul3A_2060 : vector<16xf32>
      %slice3A_2062 = vector.extract_strided_slice %add3A_792 {offsets = [15], sizes = [1], strides = [1]} : vector<16xf32> to vector<1xf32>
      %squeeze3A_2063 = vector.extract %slice3A_2062[0] : f32 from vector<1xf32>
      %get3A_2064 = arith.constant 127 : i32
      %get3A_2065 = arith.index_cast %get3A_2064 : i32 to index
      %get3A_2066 = arith.constant 0 : index
      %get3A_2067 = tpu.vector_load %arg13[%get3A_2065, %get3A_2066] {strides = array<i32>} : memref<128x16xf32, #tpu.memory_space<vmem>>, vector<1x16xf32>,
      %get3A_2068 = vector.shape_cast %get3A_2067 : vector<1x16xf32> to vector<16xf32>
      %mul3A_2069 = vector.broadcast %squeeze3A_2063 : f32 to vector<16xf32>
      %mul3A_2070 = arith.mulf %mul3A_2069, %get3A_2068 : vector<16xf32>
      %add3A_2071 = arith.addf %add3A_2061, %mul3A_2070 : vector<16xf32>
      %mul3A_2072 = arith.constant 5.000000e-03 : f32
      %mul3A_2073 = vector.broadcast %mul3A_2072 : f32 to vector<16xf32>
      %mul3A_2074 = arith.mulf %add3A_2071, %mul3A_2073 : vector<16xf32>
      %get3A_2075 = arith.constant 0 : index
      %get3A_2076 = tpu.vector_load %arg14[%get3A_2075] {strides = array<i32>} : memref<16xf32, #tpu.memory_space<vmem>>, vector<16xf32>,
      %get3A_2077 = vector.shape_cast %get3A_2076 : vector<16xf32> to vector<16xf32>
      %add3A_2078 = arith.addf %mul3A_2074, %get3A_2077 : vector<16xf32>
      %mul3A_2079 = arith.constant 16 : i32
      %mul3A_2080 = arith.muli %arg1, %mul3A_2079 : i32
      %get3A_2081 = arith.constant 0 : i32
      %get3A_2082 = arith.index_cast %get3A_2081 : i32 to index
      %get3A_2083 = arith.index_cast %mul3A_2080 : i32 to index
      %get3A_2084 = tpu.vector_load %arg16[%get3A_2082, %get3A_2083] {strides = array<i32>} : memref<8x128xf32, #tpu.memory_space<vmem>>, vector<1x16xf32>,
      %get3A_2085 = vector.shape_cast %get3A_2084 : vector<1x16xf32> to vector<16xf32>
      %mul3A_2086 = arith.mulf %add3A_2078, %get3A_2085 : vector<16xf32>
      %swap3A = arith.constant 0 : index
      %swap3A_2087 = tpu.vector_load %arg17[%swap3A] {strides = array<i32>} : memref<16xf32, #tpu.memory_space<vmem>>, vector<16xf32>,
      %swap3A_2088 = vector.shape_cast %swap3A_2087 : vector<16xf32> to vector<16xf32>
      %swap3A_2089 = vector.shape_cast %mul3A_2086 : vector<16xf32> to vector<16xf32>
      tpu.vector_store %arg17[%swap3A], %swap3A_2089 {strides = array<i32>} : memref<16xf32, #tpu.memory_space<vmem>>, vector<16xf32>,
      "tpu.region"() ({
        %run_scoped3A = tpu.sem_alloc : memref<!tpu.dma_semaphore, #tpu.memory_space<semaphore_mem>>
        %dma_start3A = arith.constant 0 : i32
        %dma_start3A_2090 = tpu.memref_slice %arg21[%arg1, %dma_start3A] : memref<8x16xf32, #tpu.memory_space<vmem_shared>> -> memref<1x16xf32, #tpu.memory_space<vmem_shared>>
        %dma_start3A_2091 = tpu.memref_squeeze %dma_start3A_2090 : memref<1x16xf32, #tpu.memory_space<vmem_shared>> -> memref<16xf32, #tpu.memory_space<vmem_shared>>
        %dma_start3A_2092 = arith.constant 0 : i32
        %dma_start3A_2093 = tpu.memref_slice %arg21[%arg1, %dma_start3A_2092] : memref<8x16xf32, #tpu.memory_space<vmem_shared>> -> memref<1x16xf32, #tpu.memory_space<vmem_shared>>
        %dma_start3A_2094 = tpu.memref_squeeze %dma_start3A_2093 : memref<1x16xf32, #tpu.memory_space<vmem_shared>> -> memref<16xf32, #tpu.memory_space<vmem_shared>>
        tpu.enqueue_dma source(%arg17 : memref<16xf32, #tpu.memory_space<vmem>>) target(%dma_start3A_2094 : memref<16xf32, #tpu.memory_space<vmem_shared>>) target_semaphore(%run_scoped3A : memref<!tpu.dma_semaphore, #tpu.memory_space<semaphore_mem>>)
        %dma_wait3A_2095 = arith.constant 0 : i32
        %dma_wait3A_2096 = tpu.memref_slice %arg21[%arg1, %dma_wait3A_2095] : memref<8x16xf32, #tpu.memory_space<vmem_shared>> -> memref<1x16xf32, #tpu.memory_space<vmem_shared>>
        %dma_wait3A_2097 = tpu.memref_squeeze %dma_wait3A_2096 : memref<1x16xf32, #tpu.memory_space<vmem_shared>> -> memref<16xf32, #tpu.memory_space<vmem_shared>>
        %dma_wait3A_2098 = arith.constant 0 : i32
        %dma_wait3A_2099 = tpu.memref_slice %arg21[%arg1, %dma_wait3A_2098] : memref<8x16xf32, #tpu.memory_space<vmem_shared>> -> memref<1x16xf32, #tpu.memory_space<vmem_shared>>
        %dma_wait3A_2100 = tpu.memref_squeeze %dma_wait3A_2099 : memref<1x16xf32, #tpu.memory_space<vmem_shared>> -> memref<16xf32, #tpu.memory_space<vmem_shared>>
        tpu.wait_dma2 semaphore(%run_scoped3A : memref<!tpu.dma_semaphore, #tpu.memory_space<semaphore_mem>>) src(%arg17 : memref<16xf32, #tpu.memory_space<vmem>>) dst(%dma_wait3A_2100 : memref<16xf32, #tpu.memory_space<vmem_shared>>)
        tpu.yield
      }) : () -> ()
    } else {
    }
    %barrier3A_15 = arith.constant 0 : index
    tpu.barrier barrier_id(%barrier3A_15)
    %eq3A_16 = arith.constant 0 : i32
    %eq3A_17 = arith.cmpi eq, %arg1, %eq3A_16 : i32
    %and3A_18 = arith.andi %eq3A_0, %eq3A_17 : i1
    %convert_element_type3A_19 = arith.extui %and3A_18 : i1 to i32
    %cond3A_20 = arith.constant 0 : i32
    %cond3A_21 = arith.cmpi ne, %convert_element_type3A_19, %cond3A_20 : i32
    scf.if %cond3A_21 {
      "tpu.region"() ({
        %run_scoped3A = tpu.sem_alloc : memref<!tpu.dma_semaphore, #tpu.memory_space<semaphore_mem>>
        tpu.enqueue_dma source(%arg21 : memref<8x16xf32, #tpu.memory_space<vmem_shared>>) target(%arg18 : memref<8x16xf32, #tpu.memory_space<vmem>>) target_semaphore(%run_scoped3A : memref<!tpu.dma_semaphore, #tpu.memory_space<semaphore_mem>>)
        tpu.wait_dma2 semaphore(%run_scoped3A : memref<!tpu.dma_semaphore, #tpu.memory_space<semaphore_mem>>) src(%arg21 : memref<8x16xf32, #tpu.memory_space<vmem_shared>>) dst(%arg18 : memref<8x16xf32, #tpu.memory_space<vmem>>)
        tpu.yield
      }) : () -> ()
      %get3A = arith.constant 0 : i32
      %get3A_22 = arith.index_cast %get3A : i32 to index
      %get3A_23 = arith.constant 0 : index
      %get3A_24 = tpu.vector_load %arg18[%get3A_22, %get3A_23] {strides = array<i32>} : memref<8x16xf32, #tpu.memory_space<vmem>>, vector<1x16xf32>,
      %get3A_25 = vector.shape_cast %get3A_24 : vector<1x16xf32> to vector<16xf32>
      %get3A_26 = arith.constant 1 : i32
      %get3A_27 = arith.index_cast %get3A_26 : i32 to index
      %get3A_28 = arith.constant 0 : index
      %get3A_29 = tpu.vector_load %arg18[%get3A_27, %get3A_28] {strides = array<i32>} : memref<8x16xf32, #tpu.memory_space<vmem>>, vector<1x16xf32>,
      %get3A_30 = vector.shape_cast %get3A_29 : vector<1x16xf32> to vector<16xf32>
      %add3A = arith.addf %get3A_25, %get3A_30 : vector<16xf32>
      %get3A_31 = arith.constant 2 : i32
      %get3A_32 = arith.index_cast %get3A_31 : i32 to index
      %get3A_33 = arith.constant 0 : index
      %get3A_34 = tpu.vector_load %arg18[%get3A_32, %get3A_33] {strides = array<i32>} : memref<8x16xf32, #tpu.memory_space<vmem>>, vector<1x16xf32>,
      %get3A_35 = vector.shape_cast %get3A_34 : vector<1x16xf32> to vector<16xf32>
      %add3A_36 = arith.addf %add3A, %get3A_35 : vector<16xf32>
      %get3A_37 = arith.constant 3 : i32
      %get3A_38 = arith.index_cast %get3A_37 : i32 to index
      %get3A_39 = arith.constant 0 : index
      %get3A_40 = tpu.vector_load %arg18[%get3A_38, %get3A_39] {strides = array<i32>} : memref<8x16xf32, #tpu.memory_space<vmem>>, vector<1x16xf32>,
      %get3A_41 = vector.shape_cast %get3A_40 : vector<1x16xf32> to vector<16xf32>
      %add3A_42 = arith.addf %add3A_36, %get3A_41 : vector<16xf32>
      %get3A_43 = arith.constant 4 : i32
      %get3A_44 = arith.index_cast %get3A_43 : i32 to index
      %get3A_45 = arith.constant 0 : index
      %get3A_46 = tpu.vector_load %arg18[%get3A_44, %get3A_45] {strides = array<i32>} : memref<8x16xf32, #tpu.memory_space<vmem>>, vector<1x16xf32>,
      %get3A_47 = vector.shape_cast %get3A_46 : vector<1x16xf32> to vector<16xf32>
      %add3A_48 = arith.addf %add3A_42, %get3A_47 : vector<16xf32>
      %get3A_49 = arith.constant 5 : i32
      %get3A_50 = arith.index_cast %get3A_49 : i32 to index
      %get3A_51 = arith.constant 0 : index
      %get3A_52 = tpu.vector_load %arg18[%get3A_50, %get3A_51] {strides = array<i32>} : memref<8x16xf32, #tpu.memory_space<vmem>>, vector<1x16xf32>,
      %get3A_53 = vector.shape_cast %get3A_52 : vector<1x16xf32> to vector<16xf32>
      %add3A_54 = arith.addf %add3A_48, %get3A_53 : vector<16xf32>
      %get3A_55 = arith.constant 6 : i32
      %get3A_56 = arith.index_cast %get3A_55 : i32 to index
      %get3A_57 = arith.constant 0 : index
      %get3A_58 = tpu.vector_load %arg18[%get3A_56, %get3A_57] {strides = array<i32>} : memref<8x16xf32, #tpu.memory_space<vmem>>, vector<1x16xf32>,
      %get3A_59 = vector.shape_cast %get3A_58 : vector<1x16xf32> to vector<16xf32>
      %add3A_60 = arith.addf %add3A_54, %get3A_59 : vector<16xf32>
      %get3A_61 = arith.constant 7 : i32
      %get3A_62 = arith.index_cast %get3A_61 : i32 to index
      %get3A_63 = arith.constant 0 : index
      %get3A_64 = tpu.vector_load %arg18[%get3A_62, %get3A_63] {strides = array<i32>} : memref<8x16xf32, #tpu.memory_space<vmem>>, vector<1x16xf32>,
      %get3A_65 = vector.shape_cast %get3A_64 : vector<1x16xf32> to vector<16xf32>
      %add3A_66 = arith.addf %add3A_60, %get3A_65 : vector<16xf32>
      %slice3A = vector.extract_strided_slice %add3A_66 {offsets = [0], sizes = [1], strides = [1]} : vector<16xf32> to vector<1xf32>
      %squeeze3A = vector.extract %slice3A[0] : f32 from vector<1xf32>
      %slice3A_67 = vector.extract_strided_slice %add3A_66 {offsets = [1], sizes = [1], strides = [1]} : vector<16xf32> to vector<1xf32>
      %squeeze3A_68 = vector.extract %slice3A_67[0] : f32 from vector<1xf32>
      %add3A_69 = arith.addf %squeeze3A, %squeeze3A_68 : f32
      %slice3A_70 = vector.extract_strided_slice %add3A_66 {offsets = [2], sizes = [1], strides = [1]} : vector<16xf32> to vector<1xf32>
      %squeeze3A_71 = vector.extract %slice3A_70[0] : f32 from vector<1xf32>
      %add3A_72 = arith.addf %add3A_69, %squeeze3A_71 : f32
      %slice3A_73 = vector.extract_strided_slice %add3A_66 {offsets = [3], sizes = [1], strides = [1]} : vector<16xf32> to vector<1xf32>
      %squeeze3A_74 = vector.extract %slice3A_73[0] : f32 from vector<1xf32>
      %add3A_75 = arith.addf %add3A_72, %squeeze3A_74 : f32
      %slice3A_76 = vector.extract_strided_slice %add3A_66 {offsets = [4], sizes = [1], strides = [1]} : vector<16xf32> to vector<1xf32>
      %squeeze3A_77 = vector.extract %slice3A_76[0] : f32 from vector<1xf32>
      %add3A_78 = arith.addf %add3A_75, %squeeze3A_77 : f32
      %slice3A_79 = vector.extract_strided_slice %add3A_66 {offsets = [5], sizes = [1], strides = [1]} : vector<16xf32> to vector<1xf32>
      %squeeze3A_80 = vector.extract %slice3A_79[0] : f32 from vector<1xf32>
      %add3A_81 = arith.addf %add3A_78, %squeeze3A_80 : f32
      %slice3A_82 = vector.extract_strided_slice %add3A_66 {offsets = [6], sizes = [1], strides = [1]} : vector<16xf32> to vector<1xf32>
      %squeeze3A_83 = vector.extract %slice3A_82[0] : f32 from vector<1xf32>
      %add3A_84 = arith.addf %add3A_81, %squeeze3A_83 : f32
      %slice3A_85 = vector.extract_strided_slice %add3A_66 {offsets = [7], sizes = [1], strides = [1]} : vector<16xf32> to vector<1xf32>
      %squeeze3A_86 = vector.extract %slice3A_85[0] : f32 from vector<1xf32>
      %add3A_87 = arith.addf %add3A_84, %squeeze3A_86 : f32
      %slice3A_88 = vector.extract_strided_slice %add3A_66 {offsets = [8], sizes = [1], strides = [1]} : vector<16xf32> to vector<1xf32>
      %squeeze3A_89 = vector.extract %slice3A_88[0] : f32 from vector<1xf32>
      %add3A_90 = arith.addf %add3A_87, %squeeze3A_89 : f32
      %slice3A_91 = vector.extract_strided_slice %add3A_66 {offsets = [9], sizes = [1], strides = [1]} : vector<16xf32> to vector<1xf32>
      %squeeze3A_92 = vector.extract %slice3A_91[0] : f32 from vector<1xf32>
      %add3A_93 = arith.addf %add3A_90, %squeeze3A_92 : f32
      %slice3A_94 = vector.extract_strided_slice %add3A_66 {offsets = [10], sizes = [1], strides = [1]} : vector<16xf32> to vector<1xf32>
      %squeeze3A_95 = vector.extract %slice3A_94[0] : f32 from vector<1xf32>
      %add3A_96 = arith.addf %add3A_93, %squeeze3A_95 : f32
      %slice3A_97 = vector.extract_strided_slice %add3A_66 {offsets = [11], sizes = [1], strides = [1]} : vector<16xf32> to vector<1xf32>
      %squeeze3A_98 = vector.extract %slice3A_97[0] : f32 from vector<1xf32>
      %add3A_99 = arith.addf %add3A_96, %squeeze3A_98 : f32
      %slice3A_100 = vector.extract_strided_slice %add3A_66 {offsets = [12], sizes = [1], strides = [1]} : vector<16xf32> to vector<1xf32>
      %squeeze3A_101 = vector.extract %slice3A_100[0] : f32 from vector<1xf32>
      %add3A_102 = arith.addf %add3A_99, %squeeze3A_101 : f32
      %slice3A_103 = vector.extract_strided_slice %add3A_66 {offsets = [13], sizes = [1], strides = [1]} : vector<16xf32> to vector<1xf32>
      %squeeze3A_104 = vector.extract %slice3A_103[0] : f32 from vector<1xf32>
      %add3A_105 = arith.addf %add3A_102, %squeeze3A_104 : f32
      %slice3A_106 = vector.extract_strided_slice %add3A_66 {offsets = [14], sizes = [1], strides = [1]} : vector<16xf32> to vector<1xf32>
      %squeeze3A_107 = vector.extract %slice3A_106[0] : f32 from vector<1xf32>
      %add3A_108 = arith.addf %add3A_105, %squeeze3A_107 : f32
      %slice3A_109 = vector.extract_strided_slice %add3A_66 {offsets = [15], sizes = [1], strides = [1]} : vector<16xf32> to vector<1xf32>
      %squeeze3A_110 = vector.extract %slice3A_109[0] : f32 from vector<1xf32>
      %add3A_111 = arith.addf %add3A_108, %squeeze3A_110 : f32
      %broadcast_in_dim3A = vector.broadcast %add3A_111 : f32 to vector<16xf32>
      %neg3A = arith.constant 0.000000e+00 : f32
      %neg3A_112 = vector.broadcast %neg3A : f32 to vector<16xf32>
      %neg3A_113 = arith.subf %neg3A_112, %broadcast_in_dim3A : vector<16xf32>
      %exp3A = math.exp %neg3A_113 : vector<16xf32>
      %add3A_114 = arith.constant 1.000000e+00 : f32
      %add3A_115 = vector.broadcast %add3A_114 : f32 to vector<16xf32>
      %add3A_116 = arith.addf %add3A_115, %exp3A : vector<16xf32>
      %div3A = arith.constant 1.000000e+00 : f32
      %div3A_117 = vector.broadcast %div3A : f32 to vector<16xf32>
      %div3A_118 = arith.divf %div3A_117, %add3A_116 : vector<16xf32>
      %swap3A = arith.constant 0 : index
      %swap3A_119 = tpu.vector_load %arg19[%swap3A] {strides = array<i32>} : memref<16xf32, #tpu.memory_space<vmem>>, vector<16xf32>,
      %swap3A_120 = vector.shape_cast %swap3A_119 : vector<16xf32> to vector<16xf32>
      %swap3A_121 = vector.shape_cast %div3A_118 : vector<16xf32> to vector<16xf32>
      tpu.vector_store %arg19[%swap3A], %swap3A_121 {strides = array<i32>} : memref<16xf32, #tpu.memory_space<vmem>>, vector<16xf32>,
      "tpu.region"() ({
        %run_scoped3A = tpu.sem_alloc : memref<!tpu.dma_semaphore, #tpu.memory_space<semaphore_mem>>
        tpu.enqueue_dma source(%arg19 : memref<16xf32, #tpu.memory_space<vmem>>) target(%arg8 : memref<16xf32, #tpu.memory_space<hbm>>) target_semaphore(%run_scoped3A : memref<!tpu.dma_semaphore, #tpu.memory_space<semaphore_mem>>)
        tpu.wait_dma2 semaphore(%run_scoped3A : memref<!tpu.dma_semaphore, #tpu.memory_space<semaphore_mem>>) src(%arg19 : memref<16xf32, #tpu.memory_space<vmem>>) dst(%arg8 : memref<16xf32, #tpu.memory_space<hbm>>)
        tpu.yield
      }) : () -> ()
    } else {
    }
    return
  }
}

</mosaic_0001>

<sc_bundles>
// kernel: _run.3.cloned.1.call-start
scs
__scs_entry_jumppad:
0x0: {  	(pc) =	sbr.rel $0x88, $3  }
0x1: {  	(tag) =	ssettag $0x0;
	lr =	simm.s32 $0x1  }
0x2: {  	[smem:$0x3F9B] =	sst lr;
	_ =	strace $0xD0000000  }
0x3: {  	_ = 	snop  }
0x4: {  	_ = 	snop  }
0x5: {  	_ = 	snop  }
0x6: {  	_ = 	snop  }
0x7: {  	_ = 	snop  }
__scs_overlays_trampoline_lowered:
0x8: {  	[smem:$0x3FAA] =	sst s0  }
0x9: {  	[smem:$0x3FAB] =	sst s1  }
0xa: {  	[smem:$0x3FAC] =	sst s2  }
0xb: {  	[smem:$0x3FAD] =	sst s3  }
0xc: {  	[smem:$0x3FAE] =	sst s4  }
0xd: {  	[smem:$0x3FAF] =	sst s5  }
0xe: {  	[smem:$0x3FB0] =	sst s6  }
0xf: {  	[smem:$0x3FB1] =	sst s7  }
0x10: {  	[smem:$0x3FB2] =	sst s8  }
0x11: {  	[smem:$0x3FB3] =	sst s9;
	s0 =	simm.s32 @!p0 $0x0  }
0x12: {  	s1 =	sld [smem:$0x3F99];
	s0 =	simm.s32 @p0 $0x1  }
0x13: {  	[smem:$0x3FB4] =	sst s0;
	s0 =	simm.s32 @!p1 $0x0  }
0x14: {  	s2 =	sld [smem:$0x3F98];
	s0 =	simm.s32 @p1 $0x1  }
0x15: {  	[smem:$0x3FB5] =	sst s0;
	s0 =	simm.s32 @!p2 $0x0  }
0x16: {  	s3 =	sld [smem:$0x3FDB];
	s0 =	simm.s32 @p2 $0x1  }
0x17: {  	s4 =	simm.s32 $0x1BF5;
	[smem:$0x3FB7] =	sst s0  }
0x18: {  	s0 =	sld [smem:$0x3F9A];
	_ =	swait.ge [sflag:s4], $0x0  }
0x19: {  	s7 =	sld [smem:$0x3F9B]  }
0x1a: {  	s8 =	sadd.s32 $0xFFFFE003, lr  }
0x1b: {  	s9 =	sadd.s32 $0xFFFFFEF7, lr;
	s5 =	simm.s32 $0xFFFFFFFF;
	p2 =	slt.u32 s8, $0xFFFFF086  }
0x1c: {  	p1 =	slt.u32 s9, $0xF7A;
	s5 =	simm.s32 @!p2 $0x0  }
0x1d: {  	s5 =	simm.s32 @p1 $0x1;
	p0 =	seq.s32 s7, s2  }
0x1e: {  	s7 =	smul.u32 @!p0 $0xF7A, s2;
	p2 =	seq.s32 @!p0 s5, $0x0  }
0x1f: {  	s9 =	smul.u32 $0xF7A, s1;
	s8 =	simm.s32 @!p0 $0x1BF5;
	p2 =	por !p2, p0  }
0x20: {  	[sflag:s8] =	ssyncset.s32 @!p0 $0xFFFFF086;
	s6 =	sadd.s32 @!p0 s3, s7;
	s7 =	simm.s32 @!p0 $0x108  }
0x21: {  	s3 =	sadd.s32 s3, s9;
	s6 =	sadd.s32 @!p0 $0x88, s6;
	s7 =	simm.s32 @p2 $0x1082  }
0x22: {  	[simem:s7], [sflag:s8] =	dma.local @!p0 [hbm:s6], $0xF7A  }
0x23: {  	s9 =	sor.u32 $0xD0000000, s2;
	s6 =	simm.s32 $0x108;
	_ =	swait.ge @!p0 [sflag:s8], $0x0  }
0x24: {  	s3 =	sadd.s32 $0x88, s3;
	s6 =	simm.s32 @!p1 $0x1082;
	[sflag:s4] =	ssyncset.s32 $0xFFFFF086  }
0x25: {  	[simem:s6], [sflag:s4] =	dma.local [hbm:s3], $0xF7A  }
0x26: {  	[smem:$0x3F9B] =	sst s1;
	(tag) =	ssettag s2;
	_ =	strace s9  }
0x27: {  	s1 =	sld [smem:$0x3FAB]  }
0x28: {  	s2 =	sld [smem:$0x3FAC]  }
0x29: {  	s4 =	sld [smem:$0x3FAE]  }
0x2a: {  	p0 =	seq.s32 s5, $0x0;
	s5 =	sld [smem:$0x3FAF]  }
0x2b: {  	s6 =	sld [smem:$0x3FB0]  }
0x2c: {  	s7 =	sld [smem:$0x3FB1]  }
0x2d: {  	s3 =	simm.s32 $0x108;
	s8 =	sld [smem:$0x3FB2]  }
0x2e: {  	s3 =	simm.s32 @!p0 $0x1082;
	s9 =	sld [smem:$0x3FB3]  }
0x2f: {  	lr =	sadd.s32 s0, s3;
	s0 =	sld [smem:$0x3FAA]  }
0x30: {  	s3 =	sld [smem:$0x3FAD]  }
0x31: {  	[smem:$0x3FB6] =	sst s10  }
0x32: {  	s10 =	sld [smem:$0x3FB4];
	_ =	sdelay $0x3  }
0x33: {  	p0 =	seq.s32 s10, $0x1;
	s10 =	sld [smem:$0x3FB6];
	_ =	sdelay $0x3  }
0x34: {  	[smem:$0x3FB6] =	sst s10  }
0x35: {  	s10 =	sld [smem:$0x3FB5];
	_ =	sdelay $0x3  }
0x36: {  	p1 =	seq.s32 s10, $0x1;
	s10 =	sld [smem:$0x3FB6];
	_ =	sdelay $0x3  }
0x37: {  	[smem:$0x3FB6] =	sst s10  }
0x38: {  	s10 =	sld [smem:$0x3FB7]  }
0x39: {  	_ = 	snop;
	(pc) =	sbr.ind lr, $3  }
0x3a: {  	_ = 	snop  }
0x3b: {  	_ = 	snop  }
0x3c: {  	p2 =	seq.s32 s10, $0x1;
	s10 =	sld [smem:$0x3FB6]  }
0x3d: {  	_ =	shalt  }
0x3e: {  	_ =	shalt  }
0x3f: {  	_ =	shalt  }
0x40: {  	_ =	shalt  }
0x41: {  	_ =	shalt  }
0x42: {  	_ =	shalt  }
0x43: {  	_ =	shalt  }
0x44: {  	_ =	shalt  }
0x45: {  	_ =	shalt  }
0x46: {  	_ =	shalt  }
0x47: {  	_ =	shalt  }
0x48: {  	_ =	shalt  }
0x49: {  	_ =	shalt  }
0x4a: {  	_ =	shalt  }
0x4b: {  	_ =	shalt  }
0x4c: {  	_ =	shalt  }
0x4d: {  	_ =	shalt  }
0x4e: {  	_ =	shalt  }
0x4f: {  	_ =	shalt  }
0x50: {  	_ =	shalt  }
0x51: {  	_ =	shalt  }
0x52: {  	_ =	shalt  }
0x53: {  	_ =	shalt  }
0x54: {  	_ =	shalt  }
0x55: {  	_ =	shalt  }
0x56: {  	_ =	shalt  }
0x57: {  	_ =	shalt  }
0x58: {  	_ =	shalt  }
0x59: {  	_ =	shalt  }
0x5a: {  	_ =	shalt  }
0x5b: {  	_ =	shalt  }
0x5c: {  	_ =	shalt  }
0x5d: {  	_ =	shalt  }
0x5e: {  	_ =	shalt  }
0x5f: {  	_ =	shalt  }
0x60: {  	_ =	shalt  }
0x61: {  	_ =	shalt  }
0x62: {  	_ =	shalt  }
0x63: {  	_ =	shalt  }
0x64: {  	_ =	shalt  }
0x65: {  	_ =	shalt  }
0x66: {  	_ =	shalt  }
0x67: {  	_ =	shalt  }
0x68: {  	_ =	shalt  }
0x69: {  	_ =	shalt  }
0x6a: {  	_ =	shalt  }
0x6b: {  	_ =	shalt  }
0x6c: {  	_ =	shalt  }
0x6d: {  	_ =	shalt  }
0x6e: {  	_ =	shalt  }
0x6f: {  	_ =	shalt  }
0x70: {  	_ =	shalt  }
0x71: {  	_ =	shalt  }
0x72: {  	_ =	shalt  }
0x73: {  	_ =	shalt  }
0x74: {  	_ =	shalt  }
0x75: {  	_ =	shalt  }
0x76: {  	_ =	shalt  }
0x77: {  	_ =	shalt  }
0x78: {  	_ =	shalt  }
0x79: {  	_ =	shalt  }
0x7a: {  	_ =	shalt  }
0x7b: {  	_ =	shalt  }
0x7c: {  	_ =	shalt  }
0x7d: {  	_ =	shalt  }
0x7e: {  	_ =	shalt  }
0x7f: {  	_ =	shalt  }
0x80: {  	_ =	shalt  }
0x81: {  	_ =	shalt  }
0x82: {  	_ =	shalt  }
0x83: {  	_ =	shalt  }
0x84: {  	_ =	shalt  }
0x85: {  	_ =	shalt  }
0x86: {  	_ =	shalt  }
0x87: {  	_ =	shalt  }
.Lfunc_end0:
.L_simem_size_0:
called_computation_lowered:
.L_overlay_start_0:
0x88: {  	s2 =	sld [smem:$0x3FD9]  }
0x89: {  	s3 =	sld [smem:$0x3FFE];
	_ =	sdelay $0x1  }
0x8a: {  	s1 =	srdreg.scid  }
0x8b: {  	s0 =	sand.u32 $0x1, s1  }
0x8c: {  	s17 =	sshll.u32 s0, $0xA;
	s2 =	sadd.s32 s3, s2  }
0x8d: {  	s2 =	sadd.s32 s2, s17  }
0x8e: {  	[smem:$0x3FC2] =	sst s2  }
0x8f: {  	_ = 	snop  }
0x90: {  	s2 =	sld [smem:$0x3FC9]  }
0x91: {  	s18 =	sld [smem:$0x3FC8]  }
0x92: {  	s4 =	sld [smem:$0x3FC7]  }
0x93: {  	s5 =	sld [smem:$0x3FC5]  }
0x94: {  	s6 =	sld [smem:$0x3FC4]  }
0x95: {  	s7 =	sld [smem:$0x3FD0];
	(tm) =	ssettm $0x1  }
0x96: {  	s8 =	sld [smem:$0x3FFB];
	_ =	sdelay $0x3  }
0x97: {  	_ =	strace s8  }
0x98: {  	s8 =	sld [smem:$0x3FFC];
	_ =	sdelay $0x3  }
0x99: {  	_ =	strace s8  }
0x9a: {  	s8 =	sld [smem:$0x3FFD];
	_ =	sdelay $0x3  }
0x9b: {  	_ =	strace s8  }
0x9c: {  	_ =	strace $0x8FFFFFFF  }
0x9d: {  	s19 =	sld [smem:$0x3FDB];
	_ =	sdelay $0x1  }
0x9e: {  	s9 =	simm.s32 $_scs_section_size  }
0x9f: {  	s10 =	simm.s32 $_size__tile_overlayer_lowered;
	s11 =	simm.s32 $_tile_overlayer_lowered  }
0xa0: {  	s22 =	simm.s32 $0x1BFF;
	s21 =	sshll.u32 s11, $0x1;
	s8 =	sadd.s32 s9, s19  }
0xa1: {  	s12 =	simm.s32 $0x0;
	s20 =	sshll.u32 s10, $0x1;
	s10 =	sadd.s32 s21, s8  }
0xa2: {  	[timem:s12], [sflag:s22] =	dma.local [hbm:s10], s20  }
0xa3: {  	_ =	swait.ge [sflag:s22], s20  }
0xa4: {  	s9 =	ssub.s32 $0x0, s20;
	[sflag:s22] =	ssyncset.done $0x0  }
0xa5: {  	[sflag:s22] =	ssyncadd.s32 s9;
	_ =	sdelay $0x1  }
0xa6: {  	s23 =	simm.s32 $0x1B8B  }
0xa7: {  	_ =	swait.ge [sflag:s23], $0x1  }
0xa8: {  	[sflag:s23] =	ssyncset.done $0x0  }
0xa9: {  	s25 =	simm.s32 $0x1B8E;
	s24 =	sld [smem:$0x3FFE];
	[sflag:s23] =	ssyncadd.s32 $0xFFFFFFFF  }
0xaa: {  	s26 =	simm.s32 $execute0_lowered;
	[smem:$0x3FD2] =	sst s25  }
0xab: {  	s10 =	sshll.u32 s26, $0x1;
	_ =	strace $0x80000046;
	[dreg:$0x1] =	wrdreg $0xFFFFFFFF  }
0xac: {  	s28 =	simm.s32 $_size_execute0_lowered;
	s8 =	sadd.s32 s8, s10;
	[dreg:$0x0] =	wrdreg $0x0  }
0xad: {  	s10 =	sshll.u32 s28, $0x1;
	[dreg:$0x2] =	wrdreg s8  }
0xae: {  	[dreg:$0x3] =	wrdreg s10  }
0xaf: {  	[dreg:$0x4] =	wrdreg $0xC0  }
0xb0: {  	_ =	task [dreg:s12], $0x5FFFF  }
0xb1: {  	[dreg:$0x1] =	wrdreg $0xFFFFFFFF  }
0xb2: {  	[dreg:$0x0] =	wrdreg $0x60  }
0xb3: {  	[dreg:$0x2] =	wrdreg s2  }
0xb4: {  	[dreg:$0x3] =	wrdreg s18  }
0xb5: {  	[dreg:$0x4] =	wrdreg s4  }
0xb6: {  	[dreg:$0x5] =	wrdreg s24  }
0xb7: {  	[dreg:$0x6] =	wrdreg s5  }
0xb8: {  	[dreg:$0x7] =	wrdreg s6  }
0xb9: {  	[dreg:$0x8] =	wrdreg s7  }
0xba: {  	[dreg:$0x9] =	wrdreg $0x5B000  }
0xbb: {  	[dreg:$0xa] =	wrdreg $0x5B800  }
0xbc: {  	[dreg:$0xb] =	wrdreg $0x9  }
0xbd: {  	_ =	task.clear_ibuf [dreg:s12], $0xCFFFF;
	_ =	strace $0x90000046  }
0xbe: {  	s29 =	simm.s32 $0x9;
	_ =	strace $0x80000048  }
0xbf: {  	_ =	swait.ge [sflag:s29], $0x1  }
0xc0: {  	[sflag:s29] =	ssyncadd.s32 $0xFFFFFFFF  }
0xc1: {  	_ =	strace $0x90000048  }
0xc2: {  	_ =	sfence  }
0xc3: {  	s30 =	sld [smem:$0x0];
	_ =	sdelay $0x2  }
0xc4: {  	s31 =	sshll.u32 s1, $0xD;
	s1 =	sshrl.u32 s1, $0x2  }
0xc5: {  	s3 =	sand.u32 $0x4000, s31;
	s1 =	sadd.s32 s1, s30  }
0xc6: {  	s0 =	sor.u32 s3, s0;
	s1 =	sshll.u32 s1, $0x11  }
0xc7: {  	s0 =	sor.u32 s1, s0  }
0xc8: {  	s0 =	sadd.s32 $0x8F2B, s0  }
0xc9: {  	[sflag:s0] =	ssyncadd.remote.s32 $0x1  }
0xca: {  	_ =	sfence.sel $0xFFFF  }
0xcb: {  	[dreg:$0x0] =	wrdreg $0xFFFFFFFF;
	(pc) =	sbr.abs _section_cstart, $3  }
0xcc: {  	[dreg:$0x1] =	wrdreg $0xFFFFFFFF  }
0xcd: {  	_ =	task.clear_ibuf [dreg:s12], $0x2FFFF;
	_ =	strace $0x9FFFFFFF  }
0xce: {  	(tm) =	ssettm $0x7FFFFFFF  }
0xcf: {  	_ =	shalt  }
tec
execute0_lowered:
.L_overlay_start_1:
0x0: {  	(tag) =	ssettag $0x1  }
0x1: {  	s11 =	rddreg [dreg:$0x0]  }
0x2: {  	s0 =	rddreg [dreg:$0x1]  }
0x3: {  	s1 =	rddreg [dreg:$0x2]  }
0x4: {  	s9 =	rddreg [dreg:$0x3]  }
0x5: {  	s10 =	rddreg [dreg:$0x4]  }
0x6: {  	s3 =	rddreg [dreg:$0x5]  }
0x7: {  	s4 =	rddreg [dreg:$0x6]  }
0x8: {  	s5 =	rddreg [dreg:$0x7]  }
0x9: {  	s7 =	rddreg [dreg:$0x8];
	s8 =	simm.s32 $0x0;
	s6 =	stileid.u32  }
0xa: {  	s12 =	srdreg.scid;
	s28 =	simm.f32 $1.000000000e+00;
	s16 =	simm.s32 $0x5100  }
0xb: {  	s17 =	simm.s32 $0x5180;
	s18 =	simm.s32 $0x4;
	s19 =	simm.s32 $0x10  }
0xc: {  	s20 =	simm.s32 $0x80;
	s21 =	simm.s32 $0x1;
	s24 =	simm.s32 $0x2  }
0xd: {  	s25 =	simm.s32 $0x900;
	s29 =	simm.s32 $0x5A80;
	[smem:$0x7FF] =	sst s8  }
0xe: {  	s13 =	sshll.u32 s6, $0xB;
	s14 =	sand.u32 $0x1, s12;
	p1 =	slt.u32 s6, $0x8  }
0xf: {  	s30 =	sshll.u32 s6, $0x1;
	p2 =	slt.u32 s6, $0xD;
	s31 =	sshll.u32 s6, $0x7  }
0x10: {  	s23 =	sshll.u32 s6, $0x6;
	_ =	strace $0x80000047;
	s12 =	ssub.s32 $0x2, s14  }
0x11: {  	p0 =	seq.s32 s14, $0x0;
	s9 =	sadd.s32 s13, s9;
	s10 =	sadd.s32 s10, s30  }
0x12: {  	s11 =	sadd.s32 s11, s30;
	s28 =	simm.s32 @!p2 $0x0;
	p2 =	slt.u32 s6, $0xC  }
0x13: {  	s13 =	sadd.s32 s31, s7;
	s22 =	sor.u32 s6, s14;
	s23 =	sshrl.u32 s23, $0x2  }
.Ltmp0:
0x14: {  	s26 =	sshrl.u32 s12, $0x1;
	p1 =	por !p0, !p1;
	(pc) =	sbr.rel .LBB2_1-.Ltmp0, $4  }
0x15: {  	s9 =	sadd.s32 $0x400, s9;
	v0 =	vmov s28;
	s28 =	simm.s32 $0x5680;
	s15 =	ssub.s32 s12, s26  }
0x16: {  	p1 =	por !p1, !p1;
	s26 =	simm.f32 $1.000000000e+00;
	s12 =	sadd.s32 s31, s5  }
0x17: {  	s26 =	simm.s32 @!p2 $0x0;
	s14 =	smax.u32 s15, $0x1;
	s15 =	simm.s32 $0x1100  }
0x18: {  	p2 =	sne.s32 s22, $0x0;
	s22 =	simm.s32 $0x880;
	v1 =	vmov s26;
	s26 =	simm.s32 $0x5600  }
.LBB2_9:
0x19: {  	s14 =	sadd.s32 $0xFFFFFFFF, s14  }
0x1a: {  	p3 =	sne.s32 s14, $0x0  }
.Ltmp1:
0x1b: {  	_ = 	snop;
	(pc) =	sbr.rel @!p3 .LBB2_10-.Ltmp1, $1  }
0x1c: {  	_ =	sdelay $0x3  }
.LBB2_1:
.Ltmp2:
0x1d: {  	(pc) =	sbr.rel @!p1 .LBB2_5-.Ltmp2, $1  }
0x1e: {  	_ =	sdelay $0x3  }
0x1f: {  	[tilespmem:s15], [sflag:$0x2] =	stream.linear.gather [hbm4b:s9+s8], $0x4000, $0x38;
	[tilespmem:$0x5B88] =	vst v63  }
.Ltmp3:
0x20: {  	_ = 	snop;
	(pc) =	sbr.rel .LBB2_3-.Ltmp3, $4  }
0x21: {  	_ = 	snop  }
0x22: {  	[tilespmem:s16], [sflag:$0x2] =	stream.linear.gather [hbm4b:s10+s8], $0x10, $0x38;
	[tilespmem:$0x5B88] =	vst v63  }
0x23: {  	_ = 	snop  }
0x24: {  	[tilespmem:s17], [sflag:$0x3] =	stream.linear.gather [hbm4b:s0+s8], $0x80, $0x38;
	[tilespmem:$0x5B88] =	vst v63  }
.LBB2_5:
.Ltmp4:
0x25: {  	(pc) =	sbr.rel @!p0 .LBB2_6-.Ltmp4, $1  }
0x26: {  	_ =	sdelay $0x3  }
.LBB2_3:
0x27: {  	[tilespmem:s8], [sflag:$0x4] =	stream.linear.gather [hbm4b:s11+s8], $0x10, $0x38;
	[tilespmem:$0x5B88] =	vst v63  }
0x28: {  	_ =	swait.ge [sflag:s18], $0x10  }
0x29: {  	[sflag:s18] =	ssyncset.done $0x0  }
0x2a: {  	s30 =	simm.s32 @p1 $0x3;
	[sflag:s18] =	ssyncadd.s32 $0xFFFFFFF0  }
0x2b: {  	[tilespmem:s20], [sflag:$0x1] =	stream.indirect.gather [hbm4b:s1+s19], $0x80, s8, s19, $0xb8;
	[tilespmem:$0x5B88] =	vst v63  }
0x2c: {  	_ =	swait.ge @p1 [sflag:s30], $0x80  }
0x2d: {  	s31 =	simm.s32 @p1 $0x5180;
	[sflag:s30] =	ssyncset.done @p1 $0x0  }
0x2e: {  	s2 =	simm.s32 @p1 $0x5200;
	[sflag:s30] =	ssyncadd.s32 @p1 $0xFFFFFF80;
	s30 =	simm.s32 @p1 $0x8  }
0x2f: {  	[tilespmem:s2], [sflag:$0x2] =	stream.indirect.gather @p1 [hbm4b:s3+s30], $0x80, s31, s30, $0xb8;
	[tilespmem:$0x5B88] =	vst v63  }
0x30: {  	_ =	swait.ge [sflag:s21], $0x800  }
0x31: {  	[sflag:s21] =	ssyncset.done $0x0  }
0x32: {  	[sflag:s21] =	ssyncadd.s32 $0xFFFFF800  }
0x33: {  	v2 =	vld [tilespmem:$0x80]  }
0x34: {  	v3 =	vld [tilespmem:$0x90]  }
0x35: {  	v4 =	vld [tilespmem:$0xA0]  }
0x36: {  	v5 =	vld [tilespmem:$0xB0]  }
0x37: {  	v6 =	vld [tilespmem:$0xC0]  }
0x38: {  	v7 =	vld [tilespmem:$0xD0]  }
0x39: {  	v8 =	vld [tilespmem:$0xE0]  }
0x3a: {  	v9 =	vld [tilespmem:$0xF0]  }
0x3b: {  	v10 =	vld [tilespmem:$0x100]  }
0x3c: {  	v11 =	vld [tilespmem:$0x110]  }
0x3d: {  	v12 =	vld [tilespmem:$0x120]  }
0x3e: {  	v13 =	vld [tilespmem:$0x130]  }
0x3f: {  	v14 =	vld [tilespmem:$0x140]  }
0x40: {  	v15 =	vld [tilespmem:$0x150]  }
0x41: {  	v16 =	vld [tilespmem:$0x160]  }
0x42: {  	v17 =	vld [tilespmem:$0x170]  }
0x43: {  	v18 =	vld [tilespmem:$0x180]  }
0x44: {  	v19 =	vld [tilespmem:$0x190]  }
0x45: {  	v20 =	vld [tilespmem:$0x1A0]  }
0x46: {  	v21 =	vld [tilespmem:$0x1B0]  }
0x47: {  	v22 =	vld [tilespmem:$0x1C0]  }
0x48: {  	v23 =	vld [tilespmem:$0x1D0]  }
0x49: {  	v24 =	vld [tilespmem:$0x1E0]  }
0x4a: {  	v25 =	vld [tilespmem:$0x1F0]  }
0x4b: {  	v26 =	vld [tilespmem:$0x200]  }
0x4c: {  	v27 =	vld [tilespmem:$0x210]  }
0x4d: {  	v28 =	vld [tilespmem:$0x220]  }
0x4e: {  	v29 =	vld [tilespmem:$0x230]  }
0x4f: {  	v30 =	vld [tilespmem:$0x240]  }
0x50: {  	v31 =	vld [tilespmem:$0x250]  }
0x51: {  	v32 =	vld [tilespmem:$0x260]  }
0x52: {  	v33 =	vld [tilespmem:$0x270]  }
0x53: {  	v34 =	vld [tilespmem:$0x280]  }
0x54: {  	v35 =	vld [tilespmem:$0x290]  }
0x55: {  	v36 =	vld [tilespmem:$0x2A0]  }
0x56: {  	v37 =	vld [tilespmem:$0x2B0]  }
0x57: {  	v38 =	vld [tilespmem:$0x2C0]  }
0x58: {  	v39 =	vld [tilespmem:$0x2D0]  }
0x59: {  	v40 =	vld [tilespmem:$0x2E0]  }
0x5a: {  	v41 =	vld [tilespmem:$0x2F0]  }
0x5b: {  	v42 =	vld [tilespmem:$0x300]  }
0x5c: {  	v43 =	vld [tilespmem:$0x310]  }
0x5d: {  	v44 =	vld [tilespmem:$0x320];
	v2 =	vmul.f32 v2, v0  }
0x5e: {  	v45 =	vld [tilespmem:$0x330];
	v3 =	vmul.f32 v3, v0;
	v4 =	vmul.f32 v4, v0  }
0x5f: {  	v46 =	vld [tilespmem:$0x340];
	v5 =	vmul.f32 v5, v0;
	v6 =	vmul.f32 v6, v0  }
0x60: {  	v47 =	vld [tilespmem:$0x350];
	v7 =	vmul.f32 v7, v0;
	v10 =	vmul.f32 v10, v0  }
0x61: {  	v48 =	vld [tilespmem:$0x360];
	v11 =	vmul.f32 v11, v0;
	v8 =	vmul.f32 v8, v0  }
0x62: {  	v49 =	vld [tilespmem:$0x370];
	v55 =	vmul.f32 v12, v0;
	v9 =	vmul.f32 v9, v0  }
0x63: {  	v50 =	vld [tilespmem:$0x380];
	v56 =	vmul.f32 v13, v0;
	v57 =	vmul.f32 v14, v0  }
0x64: {  	v51 =	vld [tilespmem:$0x390];
	v58 =	vmul.f32 v15, v0;
	v59 =	vmul.f32 v16, v0  }
0x65: {  	v52 =	vld [tilespmem:$0x3A0];
	v60 =	vmul.f32 v17, v0;
	v61 =	vmul.f32 v18, v0  }
0x66: {  	v53 =	vld [tilespmem:$0x3B0];
	v62 =	vmul.f32 v19, v0;
	v63 =	vmul.f32 v20, v0  }
0x67: {  	v54 =	vld [tilespmem:$0x3C0];
	v30 =	vmul.f32 v30, v0;
	v31 =	vmul.f32 v31, v0  }
0x68: {  	v12 =	vld [tilespmem:$0x3D0];
	v32 =	vmul.f32 v32, v0;
	v33 =	vmul.f32 v33, v0  }
0x69: {  	v13 =	vld [tilespmem:$0x3E0];
	v34 =	vmul.f32 v34, v0;
	v35 =	vmul.f32 v35, v0  }
0x6a: {  	v14 =	vld [tilespmem:$0x3F0];
	v36 =	vmul.f32 v36, v0;
	v37 =	vmul.f32 v37, v0  }
0x6b: {  	v15 =	vld [tilespmem:$0x400];
	v38 =	vmul.f32 v38, v0;
	v39 =	vmul.f32 v39, v0  }
0x6c: {  	v17 =	vld [tilespmem:$0x410];
	v40 =	vmul.f32 v40, v0;
	v41 =	vmul.f32 v41, v0  }
0x6d: {  	v19 =	vld [tilespmem:$0x420];
	v42 =	vmul.f32 v42, v0;
	v43 =	vmul.f32 v43, v0  }
0x6e: {  	v16 =	vld [tilespmem:$0x430];
	v44 =	vmul.f32 v44, v0;
	v45 =	vmul.f32 v45, v0  }
0x6f: {  	v18 =	vld [tilespmem:$0x440];
	v46 =	vmul.f32 v46, v0;
	v2 =	vadd.f32 $0.0e+00, v2;
	v4 =	vadd.f32 $0.0e+00, v4  }
0x70: {  	v20 =	vld [tilespmem:$0x470];
	v47 =	vmul.f32 v47, v0;
	v3 =	vadd.f32 $0.0e+00, v3;
	v6 =	vadd.f32 $0.0e+00, v6  }
0x71: {  	v5 =	vadd.f32 $0.0e+00, v5;
	v4 =	vadd.f32 v55, v4;
	v55 =	vmul.f32 v21, v0;
	v21 =	vld [tilespmem:$0x450]  }
0x72: {  	v8 =	vadd.f32 $0.0e+00, v8;
	v6 =	vadd.f32 v57, v6;
	v57 =	vmul.f32 v23, v0;
	v23 =	vld [tilespmem:$0x460]  }
0x73: {  	v7 =	vadd.f32 $0.0e+00, v7;
	v5 =	vadd.f32 v56, v5;
	v56 =	vmul.f32 v22, v0;
	v22 =	vld [tilespmem:$0x480]  }
0x74: {  	v9 =	vadd.f32 $0.0e+00, v9;
	v8 =	vadd.f32 v59, v8;
	v59 =	vmul.f32 v25, v0;
	v25 =	vld [tilespmem:$0x490]  }
0x75: {  	v2 =	vadd.f32 v10, v2;
	v7 =	vadd.f32 v58, v7;
	v58 =	vmul.f32 v24, v0;
	v24 =	vld [tilespmem:$0x4B0]  }
0x76: {  	v48 =	vmul.f32 v48, v0;
	v9 =	vadd.f32 v60, v9;
	v60 =	vmul.f32 v26, v0;
	v26 =	vld [tilespmem:$0x4C0]  }
0x77: {  	v3 =	vadd.f32 v11, v3;
	v2 =	vadd.f32 v61, v2;
	v61 =	vmul.f32 v27, v0;
	v27 =	vld [tilespmem:$0x4A0]  }
0x78: {  	v49 =	vmul.f32 v49, v0;
	v4 =	vadd.f32 v63, v4;
	v63 =	vmul.f32 v29, v0;
	v29 =	vld [tilespmem:$0x4D0]  }
0x79: {  	v50 =	vmul.f32 v50, v0;
	v3 =	vadd.f32 v62, v3;
	v62 =	vmul.f32 v28, v0;
	v28 =	vld [tilespmem:$0x4F0]  }
0x7a: {  	v51 =	vmul.f32 v51, v0;
	v5 =	vadd.f32 v55, v5;
	v55 =	vmul.f32 v13, v0;
	v13 =	vld [tilespmem:$0x5B0]  }
0x7b: {  	v52 =	vmul.f32 v52, v0;
	v7 =	vadd.f32 v57, v7;
	v57 =	vmul.f32 v15, v0;
	v15 =	vld [tilespmem:$0x5D0]  }
0x7c: {  	v53 =	vmul.f32 v53, v0;
	v8 =	vadd.f32 v58, v8;
	v58 =	vmul.f32 v17, v0;
	v17 =	vld [tilespmem:$0x5E0]  }
0x7d: {  	v6 =	vadd.f32 v56, v6;
	v9 =	vadd.f32 v59, v9;
	v56 =	vmul.f32 v14, v0;
	v14 =	vld [tilespmem:$0x5F0]  }
0x7e: {  	v59 =	vmul.f32 v19, v0;
	v19 =	vld [tilespmem:$0x610];
	v2 =	vadd.f32 v60, v2;
	v3 =	vadd.f32 v61, v3  }
0x7f: {  	v54 =	vmul.f32 v54, v0;
	v4 =	vadd.f32 v62, v4;
	v7 =	vadd.f32 v31, v7;
	v31 =	vld [tilespmem:$0x4E0]  }
0x80: {  	v12 =	vmul.f32 v12, v0;
	v5 =	vadd.f32 v63, v5;
	v6 =	vadd.f32 v30, v6;
	v30 =	vld [tilespmem:$0x500]  }
0x81: {  	v16 =	vmul.f32 v16, v0;
	v8 =	vadd.f32 v32, v8;
	v9 =	vadd.f32 v33, v9;
	v33 =	vld [tilespmem:$0x510]  }
0x82: {  	v32 =	vld [tilespmem:$0x530];
	v60 =	vmul.f32 v18, v0;
	v2 =	vadd.f32 v34, v2;
	v3 =	vadd.f32 v35, v3  }
0x83: {  	v63 =	vmul.f32 v20, v0;
	v18 =	vld [tilespmem:$0x630];
	v4 =	vadd.f32 v36, v4;
	v5 =	vadd.f32 v37, v5  }
0x84: {  	v20 =	vld [tilespmem:$0x640];
	v61 =	vmul.f32 v21, v0;
	v6 =	vadd.f32 v38, v6;
	v7 =	vadd.f32 v39, v7  }
0x85: {  	v62 =	vmul.f32 v23, v0;
	v23 =	vld [tilespmem:$0x650];
	v8 =	vadd.f32 v40, v8;
	v9 =	vadd.f32 v41, v9  }
0x86: {  	v35 =	vld [tilespmem:$0x520];
	v40 =	vmul.f32 v22, v1;
	v2 =	vadd.f32 v42, v2;
	v3 =	vadd.f32 v43, v3  }
0x87: {  	v34 =	vld [tilespmem:$0x540];
	v13 =	vmul.f32 v13, v1;
	v4 =	vadd.f32 v44, v4;
	v5 =	vadd.f32 v45, v5  }
0x88: {  	v37 =	vld [tilespmem:$0x550];
	v14 =	vmul.f32 v14, v1;
	v6 =	vadd.f32 v46, v6;
	v7 =	vadd.f32 v47, v7  }
0x89: {  	v39 =	vld [tilespmem:$0x560];
	v8 =	vadd.f32 v48, v8;
	v9 =	vadd.f32 v49, v9;
	v43 =	vmul.f32 v25, v1  }
0x8a: {  	v36 =	vld [tilespmem:$0x570];
	v45 =	vmul.f32 v27, v1;
	v46 =	vmul.f32 v24, v1;
	v2 =	vadd.f32 v50, v2  }
0x8b: {  	v38 =	vld [tilespmem:$0x580];
	v47 =	vmul.f32 v26, v1;
	v3 =	vadd.f32 v51, v3;
	v4 =	vadd.f32 v52, v4  }
0x8c: {  	v41 =	vld [tilespmem:$0x590];
	v48 =	vmul.f32 v29, v1;
	v5 =	vadd.f32 v53, v5;
	v6 =	vadd.f32 v54, v6  }
0x8d: {  	v42 =	vld [tilespmem:$0x5A0];
	v49 =	vmul.f32 v31, v1;
	v7 =	vadd.f32 v12, v7;
	v8 =	vadd.f32 v55, v8  }
0x8e: {  	v44 =	vld [tilespmem:$0x620];
	v9 =	vadd.f32 v56, v9;
	v50 =	vmul.f32 v28, v1;
	v51 =	vmul.f32 v30, v1  }
0x8f: {  	v25 =	vld [tilespmem:$0x660];
	v53 =	vmul.f32 v33, v1;
	v55 =	vmul.f32 v32, v1;
	v2 =	vadd.f32 v57, v2  }
0x90: {  	v24 =	vld [tilespmem:$0x680];
	v54 =	vmul.f32 v35, v1;
	v3 =	vadd.f32 v58, v3;
	v4 =	vadd.f32 v59, v4  }
0x91: {  	v27 =	vld [tilespmem:$0x690];
	v56 =	vmul.f32 v34, v1;
	v5 =	vadd.f32 v16, v5;
	v6 =	vadd.f32 v60, v6  }
0x92: {  	v29 =	vld [tilespmem:$0x6A0];
	v7 =	vadd.f32 v61, v7;
	v57 =	vmul.f32 v37, v1;
	v58 =	vmul.f32 v39, v1  }
0x93: {  	v26 =	vld [tilespmem:$0x6B0];
	v8 =	vadd.f32 v62, v8;
	v59 =	vmul.f32 v36, v1;
	v60 =	vmul.f32 v38, v1  }
0x94: {  	v31 =	vld [tilespmem:$0x7C0];
	v9 =	vadd.f32 v63, v9;
	v61 =	vmul.f32 v41, v1;
	v37 =	vmul.f32 v15, v1  }
0x95: {  	v12 =	vld [tilespmem:$0x5C0];
	v39 =	vmul.f32 v17, v1;
	v63 =	vmul.f32 v42, v1;
	v2 =	vadd.f32 v40, v2  }
0x96: {  	v52 =	vld [tilespmem:$0x670];
	v42 =	vmul.f32 v19, v1;
	v3 =	vadd.f32 v43, v3;
	v4 =	vadd.f32 v45, v4  }
0x97: {  	v28 =	vld [tilespmem:$0x6C0];
	v44 =	vmul.f32 v44, v1;
	v5 =	vadd.f32 v46, v5;
	v6 =	vadd.f32 v47, v6  }
0x98: {  	v32 =	vld [tilespmem:$0x6E0];
	v7 =	vadd.f32 v48, v7;
	v8 =	vadd.f32 v49, v8;
	v46 =	vmul.f32 v18, v1  }
0x99: {  	v34 =	vld [tilespmem:$0x7D0];
	v9 =	vadd.f32 v50, v9;
	v48 =	vmul.f32 v20, v1;
	v49 =	vmul.f32 v23, v1  }
0x9a: {  	v16 =	vld [tilespmem:$0x600];
	v35 =	vmul.f32 v12, v1;
	v2 =	vadd.f32 v51, v2;
	v3 =	vadd.f32 v53, v3  }
0x9b: {  	v62 =	vld [tilespmem:$0x6D0];
	v52 =	vmul.f32 v52, v1;
	v4 =	vadd.f32 v54, v4;
	v5 =	vadd.f32 v55, v5  }
0x9c: {  	v36 =	vld [tilespmem:$0x6F0];
	v6 =	vadd.f32 v56, v6;
	v7 =	vadd.f32 v57, v7;
	v51 =	vmul.f32 v25, v1  }
0x9d: {  	v38 =	vld [tilespmem:$0x700];
	v8 =	vadd.f32 v58, v8;
	v54 =	vmul.f32 v24, v1;
	v56 =	vmul.f32 v27, v1  }
0x9e: {  	v40 =	vld [tilespmem:$0x710];
	v9 =	vadd.f32 v59, v9;
	v58 =	vmul.f32 v29, v1;
	v59 =	vmul.f32 v26, v1  }
0x9f: {  	v43 =	vld [tilespmem:$0x720];
	v41 =	vmul.f32 v16, v1;
	v2 =	vadd.f32 v60, v2;
	v3 =	vadd.f32 v61, v3  }
0xa0: {  	v45 =	vld [tilespmem:$0x730];
	v62 =	vmul.f32 v62, v1;
	v4 =	vadd.f32 v63, v4;
	v5 =	vadd.f32 v13, v5  }
0xa1: {  	v47 =	vld [tilespmem:$0x740];
	v30 =	vmul.f32 v36, v1;
	v6 =	vadd.f32 v35, v6;
	v7 =	vadd.f32 v37, v7  }
0xa2: {  	v50 =	vld [tilespmem:$0x750];
	v8 =	vadd.f32 v39, v8;
	v61 =	vmul.f32 v28, v1;
	v28 =	vmul.f32 v32, v1  }
0xa3: {  	v53 =	vld [tilespmem:$0x760];
	v9 =	vadd.f32 v14, v9;
	v32 =	vmul.f32 v38, v1;
	v33 =	vmul.f32 v40, v1  }
0xa4: {  	v55 =	vld [tilespmem:$0x770];
	v35 =	vmul.f32 v43, v1;
	v2 =	vadd.f32 v41, v2;
	v3 =	vadd.f32 v42, v3  }
0xa5: {  	v57 =	vld [tilespmem:$0x780];
	v14 =	vmul.f32 v45, v1;
	v4 =	vadd.f32 v44, v4;
	v5 =	vadd.f32 v46, v5  }
0xa6: {  	v29 =	vld [tilespmem:$0x7B0];
	v37 =	vmul.f32 v47, v1;
	v6 =	vadd.f32 v48, v6;
	v7 =	vadd.f32 v49, v7  }
0xa7: {  	v36 =	vld [tilespmem:$0x7E0];
	v39 =	vmul.f32 v50, v1;
	v8 =	vadd.f32 v51, v8;
	v9 =	vadd.f32 v52, v9  }
0xa8: {  	v60 =	vld [tilespmem:$0x790];
	v51 =	vmul.f32 v31, v1;
	v2 =	vadd.f32 v54, v2;
	v3 =	vadd.f32 v56, v3  }
0xa9: {  	v63 =	vld [tilespmem:$0x7A0];
	v41 =	vmul.f32 v53, v1;
	v4 =	vadd.f32 v58, v4;
	v5 =	vadd.f32 v59, v5  }
0xaa: {  	v40 =	vld [tilespmem:$0x800];
	v42 =	vmul.f32 v55, v1;
	v6 =	vadd.f32 v61, v6;
	v7 =	vadd.f32 v62, v7  }
0xab: {  	v43 =	vld [tilespmem:$0x810];
	v44 =	vmul.f32 v57, v1;
	v8 =	vadd.f32 v28, v8;
	v9 =	vadd.f32 v30, v9  }
0xac: {  	v50 =	vld [tilespmem:$0x840];
	v49 =	vmul.f32 v29, v1;
	v2 =	vadd.f32 v32, v2;
	v3 =	vadd.f32 v33, v3  }
0xad: {  	v46 =	vld [tilespmem:$0x820];
	v54 =	vmul.f32 v34, v1;
	v4 =	vadd.f32 v35, v4;
	v5 =	vadd.f32 v14, v5  }
0xae: {  	v48 =	vld [tilespmem:$0x830];
	v45 =	vmul.f32 v60, v1;
	v6 =	vadd.f32 v37, v6;
	v7 =	vadd.f32 v39, v7  }
0xaf: {  	v38 =	vld [tilespmem:$0x7F0];
	v47 =	vmul.f32 v63, v1;
	v8 =	vadd.f32 v41, v8;
	v9 =	vadd.f32 v42, v9  }
0xb0: {  	v53 =	vld [tilespmem:$0x850];
	v52 =	vmul.f32 v40, v1;
	v55 =	vmul.f32 v43, v1;
	v2 =	vadd.f32 v44, v2  }
0xb1: {  	v56 =	vld [tilespmem:$0x860];
	v60 =	vmul.f32 v50, v1;
	v3 =	vadd.f32 v45, v3;
	v4 =	vadd.f32 v47, v4  }
0xb2: {  	v58 =	vld [tilespmem:$0x870];
	v57 =	vmul.f32 v46, v1;
	v5 =	vadd.f32 v49, v5;
	v2 =	vadd.f32 v52, v2  }
0xb3: {  	v59 =	vmul.f32 v48, v1;
	v6 =	vadd.f32 v51, v6;
	v3 =	vadd.f32 v55, v3  }
0xb4: {  	v7 =	vadd.f32 v54, v7;
	v4 =	vadd.f32 v57, v4;
	[tilespmem:$0x880] =	vst v2;
	v2 =	vmul.f32 v36, v1  }
0xb5: {  	v61 =	vmul.f32 v53, v1;
	v5 =	vadd.f32 v59, v5;
	[tilespmem:$0x890] =	vst v3;
	v3 =	vmul.f32 v38, v1  }
0xb6: {  	v62 =	vmul.f32 v56, v1;
	v6 =	vadd.f32 v60, v6;
	[tilespmem:$0x8A0] =	vst v4;
	v2 =	vadd.f32 v2, v8  }
0xb7: {  	v63 =	vmul.f32 v58, v1;
	v7 =	vadd.f32 v61, v7;
	[tilespmem:$0x8B0] =	vst v5;
	v3 =	vadd.f32 v3, v9  }
0xb8: {  	[tilespmem:$0x8C0] =	vst v6;
	v2 =	vadd.f32 v62, v2  }
0xb9: {  	[tilespmem:$0x8D0] =	vst v7;
	v3 =	vadd.f32 v63, v3  }
0xba: {  	[tilespmem:$0x8E0] =	vst v2  }
0xbb: {  	[tilespmem:$0x8F0] =	vst v3  }
0xbc: {  	[spmem:s12] =	stream.linear.scatter [tilespmem:s22], [sflag:$0x4], $0x80, $0x38;
	[tilespmem:$0x5B88] =	vst v63  }
.Ltmp5:
0xbd: {  	_ =	swait.ge [sflag:s18], $0x80;
	(pc) =	sbr.rel @!p1 .LBB2_7-.Ltmp5, $3  }
0xbe: {  	[sflag:s18] =	ssyncset.done $0x0  }
0xbf: {  	[sflag:s18] =	ssyncadd.s32 $0xFFFFFF80  }
0xc0: {  	[bflag:$0x0] =	sbarrier.arrive $0xFFFF;
	_ =	sdelay $0x1  }
0xc1: {  	_ =	swait.ge [sflag:s24], $0x4000  }
0xc2: {  	[sflag:s24] =	ssyncset.done $0x0  }
0xc3: {  	[sflag:s24] =	ssyncadd.s32 $0xFFFFC000  }
0xc4: {  	_ =	swait.ge [sflag:s24], $0x10  }
0xc5: {  	[sflag:s24] =	ssyncset.done $0x0  }
0xc6: {  	[sflag:s24] =	ssyncadd.s32 $0xFFFFFFF0  }
0xc7: {  	_ =	swait.ge [sflag:s24], $0x400  }
0xc8: {  	[sflag:s24] =	ssyncset.done $0x0  }
0xc9: {  	[sflag:s24] =	ssyncadd.s32 $0xFFFFFC00  }
0xca: {  	[tilespmem:s25], [sflag:$0x4] =	stream.linear.gather [spmem:s5], $0x800, $0x38;
	[tilespmem:$0x5B88] =	vst v63  }
0xcb: {  	_ =	swait.ge [sflag:s18], $0x800  }
0xcc: {  	[sflag:s18] =	ssyncset.done $0x0  }
0xcd: {  	[sflag:s18] =	ssyncadd.s32 $0xFFFFF800  }
0xce: {  	v2 =	vld [tilespmem:$0x900]  }
0xcf: {  	v3 =	vld [tilespmem:$0x980];
	_ =	sdelay $0x1  }
0xd0: {  	v4 =	vld [tilespmem:$0xA00];
	_ =	sdelay $0x1  }
0xd1: {  	v5 =	vld [tilespmem:$0xA80]  }
0xd2: {  	v2 =	vadd.f32 v3, v2  }
0xd3: {  	v3 =	vld [tilespmem:$0xB00]  }
0xd4: {  	v2 =	vadd.f32 v4, v2  }
0xd5: {  	v38 =	vld [tilespmem:$0xB80]  }
0xd6: {  	v2 =	vadd.f32 v5, v2  }
0xd7: {  	v39 =	vld [tilespmem:$0xC00]  }
0xd8: {  	v2 =	vadd.f32 v3, v2  }
0xd9: {  	v3 =	vld [tilespmem:$0xC80]  }
0xda: {  	v2 =	vadd.f32 v38, v2  }
0xdb: {  	v40 =	vld [tilespmem:$0xD00]  }
0xdc: {  	v2 =	vadd.f32 v39, v2  }
0xdd: {  	v41 =	vld [tilespmem:$0xD80]  }
0xde: {  	v2 =	vadd.f32 v3, v2  }
0xdf: {  	v3 =	vld [tilespmem:$0xE00]  }
0xe0: {  	v2 =	vadd.f32 v40, v2  }
0xe1: {  	v42 =	vld [tilespmem:$0xE80]  }
0xe2: {  	v2 =	vadd.f32 v41, v2  }
0xe3: {  	v43 =	vld [tilespmem:$0xF00]  }
0xe4: {  	v2 =	vadd.f32 v3, v2  }
0xe5: {  	v3 =	vld [tilespmem:$0xF80]  }
0xe6: {  	v2 =	vadd.f32 v42, v2  }
0xe7: {  	v44 =	vld [tilespmem:$0x1000]  }
0xe8: {  	v2 =	vadd.f32 v43, v2  }
0xe9: {  	v45 =	vld [tilespmem:$0x1080]  }
0xea: {  	v2 =	vadd.f32 v3, v2  }
0xeb: {  	v6 =	vld [tilespmem:$0x990]  }
0xec: {  	v46 =	vld [tilespmem:$0x1100];
	v2 =	vadd.f32 v44, v2  }
0xed: {  	v3 =	vld [tilespmem:$0x910]  }
0xee: {  	v7 =	vld [tilespmem:$0xA10];
	v2 =	vadd.f32 v45, v2  }
0xef: {  	v47 =	vld [tilespmem:$0x1180]  }
0xf0: {  	v8 =	vld [tilespmem:$0xA90];
	v9 =	vbroadcast v2, $0x0  }
0xf1: {  	v48 =	vld [tilespmem:$0x1200]  }
0xf2: {  	v10 =	vld [tilespmem:$0xB10];
	v3 =	vadd.f32 v6, v3;
	v49 =	vbroadcast v2, $0x1;
	v4 =	vmul.f32 v46, v9  }
0xf3: {  	v50 =	vld [tilespmem:$0x1280];
	v51 =	vbroadcast v2, $0x2  }
0xf4: {  	v11 =	vld [tilespmem:$0xB90];
	v3 =	vadd.f32 v7, v3;
	v5 =	vmul.f32 v47, v49;
	v4 =	vadd.f32 $0.0e+00, v4  }
0xf5: {  	v52 =	vld [tilespmem:$0x1300];
	v54 =	vbroadcast v2, $0x3  }
0xf6: {  	v12 =	vld [tilespmem:$0xC10];
	v53 =	vmul.f32 v48, v51;
	v3 =	vadd.f32 v8, v3;
	v4 =	vadd.f32 v5, v4  }
0xf7: {  	v55 =	vld [tilespmem:$0x1380];
	v58 =	vbroadcast v2, $0x4  }
0xf8: {  	v56 =	vld [tilespmem:$0xC90];
	v57 =	vmul.f32 v50, v54;
	v3 =	vadd.f32 v10, v3;
	v4 =	vadd.f32 v53, v4  }
0xf9: {  	v59 =	vld [tilespmem:$0x1400];
	v62 =	vbroadcast v2, $0x5  }
0xfa: {  	v60 =	vld [tilespmem:$0xD10];
	v61 =	vmul.f32 v52, v58;
	v3 =	vadd.f32 v11, v3;
	v4 =	vadd.f32 v57, v4  }
0xfb: {  	v63 =	vld [tilespmem:$0x1480];
	v18 =	vbroadcast v2, $0x6  }
0xfc: {  	v16 =	vld [tilespmem:$0xD90];
	v17 =	vmul.f32 v55, v62;
	v3 =	vadd.f32 v12, v3;
	v4 =	vadd.f32 v61, v4  }
0xfd: {  	v19 =	vld [tilespmem:$0x1500];
	v22 =	vbroadcast v2, $0x7  }
0xfe: {  	v20 =	vld [tilespmem:$0xE10];
	v21 =	vmul.f32 v59, v18;
	v3 =	vadd.f32 v56, v3;
	v4 =	vadd.f32 v17, v4  }
0xff: {  	v23 =	vld [tilespmem:$0x1580];
	v26 =	vbroadcast v2, $0x8  }
0x100: {  	v24 =	vld [tilespmem:$0xE90];
	v25 =	vmul.f32 v63, v22;
	v3 =	vadd.f32 v60, v3;
	v4 =	vadd.f32 v21, v4  }
0x101: {  	v27 =	vld [tilespmem:$0x1600];
	v30 =	vbroadcast v2, $0x9  }
0x102: {  	v28 =	vld [tilespmem:$0xF10];
	v29 =	vmul.f32 v19, v26;
	v3 =	vadd.f32 v16, v3;
	v4 =	vadd.f32 v25, v4  }
0x103: {  	v31 =	vld [tilespmem:$0x1680];
	v34 =	vbroadcast v2, $0xA  }
0x104: {  	v35 =	vld [tilespmem:$0x1700];
	v33 =	vmul.f32 v23, v30;
	v3 =	vadd.f32 v20, v3;
	v4 =	vadd.f32 v29, v4  }
0x105: {  	v32 =	vld [tilespmem:$0xF90];
	v38 =	vbroadcast v2, $0xB  }
0x106: {  	v36 =	vld [tilespmem:$0x1010];
	v37 =	vmul.f32 v27, v34;
	v3 =	vadd.f32 v24, v3;
	v4 =	vadd.f32 v33, v4  }
0x107: {  	v39 =	vld [tilespmem:$0x1780];
	v42 =	vbroadcast v2, $0xC  }
0x108: {  	v40 =	vld [tilespmem:$0x1090];
	v41 =	vmul.f32 v31, v38;
	v3 =	vadd.f32 v28, v3;
	v4 =	vadd.f32 v37, v4  }
0x109: {  	v43 =	vld [tilespmem:$0x1800];
	v45 =	vmul.f32 v35, v42  }
0x10a: {  	v44 =	vld [tilespmem:$0x920];
	v46 =	vbroadcast v2, $0xD;
	v3 =	vadd.f32 v32, v3;
	v4 =	vadd.f32 v41, v4  }
0x10b: {  	v47 =	vld [tilespmem:$0x1880];
	v50 =	vbroadcast v2, $0xE  }
0x10c: {  	v48 =	vld [tilespmem:$0x9A0];
	v49 =	vmul.f32 v39, v46;
	v3 =	vadd.f32 v36, v3;
	v4 =	vadd.f32 v45, v4  }
0x10d: {  	v51 =	vld [tilespmem:$0x1900];
	v2 =	vbroadcast v2, $0xF  }
0x10e: {  	v52 =	vld [tilespmem:$0xA20];
	v53 =	vmul.f32 v43, v50;
	v3 =	vadd.f32 v40, v3;
	v4 =	vadd.f32 v49, v4  }
0x10f: {  	v54 =	vld [tilespmem:$0x1980]  }
0x110: {  	v55 =	vld [tilespmem:$0xAA0];
	v2 =	vmul.f32 v47, v2;
	v56 =	vbroadcast v3, $0x0;
	v4 =	vadd.f32 v53, v4  }
0x111: {  	v58 =	vld [tilespmem:$0x1A00];
	v57 =	vadd.f32 v48, v44  }
0x112: {  	v59 =	vld [tilespmem:$0xB20];
	v61 =	vbroadcast v3, $0x1;
	v60 =	vmul.f32 v51, v56;
	v2 =	vadd.f32 v2, v4  }
0x113: {  	v62 =	vld [tilespmem:$0x1A80];
	v7 =	vadd.f32 v52, v57  }
0x114: {  	v63 =	vld [tilespmem:$0xBA0];
	v16 =	vbroadcast v3, $0x2;
	v15 =	vmul.f32 v54, v61;
	v2 =	vadd.f32 v60, v2  }
0x115: {  	v18 =	vld [tilespmem:$0x1B00];
	v17 =	vadd.f32 v55, v7  }
0x116: {  	v19 =	vld [tilespmem:$0xC20];
	v21 =	vbroadcast v3, $0x3;
	v20 =	vmul.f32 v58, v16;
	v2 =	vadd.f32 v15, v2  }
0x117: {  	v22 =	vld [tilespmem:$0x1B80];
	v6 =	vadd.f32 v59, v17  }
0x118: {  	v23 =	vld [tilespmem:$0xCA0];
	v25 =	vbroadcast v3, $0x4;
	v24 =	vmul.f32 v62, v21;
	v2 =	vadd.f32 v20, v2  }
0x119: {  	v26 =	vld [tilespmem:$0x1C00];
	v6 =	vadd.f32 v63, v6  }
0x11a: {  	v27 =	vld [tilespmem:$0xD20];
	v29 =	vbroadcast v3, $0x5;
	v28 =	vmul.f32 v18, v25;
	v2 =	vadd.f32 v24, v2  }
0x11b: {  	v30 =	vld [tilespmem:$0x1C80];
	v6 =	vadd.f32 v19, v6  }
0x11c: {  	v31 =	vld [tilespmem:$0xDA0];
	v33 =	vbroadcast v3, $0x6;
	v32 =	vmul.f32 v22, v29;
	v2 =	vadd.f32 v28, v2  }
0x11d: {  	v34 =	vld [tilespmem:$0x1D00];
	v6 =	vadd.f32 v23, v6  }
0x11e: {  	v35 =	vld [tilespmem:$0xE20];
	v37 =	vbroadcast v3, $0x7;
	v36 =	vmul.f32 v26, v33;
	v2 =	vadd.f32 v32, v2  }
0x11f: {  	v38 =	vld [tilespmem:$0x1D80];
	v6 =	vadd.f32 v27, v6  }
0x120: {  	v39 =	vld [tilespmem:$0xEA0];
	v41 =	vbroadcast v3, $0x8;
	v40 =	vmul.f32 v30, v37;
	v2 =	vadd.f32 v36, v2  }
0x121: {  	v42 =	vld [tilespmem:$0x1E00];
	v6 =	vadd.f32 v31, v6  }
0x122: {  	v46 =	vld [tilespmem:$0x1E80];
	v45 =	vbroadcast v3, $0x9;
	v44 =	vmul.f32 v34, v41;
	v2 =	vadd.f32 v40, v2  }
0x123: {  	v43 =	vld [tilespmem:$0xF20];
	v6 =	vadd.f32 v35, v6  }
0x124: {  	v47 =	vld [tilespmem:$0xFA0];
	v49 =	vbroadcast v3, $0xA;
	v48 =	vmul.f32 v38, v45;
	v2 =	vadd.f32 v44, v2  }
0x125: {  	v50 =	vld [tilespmem:$0x1F00];
	v6 =	vadd.f32 v39, v6  }
0x126: {  	v51 =	vld [tilespmem:$0x1020];
	v52 =	vmul.f32 v42, v49;
	v53 =	vbroadcast v3, $0xB;
	v2 =	vadd.f32 v48, v2  }
0x127: {  	v57 =	vbroadcast v3, $0xC;
	v54 =	vld [tilespmem:$0x1F80]  }
0x128: {  	v55 =	vld [tilespmem:$0x10A0];
	v6 =	vadd.f32 v43, v6;
	v56 =	vmul.f32 v46, v53;
	v2 =	vadd.f32 v52, v2  }
0x129: {  	v58 =	vld [tilespmem:$0x2000];
	v61 =	vbroadcast v3, $0xD  }
0x12a: {  	v59 =	vld [tilespmem:$0x930];
	v6 =	vadd.f32 v47, v6;
	v60 =	vmul.f32 v50, v57;
	v2 =	vadd.f32 v56, v2  }
0x12b: {  	v62 =	vld [tilespmem:$0x2080];
	v16 =	vbroadcast v3, $0xE  }
0x12c: {  	v63 =	vld [tilespmem:$0x9B0];
	v6 =	vadd.f32 v51, v6;
	v15 =	vmul.f32 v54, v61;
	v2 =	vadd.f32 v60, v2  }
0x12d: {  	v17 =	vld [tilespmem:$0x2100];
	v3 =	vbroadcast v3, $0xF  }
0x12e: {  	v18 =	vld [tilespmem:$0xA30];
	v19 =	vmul.f32 v58, v16;
	v6 =	vadd.f32 v55, v6;
	v2 =	vadd.f32 v15, v2  }
0x12f: {  	v20 =	vld [tilespmem:$0x2180]  }
0x130: {  	v21 =	vld [tilespmem:$0xAB0];
	v3 =	vmul.f32 v62, v3;
	v22 =	vbroadcast v6, $0x0;
	v2 =	vadd.f32 v19, v2  }
0x131: {  	v23 =	vadd.f32 v63, v59;
	v24 =	vld [tilespmem:$0x2200]  }
0x132: {  	v25 =	vld [tilespmem:$0xB30];
	v26 =	vbroadcast v6, $0x1;
	v2 =	vadd.f32 v3, v2;
	v3 =	vmul.f32 v17, v22  }
0x133: {  	v27 =	vadd.f32 v18, v23;
	v28 =	vld [tilespmem:$0x2280]  }
0x134: {  	v29 =	vld [tilespmem:$0xBB0];
	v30 =	vbroadcast v6, $0x2;
	v2 =	vadd.f32 v3, v2;
	v3 =	vmul.f32 v20, v26  }
0x135: {  	v31 =	vadd.f32 v21, v27;
	v32 =	vld [tilespmem:$0x2300]  }
0x136: {  	v35 =	vld [tilespmem:$0x2380];
	v34 =	vbroadcast v6, $0x3;
	v2 =	vadd.f32 v3, v2;
	v3 =	vmul.f32 v24, v30  }
0x137: {  	v33 =	vld [tilespmem:$0xC30];
	v5 =	vadd.f32 v25, v31  }
0x138: {  	v38 =	vld [tilespmem:$0x2400];
	v37 =	vbroadcast v6, $0x4;
	v2 =	vadd.f32 v3, v2;
	v3 =	vmul.f32 v28, v34  }
0x139: {  	v5 =	vadd.f32 v29, v5;
	v36 =	vld [tilespmem:$0xCB0]  }
0x13a: {  	v39 =	vld [tilespmem:$0xD30];
	v40 =	vbroadcast v6, $0x5;
	v2 =	vadd.f32 v3, v2;
	v3 =	vmul.f32 v32, v37  }
0x13b: {  	v41 =	vld [tilespmem:$0x2480];
	v43 =	vbroadcast v6, $0x6  }
0x13c: {  	v42 =	vld [tilespmem:$0xDB0];
	v5 =	vadd.f32 v33, v5;
	v2 =	vadd.f32 v3, v2;
	v3 =	vmul.f32 v35, v40  }
0x13d: {  	v46 =	vbroadcast v6, $0x7;
	v44 =	vld [tilespmem:$0x2500]  }
0x13e: {  	v45 =	vld [tilespmem:$0xE30];
	v5 =	vadd.f32 v36, v5;
	v2 =	vadd.f32 v3, v2;
	v3 =	vmul.f32 v38, v43  }
0x13f: {  	v47 =	vld [tilespmem:$0x2580];
	v49 =	vbroadcast v6, $0x8  }
0x140: {  	v50 =	vld [tilespmem:$0x2600];
	v5 =	vadd.f32 v39, v5;
	v2 =	vadd.f32 v3, v2;
	v3 =	vmul.f32 v41, v46  }
0x141: {  	v48 =	vld [tilespmem:$0xEB0];
	v52 =	vbroadcast v6, $0x9  }
0x142: {  	v53 =	vld [tilespmem:$0x2680];
	v5 =	vadd.f32 v42, v5;
	v2 =	vadd.f32 v3, v2;
	v3 =	vmul.f32 v44, v49  }
0x143: {  	v51 =	vld [tilespmem:$0xF30];
	v55 =	vbroadcast v6, $0xA  }
0x144: {  	v54 =	vld [tilespmem:$0xFB0];
	v5 =	vadd.f32 v45, v5;
	v2 =	vadd.f32 v3, v2;
	v3 =	vmul.f32 v47, v52  }
0x145: {  	v58 =	vbroadcast v6, $0xB;
	v56 =	vld [tilespmem:$0x2700]  }
0x146: {  	v59 =	vld [tilespmem:$0x2780];
	v5 =	vadd.f32 v48, v5;
	v2 =	vadd.f32 v3, v2;
	v3 =	vmul.f32 v50, v55  }
0x147: {  	v57 =	vld [tilespmem:$0x1030];
	v61 =	vbroadcast v6, $0xC  }
0x148: {  	v62 =	vld [tilespmem:$0x2800];
	v5 =	vadd.f32 v51, v5;
	v2 =	vadd.f32 v3, v2;
	v3 =	vmul.f32 v53, v58  }
0x149: {  	v16 =	vbroadcast v6, $0xD;
	v60 =	vld [tilespmem:$0x10B0]  }
0x14a: {  	v63 =	vld [tilespmem:$0x940];
	v5 =	vadd.f32 v54, v5;
	v2 =	vadd.f32 v3, v2;
	v3 =	vmul.f32 v56, v61  }
0x14b: {  	v19 =	vbroadcast v6, $0xE;
	v17 =	vld [tilespmem:$0x2880]  }
0x14c: {  	v18 =	vld [tilespmem:$0x9C0];
	v5 =	vadd.f32 v57, v5;
	v2 =	vadd.f32 v3, v2;
	v3 =	vmul.f32 v59, v16  }
0x14d: {  	v22 =	vbroadcast v6, $0xF;
	v20 =	vld [tilespmem:$0x2900]  }
0x14e: {  	v21 =	vld [tilespmem:$0xA40];
	v5 =	vadd.f32 v60, v5;
	v2 =	vadd.f32 v3, v2;
	v3 =	vmul.f32 v62, v19  }
0x14f: {  	v23 =	vld [tilespmem:$0x2980]  }
0x150: {  	v27 =	vld [tilespmem:$0x2A00];
	v25 =	vbroadcast v5, $0x0;
	v2 =	vadd.f32 v3, v2;
	v3 =	vmul.f32 v17, v22  }
0x151: {  	v26 =	vadd.f32 v18, v63;
	v24 =	vld [tilespmem:$0xAC0]  }
0x152: {  	v31 =	vld [tilespmem:$0x2A80];
	v29 =	vbroadcast v5, $0x1;
	v2 =	vadd.f32 v3, v2;
	v3 =	vmul.f32 v20, v25  }
0x153: {  	v30 =	vadd.f32 v21, v26;
	v28 =	vld [tilespmem:$0xB40]  }
0x154: {  	v33 =	vbroadcast v5, $0x2;
	v32 =	vld [tilespmem:$0xBC0];
	v2 =	vadd.f32 v3, v2;
	v3 =	vmul.f32 v23, v29  }
0x155: {  	v37 =	vbroadcast v5, $0x3;
	v35 =	vld [tilespmem:$0x2B00]  }
0x156: {  	v36 =	vld [tilespmem:$0xC40];
	v34 =	vadd.f32 v24, v30;
	v2 =	vadd.f32 v3, v2;
	v3 =	vmul.f32 v27, v33  }
0x157: {  	v40 =	vbroadcast v5, $0x4;
	v38 =	vld [tilespmem:$0x2B80]  }
0x158: {  	v39 =	vld [tilespmem:$0xCC0];
	v6 =	vadd.f32 v28, v34;
	v2 =	vadd.f32 v3, v2;
	v3 =	vmul.f32 v31, v37  }
0x159: {  	v43 =	vbroadcast v5, $0x5;
	v41 =	vld [tilespmem:$0x2C00]  }
0x15a: {  	v42 =	vld [tilespmem:$0xD40];
	v6 =	vadd.f32 v32, v6;
	v2 =	vadd.f32 v3, v2;
	v3 =	vmul.f32 v35, v40  }
0x15b: {  	v46 =	vbroadcast v5, $0x6;
	v44 =	vld [tilespmem:$0x2C80]  }
0x15c: {  	v45 =	vld [tilespmem:$0xDC0];
	v6 =	vadd.f32 v36, v6;
	v2 =	vadd.f32 v3, v2;
	v3 =	vmul.f32 v38, v43  }
0x15d: {  	v49 =	vbroadcast v5, $0x7;
	v47 =	vld [tilespmem:$0x2D00]  }
0x15e: {  	v48 =	vld [tilespmem:$0xE40];
	v6 =	vadd.f32 v39, v6;
	v2 =	vadd.f32 v3, v2;
	v3 =	vmul.f32 v41, v46  }
0x15f: {  	v52 =	vbroadcast v5, $0x8;
	v50 =	vld [tilespmem:$0x2D80]  }
0x160: {  	v51 =	vld [tilespmem:$0xEC0];
	v6 =	vadd.f32 v42, v6;
	v2 =	vadd.f32 v3, v2;
	v3 =	vmul.f32 v44, v49  }
0x161: {  	v55 =	vbroadcast v5, $0x9;
	v53 =	vld [tilespmem:$0x2E00]  }
0x162: {  	v54 =	vld [tilespmem:$0xF40];
	v6 =	vadd.f32 v45, v6;
	v2 =	vadd.f32 v3, v2;
	v3 =	vmul.f32 v47, v52  }
0x163: {  	v58 =	vbroadcast v5, $0xA;
	v56 =	vld [tilespmem:$0x2E80]  }
0x164: {  	v57 =	vld [tilespmem:$0xFC0];
	v6 =	vadd.f32 v48, v6;
	v2 =	vadd.f32 v3, v2;
	v3 =	vmul.f32 v50, v55  }
0x165: {  	v61 =	vbroadcast v5, $0xB;
	v59 =	vld [tilespmem:$0x2F00]  }
0x166: {  	v60 =	vld [tilespmem:$0x1040];
	v6 =	vadd.f32 v51, v6;
	v2 =	vadd.f32 v3, v2;
	v3 =	vmul.f32 v53, v58  }
0x167: {  	v16 =	vbroadcast v5, $0xC;
	v62 =	vld [tilespmem:$0x2F80]  }
0x168: {  	v63 =	vld [tilespmem:$0x10C0];
	v6 =	vadd.f32 v54, v6;
	v2 =	vadd.f32 v3, v2;
	v3 =	vmul.f32 v56, v61  }
0x169: {  	v19 =	vbroadcast v5, $0xD;
	v17 =	vld [tilespmem:$0x3000]  }
0x16a: {  	v18 =	vld [tilespmem:$0x950];
	v6 =	vadd.f32 v57, v6;
	v2 =	vadd.f32 v3, v2;
	v3 =	vmul.f32 v59, v16  }
0x16b: {  	v22 =	vbroadcast v5, $0xE;
	v20 =	vld [tilespmem:$0x3080]  }
0x16c: {  	v21 =	vld [tilespmem:$0x9D0];
	v6 =	vadd.f32 v60, v6;
	v2 =	vadd.f32 v3, v2;
	v3 =	vmul.f32 v62, v19  }
0x16d: {  	v25 =	vbroadcast v5, $0xF;
	v23 =	vld [tilespmem:$0x3100]  }
0x16e: {  	v26 =	vld [tilespmem:$0x3180];
	v6 =	vadd.f32 v63, v6;
	v2 =	vadd.f32 v3, v2;
	v3 =	vmul.f32 v17, v22  }
0x16f: {  	v24 =	vld [tilespmem:$0xA50]  }
0x170: {  	v30 =	vld [tilespmem:$0x3200];
	v28 =	vbroadcast v6, $0x0;
	v2 =	vadd.f32 v3, v2;
	v3 =	vmul.f32 v20, v25  }
0x171: {  	v29 =	vadd.f32 v21, v18;
	v27 =	vld [tilespmem:$0xAD0]  }
0x172: {  	v34 =	vld [tilespmem:$0x3280];
	v32 =	vbroadcast v6, $0x1;
	v2 =	vadd.f32 v3, v2;
	v3 =	vmul.f32 v23, v28  }
0x173: {  	v36 =	vbroadcast v6, $0x2;
	v31 =	vld [tilespmem:$0xB50]  }
0x174: {  	v33 =	vadd.f32 v24, v29;
	v35 =	vld [tilespmem:$0xBD0];
	v2 =	vadd.f32 v3, v2;
	v3 =	vmul.f32 v26, v32  }
0x175: {  	v40 =	vbroadcast v6, $0x3;
	v38 =	vld [tilespmem:$0x3300]  }
0x176: {  	v39 =	vld [tilespmem:$0xC50];
	v37 =	vadd.f32 v27, v33;
	v2 =	vadd.f32 v3, v2;
	v3 =	vmul.f32 v30, v36  }
0x177: {  	v43 =	vbroadcast v6, $0x4;
	v41 =	vld [tilespmem:$0x3380]  }
0x178: {  	v42 =	vld [tilespmem:$0xCD0];
	v5 =	vadd.f32 v31, v37;
	v2 =	vadd.f32 v3, v2;
	v3 =	vmul.f32 v34, v40  }
0x179: {  	v46 =	vbroadcast v6, $0x5;
	v44 =	vld [tilespmem:$0x3400]  }
0x17a: {  	v45 =	vld [tilespmem:$0xD50];
	v5 =	vadd.f32 v35, v5;
	v2 =	vadd.f32 v3, v2;
	v3 =	vmul.f32 v38, v43  }
0x17b: {  	v49 =	vbroadcast v6, $0x6;
	v47 =	vld [tilespmem:$0x3480]  }
0x17c: {  	v48 =	vld [tilespmem:$0xDD0];
	v5 =	vadd.f32 v39, v5;
	v2 =	vadd.f32 v3, v2;
	v3 =	vmul.f32 v41, v46  }
0x17d: {  	v52 =	vbroadcast v6, $0x7;
	v50 =	vld [tilespmem:$0x3500]  }
0x17e: {  	v51 =	vld [tilespmem:$0xE50];
	v5 =	vadd.f32 v42, v5;
	v2 =	vadd.f32 v3, v2;
	v3 =	vmul.f32 v44, v49  }
0x17f: {  	v55 =	vbroadcast v6, $0x8;
	v53 =	vld [tilespmem:$0x3580]  }
0x180: {  	v54 =	vld [tilespmem:$0xED0];
	v5 =	vadd.f32 v45, v5;
	v2 =	vadd.f32 v3, v2;
	v3 =	vmul.f32 v47, v52  }
0x181: {  	v58 =	vbroadcast v6, $0x9;
	v56 =	vld [tilespmem:$0x3600]  }
0x182: {  	v57 =	vld [tilespmem:$0xF50];
	v5 =	vadd.f32 v48, v5;
	v2 =	vadd.f32 v3, v2;
	v3 =	vmul.f32 v50, v55  }
0x183: {  	v61 =	vbroadcast v6, $0xA;
	v59 =	vld [tilespmem:$0x3680]  }
0x184: {  	v60 =	vld [tilespmem:$0xFD0];
	v5 =	vadd.f32 v51, v5;
	v2 =	vadd.f32 v3, v2;
	v3 =	vmul.f32 v53, v58  }
0x185: {  	v16 =	vbroadcast v6, $0xB;
	v62 =	vld [tilespmem:$0x3700]  }
0x186: {  	v63 =	vld [tilespmem:$0x1050];
	v5 =	vadd.f32 v54, v5;
	v2 =	vadd.f32 v3, v2;
	v3 =	vmul.f32 v56, v61  }
0x187: {  	v19 =	vbroadcast v6, $0xC;
	v17 =	vld [tilespmem:$0x3780]  }
0x188: {  	v18 =	vld [tilespmem:$0x10D0];
	v5 =	vadd.f32 v57, v5;
	v2 =	vadd.f32 v3, v2;
	v3 =	vmul.f32 v59, v16  }
0x189: {  	v22 =	vbroadcast v6, $0xD;
	v20 =	vld [tilespmem:$0x3800]  }
0x18a: {  	v21 =	vld [tilespmem:$0x960];
	v5 =	vadd.f32 v60, v5;
	v2 =	vadd.f32 v3, v2;
	v3 =	vmul.f32 v62, v19  }
0x18b: {  	v25 =	vbroadcast v6, $0xE;
	v23 =	vld [tilespmem:$0x3880]  }
0x18c: {  	v24 =	vld [tilespmem:$0x9E0];
	v5 =	vadd.f32 v63, v5;
	v2 =	vadd.f32 v3, v2;
	v3 =	vmul.f32 v17, v22  }
0x18d: {  	v28 =	vbroadcast v6, $0xF;
	v26 =	vld [tilespmem:$0x3900]  }
0x18e: {  	v29 =	vld [tilespmem:$0x3980];
	v5 =	vadd.f32 v18, v5;
	v2 =	vadd.f32 v3, v2;
	v3 =	vmul.f32 v20, v25  }
0x18f: {  	v27 =	vld [tilespmem:$0xA60]  }
0x190: {  	v33 =	vld [tilespmem:$0x3A00];
	v31 =	vbroadcast v5, $0x0;
	v2 =	vadd.f32 v3, v2;
	v3 =	vmul.f32 v23, v28  }
0x191: {  	v32 =	vadd.f32 v24, v21;
	v30 =	vld [tilespmem:$0xAE0]  }
0x192: {  	v37 =	vld [tilespmem:$0x3A80];
	v35 =	vbroadcast v5, $0x1;
	v2 =	vadd.f32 v3, v2;
	v3 =	vmul.f32 v26, v31  }
0x193: {  	v39 =	vbroadcast v5, $0x2;
	v34 =	vld [tilespmem:$0xB60]  }
0x194: {  	v36 =	vadd.f32 v27, v32;
	v38 =	vld [tilespmem:$0xBE0];
	v2 =	vadd.f32 v3, v2;
	v3 =	vmul.f32 v29, v35  }
0x195: {  	v43 =	vbroadcast v5, $0x3;
	v41 =	vld [tilespmem:$0x3B00]  }
0x196: {  	v42 =	vld [tilespmem:$0xC60];
	v40 =	vadd.f32 v30, v36;
	v2 =	vadd.f32 v3, v2;
	v3 =	vmul.f32 v33, v39  }
0x197: {  	v46 =	vbroadcast v5, $0x4;
	v44 =	vld [tilespmem:$0x3B80]  }
0x198: {  	v45 =	vld [tilespmem:$0xCE0];
	v6 =	vadd.f32 v34, v40;
	v2 =	vadd.f32 v3, v2;
	v3 =	vmul.f32 v37, v43  }
0x199: {  	v49 =	vbroadcast v5, $0x5;
	v47 =	vld [tilespmem:$0x3C00]  }
0x19a: {  	v48 =	vld [tilespmem:$0xD60];
	v6 =	vadd.f32 v38, v6;
	v2 =	vadd.f32 v3, v2;
	v3 =	vmul.f32 v41, v46  }
0x19b: {  	v52 =	vbroadcast v5, $0x6;
	v50 =	vld [tilespmem:$0x3C80]  }
0x19c: {  	v51 =	vld [tilespmem:$0xDE0];
	v6 =	vadd.f32 v42, v6;
	v2 =	vadd.f32 v3, v2;
	v3 =	vmul.f32 v44, v49  }
0x19d: {  	v55 =	vbroadcast v5, $0x7;
	v53 =	vld [tilespmem:$0x3D00]  }
0x19e: {  	v54 =	vld [tilespmem:$0xE60];
	v6 =	vadd.f32 v45, v6;
	v2 =	vadd.f32 v3, v2;
	v3 =	vmul.f32 v47, v52  }
0x19f: {  	v58 =	vbroadcast v5, $0x8;
	v56 =	vld [tilespmem:$0x3D80]  }
0x1a0: {  	v57 =	vld [tilespmem:$0xEE0];
	v6 =	vadd.f32 v48, v6;
	v2 =	vadd.f32 v3, v2;
	v3 =	vmul.f32 v50, v55  }
0x1a1: {  	v61 =	vbroadcast v5, $0x9;
	v59 =	vld [tilespmem:$0x3E00]  }
0x1a2: {  	v60 =	vld [tilespmem:$0xF60];
	v6 =	vadd.f32 v51, v6;
	v2 =	vadd.f32 v3, v2;
	v3 =	vmul.f32 v53, v58  }
0x1a3: {  	v16 =	vbroadcast v5, $0xA;
	v62 =	vld [tilespmem:$0x3E80]  }
0x1a4: {  	v63 =	vld [tilespmem:$0xFE0];
	v6 =	vadd.f32 v54, v6;
	v2 =	vadd.f32 v3, v2;
	v3 =	vmul.f32 v56, v61  }
0x1a5: {  	v19 =	vbroadcast v5, $0xB;
	v17 =	vld [tilespmem:$0x3F00]  }
0x1a6: {  	v18 =	vld [tilespmem:$0x1060];
	v6 =	vadd.f32 v57, v6;
	v2 =	vadd.f32 v3, v2;
	v3 =	vmul.f32 v59, v16  }
0x1a7: {  	v22 =	vbroadcast v5, $0xC;
	v20 =	vld [tilespmem:$0x3F80]  }
0x1a8: {  	v21 =	vld [tilespmem:$0x10E0];
	v6 =	vadd.f32 v60, v6;
	v2 =	vadd.f32 v3, v2;
	v3 =	vmul.f32 v62, v19  }
0x1a9: {  	v25 =	vbroadcast v5, $0xD;
	v23 =	vld [tilespmem:$0x4000]  }
0x1aa: {  	v24 =	vld [tilespmem:$0x970];
	v6 =	vadd.f32 v63, v6;
	v2 =	vadd.f32 v3, v2;
	v3 =	vmul.f32 v17, v22  }
0x1ab: {  	v28 =	vbroadcast v5, $0xE;
	v26 =	vld [tilespmem:$0x4080]  }
0x1ac: {  	v27 =	vld [tilespmem:$0x9F0];
	v6 =	vadd.f32 v18, v6;
	v2 =	vadd.f32 v3, v2;
	v3 =	vmul.f32 v20, v25  }
0x1ad: {  	v31 =	vbroadcast v5, $0xF;
	v29 =	vld [tilespmem:$0x4100]  }
0x1ae: {  	v30 =	vld [tilespmem:$0xA70];
	v6 =	vadd.f32 v21, v6;
	v2 =	vadd.f32 v3, v2;
	v3 =	vmul.f32 v23, v28  }
0x1af: {  	v32 =	vld [tilespmem:$0x4180]  }
0x1b0: {  	v34 =	vbroadcast v6, $0x0;
	v33 =	vld [tilespmem:$0xAF0];
	v2 =	vadd.f32 v3, v2;
	v3 =	vmul.f32 v26, v31  }
0x1b1: {  	v36 =	vld [tilespmem:$0x4200];
	v35 =	vadd.f32 v27, v24  }
0x1b2: {  	v38 =	vbroadcast v6, $0x1;
	v37 =	vld [tilespmem:$0xB70];
	v2 =	vadd.f32 v3, v2;
	v3 =	vmul.f32 v29, v34  }
0x1b3: {  	v40 =	vld [tilespmem:$0x4280];
	v39 =	vadd.f32 v30, v35  }
0x1b4: {  	v42 =	vbroadcast v6, $0x2;
	v41 =	vld [tilespmem:$0xBF0];
	v2 =	vadd.f32 v3, v2;
	v3 =	vmul.f32 v32, v38  }
0x1b5: {  	v43 =	vadd.f32 v33, v39;
	v44 =	vld [tilespmem:$0x4300]  }
0x1b6: {  	v45 =	vld [tilespmem:$0xC70];
	v46 =	vbroadcast v6, $0x3;
	v2 =	vadd.f32 v3, v2;
	v3 =	vmul.f32 v36, v42  }
0x1b7: {  	v5 =	vadd.f32 v37, v43;
	v47 =	vld [tilespmem:$0x4380]  }
0x1b8: {  	v48 =	vld [tilespmem:$0xCF0];
	v49 =	vbroadcast v6, $0x4;
	v2 =	vadd.f32 v3, v2;
	v3 =	vmul.f32 v40, v46  }
0x1b9: {  	v5 =	vadd.f32 v41, v5;
	v50 =	vld [tilespmem:$0x4400]  }
0x1ba: {  	v51 =	vld [tilespmem:$0xD70];
	v52 =	vbroadcast v6, $0x5;
	v2 =	vadd.f32 v3, v2;
	v3 =	vmul.f32 v44, v49  }
0x1bb: {  	v5 =	vadd.f32 v45, v5;
	v53 =	vld [tilespmem:$0x4480]  }
0x1bc: {  	v54 =	vld [tilespmem:$0xDF0];
	v55 =	vbroadcast v6, $0x6;
	v2 =	vadd.f32 v3, v2;
	v3 =	vmul.f32 v47, v52  }
0x1bd: {  	v5 =	vadd.f32 v48, v5;
	v56 =	vld [tilespmem:$0x4500]  }
0x1be: {  	v57 =	vld [tilespmem:$0xE70];
	v58 =	vbroadcast v6, $0x7;
	v2 =	vadd.f32 v3, v2;
	v3 =	vmul.f32 v50, v55  }
0x1bf: {  	v5 =	vadd.f32 v51, v5;
	v59 =	vld [tilespmem:$0x4580]  }
0x1c0: {  	v60 =	vld [tilespmem:$0xEF0];
	v61 =	vbroadcast v6, $0x8;
	v2 =	vadd.f32 v3, v2;
	v3 =	vmul.f32 v53, v58  }
0x1c1: {  	v5 =	vadd.f32 v54, v5;
	v62 =	vld [tilespmem:$0x4600]  }
0x1c2: {  	v63 =	vld [tilespmem:$0xF70];
	v16 =	vbroadcast v6, $0x9;
	v2 =	vadd.f32 v3, v2;
	v3 =	vmul.f32 v56, v61  }
0x1c3: {  	v5 =	vadd.f32 v57, v5;
	v17 =	vld [tilespmem:$0x4680]  }
0x1c4: {  	v18 =	vld [tilespmem:$0xFF0];
	v19 =	vbroadcast v6, $0xA;
	v2 =	vadd.f32 v3, v2;
	v3 =	vmul.f32 v59, v16  }
0x1c5: {  	v5 =	vadd.f32 v60, v5;
	v20 =	vld [tilespmem:$0x4700]  }
0x1c6: {  	v21 =	vld [tilespmem:$0x1070];
	v22 =	vbroadcast v6, $0xB;
	v2 =	vadd.f32 v3, v2;
	v3 =	vmul.f32 v62, v19  }
0x1c7: {  	v5 =	vadd.f32 v63, v5;
	v23 =	vld [tilespmem:$0x4780]  }
0x1c8: {  	v24 =	vld [tilespmem:$0x10F0];
	v25 =	vbroadcast v6, $0xC;
	v2 =	vadd.f32 v3, v2;
	v3 =	vmul.f32 v17, v22  }
0x1c9: {  	v5 =	vadd.f32 v18, v5;
	v26 =	vld [tilespmem:$0x4800]  }
0x1ca: {  	v27 =	vbroadcast v6, $0xD;
	v2 =	vadd.f32 v3, v2;
	v3 =	vmul.f32 v20, v25  }
0x1cb: {  	v28 =	vld [tilespmem:$0x4880];
	v5 =	vadd.f32 v21, v5  }
0x1cc: {  	v29 =	vbroadcast v6, $0xE;
	v2 =	vadd.f32 v3, v2;
	v3 =	vmul.f32 v23, v27  }
0x1cd: {  	v30 =	vld [tilespmem:$0x4900];
	v31 =	vbroadcast v6, $0xF  }
0x1ce: {  	v5 =	vadd.f32 v24, v5;
	v2 =	vadd.f32 v3, v2;
	v3 =	vmul.f32 v26, v29  }
0x1cf: {  	v32 =	vld [tilespmem:$0x4980]  }
0x1d0: {  	v33 =	vbroadcast v5, $0x0;
	v2 =	vadd.f32 v3, v2;
	v3 =	vmul.f32 v28, v31  }
0x1d1: {  	v34 =	vld [tilespmem:$0x4A00]  }
0x1d2: {  	v35 =	vbroadcast v5, $0x1;
	v2 =	vadd.f32 v3, v2;
	v3 =	vmul.f32 v30, v33  }
0x1d3: {  	v36 =	vld [tilespmem:$0x4A80]  }
0x1d4: {  	v37 =	vbroadcast v5, $0x2;
	v2 =	vadd.f32 v3, v2;
	v3 =	vmul.f32 v32, v35  }
0x1d5: {  	v38 =	vld [tilespmem:$0x4B00]  }
0x1d6: {  	v39 =	vbroadcast v5, $0x3;
	v2 =	vadd.f32 v3, v2;
	v3 =	vmul.f32 v34, v37  }
0x1d7: {  	v40 =	vld [tilespmem:$0x4B80]  }
0x1d8: {  	v41 =	vbroadcast v5, $0x4;
	v2 =	vadd.f32 v3, v2;
	v3 =	vmul.f32 v36, v39  }
0x1d9: {  	v42 =	vld [tilespmem:$0x4C00]  }
0x1da: {  	v43 =	vbroadcast v5, $0x5;
	v2 =	vadd.f32 v3, v2;
	v3 =	vmul.f32 v38, v41  }
0x1db: {  	v44 =	vld [tilespmem:$0x4C80]  }
0x1dc: {  	v45 =	vbroadcast v5, $0x6;
	v2 =	vadd.f32 v3, v2;
	v3 =	vmul.f32 v40, v43  }
0x1dd: {  	v46 =	vld [tilespmem:$0x4D00]  }
0x1de: {  	v47 =	vbroadcast v5, $0x7;
	v2 =	vadd.f32 v3, v2;
	v3 =	vmul.f32 v42, v45  }
0x1df: {  	v48 =	vld [tilespmem:$0x4D80]  }
0x1e0: {  	v49 =	vbroadcast v5, $0x8;
	v2 =	vadd.f32 v3, v2;
	v3 =	vmul.f32 v44, v47  }
0x1e1: {  	v50 =	vld [tilespmem:$0x4E00]  }
0x1e2: {  	v51 =	vbroadcast v5, $0x9;
	v2 =	vadd.f32 v3, v2;
	v3 =	vmul.f32 v46, v49  }
0x1e3: {  	v52 =	vld [tilespmem:$0x4E80]  }
0x1e4: {  	v53 =	vbroadcast v5, $0xA;
	v2 =	vadd.f32 v3, v2;
	v3 =	vmul.f32 v48, v51  }
0x1e5: {  	v54 =	vld [tilespmem:$0x4F00]  }
0x1e6: {  	v55 =	vbroadcast v5, $0xB;
	v2 =	vadd.f32 v3, v2;
	v3 =	vmul.f32 v50, v53  }
0x1e7: {  	v56 =	vld [tilespmem:$0x4F80]  }
0x1e8: {  	v57 =	vbroadcast v5, $0xC;
	v2 =	vadd.f32 v3, v2;
	v3 =	vmul.f32 v52, v55  }
0x1e9: {  	v58 =	vld [tilespmem:$0x5000]  }
0x1ea: {  	v59 =	vbroadcast v5, $0xD;
	v2 =	vadd.f32 v3, v2;
	v3 =	vmul.f32 v54, v57  }
0x1eb: {  	v60 =	vld [tilespmem:$0x5080]  }
0x1ec: {  	v61 =	vbroadcast v5, $0xE;
	v2 =	vadd.f32 v3, v2;
	v3 =	vmul.f32 v56, v59;
	_ =	sdelay $0x1  }
0x1ed: {  	v62 =	vbroadcast v5, $0xF;
	v2 =	vadd.f32 v3, v2;
	v3 =	vmul.f32 v58, v61;
	_ =	sdelay $0x1  }
0x1ee: {  	v2 =	vadd.f32 v3, v2;
	v3 =	vmul.f32 v60, v62  }
0x1ef: {  	v63 =	vld [tilespmem:$0x5100]  }
0x1f0: {  	v2 =	vadd.f32 v3, v2  }
0x1f1: {  	v3 =	vld [tilespmem:s23+$0x5200]  }
0x1f2: {  	v2 =	vmul.f32 $4.999999890e-03, v2;
	_ =	sdelay $0x1  }
0x1f3: {  	v2 =	vadd.f32 v2, v63;
	_ =	sdelay $0x1  }
0x1f4: {  	v2 =	vmul.f32 v2, v3;
	_ =	sdelay $0x1  }
.Ltmp6:
0x1f5: {  	[tilespmem:$0x5600] =	vst v2;
	(pc) =	sbr.rel .LBB2_7-.Ltmp6, $4  }
0x1f6: {  	[spmem:s13] =	stream.linear.scatter [tilespmem:s26], [sflag:$0x4], $0x80, $0x38;
	[tilespmem:$0x5B88] =	vst v63  }
0x1f7: {  	_ =	swait.ge [sflag:s18], $0x80  }
0x1f8: {  	[sflag:s18] =	ssyncset.done $0x0  }
0x1f9: {  	[sflag:s18] =	ssyncadd.s32 $0xFFFFFF80  }
.LBB2_6:
0x1fa: {  	[bflag:$0x0] =	sbarrier.arrive $0xFFFF  }
.LBB2_7:
.Ltmp7:
0x1fb: {  	(pc) =	sbr.rel @p2 .LBB2_9-.Ltmp7, $2  }
0x1fc: {  	_ =	sdelay $0x1  }
0x1fd: {  	[bflag:$0x0] =	sbarrier.arrive $0xFFFF;
	_ =	sdelay $0x1  }
0x1fe: {  	[tilespmem:s28], [sflag:$0x4] =	stream.linear.gather [spmem:s7], $0x400, $0x38;
	[tilespmem:$0x5B88] =	vst v63  }
0x1ff: {  	_ =	swait.ge [sflag:s18], $0x400  }
0x200: {  	[sflag:s18] =	ssyncset.done $0x0  }
0x201: {  	[sflag:s18] =	ssyncadd.s32 $0xFFFFFC00  }
0x202: {  	v2 =	vld [tilespmem:$0x5680]  }
0x203: {  	v3 =	vld [tilespmem:$0x5700];
	_ =	sdelay $0x1  }
0x204: {  	v4 =	vld [tilespmem:$0x5780];
	_ =	sdelay $0x1  }
0x205: {  	v5 =	vld [tilespmem:$0x5800]  }
0x206: {  	v2 =	vadd.f32 v3, v2  }
0x207: {  	v3 =	vld [tilespmem:$0x5880]  }
0x208: {  	v2 =	vadd.f32 v4, v2  }
0x209: {  	v62 =	vld [tilespmem:$0x5900]  }
0x20a: {  	v2 =	vadd.f32 v5, v2  }
0x20b: {  	v63 =	vld [tilespmem:$0x5980]  }
0x20c: {  	v2 =	vadd.f32 v3, v2  }
0x20d: {  	v3 =	vld [tilespmem:$0x5A00]  }
0x20e: {  	v2 =	vadd.f32 v62, v2;
	_ =	sdelay $0x1  }
0x20f: {  	v2 =	vadd.f32 v63, v2;
	_ =	sdelay $0x1  }
0x210: {  	v2 =	vadd.f32 v3, v2;
	_ =	sdelay $0x1  }
0x211: {  	(v2sf) =	vpush v2, $0x0  }
0x212: {  	(v2sf) =	vpush v2, $0x1;
	_ =	sdelay $0x1  }
0x213: {  	(v2sf) =	vpush v2, $0x2;
	_ =	sdelay $0x1  }
0x214: {  	(v2sf) =	vpush v2, $0x3;
	_ =	sdelay $0x1  }
0x215: {  	(v2sf) =	vpush v2, $0x4;
	_ =	sdelay $0x1  }
0x216: {  	(v2sf) =	vpush v2, $0x5;
	_ =	sdelay $0x1  }
0x217: {  	(v2sf) =	vpush v2, $0x6;
	_ =	sdelay $0x1  }
0x218: {  	(v2sf) =	vpush v2, $0x7;
	_ =	sdelay $0x1  }
0x219: {  	s2 =	spop (v2sf);
	(v2sf) =	vpush v2, $0x8  }
0x21a: {  	s30 =	spop (v2sf)  }
0x21b: {  	(v2sf) =	vpush v2, $0x9;
	s2 =	sadd.f32 s30, s2  }
0x21c: {  	s31 =	spop (v2sf)  }
0x21d: {  	(v2sf) =	vpush v2, $0xA;
	s2 =	sadd.f32 s2, s31  }
0x21e: {  	s31 =	spop (v2sf)  }
0x21f: {  	(v2sf) =	vpush v2, $0xB;
	s2 =	sadd.f32 s2, s31  }
0x220: {  	s31 =	spop (v2sf)  }
0x221: {  	(v2sf) =	vpush v2, $0xC;
	s2 =	sadd.f32 s2, s31  }
0x222: {  	s31 =	spop (v2sf)  }
0x223: {  	(v2sf) =	vpush v2, $0xD;
	s2 =	sadd.f32 s2, s31  }
0x224: {  	s31 =	spop (v2sf)  }
0x225: {  	(v2sf) =	vpush v2, $0xE;
	s2 =	sadd.f32 s2, s31  }
0x226: {  	s31 =	spop (v2sf)  }
0x227: {  	(v2sf) =	vpush v2, $0xF;
	s2 =	sadd.f32 s2, s31  }
0x228: {  	s31 =	spop (v2sf)  }
0x229: {  	s2 =	sadd.f32 s2, s31  }
0x22a: {  	s31 =	spop (v2sf)  }
0x22b: {  	s2 =	sadd.f32 s2, s31  }
0x22c: {  	s31 =	spop (v2sf)  }
0x22d: {  	s2 =	sadd.f32 s2, s31  }
0x22e: {  	s31 =	spop (v2sf)  }
0x22f: {  	s2 =	sadd.f32 s2, s31  }
0x230: {  	s31 =	spop (v2sf)  }
0x231: {  	s2 =	sadd.f32 s2, s31  }
0x232: {  	s31 =	spop (v2sf)  }
0x233: {  	s2 =	sadd.f32 s2, s31  }
0x234: {  	s31 =	spop (v2sf)  }
0x235: {  	s2 =	sadd.f32 s2, s31  }
0x236: {  	s31 =	spop (v2sf)  }
0x237: {  	s2 =	sadd.f32 s2, s31;
	_ =	sdelay $0x1  }
0x238: {  	v2 =	vmov s2  }
0x239: {  	v2 =	vsub.f32 $0.0e+00, v2;
	_ =	sdelay $0x1  }
0x23a: {  	v2 =	vmul.f32 $1.442695020e+00, v2;
	_ =	sdelay $0x1  }
0x23b: {  	v2 =	vbroadcast v2, $0x0;
	_ =	sdelay $0x1  }
0x23c: {  	(erf) = vpow2.f32 v2;
	_ =	sdelay $0x8  }
0x23d: {  	v2 =	vpop (erf)  }
0x23e: {  	v2 =	vadd.f32 $1.000000000e+00, v2;
	_ =	sdelay $0x1  }
0x23f: {  	(erf) = vrcp.f32 v2;
	_ =	sdelay $0x8  }
0x240: {  	v2 =	vpop (erf)  }
.Ltmp8:
0x241: {  	[tilespmem:$0x5A80] =	vst v2;
	(pc) =	sbr.rel .LBB2_9-.Ltmp8, $4  }
0x242: {  	[hbm4b:s4+s8] =	stream.linear.scatter [tilespmem:s29], [sflag:$0x4], $0x80, $0x38;
	[tilespmem:$0x5B88] =	vst v63  }
0x243: {  	_ =	swait.ge [sflag:s18], $0x80  }
0x244: {  	[sflag:s18] =	ssyncset.done $0x0  }
0x245: {  	[sflag:s18] =	ssyncadd.s32 $0xFFFFFF80  }
.LBB2_10:
0x246: {  	_ =	sfence.sel $0x180000  }
0x247: {  	[bflag:$0x0] =	sbarrier.arrive $0xFFFF  }
0x248: {  	_ =	strace $0x90000047  }
0x249: {  	[bflag:$0x2] =	sbarrier.arrive $0xFFFF  }
0x24a: {  	p0 =	sne.s32 s6, $0x0;
	s0 =	rddreg [dreg:$0x9]  }
0x24b: {  	s0 =	sadd.s32 @!p0 $0x100000, s0  }
0x24c: {  	[sflag:s0] =	ssyncadd.tile.s32 @!p0 $0x1;
	_ =	shalt  }
.Lfunc_end2:
_tile_overlayer_lowered:
.L_overlay_start_2:
0x24d: {  	(tag) =	ssettag $0x2  }
0x24e: {  	s0 =	rddreg [dreg:$0x0];
	s2 =	stileid.u32  }
0x24f: {  	s1 =	rddreg [dreg:$0x1];
	p0 =	sne.s32 s2, $0x0  }
0x250: {  	s3 =	rddreg [dreg:$0x2];
	[bflag:$0x3] =	sbarrier.arrive $0xFFFF;
	s2 =	simm.s32 @!p0 $0x1C04  }
0x251: {  	[timem:s3], [sflag:s2] =	dma.local @!p0 [hbm:s0], s1  }
0x252: {  	s0 =	simm.s32 @!p0 $0x4  }
0x253: {  	_ =	swait.ge @!p0 [sflag:s0], s1  }
0x254: {  	s1 =	ssub.s32 @!p0 $0x0, s1;
	[sflag:s0] =	ssyncset.done @!p0 $0x0  }
0x255: {  	[sflag:s0] =	ssyncadd.s32 @!p0 s1  }
0x256: {  	[bflag:$0x3] =	sbarrier.arrive $0xFFFF  }
0x257: {  	_ =	shalt  }

</sc_bundles>
